<compile_context>
chip_gen: v7x
topology: tpu7x:2x2x1
jax: 0.10.2.dev20260603
libtpu: 0.0.44.dev20260713+nightly
codegen_flags: <defaults>
</compile_context>

<pallas_src>
import functools

import jax
import jax.numpy as jnp
from jax import lax
from jax.experimental import pallas as pl
from jax.experimental.pallas import tpu as pltpu
from jax.experimental.pallas import tpu_sc as plsc

NC = 2
NS = 16
NW = NC * NS

N_FACTS = 4_000_000
N_ATOMS = 1_048_576
NA = 2048
APW = N_ATOMS // NW
NSUB = APW // NA
NGRP = NA // 16
NDMA = NA // 128
SIGN = -2147483648


def _fori(n, body):
    lax.fori_loop(jnp.int32(0), jnp.int32(n),
                  lambda i, c: (body(i), c)[1], jnp.int32(0))


def _probe_body(shi, sx, ap, aa0, aa1, out,
                ap_v, a0_v, a1_v, khi_v, kx_v, lo_v, hi_v,
                midx_v, ghi_v, gx_v, res_v, sem):
    w = lax.axis_index("s") * NC + lax.axis_index("c")
    wbase = w * jnp.int32(APW)

    def sub_body(s):
        abase = wbase + s * jnp.int32(NA)
        pltpu.sync_copy(ap.at[pl.ds(abase, NA)], ap_v)
        pltpu.sync_copy(aa0.at[pl.ds(abase, NA)], a0_v)
        pltpu.sync_copy(aa1.at[pl.ds(abase, NA)], a1_v)

        def grp(g):
            sl = pl.ds(g * jnp.int32(16), 16)
            p = ap_v[sl]
            x0 = a0_v[sl]
            x1 = a1_v[sl]
            khi_v[sl] = (p << 2) | lax.shift_right_logical(x0, jnp.int32(15))
            kx_v[sl] = (((x0 & 0x7FFF) << 17) | x1) ^ SIGN
            lo_v[sl] = jnp.zeros((16,), jnp.int32)
            hi_v[sl] = jnp.full((16,), N_FACTS, jnp.int32)

        _fori(NGRP, grp)

        def gather_at_midx():
            cps = []
            for c in range(NDMA):
                dsl = pl.ds(c * 128, 128)
                cps.append(pltpu.async_copy(
                    shi.at[midx_v.at[dsl]], ghi_v.at[dsl], sem))
                cps.append(pltpu.async_copy(
                    sx.at[midx_v.at[dsl]], gx_v.at[dsl], sem))
            for cp in cps:
                cp.wait()

        def round_body(r):
            def mkidx(g):
                sl = pl.ds(g * jnp.int32(16), 16)
                midx_v[sl] = lax.shift_right_arithmetic(lo_v[sl] + hi_v[sl], jnp.int32(1))

            _fori(NGRP, mkidx)
            gather_at_midx()

            def cmp(g):
                sl = pl.ds(g * jnp.int32(16), 16)
                sh = ghi_v[sl]
                sxv = gx_v[sl]
                kh = khi_v[sl]
                kx = kx_v[sl]
                le = (sh < kh) | ((sh == kh) & (sxv <= kx))
                mid = lax.shift_right_arithmetic(lo_v[sl] + hi_v[sl], jnp.int32(1))
                lo_v[sl] = jnp.where(le, mid + jnp.int32(1), lo_v[sl])
                hi_v[sl] = jnp.where(le, hi_v[sl], mid)

            _fori(NGRP, cmp)

        _fori(22, round_body)

        def mkpos(g):
            sl = pl.ds(g * jnp.int32(16), 16)
            midx_v[sl] = jnp.maximum(lo_v[sl] - jnp.int32(1), jnp.int32(0))

        _fori(NGRP, mkpos)
        gather_at_midx()

        def fin(g):
            sl = pl.ds(g * jnp.int32(16), 16)
            eq = ((ghi_v[sl] == khi_v[sl]) & (gx_v[sl] == kx_v[sl])
                  & (lo_v[sl] > 0))
            res_v[sl] = jnp.where(eq, jnp.int32(1), jnp.int32(0))

        _fori(NGRP, fin)
        pltpu.sync_copy(res_v, out.at[pl.ds(abase, NA)])

    _fori(NSUB, sub_body)


@jax.jit
def _probe(shi, sx, ap, aa0, aa1):
    mesh = plsc.VectorSubcoreMesh(
        core_axis_name="c", subcore_axis_name="s",
        num_cores=NC, num_subcores=NS)
    f = pl.kernel(
        _probe_body,
        out_type=jax.ShapeDtypeStruct((N_ATOMS,), jnp.int32),
        mesh=mesh,
        scratch_types=[
            pltpu.VMEM((NA,), jnp.int32),
            pltpu.VMEM((NA,), jnp.int32),
            pltpu.VMEM((NA,), jnp.int32),
            pltpu.VMEM((NA,), jnp.int32),
            pltpu.VMEM((NA,), jnp.int32),
            pltpu.VMEM((NA,), jnp.int32),
            pltpu.VMEM((NA,), jnp.int32),
            pltpu.VMEM((NA,), jnp.int32),
            pltpu.VMEM((NA,), jnp.int32),
            pltpu.VMEM((NA,), jnp.int32),
            pltpu.VMEM((NA,), jnp.int32),
            pltpu.SemaphoreType.DMA,
        ],
    )
    return f(shi, sx, ap, aa0, aa1)


def kernel(facts_idx, atoms):
    f = facts_idx.astype(jnp.int32)
    fhi = (f[:, 0] << 2) | (f[:, 1] >> 15)
    flo = ((f[:, 1] & 0x7FFF) << 17) | f[:, 2]
    key = ((fhi.astype(jnp.int64) << 32)
           | (flo.astype(jnp.int64) & jnp.int64(0xFFFFFFFF)))
    s = jnp.sort(key)
    shi = (s >> 32).astype(jnp.int32)
    slo = (s & jnp.int64(0xFFFFFFFF)).astype(jnp.uint32)
    sx = lax.bitcast_convert_type(slo, jnp.int32) ^ SIGN

    a = atoms.astype(jnp.int32)
    ap = a[:, 0]
    aa0 = a[:, 1]
    aa1 = a[:, 2]
    res = _probe(shi, sx, ap, aa0, aa1)
    return res.astype(bool)

# --- scband reference (transcript-rebuilt; emitter-appended) ---
"""Pipeline reference for scband-fact-index-66786741453002 (READ-ONLY COPY).

The authoritative reference and input builder live on the scoring server;
editing this copy changes nothing except your own understanding.
"""

import jax, jax.numpy as jnp
import numpy as np

jax.config.update("jax_enable_x64", True)

PACK_BASE = 100002  # max(constant_no, padding_idx) + 2
N_ATOMS = 1048576
N_FACTS = 4000000
VOCAB = 100000


def pack_triples_64(atoms, base):
    """Pack [pred, arg0, arg1] -> int64 keys: ((pred * base) + arg0) * base + arg1."""
    a = atoms.astype(jnp.int64)
    return (a[:, 0] * base + a[:, 1]) * base + a[:, 2]


def setup_inputs(seed: int = 0) -> dict:
    key = jax.random.key(seed)
    k1, k2 = jax.random.split(key)
    facts_idx = jax.random.randint(k1, (N_FACTS, 3), 0, VOCAB, dtype=jnp.int64)
    atoms = jax.random.randint(k2, (N_ATOMS, 3), 0, VOCAB, dtype=jnp.int64)
    return {"facts_idx": facts_idx, "atoms": atoms}


def reference(facts_idx, atoms):
    base = PACK_BASE
    # __init__: pack + sort the fact set (buffers fact_hashes / facts_idx)
    hashes = pack_triples_64(facts_idx, base)
    order = jnp.argsort(hashes)
    fact_hashes = hashes[order]
    # exists(atoms): binary-search membership
    keys = pack_triples_64(atoms, base)
    F = fact_hashes.shape[0]
    idx = jnp.searchsorted(fact_hashes, keys)
    idx_clamped = jnp.clip(idx, 0, F - 1)
    found = (idx < F) & (fact_hashes[idx_clamped] == keys)
    return found

if __name__ == "__main__":
    import jax
    _d = setup_inputs()
    print(jax.jit(kernel)(*tuple(_d.values())))

</pallas_src>

<mosaic_0001>
#map = affine_map<(d0, d1) -> (0)>
module attributes {stable_mosaic.version = 14 : i64} {
  func.func @_probe_body(%arg0: i32, %arg1: i32, %arg2: memref<4000000xi32, #tpu.memory_space<hbm>>, %arg3: memref<4000000xi32, #tpu.memory_space<hbm>>, %arg4: memref<1048576xi32, #tpu.memory_space<hbm>>, %arg5: memref<1048576xi32, #tpu.memory_space<hbm>>, %arg6: memref<1048576xi32, #tpu.memory_space<hbm>>, %arg7: memref<1048576xi32, #tpu.memory_space<hbm>>, %arg8: memref<2048xi32, #tpu.memory_space<vmem>>, %arg9: memref<2048xi32, #tpu.memory_space<vmem>>, %arg10: memref<2048xi32, #tpu.memory_space<vmem>>, %arg11: memref<2048xi32, #tpu.memory_space<vmem>>, %arg12: memref<2048xi32, #tpu.memory_space<vmem>>, %arg13: memref<2048xi32, #tpu.memory_space<vmem>>, %arg14: memref<2048xi32, #tpu.memory_space<vmem>>, %arg15: memref<2048xi32, #tpu.memory_space<vmem>>, %arg16: memref<2048xi32, #tpu.memory_space<vmem>>, %arg17: memref<2048xi32, #tpu.memory_space<vmem>>, %arg18: memref<2048xi32, #tpu.memory_space<vmem>>, %arg19: memref<!tpu.dma_semaphore, #tpu.memory_space<semaphore_mem>>) attributes {dimension_semantics = [#tpu.dimension_semantics<core_parallel>, #tpu.dimension_semantics<subcore_parallel>], iteration_bounds = array<i64: 2, 16>, scalar_prefetch = 0 : i64, scratch_operands = 12 : i64, tpu.core_type = #tpu.core_type<sc_vector_subcore>, window_params = [{transform_indices = #map}, {transform_indices = #map}, {transform_indices = #map}, {transform_indices = #map}, {transform_indices = #map}, {transform_indices = #map}]} {
    %mul3A = arith.constant 2 : i32
    %mul3A_0 = arith.muli %arg1, %mul3A : i32
    %add3A = arith.addi %mul3A_0, %arg0 : i32
    %mul3A_1 = arith.constant 32768 : i32
    %mul3A_2 = arith.muli %add3A, %mul3A_1 : i32
    %while3A = arith.constant 0 : i32
    %while3A_3 = arith.constant 0 : i32
    %while3A_4 = arith.constant 16 : i32
    %while3A_5 = arith.subi %while3A_4, %while3A_3 : i32
    %while3A_6 = arith.addi %while3A_3, %while3A_5 : i32
    %while3A_7 = arith.constant 1 : i32
    %while3A_8 = arith.divsi %while3A_5, %while3A_7 : i32
    %while3A_9 = arith.muli %while3A_8, %while3A_7 : i32
    %while3A_10 = arith.addi %while3A_3, %while3A_9 : i32
    %while3A_11 = arith.constant 1 : i32
    scf.for %while3A_13 = %while3A_3 to %while3A_10 step %while3A_11  : i32 {
      %mul3A_14 = arith.constant 2048 : i32
      %mul3A_15 = arith.muli %while3A_13, %mul3A_14 : i32
      %add3A_16 = arith.addi %mul3A_2, %mul3A_15 : i32
      "tpu.region"() ({
        %run_scoped3A = tpu.sem_alloc : memref<!tpu.dma_semaphore, #tpu.memory_space<semaphore_mem>>
        %dma_start3A_443 = tpu.memref_slice %arg4[%add3A_16] : memref<1048576xi32, #tpu.memory_space<hbm>> -> memref<2048xi32, #tpu.memory_space<hbm>>
        %dma_start3A_444 = tpu.memref_slice %arg4[%add3A_16] : memref<1048576xi32, #tpu.memory_space<hbm>> -> memref<2048xi32, #tpu.memory_space<hbm>>
        tpu.enqueue_dma source(%dma_start3A_444 : memref<2048xi32, #tpu.memory_space<hbm>>) target(%arg8 : memref<2048xi32, #tpu.memory_space<vmem>>) target_semaphore(%run_scoped3A : memref<!tpu.dma_semaphore, #tpu.memory_space<semaphore_mem>>)
        %dma_wait3A_445 = tpu.memref_slice %arg4[%add3A_16] : memref<1048576xi32, #tpu.memory_space<hbm>> -> memref<2048xi32, #tpu.memory_space<hbm>>
        %dma_wait3A_446 = tpu.memref_slice %arg4[%add3A_16] : memref<1048576xi32, #tpu.memory_space<hbm>> -> memref<2048xi32, #tpu.memory_space<hbm>>
        tpu.wait_dma2 semaphore(%run_scoped3A : memref<!tpu.dma_semaphore, #tpu.memory_space<semaphore_mem>>) src(%dma_wait3A_446 : memref<2048xi32, #tpu.memory_space<hbm>>) dst(%arg8 : memref<2048xi32, #tpu.memory_space<vmem>>)
        tpu.yield
      }) : () -> ()
      "tpu.region"() ({
        %run_scoped3A = tpu.sem_alloc : memref<!tpu.dma_semaphore, #tpu.memory_space<semaphore_mem>>
        %dma_start3A_443 = tpu.memref_slice %arg5[%add3A_16] : memref<1048576xi32, #tpu.memory_space<hbm>> -> memref<2048xi32, #tpu.memory_space<hbm>>
        %dma_start3A_444 = tpu.memref_slice %arg5[%add3A_16] : memref<1048576xi32, #tpu.memory_space<hbm>> -> memref<2048xi32, #tpu.memory_space<hbm>>
        tpu.enqueue_dma source(%dma_start3A_444 : memref<2048xi32, #tpu.memory_space<hbm>>) target(%arg9 : memref<2048xi32, #tpu.memory_space<vmem>>) target_semaphore(%run_scoped3A : memref<!tpu.dma_semaphore, #tpu.memory_space<semaphore_mem>>)
        %dma_wait3A_445 = tpu.memref_slice %arg5[%add3A_16] : memref<1048576xi32, #tpu.memory_space<hbm>> -> memref<2048xi32, #tpu.memory_space<hbm>>
        %dma_wait3A_446 = tpu.memref_slice %arg5[%add3A_16] : memref<1048576xi32, #tpu.memory_space<hbm>> -> memref<2048xi32, #tpu.memory_space<hbm>>
        tpu.wait_dma2 semaphore(%run_scoped3A : memref<!tpu.dma_semaphore, #tpu.memory_space<semaphore_mem>>) src(%dma_wait3A_446 : memref<2048xi32, #tpu.memory_space<hbm>>) dst(%arg9 : memref<2048xi32, #tpu.memory_space<vmem>>)
        tpu.yield
      }) : () -> ()
      "tpu.region"() ({
        %run_scoped3A = tpu.sem_alloc : memref<!tpu.dma_semaphore, #tpu.memory_space<semaphore_mem>>
        %dma_start3A_443 = tpu.memref_slice %arg6[%add3A_16] : memref<1048576xi32, #tpu.memory_space<hbm>> -> memref<2048xi32, #tpu.memory_space<hbm>>
        %dma_start3A_444 = tpu.memref_slice %arg6[%add3A_16] : memref<1048576xi32, #tpu.memory_space<hbm>> -> memref<2048xi32, #tpu.memory_space<hbm>>
        tpu.enqueue_dma source(%dma_start3A_444 : memref<2048xi32, #tpu.memory_space<hbm>>) target(%arg10 : memref<2048xi32, #tpu.memory_space<vmem>>) target_semaphore(%run_scoped3A : memref<!tpu.dma_semaphore, #tpu.memory_space<semaphore_mem>>)
        %dma_wait3A_445 = tpu.memref_slice %arg6[%add3A_16] : memref<1048576xi32, #tpu.memory_space<hbm>> -> memref<2048xi32, #tpu.memory_space<hbm>>
        %dma_wait3A_446 = tpu.memref_slice %arg6[%add3A_16] : memref<1048576xi32, #tpu.memory_space<hbm>> -> memref<2048xi32, #tpu.memory_space<hbm>>
        tpu.wait_dma2 semaphore(%run_scoped3A : memref<!tpu.dma_semaphore, #tpu.memory_space<semaphore_mem>>) src(%dma_wait3A_446 : memref<2048xi32, #tpu.memory_space<hbm>>) dst(%arg10 : memref<2048xi32, #tpu.memory_space<vmem>>)
        tpu.yield
      }) : () -> ()
      %while3A_17 = arith.constant 0 : i32
      %while3A_18 = arith.constant 0 : i32
      %while3A_19 = arith.constant 128 : i32
      %while3A_20 = arith.subi %while3A_19, %while3A_18 : i32
      %while3A_21 = arith.addi %while3A_18, %while3A_20 : i32
      %while3A_22 = arith.constant 1 : i32
      %while3A_23 = arith.divsi %while3A_20, %while3A_22 : i32
      %while3A_24 = arith.muli %while3A_23, %while3A_22 : i32
      %while3A_25 = arith.addi %while3A_18, %while3A_24 : i32
      %while3A_26 = arith.constant 1 : i32
      scf.for %while3A_443 = %while3A_18 to %while3A_25 step %while3A_26  : i32 {
        %mul3A_444 = arith.constant 16 : i32
        %mul3A_445 = arith.muli %while3A_443, %mul3A_444 : i32
        %get3A = arith.index_cast %mul3A_445 : i32 to index
        %get3A_446 = tpu.vector_load %arg8[%get3A] {strides = array<i32>} : memref<2048xi32, #tpu.memory_space<vmem>>, vector<16xi32>,
        %get3A_447 = vector.shape_cast %get3A_446 : vector<16xi32> to vector<16xi32>
        %get3A_448 = arith.index_cast %mul3A_445 : i32 to index
        %get3A_449 = tpu.vector_load %arg9[%get3A_448] {strides = array<i32>} : memref<2048xi32, #tpu.memory_space<vmem>>, vector<16xi32>,
        %get3A_450 = vector.shape_cast %get3A_449 : vector<16xi32> to vector<16xi32>
        %get3A_451 = arith.index_cast %mul3A_445 : i32 to index
        %get3A_452 = tpu.vector_load %arg10[%get3A_451] {strides = array<i32>} : memref<2048xi32, #tpu.memory_space<vmem>>, vector<16xi32>,
        %get3A_453 = vector.shape_cast %get3A_452 : vector<16xi32> to vector<16xi32>
        %shift_left3A = arith.constant 2 : i32
        %shift_left3A_454 = vector.broadcast %shift_left3A : i32 to vector<16xi32>
        %shift_left3A_455 = arith.shli %get3A_447, %shift_left3A_454 : vector<16xi32>
        %shift_right_logical3A = arith.constant 15 : i32
        %shift_right_logical3A_456 = vector.broadcast %shift_right_logical3A : i32 to vector<16xi32>
        %shift_right_logical3A_457 = arith.shrui %get3A_450, %shift_right_logical3A_456 : vector<16xi32>
        %or3A = arith.ori %shift_left3A_455, %shift_right_logical3A_457 : vector<16xi32>
        %swap3A = arith.index_cast %mul3A_445 : i32 to index
        %swap3A_458 = tpu.vector_load %arg11[%swap3A] {strides = array<i32>} : memref<2048xi32, #tpu.memory_space<vmem>>, vector<16xi32>,
        %swap3A_459 = vector.shape_cast %swap3A_458 : vector<16xi32> to vector<16xi32>
        %swap3A_460 = vector.shape_cast %or3A : vector<16xi32> to vector<16xi32>
        tpu.vector_store %arg11[%swap3A], %swap3A_460 {strides = array<i32>} : memref<2048xi32, #tpu.memory_space<vmem>>, vector<16xi32>,
        %and3A = arith.constant 32767 : i32
        %and3A_461 = vector.broadcast %and3A : i32 to vector<16xi32>
        %and3A_462 = arith.andi %get3A_450, %and3A_461 : vector<16xi32>
        %shift_left3A_463 = arith.constant 17 : i32
        %shift_left3A_464 = vector.broadcast %shift_left3A_463 : i32 to vector<16xi32>
        %shift_left3A_465 = arith.shli %and3A_462, %shift_left3A_464 : vector<16xi32>
        %or3A_466 = arith.ori %shift_left3A_465, %get3A_453 : vector<16xi32>
        %xor3A = arith.constant -2147483648 : i32
        %xor3A_467 = vector.broadcast %xor3A : i32 to vector<16xi32>
        %xor3A_468 = arith.xori %or3A_466, %xor3A_467 : vector<16xi32>
        %swap3A_469 = arith.index_cast %mul3A_445 : i32 to index
        %swap3A_470 = tpu.vector_load %arg12[%swap3A_469] {strides = array<i32>} : memref<2048xi32, #tpu.memory_space<vmem>>, vector<16xi32>,
        %swap3A_471 = vector.shape_cast %swap3A_470 : vector<16xi32> to vector<16xi32>
        %swap3A_472 = vector.shape_cast %xor3A_468 : vector<16xi32> to vector<16xi32>
        tpu.vector_store %arg12[%swap3A_469], %swap3A_472 {strides = array<i32>} : memref<2048xi32, #tpu.memory_space<vmem>>, vector<16xi32>,
        %broadcast_in_dim3A = arith.constant 0 : i32
        %broadcast_in_dim3A_473 = vector.broadcast %broadcast_in_dim3A : i32 to vector<16xi32>
        %swap3A_474 = arith.index_cast %mul3A_445 : i32 to index
        %swap3A_475 = tpu.vector_load %arg13[%swap3A_474] {strides = array<i32>} : memref<2048xi32, #tpu.memory_space<vmem>>, vector<16xi32>,
        %swap3A_476 = vector.shape_cast %swap3A_475 : vector<16xi32> to vector<16xi32>
        %swap3A_477 = vector.shape_cast %broadcast_in_dim3A_473 : vector<16xi32> to vector<16xi32>
        tpu.vector_store %arg13[%swap3A_474], %swap3A_477 {strides = array<i32>} : memref<2048xi32, #tpu.memory_space<vmem>>, vector<16xi32>,
        %broadcast_in_dim3A_478 = arith.constant 4000000 : i32
        %broadcast_in_dim3A_479 = vector.broadcast %broadcast_in_dim3A_478 : i32 to vector<16xi32>
        %swap3A_480 = arith.index_cast %mul3A_445 : i32 to index
        %swap3A_481 = tpu.vector_load %arg14[%swap3A_480] {strides = array<i32>} : memref<2048xi32, #tpu.memory_space<vmem>>, vector<16xi32>,
        %swap3A_482 = vector.shape_cast %swap3A_481 : vector<16xi32> to vector<16xi32>
        %swap3A_483 = vector.shape_cast %broadcast_in_dim3A_479 : vector<16xi32> to vector<16xi32>
        tpu.vector_store %arg14[%swap3A_480], %swap3A_483 {strides = array<i32>} : memref<2048xi32, #tpu.memory_space<vmem>>, vector<16xi32>,
      }
      %while3A_27 = arith.constant 1 : i32
      scf.for %while3A_443 = %while3A_25 to %while3A_21 step %while3A_27  : i32 {
        %mul3A_444 = arith.constant 16 : i32
        %mul3A_445 = arith.muli %while3A_443, %mul3A_444 : i32
        %get3A = arith.index_cast %mul3A_445 : i32 to index
        %get3A_446 = tpu.vector_load %arg8[%get3A] {strides = array<i32>} : memref<2048xi32, #tpu.memory_space<vmem>>, vector<16xi32>,
        %get3A_447 = vector.shape_cast %get3A_446 : vector<16xi32> to vector<16xi32>
        %get3A_448 = arith.index_cast %mul3A_445 : i32 to index
        %get3A_449 = tpu.vector_load %arg9[%get3A_448] {strides = array<i32>} : memref<2048xi32, #tpu.memory_space<vmem>>, vector<16xi32>,
        %get3A_450 = vector.shape_cast %get3A_449 : vector<16xi32> to vector<16xi32>
        %get3A_451 = arith.index_cast %mul3A_445 : i32 to index
        %get3A_452 = tpu.vector_load %arg10[%get3A_451] {strides = array<i32>} : memref<2048xi32, #tpu.memory_space<vmem>>, vector<16xi32>,
        %get3A_453 = vector.shape_cast %get3A_452 : vector<16xi32> to vector<16xi32>
        %shift_left3A = arith.constant 2 : i32
        %shift_left3A_454 = vector.broadcast %shift_left3A : i32 to vector<16xi32>
        %shift_left3A_455 = arith.shli %get3A_447, %shift_left3A_454 : vector<16xi32>
        %shift_right_logical3A = arith.constant 15 : i32
        %shift_right_logical3A_456 = vector.broadcast %shift_right_logical3A : i32 to vector<16xi32>
        %shift_right_logical3A_457 = arith.shrui %get3A_450, %shift_right_logical3A_456 : vector<16xi32>
        %or3A = arith.ori %shift_left3A_455, %shift_right_logical3A_457 : vector<16xi32>
        %swap3A = arith.index_cast %mul3A_445 : i32 to index
        %swap3A_458 = tpu.vector_load %arg11[%swap3A] {strides = array<i32>} : memref<2048xi32, #tpu.memory_space<vmem>>, vector<16xi32>,
        %swap3A_459 = vector.shape_cast %swap3A_458 : vector<16xi32> to vector<16xi32>
        %swap3A_460 = vector.shape_cast %or3A : vector<16xi32> to vector<16xi32>
        tpu.vector_store %arg11[%swap3A], %swap3A_460 {strides = array<i32>} : memref<2048xi32, #tpu.memory_space<vmem>>, vector<16xi32>,
        %and3A = arith.constant 32767 : i32
        %and3A_461 = vector.broadcast %and3A : i32 to vector<16xi32>
        %and3A_462 = arith.andi %get3A_450, %and3A_461 : vector<16xi32>
        %shift_left3A_463 = arith.constant 17 : i32
        %shift_left3A_464 = vector.broadcast %shift_left3A_463 : i32 to vector<16xi32>
        %shift_left3A_465 = arith.shli %and3A_462, %shift_left3A_464 : vector<16xi32>
        %or3A_466 = arith.ori %shift_left3A_465, %get3A_453 : vector<16xi32>
        %xor3A = arith.constant -2147483648 : i32
        %xor3A_467 = vector.broadcast %xor3A : i32 to vector<16xi32>
        %xor3A_468 = arith.xori %or3A_466, %xor3A_467 : vector<16xi32>
        %swap3A_469 = arith.index_cast %mul3A_445 : i32 to index
        %swap3A_470 = tpu.vector_load %arg12[%swap3A_469] {strides = array<i32>} : memref<2048xi32, #tpu.memory_space<vmem>>, vector<16xi32>,
        %swap3A_471 = vector.shape_cast %swap3A_470 : vector<16xi32> to vector<16xi32>
        %swap3A_472 = vector.shape_cast %xor3A_468 : vector<16xi32> to vector<16xi32>
        tpu.vector_store %arg12[%swap3A_469], %swap3A_472 {strides = array<i32>} : memref<2048xi32, #tpu.memory_space<vmem>>, vector<16xi32>,
        %broadcast_in_dim3A = arith.constant 0 : i32
        %broadcast_in_dim3A_473 = vector.broadcast %broadcast_in_dim3A : i32 to vector<16xi32>
        %swap3A_474 = arith.index_cast %mul3A_445 : i32 to index
        %swap3A_475 = tpu.vector_load %arg13[%swap3A_474] {strides = array<i32>} : memref<2048xi32, #tpu.memory_space<vmem>>, vector<16xi32>,
        %swap3A_476 = vector.shape_cast %swap3A_475 : vector<16xi32> to vector<16xi32>
        %swap3A_477 = vector.shape_cast %broadcast_in_dim3A_473 : vector<16xi32> to vector<16xi32>
        tpu.vector_store %arg13[%swap3A_474], %swap3A_477 {strides = array<i32>} : memref<2048xi32, #tpu.memory_space<vmem>>, vector<16xi32>,
        %broadcast_in_dim3A_478 = arith.constant 4000000 : i32
        %broadcast_in_dim3A_479 = vector.broadcast %broadcast_in_dim3A_478 : i32 to vector<16xi32>
        %swap3A_480 = arith.index_cast %mul3A_445 : i32 to index
        %swap3A_481 = tpu.vector_load %arg14[%swap3A_480] {strides = array<i32>} : memref<2048xi32, #tpu.memory_space<vmem>>, vector<16xi32>,
        %swap3A_482 = vector.shape_cast %swap3A_481 : vector<16xi32> to vector<16xi32>
        %swap3A_483 = vector.shape_cast %broadcast_in_dim3A_479 : vector<16xi32> to vector<16xi32>
        tpu.vector_store %arg14[%swap3A_480], %swap3A_483 {strides = array<i32>} : memref<2048xi32, #tpu.memory_space<vmem>>, vector<16xi32>,
      }
      %while3A_28 = arith.constant 0 : i32
      %while3A_29 = arith.constant 0 : i32
      %while3A_30 = arith.constant 22 : i32
      %while3A_31 = arith.subi %while3A_30, %while3A_29 : i32
      %while3A_32 = arith.addi %while3A_29, %while3A_31 : i32
      %while3A_33 = arith.constant 1 : i32
      %while3A_34 = arith.divsi %while3A_31, %while3A_33 : i32
      %while3A_35 = arith.muli %while3A_34, %while3A_33 : i32
      %while3A_36 = arith.addi %while3A_29, %while3A_35 : i32
      %while3A_37 = arith.constant 1 : i32
      scf.for %while3A_443 = %while3A_29 to %while3A_36 step %while3A_37  : i32 {
        %while3A_444 = arith.constant 0 : i32
        %while3A_445 = arith.constant 0 : i32
        %while3A_446 = arith.constant 128 : i32
        %while3A_447 = arith.subi %while3A_446, %while3A_445 : i32
        %while3A_448 = arith.addi %while3A_445, %while3A_447 : i32
        %while3A_449 = arith.constant 1 : i32
        %while3A_450 = arith.divsi %while3A_447, %while3A_449 : i32
        %while3A_451 = arith.muli %while3A_450, %while3A_449 : i32
        %while3A_452 = arith.addi %while3A_445, %while3A_451 : i32
        %while3A_453 = arith.constant 1 : i32
        scf.for %while3A_850 = %while3A_445 to %while3A_452 step %while3A_453  : i32 {
          %mul3A_851 = arith.constant 16 : i32
          %mul3A_852 = arith.muli %while3A_850, %mul3A_851 : i32
          %get3A = arith.index_cast %mul3A_852 : i32 to index
          %get3A_853 = tpu.vector_load %arg13[%get3A] {strides = array<i32>} : memref<2048xi32, #tpu.memory_space<vmem>>, vector<16xi32>,
          %get3A_854 = vector.shape_cast %get3A_853 : vector<16xi32> to vector<16xi32>
          %get3A_855 = arith.index_cast %mul3A_852 : i32 to index
          %get3A_856 = tpu.vector_load %arg14[%get3A_855] {strides = array<i32>} : memref<2048xi32, #tpu.memory_space<vmem>>, vector<16xi32>,
          %get3A_857 = vector.shape_cast %get3A_856 : vector<16xi32> to vector<16xi32>
          %add3A_858 = arith.addi %get3A_854, %get3A_857 : vector<16xi32>
          %shift_right_arithmetic3A = arith.constant 1 : i32
          %shift_right_arithmetic3A_859 = vector.broadcast %shift_right_arithmetic3A : i32 to vector<16xi32>
          %shift_right_arithmetic3A_860 = arith.shrsi %add3A_858, %shift_right_arithmetic3A_859 : vector<16xi32>
          %swap3A = arith.index_cast %mul3A_852 : i32 to index
          %swap3A_861 = tpu.vector_load %arg15[%swap3A] {strides = array<i32>} : memref<2048xi32, #tpu.memory_space<vmem>>, vector<16xi32>,
          %swap3A_862 = vector.shape_cast %swap3A_861 : vector<16xi32> to vector<16xi32>
          %swap3A_863 = vector.shape_cast %shift_right_arithmetic3A_860 : vector<16xi32> to vector<16xi32>
          tpu.vector_store %arg15[%swap3A], %swap3A_863 {strides = array<i32>} : memref<2048xi32, #tpu.memory_space<vmem>>, vector<16xi32>,
        }
        %while3A_454 = arith.constant 1 : i32
        scf.for %while3A_850 = %while3A_452 to %while3A_448 step %while3A_454  : i32 {
          %mul3A_851 = arith.constant 16 : i32
          %mul3A_852 = arith.muli %while3A_850, %mul3A_851 : i32
          %get3A = arith.index_cast %mul3A_852 : i32 to index
          %get3A_853 = tpu.vector_load %arg13[%get3A] {strides = array<i32>} : memref<2048xi32, #tpu.memory_space<vmem>>, vector<16xi32>,
          %get3A_854 = vector.shape_cast %get3A_853 : vector<16xi32> to vector<16xi32>
          %get3A_855 = arith.index_cast %mul3A_852 : i32 to index
          %get3A_856 = tpu.vector_load %arg14[%get3A_855] {strides = array<i32>} : memref<2048xi32, #tpu.memory_space<vmem>>, vector<16xi32>,
          %get3A_857 = vector.shape_cast %get3A_856 : vector<16xi32> to vector<16xi32>
          %add3A_858 = arith.addi %get3A_854, %get3A_857 : vector<16xi32>
          %shift_right_arithmetic3A = arith.constant 1 : i32
          %shift_right_arithmetic3A_859 = vector.broadcast %shift_right_arithmetic3A : i32 to vector<16xi32>
          %shift_right_arithmetic3A_860 = arith.shrsi %add3A_858, %shift_right_arithmetic3A_859 : vector<16xi32>
          %swap3A = arith.index_cast %mul3A_852 : i32 to index
          %swap3A_861 = tpu.vector_load %arg15[%swap3A] {strides = array<i32>} : memref<2048xi32, #tpu.memory_space<vmem>>, vector<16xi32>,
          %swap3A_862 = vector.shape_cast %swap3A_861 : vector<16xi32> to vector<16xi32>
          %swap3A_863 = vector.shape_cast %shift_right_arithmetic3A_860 : vector<16xi32> to vector<16xi32>
          tpu.vector_store %arg15[%swap3A], %swap3A_863 {strides = array<i32>} : memref<2048xi32, #tpu.memory_space<vmem>>, vector<16xi32>,
        }
        %dma_start3A_455 = arith.constant 0 : i32
        %dma_start3A_456 = tpu.memref_slice %arg16[%dma_start3A_455] : memref<2048xi32, #tpu.memory_space<vmem>> -> memref<128xi32, #tpu.memory_space<vmem>>
        %dma_start3A_457 = arith.constant 0 : i32
        %dma_start3A_458 = tpu.memref_slice %arg15[%dma_start3A_457] : memref<2048xi32, #tpu.memory_space<vmem>> -> memref<128xi32, #tpu.memory_space<vmem>>
        %dma_start3A_459 = arith.constant 0 : i32
        %dma_start3A_460 = tpu.memref_slice %arg2[%dma_start3A_459] : memref<4000000xi32, #tpu.memory_space<hbm>> -> memref<4000000xi32, #tpu.memory_space<hbm>>
        tpu.enqueue_indirect_dma source(%dma_start3A_460 : memref<4000000xi32, #tpu.memory_space<hbm>>) target(%dma_start3A_456 : memref<128xi32, #tpu.memory_space<vmem>>) offsets(%dma_start3A_458 : memref<128xi32, #tpu.memory_space<vmem>>) semaphore(%arg19 : memref<!tpu.dma_semaphore, #tpu.memory_space<semaphore_mem>>)
        %dma_start3A_461 = arith.constant 0 : i32
        %dma_start3A_462 = tpu.memref_slice %arg17[%dma_start3A_461] : memref<2048xi32, #tpu.memory_space<vmem>> -> memref<128xi32, #tpu.memory_space<vmem>>
        %dma_start3A_463 = arith.constant 0 : i32
        %dma_start3A_464 = tpu.memref_slice %arg15[%dma_start3A_463] : memref<2048xi32, #tpu.memory_space<vmem>> -> memref<128xi32, #tpu.memory_space<vmem>>
        %dma_start3A_465 = arith.constant 0 : i32
        %dma_start3A_466 = tpu.memref_slice %arg3[%dma_start3A_465] : memref<4000000xi32, #tpu.memory_space<hbm>> -> memref<4000000xi32, #tpu.memory_space<hbm>>
        tpu.enqueue_indirect_dma source(%dma_start3A_466 : memref<4000000xi32, #tpu.memory_space<hbm>>) target(%dma_start3A_462 : memref<128xi32, #tpu.memory_space<vmem>>) offsets(%dma_start3A_464 : memref<128xi32, #tpu.memory_space<vmem>>) semaphore(%arg19 : memref<!tpu.dma_semaphore, #tpu.memory_space<semaphore_mem>>)
        %dma_start3A_467 = arith.constant 128 : i32
        %dma_start3A_468 = tpu.memref_slice %arg16[%dma_start3A_467] : memref<2048xi32, #tpu.memory_space<vmem>> -> memref<128xi32, #tpu.memory_space<vmem>>
        %dma_start3A_469 = arith.constant 128 : i32
        %dma_start3A_470 = tpu.memref_slice %arg15[%dma_start3A_469] : memref<2048xi32, #tpu.memory_space<vmem>> -> memref<128xi32, #tpu.memory_space<vmem>>
        %dma_start3A_471 = arith.constant 0 : i32
        %dma_start3A_472 = tpu.memref_slice %arg2[%dma_start3A_471] : memref<4000000xi32, #tpu.memory_space<hbm>> -> memref<4000000xi32, #tpu.memory_space<hbm>>
        tpu.enqueue_indirect_dma source(%dma_start3A_472 : memref<4000000xi32, #tpu.memory_space<hbm>>) target(%dma_start3A_468 : memref<128xi32, #tpu.memory_space<vmem>>) offsets(%dma_start3A_470 : memref<128xi32, #tpu.memory_space<vmem>>) semaphore(%arg19 : memref<!tpu.dma_semaphore, #tpu.memory_space<semaphore_mem>>)
        %dma_start3A_473 = arith.constant 128 : i32
        %dma_start3A_474 = tpu.memref_slice %arg17[%dma_start3A_473] : memref<2048xi32, #tpu.memory_space<vmem>> -> memref<128xi32, #tpu.memory_space<vmem>>
        %dma_start3A_475 = arith.constant 128 : i32
        %dma_start3A_476 = tpu.memref_slice %arg15[%dma_start3A_475] : memref<2048xi32, #tpu.memory_space<vmem>> -> memref<128xi32, #tpu.memory_space<vmem>>
        %dma_start3A_477 = arith.constant 0 : i32
        %dma_start3A_478 = tpu.memref_slice %arg3[%dma_start3A_477] : memref<4000000xi32, #tpu.memory_space<hbm>> -> memref<4000000xi32, #tpu.memory_space<hbm>>
        tpu.enqueue_indirect_dma source(%dma_start3A_478 : memref<4000000xi32, #tpu.memory_space<hbm>>) target(%dma_start3A_474 : memref<128xi32, #tpu.memory_space<vmem>>) offsets(%dma_start3A_476 : memref<128xi32, #tpu.memory_space<vmem>>) semaphore(%arg19 : memref<!tpu.dma_semaphore, #tpu.memory_space<semaphore_mem>>)
        %dma_start3A_479 = arith.constant 256 : i32
        %dma_start3A_480 = tpu.memref_slice %arg16[%dma_start3A_479] : memref<2048xi32, #tpu.memory_space<vmem>> -> memref<128xi32, #tpu.memory_space<vmem>>
        %dma_start3A_481 = arith.constant 256 : i32
        %dma_start3A_482 = tpu.memref_slice %arg15[%dma_start3A_481] : memref<2048xi32, #tpu.memory_space<vmem>> -> memref<128xi32, #tpu.memory_space<vmem>>
        %dma_start3A_483 = arith.constant 0 : i32
        %dma_start3A_484 = tpu.memref_slice %arg2[%dma_start3A_483] : memref<4000000xi32, #tpu.memory_space<hbm>> -> memref<4000000xi32, #tpu.memory_space<hbm>>
        tpu.enqueue_indirect_dma source(%dma_start3A_484 : memref<4000000xi32, #tpu.memory_space<hbm>>) target(%dma_start3A_480 : memref<128xi32, #tpu.memory_space<vmem>>) offsets(%dma_start3A_482 : memref<128xi32, #tpu.memory_space<vmem>>) semaphore(%arg19 : memref<!tpu.dma_semaphore, #tpu.memory_space<semaphore_mem>>)
        %dma_start3A_485 = arith.constant 256 : i32
        %dma_start3A_486 = tpu.memref_slice %arg17[%dma_start3A_485] : memref<2048xi32, #tpu.memory_space<vmem>> -> memref<128xi32, #tpu.memory_space<vmem>>
        %dma_start3A_487 = arith.constant 256 : i32
        %dma_start3A_488 = tpu.memref_slice %arg15[%dma_start3A_487] : memref<2048xi32, #tpu.memory_space<vmem>> -> memref<128xi32, #tpu.memory_space<vmem>>
        %dma_start3A_489 = arith.constant 0 : i32
        %dma_start3A_490 = tpu.memref_slice %arg3[%dma_start3A_489] : memref<4000000xi32, #tpu.memory_space<hbm>> -> memref<4000000xi32, #tpu.memory_space<hbm>>
        tpu.enqueue_indirect_dma source(%dma_start3A_490 : memref<4000000xi32, #tpu.memory_space<hbm>>) target(%dma_start3A_486 : memref<128xi32, #tpu.memory_space<vmem>>) offsets(%dma_start3A_488 : memref<128xi32, #tpu.memory_space<vmem>>) semaphore(%arg19 : memref<!tpu.dma_semaphore, #tpu.memory_space<semaphore_mem>>)
        %dma_start3A_491 = arith.constant 384 : i32
        %dma_start3A_492 = tpu.memref_slice %arg16[%dma_start3A_491] : memref<2048xi32, #tpu.memory_space<vmem>> -> memref<128xi32, #tpu.memory_space<vmem>>
        %dma_start3A_493 = arith.constant 384 : i32
        %dma_start3A_494 = tpu.memref_slice %arg15[%dma_start3A_493] : memref<2048xi32, #tpu.memory_space<vmem>> -> memref<128xi32, #tpu.memory_space<vmem>>
        %dma_start3A_495 = arith.constant 0 : i32
        %dma_start3A_496 = tpu.memref_slice %arg2[%dma_start3A_495] : memref<4000000xi32, #tpu.memory_space<hbm>> -> memref<4000000xi32, #tpu.memory_space<hbm>>
        tpu.enqueue_indirect_dma source(%dma_start3A_496 : memref<4000000xi32, #tpu.memory_space<hbm>>) target(%dma_start3A_492 : memref<128xi32, #tpu.memory_space<vmem>>) offsets(%dma_start3A_494 : memref<128xi32, #tpu.memory_space<vmem>>) semaphore(%arg19 : memref<!tpu.dma_semaphore, #tpu.memory_space<semaphore_mem>>)
        %dma_start3A_497 = arith.constant 384 : i32
        %dma_start3A_498 = tpu.memref_slice %arg17[%dma_start3A_497] : memref<2048xi32, #tpu.memory_space<vmem>> -> memref<128xi32, #tpu.memory_space<vmem>>
        %dma_start3A_499 = arith.constant 384 : i32
        %dma_start3A_500 = tpu.memref_slice %arg15[%dma_start3A_499] : memref<2048xi32, #tpu.memory_space<vmem>> -> memref<128xi32, #tpu.memory_space<vmem>>
        %dma_start3A_501 = arith.constant 0 : i32
        %dma_start3A_502 = tpu.memref_slice %arg3[%dma_start3A_501] : memref<4000000xi32, #tpu.memory_space<hbm>> -> memref<4000000xi32, #tpu.memory_space<hbm>>
        tpu.enqueue_indirect_dma source(%dma_start3A_502 : memref<4000000xi32, #tpu.memory_space<hbm>>) target(%dma_start3A_498 : memref<128xi32, #tpu.memory_space<vmem>>) offsets(%dma_start3A_500 : memref<128xi32, #tpu.memory_space<vmem>>) semaphore(%arg19 : memref<!tpu.dma_semaphore, #tpu.memory_space<semaphore_mem>>)
        %dma_start3A_503 = arith.constant 512 : i32
        %dma_start3A_504 = tpu.memref_slice %arg16[%dma_start3A_503] : memref<2048xi32, #tpu.memory_space<vmem>> -> memref<128xi32, #tpu.memory_space<vmem>>
        %dma_start3A_505 = arith.constant 512 : i32
        %dma_start3A_506 = tpu.memref_slice %arg15[%dma_start3A_505] : memref<2048xi32, #tpu.memory_space<vmem>> -> memref<128xi32, #tpu.memory_space<vmem>>
        %dma_start3A_507 = arith.constant 0 : i32
        %dma_start3A_508 = tpu.memref_slice %arg2[%dma_start3A_507] : memref<4000000xi32, #tpu.memory_space<hbm>> -> memref<4000000xi32, #tpu.memory_space<hbm>>
        tpu.enqueue_indirect_dma source(%dma_start3A_508 : memref<4000000xi32, #tpu.memory_space<hbm>>) target(%dma_start3A_504 : memref<128xi32, #tpu.memory_space<vmem>>) offsets(%dma_start3A_506 : memref<128xi32, #tpu.memory_space<vmem>>) semaphore(%arg19 : memref<!tpu.dma_semaphore, #tpu.memory_space<semaphore_mem>>)
        %dma_start3A_509 = arith.constant 512 : i32
        %dma_start3A_510 = tpu.memref_slice %arg17[%dma_start3A_509] : memref<2048xi32, #tpu.memory_space<vmem>> -> memref<128xi32, #tpu.memory_space<vmem>>
        %dma_start3A_511 = arith.constant 512 : i32
        %dma_start3A_512 = tpu.memref_slice %arg15[%dma_start3A_511] : memref<2048xi32, #tpu.memory_space<vmem>> -> memref<128xi32, #tpu.memory_space<vmem>>
        %dma_start3A_513 = arith.constant 0 : i32
        %dma_start3A_514 = tpu.memref_slice %arg3[%dma_start3A_513] : memref<4000000xi32, #tpu.memory_space<hbm>> -> memref<4000000xi32, #tpu.memory_space<hbm>>
        tpu.enqueue_indirect_dma source(%dma_start3A_514 : memref<4000000xi32, #tpu.memory_space<hbm>>) target(%dma_start3A_510 : memref<128xi32, #tpu.memory_space<vmem>>) offsets(%dma_start3A_512 : memref<128xi32, #tpu.memory_space<vmem>>) semaphore(%arg19 : memref<!tpu.dma_semaphore, #tpu.memory_space<semaphore_mem>>)
        %dma_start3A_515 = arith.constant 640 : i32
        %dma_start3A_516 = tpu.memref_slice %arg16[%dma_start3A_515] : memref<2048xi32, #tpu.memory_space<vmem>> -> memref<128xi32, #tpu.memory_space<vmem>>
        %dma_start3A_517 = arith.constant 640 : i32
        %dma_start3A_518 = tpu.memref_slice %arg15[%dma_start3A_517] : memref<2048xi32, #tpu.memory_space<vmem>> -> memref<128xi32, #tpu.memory_space<vmem>>
        %dma_start3A_519 = arith.constant 0 : i32
        %dma_start3A_520 = tpu.memref_slice %arg2[%dma_start3A_519] : memref<4000000xi32, #tpu.memory_space<hbm>> -> memref<4000000xi32, #tpu.memory_space<hbm>>
        tpu.enqueue_indirect_dma source(%dma_start3A_520 : memref<4000000xi32, #tpu.memory_space<hbm>>) target(%dma_start3A_516 : memref<128xi32, #tpu.memory_space<vmem>>) offsets(%dma_start3A_518 : memref<128xi32, #tpu.memory_space<vmem>>) semaphore(%arg19 : memref<!tpu.dma_semaphore, #tpu.memory_space<semaphore_mem>>)
        %dma_start3A_521 = arith.constant 640 : i32
        %dma_start3A_522 = tpu.memref_slice %arg17[%dma_start3A_521] : memref<2048xi32, #tpu.memory_space<vmem>> -> memref<128xi32, #tpu.memory_space<vmem>>
        %dma_start3A_523 = arith.constant 640 : i32
        %dma_start3A_524 = tpu.memref_slice %arg15[%dma_start3A_523] : memref<2048xi32, #tpu.memory_space<vmem>> -> memref<128xi32, #tpu.memory_space<vmem>>
        %dma_start3A_525 = arith.constant 0 : i32
        %dma_start3A_526 = tpu.memref_slice %arg3[%dma_start3A_525] : memref<4000000xi32, #tpu.memory_space<hbm>> -> memref<4000000xi32, #tpu.memory_space<hbm>>
        tpu.enqueue_indirect_dma source(%dma_start3A_526 : memref<4000000xi32, #tpu.memory_space<hbm>>) target(%dma_start3A_522 : memref<128xi32, #tpu.memory_space<vmem>>) offsets(%dma_start3A_524 : memref<128xi32, #tpu.memory_space<vmem>>) semaphore(%arg19 : memref<!tpu.dma_semaphore, #tpu.memory_space<semaphore_mem>>)
        %dma_start3A_527 = arith.constant 768 : i32
        %dma_start3A_528 = tpu.memref_slice %arg16[%dma_start3A_527] : memref<2048xi32, #tpu.memory_space<vmem>> -> memref<128xi32, #tpu.memory_space<vmem>>
        %dma_start3A_529 = arith.constant 768 : i32
        %dma_start3A_530 = tpu.memref_slice %arg15[%dma_start3A_529] : memref<2048xi32, #tpu.memory_space<vmem>> -> memref<128xi32, #tpu.memory_space<vmem>>
        %dma_start3A_531 = arith.constant 0 : i32
        %dma_start3A_532 = tpu.memref_slice %arg2[%dma_start3A_531] : memref<4000000xi32, #tpu.memory_space<hbm>> -> memref<4000000xi32, #tpu.memory_space<hbm>>
        tpu.enqueue_indirect_dma source(%dma_start3A_532 : memref<4000000xi32, #tpu.memory_space<hbm>>) target(%dma_start3A_528 : memref<128xi32, #tpu.memory_space<vmem>>) offsets(%dma_start3A_530 : memref<128xi32, #tpu.memory_space<vmem>>) semaphore(%arg19 : memref<!tpu.dma_semaphore, #tpu.memory_space<semaphore_mem>>)
        %dma_start3A_533 = arith.constant 768 : i32
        %dma_start3A_534 = tpu.memref_slice %arg17[%dma_start3A_533] : memref<2048xi32, #tpu.memory_space<vmem>> -> memref<128xi32, #tpu.memory_space<vmem>>
        %dma_start3A_535 = arith.constant 768 : i32
        %dma_start3A_536 = tpu.memref_slice %arg15[%dma_start3A_535] : memref<2048xi32, #tpu.memory_space<vmem>> -> memref<128xi32, #tpu.memory_space<vmem>>
        %dma_start3A_537 = arith.constant 0 : i32
        %dma_start3A_538 = tpu.memref_slice %arg3[%dma_start3A_537] : memref<4000000xi32, #tpu.memory_space<hbm>> -> memref<4000000xi32, #tpu.memory_space<hbm>>
        tpu.enqueue_indirect_dma source(%dma_start3A_538 : memref<4000000xi32, #tpu.memory_space<hbm>>) target(%dma_start3A_534 : memref<128xi32, #tpu.memory_space<vmem>>) offsets(%dma_start3A_536 : memref<128xi32, #tpu.memory_space<vmem>>) semaphore(%arg19 : memref<!tpu.dma_semaphore, #tpu.memory_space<semaphore_mem>>)
        %dma_start3A_539 = arith.constant 896 : i32
        %dma_start3A_540 = tpu.memref_slice %arg16[%dma_start3A_539] : memref<2048xi32, #tpu.memory_space<vmem>> -> memref<128xi32, #tpu.memory_space<vmem>>
        %dma_start3A_541 = arith.constant 896 : i32
        %dma_start3A_542 = tpu.memref_slice %arg15[%dma_start3A_541] : memref<2048xi32, #tpu.memory_space<vmem>> -> memref<128xi32, #tpu.memory_space<vmem>>
        %dma_start3A_543 = arith.constant 0 : i32
        %dma_start3A_544 = tpu.memref_slice %arg2[%dma_start3A_543] : memref<4000000xi32, #tpu.memory_space<hbm>> -> memref<4000000xi32, #tpu.memory_space<hbm>>
        tpu.enqueue_indirect_dma source(%dma_start3A_544 : memref<4000000xi32, #tpu.memory_space<hbm>>) target(%dma_start3A_540 : memref<128xi32, #tpu.memory_space<vmem>>) offsets(%dma_start3A_542 : memref<128xi32, #tpu.memory_space<vmem>>) semaphore(%arg19 : memref<!tpu.dma_semaphore, #tpu.memory_space<semaphore_mem>>)
        %dma_start3A_545 = arith.constant 896 : i32
        %dma_start3A_546 = tpu.memref_slice %arg17[%dma_start3A_545] : memref<2048xi32, #tpu.memory_space<vmem>> -> memref<128xi32, #tpu.memory_space<vmem>>
        %dma_start3A_547 = arith.constant 896 : i32
        %dma_start3A_548 = tpu.memref_slice %arg15[%dma_start3A_547] : memref<2048xi32, #tpu.memory_space<vmem>> -> memref<128xi32, #tpu.memory_space<vmem>>
        %dma_start3A_549 = arith.constant 0 : i32
        %dma_start3A_550 = tpu.memref_slice %arg3[%dma_start3A_549] : memref<4000000xi32, #tpu.memory_space<hbm>> -> memref<4000000xi32, #tpu.memory_space<hbm>>
        tpu.enqueue_indirect_dma source(%dma_start3A_550 : memref<4000000xi32, #tpu.memory_space<hbm>>) target(%dma_start3A_546 : memref<128xi32, #tpu.memory_space<vmem>>) offsets(%dma_start3A_548 : memref<128xi32, #tpu.memory_space<vmem>>) semaphore(%arg19 : memref<!tpu.dma_semaphore, #tpu.memory_space<semaphore_mem>>)
        %dma_start3A_551 = arith.constant 1024 : i32
        %dma_start3A_552 = tpu.memref_slice %arg16[%dma_start3A_551] : memref<2048xi32, #tpu.memory_space<vmem>> -> memref<128xi32, #tpu.memory_space<vmem>>
        %dma_start3A_553 = arith.constant 1024 : i32
        %dma_start3A_554 = tpu.memref_slice %arg15[%dma_start3A_553] : memref<2048xi32, #tpu.memory_space<vmem>> -> memref<128xi32, #tpu.memory_space<vmem>>
        %dma_start3A_555 = arith.constant 0 : i32
        %dma_start3A_556 = tpu.memref_slice %arg2[%dma_start3A_555] : memref<4000000xi32, #tpu.memory_space<hbm>> -> memref<4000000xi32, #tpu.memory_space<hbm>>
        tpu.enqueue_indirect_dma source(%dma_start3A_556 : memref<4000000xi32, #tpu.memory_space<hbm>>) target(%dma_start3A_552 : memref<128xi32, #tpu.memory_space<vmem>>) offsets(%dma_start3A_554 : memref<128xi32, #tpu.memory_space<vmem>>) semaphore(%arg19 : memref<!tpu.dma_semaphore, #tpu.memory_space<semaphore_mem>>)
        %dma_start3A_557 = arith.constant 1024 : i32
        %dma_start3A_558 = tpu.memref_slice %arg17[%dma_start3A_557] : memref<2048xi32, #tpu.memory_space<vmem>> -> memref<128xi32, #tpu.memory_space<vmem>>
        %dma_start3A_559 = arith.constant 1024 : i32
        %dma_start3A_560 = tpu.memref_slice %arg15[%dma_start3A_559] : memref<2048xi32, #tpu.memory_space<vmem>> -> memref<128xi32, #tpu.memory_space<vmem>>
        %dma_start3A_561 = arith.constant 0 : i32
        %dma_start3A_562 = tpu.memref_slice %arg3[%dma_start3A_561] : memref<4000000xi32, #tpu.memory_space<hbm>> -> memref<4000000xi32, #tpu.memory_space<hbm>>
        tpu.enqueue_indirect_dma source(%dma_start3A_562 : memref<4000000xi32, #tpu.memory_space<hbm>>) target(%dma_start3A_558 : memref<128xi32, #tpu.memory_space<vmem>>) offsets(%dma_start3A_560 : memref<128xi32, #tpu.memory_space<vmem>>) semaphore(%arg19 : memref<!tpu.dma_semaphore, #tpu.memory_space<semaphore_mem>>)
        %dma_start3A_563 = arith.constant 1152 : i32
        %dma_start3A_564 = tpu.memref_slice %arg16[%dma_start3A_563] : memref<2048xi32, #tpu.memory_space<vmem>> -> memref<128xi32, #tpu.memory_space<vmem>>
        %dma_start3A_565 = arith.constant 1152 : i32
        %dma_start3A_566 = tpu.memref_slice %arg15[%dma_start3A_565] : memref<2048xi32, #tpu.memory_space<vmem>> -> memref<128xi32, #tpu.memory_space<vmem>>
        %dma_start3A_567 = arith.constant 0 : i32
        %dma_start3A_568 = tpu.memref_slice %arg2[%dma_start3A_567] : memref<4000000xi32, #tpu.memory_space<hbm>> -> memref<4000000xi32, #tpu.memory_space<hbm>>
        tpu.enqueue_indirect_dma source(%dma_start3A_568 : memref<4000000xi32, #tpu.memory_space<hbm>>) target(%dma_start3A_564 : memref<128xi32, #tpu.memory_space<vmem>>) offsets(%dma_start3A_566 : memref<128xi32, #tpu.memory_space<vmem>>) semaphore(%arg19 : memref<!tpu.dma_semaphore, #tpu.memory_space<semaphore_mem>>)
        %dma_start3A_569 = arith.constant 1152 : i32
        %dma_start3A_570 = tpu.memref_slice %arg17[%dma_start3A_569] : memref<2048xi32, #tpu.memory_space<vmem>> -> memref<128xi32, #tpu.memory_space<vmem>>
        %dma_start3A_571 = arith.constant 1152 : i32
        %dma_start3A_572 = tpu.memref_slice %arg15[%dma_start3A_571] : memref<2048xi32, #tpu.memory_space<vmem>> -> memref<128xi32, #tpu.memory_space<vmem>>
        %dma_start3A_573 = arith.constant 0 : i32
        %dma_start3A_574 = tpu.memref_slice %arg3[%dma_start3A_573] : memref<4000000xi32, #tpu.memory_space<hbm>> -> memref<4000000xi32, #tpu.memory_space<hbm>>
        tpu.enqueue_indirect_dma source(%dma_start3A_574 : memref<4000000xi32, #tpu.memory_space<hbm>>) target(%dma_start3A_570 : memref<128xi32, #tpu.memory_space<vmem>>) offsets(%dma_start3A_572 : memref<128xi32, #tpu.memory_space<vmem>>) semaphore(%arg19 : memref<!tpu.dma_semaphore, #tpu.memory_space<semaphore_mem>>)
        %dma_start3A_575 = arith.constant 1280 : i32
        %dma_start3A_576 = tpu.memref_slice %arg16[%dma_start3A_575] : memref<2048xi32, #tpu.memory_space<vmem>> -> memref<128xi32, #tpu.memory_space<vmem>>
        %dma_start3A_577 = arith.constant 1280 : i32
        %dma_start3A_578 = tpu.memref_slice %arg15[%dma_start3A_577] : memref<2048xi32, #tpu.memory_space<vmem>> -> memref<128xi32, #tpu.memory_space<vmem>>
        %dma_start3A_579 = arith.constant 0 : i32
        %dma_start3A_580 = tpu.memref_slice %arg2[%dma_start3A_579] : memref<4000000xi32, #tpu.memory_space<hbm>> -> memref<4000000xi32, #tpu.memory_space<hbm>>
        tpu.enqueue_indirect_dma source(%dma_start3A_580 : memref<4000000xi32, #tpu.memory_space<hbm>>) target(%dma_start3A_576 : memref<128xi32, #tpu.memory_space<vmem>>) offsets(%dma_start3A_578 : memref<128xi32, #tpu.memory_space<vmem>>) semaphore(%arg19 : memref<!tpu.dma_semaphore, #tpu.memory_space<semaphore_mem>>)
        %dma_start3A_581 = arith.constant 1280 : i32
        %dma_start3A_582 = tpu.memref_slice %arg17[%dma_start3A_581] : memref<2048xi32, #tpu.memory_space<vmem>> -> memref<128xi32, #tpu.memory_space<vmem>>
        %dma_start3A_583 = arith.constant 1280 : i32
        %dma_start3A_584 = tpu.memref_slice %arg15[%dma_start3A_583] : memref<2048xi32, #tpu.memory_space<vmem>> -> memref<128xi32, #tpu.memory_space<vmem>>
        %dma_start3A_585 = arith.constant 0 : i32
        %dma_start3A_586 = tpu.memref_slice %arg3[%dma_start3A_585] : memref<4000000xi32, #tpu.memory_space<hbm>> -> memref<4000000xi32, #tpu.memory_space<hbm>>
        tpu.enqueue_indirect_dma source(%dma_start3A_586 : memref<4000000xi32, #tpu.memory_space<hbm>>) target(%dma_start3A_582 : memref<128xi32, #tpu.memory_space<vmem>>) offsets(%dma_start3A_584 : memref<128xi32, #tpu.memory_space<vmem>>) semaphore(%arg19 : memref<!tpu.dma_semaphore, #tpu.memory_space<semaphore_mem>>)
        %dma_start3A_587 = arith.constant 1408 : i32
        %dma_start3A_588 = tpu.memref_slice %arg16[%dma_start3A_587] : memref<2048xi32, #tpu.memory_space<vmem>> -> memref<128xi32, #tpu.memory_space<vmem>>
        %dma_start3A_589 = arith.constant 1408 : i32
        %dma_start3A_590 = tpu.memref_slice %arg15[%dma_start3A_589] : memref<2048xi32, #tpu.memory_space<vmem>> -> memref<128xi32, #tpu.memory_space<vmem>>
        %dma_start3A_591 = arith.constant 0 : i32
        %dma_start3A_592 = tpu.memref_slice %arg2[%dma_start3A_591] : memref<4000000xi32, #tpu.memory_space<hbm>> -> memref<4000000xi32, #tpu.memory_space<hbm>>
        tpu.enqueue_indirect_dma source(%dma_start3A_592 : memref<4000000xi32, #tpu.memory_space<hbm>>) target(%dma_start3A_588 : memref<128xi32, #tpu.memory_space<vmem>>) offsets(%dma_start3A_590 : memref<128xi32, #tpu.memory_space<vmem>>) semaphore(%arg19 : memref<!tpu.dma_semaphore, #tpu.memory_space<semaphore_mem>>)
        %dma_start3A_593 = arith.constant 1408 : i32
        %dma_start3A_594 = tpu.memref_slice %arg17[%dma_start3A_593] : memref<2048xi32, #tpu.memory_space<vmem>> -> memref<128xi32, #tpu.memory_space<vmem>>
        %dma_start3A_595 = arith.constant 1408 : i32
        %dma_start3A_596 = tpu.memref_slice %arg15[%dma_start3A_595] : memref<2048xi32, #tpu.memory_space<vmem>> -> memref<128xi32, #tpu.memory_space<vmem>>
        %dma_start3A_597 = arith.constant 0 : i32
        %dma_start3A_598 = tpu.memref_slice %arg3[%dma_start3A_597] : memref<4000000xi32, #tpu.memory_space<hbm>> -> memref<4000000xi32, #tpu.memory_space<hbm>>
        tpu.enqueue_indirect_dma source(%dma_start3A_598 : memref<4000000xi32, #tpu.memory_space<hbm>>) target(%dma_start3A_594 : memref<128xi32, #tpu.memory_space<vmem>>) offsets(%dma_start3A_596 : memref<128xi32, #tpu.memory_space<vmem>>) semaphore(%arg19 : memref<!tpu.dma_semaphore, #tpu.memory_space<semaphore_mem>>)
        %dma_start3A_599 = arith.constant 1536 : i32
        %dma_start3A_600 = tpu.memref_slice %arg16[%dma_start3A_599] : memref<2048xi32, #tpu.memory_space<vmem>> -> memref<128xi32, #tpu.memory_space<vmem>>
        %dma_start3A_601 = arith.constant 1536 : i32
        %dma_start3A_602 = tpu.memref_slice %arg15[%dma_start3A_601] : memref<2048xi32, #tpu.memory_space<vmem>> -> memref<128xi32, #tpu.memory_space<vmem>>
        %dma_start3A_603 = arith.constant 0 : i32
        %dma_start3A_604 = tpu.memref_slice %arg2[%dma_start3A_603] : memref<4000000xi32, #tpu.memory_space<hbm>> -> memref<4000000xi32, #tpu.memory_space<hbm>>
        tpu.enqueue_indirect_dma source(%dma_start3A_604 : memref<4000000xi32, #tpu.memory_space<hbm>>) target(%dma_start3A_600 : memref<128xi32, #tpu.memory_space<vmem>>) offsets(%dma_start3A_602 : memref<128xi32, #tpu.memory_space<vmem>>) semaphore(%arg19 : memref<!tpu.dma_semaphore, #tpu.memory_space<semaphore_mem>>)
        %dma_start3A_605 = arith.constant 1536 : i32
        %dma_start3A_606 = tpu.memref_slice %arg17[%dma_start3A_605] : memref<2048xi32, #tpu.memory_space<vmem>> -> memref<128xi32, #tpu.memory_space<vmem>>
        %dma_start3A_607 = arith.constant 1536 : i32
        %dma_start3A_608 = tpu.memref_slice %arg15[%dma_start3A_607] : memref<2048xi32, #tpu.memory_space<vmem>> -> memref<128xi32, #tpu.memory_space<vmem>>
        %dma_start3A_609 = arith.constant 0 : i32
        %dma_start3A_610 = tpu.memref_slice %arg3[%dma_start3A_609] : memref<4000000xi32, #tpu.memory_space<hbm>> -> memref<4000000xi32, #tpu.memory_space<hbm>>
        tpu.enqueue_indirect_dma source(%dma_start3A_610 : memref<4000000xi32, #tpu.memory_space<hbm>>) target(%dma_start3A_606 : memref<128xi32, #tpu.memory_space<vmem>>) offsets(%dma_start3A_608 : memref<128xi32, #tpu.memory_space<vmem>>) semaphore(%arg19 : memref<!tpu.dma_semaphore, #tpu.memory_space<semaphore_mem>>)
        %dma_start3A_611 = arith.constant 1664 : i32
        %dma_start3A_612 = tpu.memref_slice %arg16[%dma_start3A_611] : memref<2048xi32, #tpu.memory_space<vmem>> -> memref<128xi32, #tpu.memory_space<vmem>>
        %dma_start3A_613 = arith.constant 1664 : i32
        %dma_start3A_614 = tpu.memref_slice %arg15[%dma_start3A_613] : memref<2048xi32, #tpu.memory_space<vmem>> -> memref<128xi32, #tpu.memory_space<vmem>>
        %dma_start3A_615 = arith.constant 0 : i32
        %dma_start3A_616 = tpu.memref_slice %arg2[%dma_start3A_615] : memref<4000000xi32, #tpu.memory_space<hbm>> -> memref<4000000xi32, #tpu.memory_space<hbm>>
        tpu.enqueue_indirect_dma source(%dma_start3A_616 : memref<4000000xi32, #tpu.memory_space<hbm>>) target(%dma_start3A_612 : memref<128xi32, #tpu.memory_space<vmem>>) offsets(%dma_start3A_614 : memref<128xi32, #tpu.memory_space<vmem>>) semaphore(%arg19 : memref<!tpu.dma_semaphore, #tpu.memory_space<semaphore_mem>>)
        %dma_start3A_617 = arith.constant 1664 : i32
        %dma_start3A_618 = tpu.memref_slice %arg17[%dma_start3A_617] : memref<2048xi32, #tpu.memory_space<vmem>> -> memref<128xi32, #tpu.memory_space<vmem>>
        %dma_start3A_619 = arith.constant 1664 : i32
        %dma_start3A_620 = tpu.memref_slice %arg15[%dma_start3A_619] : memref<2048xi32, #tpu.memory_space<vmem>> -> memref<128xi32, #tpu.memory_space<vmem>>
        %dma_start3A_621 = arith.constant 0 : i32
        %dma_start3A_622 = tpu.memref_slice %arg3[%dma_start3A_621] : memref<4000000xi32, #tpu.memory_space<hbm>> -> memref<4000000xi32, #tpu.memory_space<hbm>>
        tpu.enqueue_indirect_dma source(%dma_start3A_622 : memref<4000000xi32, #tpu.memory_space<hbm>>) target(%dma_start3A_618 : memref<128xi32, #tpu.memory_space<vmem>>) offsets(%dma_start3A_620 : memref<128xi32, #tpu.memory_space<vmem>>) semaphore(%arg19 : memref<!tpu.dma_semaphore, #tpu.memory_space<semaphore_mem>>)
        %dma_start3A_623 = arith.constant 1792 : i32
        %dma_start3A_624 = tpu.memref_slice %arg16[%dma_start3A_623] : memref<2048xi32, #tpu.memory_space<vmem>> -> memref<128xi32, #tpu.memory_space<vmem>>
        %dma_start3A_625 = arith.constant 1792 : i32
        %dma_start3A_626 = tpu.memref_slice %arg15[%dma_start3A_625] : memref<2048xi32, #tpu.memory_space<vmem>> -> memref<128xi32, #tpu.memory_space<vmem>>
        %dma_start3A_627 = arith.constant 0 : i32
        %dma_start3A_628 = tpu.memref_slice %arg2[%dma_start3A_627] : memref<4000000xi32, #tpu.memory_space<hbm>> -> memref<4000000xi32, #tpu.memory_space<hbm>>
        tpu.enqueue_indirect_dma source(%dma_start3A_628 : memref<4000000xi32, #tpu.memory_space<hbm>>) target(%dma_start3A_624 : memref<128xi32, #tpu.memory_space<vmem>>) offsets(%dma_start3A_626 : memref<128xi32, #tpu.memory_space<vmem>>) semaphore(%arg19 : memref<!tpu.dma_semaphore, #tpu.memory_space<semaphore_mem>>)
        %dma_start3A_629 = arith.constant 1792 : i32
        %dma_start3A_630 = tpu.memref_slice %arg17[%dma_start3A_629] : memref<2048xi32, #tpu.memory_space<vmem>> -> memref<128xi32, #tpu.memory_space<vmem>>
        %dma_start3A_631 = arith.constant 1792 : i32
        %dma_start3A_632 = tpu.memref_slice %arg15[%dma_start3A_631] : memref<2048xi32, #tpu.memory_space<vmem>> -> memref<128xi32, #tpu.memory_space<vmem>>
        %dma_start3A_633 = arith.constant 0 : i32
        %dma_start3A_634 = tpu.memref_slice %arg3[%dma_start3A_633] : memref<4000000xi32, #tpu.memory_space<hbm>> -> memref<4000000xi32, #tpu.memory_space<hbm>>
        tpu.enqueue_indirect_dma source(%dma_start3A_634 : memref<4000000xi32, #tpu.memory_space<hbm>>) target(%dma_start3A_630 : memref<128xi32, #tpu.memory_space<vmem>>) offsets(%dma_start3A_632 : memref<128xi32, #tpu.memory_space<vmem>>) semaphore(%arg19 : memref<!tpu.dma_semaphore, #tpu.memory_space<semaphore_mem>>)
        %dma_start3A_635 = arith.constant 1920 : i32
        %dma_start3A_636 = tpu.memref_slice %arg16[%dma_start3A_635] : memref<2048xi32, #tpu.memory_space<vmem>> -> memref<128xi32, #tpu.memory_space<vmem>>
        %dma_start3A_637 = arith.constant 1920 : i32
        %dma_start3A_638 = tpu.memref_slice %arg15[%dma_start3A_637] : memref<2048xi32, #tpu.memory_space<vmem>> -> memref<128xi32, #tpu.memory_space<vmem>>
        %dma_start3A_639 = arith.constant 0 : i32
        %dma_start3A_640 = tpu.memref_slice %arg2[%dma_start3A_639] : memref<4000000xi32, #tpu.memory_space<hbm>> -> memref<4000000xi32, #tpu.memory_space<hbm>>
        tpu.enqueue_indirect_dma source(%dma_start3A_640 : memref<4000000xi32, #tpu.memory_space<hbm>>) target(%dma_start3A_636 : memref<128xi32, #tpu.memory_space<vmem>>) offsets(%dma_start3A_638 : memref<128xi32, #tpu.memory_space<vmem>>) semaphore(%arg19 : memref<!tpu.dma_semaphore, #tpu.memory_space<semaphore_mem>>)
        %dma_start3A_641 = arith.constant 1920 : i32
        %dma_start3A_642 = tpu.memref_slice %arg17[%dma_start3A_641] : memref<2048xi32, #tpu.memory_space<vmem>> -> memref<128xi32, #tpu.memory_space<vmem>>
        %dma_start3A_643 = arith.constant 1920 : i32
        %dma_start3A_644 = tpu.memref_slice %arg15[%dma_start3A_643] : memref<2048xi32, #tpu.memory_space<vmem>> -> memref<128xi32, #tpu.memory_space<vmem>>
        %dma_start3A_645 = arith.constant 0 : i32
        %dma_start3A_646 = tpu.memref_slice %arg3[%dma_start3A_645] : memref<4000000xi32, #tpu.memory_space<hbm>> -> memref<4000000xi32, #tpu.memory_space<hbm>>
        tpu.enqueue_indirect_dma source(%dma_start3A_646 : memref<4000000xi32, #tpu.memory_space<hbm>>) target(%dma_start3A_642 : memref<128xi32, #tpu.memory_space<vmem>>) offsets(%dma_start3A_644 : memref<128xi32, #tpu.memory_space<vmem>>) semaphore(%arg19 : memref<!tpu.dma_semaphore, #tpu.memory_space<semaphore_mem>>)
        %dma_wait3A_647 = arith.constant 0 : i32
        %dma_wait3A_648 = tpu.memref_slice %arg16[%dma_wait3A_647] : memref<2048xi32, #tpu.memory_space<vmem>> -> memref<128xi32, #tpu.memory_space<vmem>>
        %dma_wait3A_649 = arith.constant 0 : i32
        %dma_wait3A_650 = tpu.memref_slice %arg15[%dma_wait3A_649] : memref<2048xi32, #tpu.memory_space<vmem>> -> memref<128xi32, #tpu.memory_space<vmem>>
        %dma_wait3A_651 = arith.constant 0 : i32
        %dma_wait3A_652 = tpu.memref_slice %arg2[%dma_wait3A_651] : memref<4000000xi32, #tpu.memory_space<hbm>> -> memref<4000000xi32, #tpu.memory_space<hbm>>
        tpu.wait_indirect_dma semaphore(%arg19 : memref<!tpu.dma_semaphore, #tpu.memory_space<semaphore_mem>>) src(%dma_wait3A_652 : memref<4000000xi32, #tpu.memory_space<hbm>>) dst(%dma_wait3A_648 : memref<128xi32, #tpu.memory_space<vmem>>)
        %dma_wait3A_653 = arith.constant 0 : i32
        %dma_wait3A_654 = tpu.memref_slice %arg17[%dma_wait3A_653] : memref<2048xi32, #tpu.memory_space<vmem>> -> memref<128xi32, #tpu.memory_space<vmem>>
        %dma_wait3A_655 = arith.constant 0 : i32
        %dma_wait3A_656 = tpu.memref_slice %arg15[%dma_wait3A_655] : memref<2048xi32, #tpu.memory_space<vmem>> -> memref<128xi32, #tpu.memory_space<vmem>>
        %dma_wait3A_657 = arith.constant 0 : i32
        %dma_wait3A_658 = tpu.memref_slice %arg3[%dma_wait3A_657] : memref<4000000xi32, #tpu.memory_space<hbm>> -> memref<4000000xi32, #tpu.memory_space<hbm>>
        tpu.wait_indirect_dma semaphore(%arg19 : memref<!tpu.dma_semaphore, #tpu.memory_space<semaphore_mem>>) src(%dma_wait3A_658 : memref<4000000xi32, #tpu.memory_space<hbm>>) dst(%dma_wait3A_654 : memref<128xi32, #tpu.memory_space<vmem>>)
        %dma_wait3A_659 = arith.constant 128 : i32
        %dma_wait3A_660 = tpu.memref_slice %arg16[%dma_wait3A_659] : memref<2048xi32, #tpu.memory_space<vmem>> -> memref<128xi32, #tpu.memory_space<vmem>>
        %dma_wait3A_661 = arith.constant 128 : i32
        %dma_wait3A_662 = tpu.memref_slice %arg15[%dma_wait3A_661] : memref<2048xi32, #tpu.memory_space<vmem>> -> memref<128xi32, #tpu.memory_space<vmem>>
        %dma_wait3A_663 = arith.constant 0 : i32
        %dma_wait3A_664 = tpu.memref_slice %arg2[%dma_wait3A_663] : memref<4000000xi32, #tpu.memory_space<hbm>> -> memref<4000000xi32, #tpu.memory_space<hbm>>
        tpu.wait_indirect_dma semaphore(%arg19 : memref<!tpu.dma_semaphore, #tpu.memory_space<semaphore_mem>>) src(%dma_wait3A_664 : memref<4000000xi32, #tpu.memory_space<hbm>>) dst(%dma_wait3A_660 : memref<128xi32, #tpu.memory_space<vmem>>)
        %dma_wait3A_665 = arith.constant 128 : i32
        %dma_wait3A_666 = tpu.memref_slice %arg17[%dma_wait3A_665] : memref<2048xi32, #tpu.memory_space<vmem>> -> memref<128xi32, #tpu.memory_space<vmem>>
        %dma_wait3A_667 = arith.constant 128 : i32
        %dma_wait3A_668 = tpu.memref_slice %arg15[%dma_wait3A_667] : memref<2048xi32, #tpu.memory_space<vmem>> -> memref<128xi32, #tpu.memory_space<vmem>>
        %dma_wait3A_669 = arith.constant 0 : i32
        %dma_wait3A_670 = tpu.memref_slice %arg3[%dma_wait3A_669] : memref<4000000xi32, #tpu.memory_space<hbm>> -> memref<4000000xi32, #tpu.memory_space<hbm>>
        tpu.wait_indirect_dma semaphore(%arg19 : memref<!tpu.dma_semaphore, #tpu.memory_space<semaphore_mem>>) src(%dma_wait3A_670 : memref<4000000xi32, #tpu.memory_space<hbm>>) dst(%dma_wait3A_666 : memref<128xi32, #tpu.memory_space<vmem>>)
        %dma_wait3A_671 = arith.constant 256 : i32
        %dma_wait3A_672 = tpu.memref_slice %arg16[%dma_wait3A_671] : memref<2048xi32, #tpu.memory_space<vmem>> -> memref<128xi32, #tpu.memory_space<vmem>>
        %dma_wait3A_673 = arith.constant 256 : i32
        %dma_wait3A_674 = tpu.memref_slice %arg15[%dma_wait3A_673] : memref<2048xi32, #tpu.memory_space<vmem>> -> memref<128xi32, #tpu.memory_space<vmem>>
        %dma_wait3A_675 = arith.constant 0 : i32
        %dma_wait3A_676 = tpu.memref_slice %arg2[%dma_wait3A_675] : memref<4000000xi32, #tpu.memory_space<hbm>> -> memref<4000000xi32, #tpu.memory_space<hbm>>
        tpu.wait_indirect_dma semaphore(%arg19 : memref<!tpu.dma_semaphore, #tpu.memory_space<semaphore_mem>>) src(%dma_wait3A_676 : memref<4000000xi32, #tpu.memory_space<hbm>>) dst(%dma_wait3A_672 : memref<128xi32, #tpu.memory_space<vmem>>)
        %dma_wait3A_677 = arith.constant 256 : i32
        %dma_wait3A_678 = tpu.memref_slice %arg17[%dma_wait3A_677] : memref<2048xi32, #tpu.memory_space<vmem>> -> memref<128xi32, #tpu.memory_space<vmem>>
        %dma_wait3A_679 = arith.constant 256 : i32
        %dma_wait3A_680 = tpu.memref_slice %arg15[%dma_wait3A_679] : memref<2048xi32, #tpu.memory_space<vmem>> -> memref<128xi32, #tpu.memory_space<vmem>>
        %dma_wait3A_681 = arith.constant 0 : i32
        %dma_wait3A_682 = tpu.memref_slice %arg3[%dma_wait3A_681] : memref<4000000xi32, #tpu.memory_space<hbm>> -> memref<4000000xi32, #tpu.memory_space<hbm>>
        tpu.wait_indirect_dma semaphore(%arg19 : memref<!tpu.dma_semaphore, #tpu.memory_space<semaphore_mem>>) src(%dma_wait3A_682 : memref<4000000xi32, #tpu.memory_space<hbm>>) dst(%dma_wait3A_678 : memref<128xi32, #tpu.memory_space<vmem>>)
        %dma_wait3A_683 = arith.constant 384 : i32
        %dma_wait3A_684 = tpu.memref_slice %arg16[%dma_wait3A_683] : memref<2048xi32, #tpu.memory_space<vmem>> -> memref<128xi32, #tpu.memory_space<vmem>>
        %dma_wait3A_685 = arith.constant 384 : i32
        %dma_wait3A_686 = tpu.memref_slice %arg15[%dma_wait3A_685] : memref<2048xi32, #tpu.memory_space<vmem>> -> memref<128xi32, #tpu.memory_space<vmem>>
        %dma_wait3A_687 = arith.constant 0 : i32
        %dma_wait3A_688 = tpu.memref_slice %arg2[%dma_wait3A_687] : memref<4000000xi32, #tpu.memory_space<hbm>> -> memref<4000000xi32, #tpu.memory_space<hbm>>
        tpu.wait_indirect_dma semaphore(%arg19 : memref<!tpu.dma_semaphore, #tpu.memory_space<semaphore_mem>>) src(%dma_wait3A_688 : memref<4000000xi32, #tpu.memory_space<hbm>>) dst(%dma_wait3A_684 : memref<128xi32, #tpu.memory_space<vmem>>)
        %dma_wait3A_689 = arith.constant 384 : i32
        %dma_wait3A_690 = tpu.memref_slice %arg17[%dma_wait3A_689] : memref<2048xi32, #tpu.memory_space<vmem>> -> memref<128xi32, #tpu.memory_space<vmem>>
        %dma_wait3A_691 = arith.constant 384 : i32
        %dma_wait3A_692 = tpu.memref_slice %arg15[%dma_wait3A_691] : memref<2048xi32, #tpu.memory_space<vmem>> -> memref<128xi32, #tpu.memory_space<vmem>>
        %dma_wait3A_693 = arith.constant 0 : i32
        %dma_wait3A_694 = tpu.memref_slice %arg3[%dma_wait3A_693] : memref<4000000xi32, #tpu.memory_space<hbm>> -> memref<4000000xi32, #tpu.memory_space<hbm>>
        tpu.wait_indirect_dma semaphore(%arg19 : memref<!tpu.dma_semaphore, #tpu.memory_space<semaphore_mem>>) src(%dma_wait3A_694 : memref<4000000xi32, #tpu.memory_space<hbm>>) dst(%dma_wait3A_690 : memref<128xi32, #tpu.memory_space<vmem>>)
        %dma_wait3A_695 = arith.constant 512 : i32
        %dma_wait3A_696 = tpu.memref_slice %arg16[%dma_wait3A_695] : memref<2048xi32, #tpu.memory_space<vmem>> -> memref<128xi32, #tpu.memory_space<vmem>>
        %dma_wait3A_697 = arith.constant 512 : i32
        %dma_wait3A_698 = tpu.memref_slice %arg15[%dma_wait3A_697] : memref<2048xi32, #tpu.memory_space<vmem>> -> memref<128xi32, #tpu.memory_space<vmem>>
        %dma_wait3A_699 = arith.constant 0 : i32
        %dma_wait3A_700 = tpu.memref_slice %arg2[%dma_wait3A_699] : memref<4000000xi32, #tpu.memory_space<hbm>> -> memref<4000000xi32, #tpu.memory_space<hbm>>
        tpu.wait_indirect_dma semaphore(%arg19 : memref<!tpu.dma_semaphore, #tpu.memory_space<semaphore_mem>>) src(%dma_wait3A_700 : memref<4000000xi32, #tpu.memory_space<hbm>>) dst(%dma_wait3A_696 : memref<128xi32, #tpu.memory_space<vmem>>)
        %dma_wait3A_701 = arith.constant 512 : i32
        %dma_wait3A_702 = tpu.memref_slice %arg17[%dma_wait3A_701] : memref<2048xi32, #tpu.memory_space<vmem>> -> memref<128xi32, #tpu.memory_space<vmem>>
        %dma_wait3A_703 = arith.constant 512 : i32
        %dma_wait3A_704 = tpu.memref_slice %arg15[%dma_wait3A_703] : memref<2048xi32, #tpu.memory_space<vmem>> -> memref<128xi32, #tpu.memory_space<vmem>>
        %dma_wait3A_705 = arith.constant 0 : i32
        %dma_wait3A_706 = tpu.memref_slice %arg3[%dma_wait3A_705] : memref<4000000xi32, #tpu.memory_space<hbm>> -> memref<4000000xi32, #tpu.memory_space<hbm>>
        tpu.wait_indirect_dma semaphore(%arg19 : memref<!tpu.dma_semaphore, #tpu.memory_space<semaphore_mem>>) src(%dma_wait3A_706 : memref<4000000xi32, #tpu.memory_space<hbm>>) dst(%dma_wait3A_702 : memref<128xi32, #tpu.memory_space<vmem>>)
        %dma_wait3A_707 = arith.constant 640 : i32
        %dma_wait3A_708 = tpu.memref_slice %arg16[%dma_wait3A_707] : memref<2048xi32, #tpu.memory_space<vmem>> -> memref<128xi32, #tpu.memory_space<vmem>>
        %dma_wait3A_709 = arith.constant 640 : i32
        %dma_wait3A_710 = tpu.memref_slice %arg15[%dma_wait3A_709] : memref<2048xi32, #tpu.memory_space<vmem>> -> memref<128xi32, #tpu.memory_space<vmem>>
        %dma_wait3A_711 = arith.constant 0 : i32
        %dma_wait3A_712 = tpu.memref_slice %arg2[%dma_wait3A_711] : memref<4000000xi32, #tpu.memory_space<hbm>> -> memref<4000000xi32, #tpu.memory_space<hbm>>
        tpu.wait_indirect_dma semaphore(%arg19 : memref<!tpu.dma_semaphore, #tpu.memory_space<semaphore_mem>>) src(%dma_wait3A_712 : memref<4000000xi32, #tpu.memory_space<hbm>>) dst(%dma_wait3A_708 : memref<128xi32, #tpu.memory_space<vmem>>)
        %dma_wait3A_713 = arith.constant 640 : i32
        %dma_wait3A_714 = tpu.memref_slice %arg17[%dma_wait3A_713] : memref<2048xi32, #tpu.memory_space<vmem>> -> memref<128xi32, #tpu.memory_space<vmem>>
        %dma_wait3A_715 = arith.constant 640 : i32
        %dma_wait3A_716 = tpu.memref_slice %arg15[%dma_wait3A_715] : memref<2048xi32, #tpu.memory_space<vmem>> -> memref<128xi32, #tpu.memory_space<vmem>>
        %dma_wait3A_717 = arith.constant 0 : i32
        %dma_wait3A_718 = tpu.memref_slice %arg3[%dma_wait3A_717] : memref<4000000xi32, #tpu.memory_space<hbm>> -> memref<4000000xi32, #tpu.memory_space<hbm>>
        tpu.wait_indirect_dma semaphore(%arg19 : memref<!tpu.dma_semaphore, #tpu.memory_space<semaphore_mem>>) src(%dma_wait3A_718 : memref<4000000xi32, #tpu.memory_space<hbm>>) dst(%dma_wait3A_714 : memref<128xi32, #tpu.memory_space<vmem>>)
        %dma_wait3A_719 = arith.constant 768 : i32
        %dma_wait3A_720 = tpu.memref_slice %arg16[%dma_wait3A_719] : memref<2048xi32, #tpu.memory_space<vmem>> -> memref<128xi32, #tpu.memory_space<vmem>>
        %dma_wait3A_721 = arith.constant 768 : i32
        %dma_wait3A_722 = tpu.memref_slice %arg15[%dma_wait3A_721] : memref<2048xi32, #tpu.memory_space<vmem>> -> memref<128xi32, #tpu.memory_space<vmem>>
        %dma_wait3A_723 = arith.constant 0 : i32
        %dma_wait3A_724 = tpu.memref_slice %arg2[%dma_wait3A_723] : memref<4000000xi32, #tpu.memory_space<hbm>> -> memref<4000000xi32, #tpu.memory_space<hbm>>
        tpu.wait_indirect_dma semaphore(%arg19 : memref<!tpu.dma_semaphore, #tpu.memory_space<semaphore_mem>>) src(%dma_wait3A_724 : memref<4000000xi32, #tpu.memory_space<hbm>>) dst(%dma_wait3A_720 : memref<128xi32, #tpu.memory_space<vmem>>)
        %dma_wait3A_725 = arith.constant 768 : i32
        %dma_wait3A_726 = tpu.memref_slice %arg17[%dma_wait3A_725] : memref<2048xi32, #tpu.memory_space<vmem>> -> memref<128xi32, #tpu.memory_space<vmem>>
        %dma_wait3A_727 = arith.constant 768 : i32
        %dma_wait3A_728 = tpu.memref_slice %arg15[%dma_wait3A_727] : memref<2048xi32, #tpu.memory_space<vmem>> -> memref<128xi32, #tpu.memory_space<vmem>>
        %dma_wait3A_729 = arith.constant 0 : i32
        %dma_wait3A_730 = tpu.memref_slice %arg3[%dma_wait3A_729] : memref<4000000xi32, #tpu.memory_space<hbm>> -> memref<4000000xi32, #tpu.memory_space<hbm>>
        tpu.wait_indirect_dma semaphore(%arg19 : memref<!tpu.dma_semaphore, #tpu.memory_space<semaphore_mem>>) src(%dma_wait3A_730 : memref<4000000xi32, #tpu.memory_space<hbm>>) dst(%dma_wait3A_726 : memref<128xi32, #tpu.memory_space<vmem>>)
        %dma_wait3A_731 = arith.constant 896 : i32
        %dma_wait3A_732 = tpu.memref_slice %arg16[%dma_wait3A_731] : memref<2048xi32, #tpu.memory_space<vmem>> -> memref<128xi32, #tpu.memory_space<vmem>>
        %dma_wait3A_733 = arith.constant 896 : i32
        %dma_wait3A_734 = tpu.memref_slice %arg15[%dma_wait3A_733] : memref<2048xi32, #tpu.memory_space<vmem>> -> memref<128xi32, #tpu.memory_space<vmem>>
        %dma_wait3A_735 = arith.constant 0 : i32
        %dma_wait3A_736 = tpu.memref_slice %arg2[%dma_wait3A_735] : memref<4000000xi32, #tpu.memory_space<hbm>> -> memref<4000000xi32, #tpu.memory_space<hbm>>
        tpu.wait_indirect_dma semaphore(%arg19 : memref<!tpu.dma_semaphore, #tpu.memory_space<semaphore_mem>>) src(%dma_wait3A_736 : memref<4000000xi32, #tpu.memory_space<hbm>>) dst(%dma_wait3A_732 : memref<128xi32, #tpu.memory_space<vmem>>)
        %dma_wait3A_737 = arith.constant 896 : i32
        %dma_wait3A_738 = tpu.memref_slice %arg17[%dma_wait3A_737] : memref<2048xi32, #tpu.memory_space<vmem>> -> memref<128xi32, #tpu.memory_space<vmem>>
        %dma_wait3A_739 = arith.constant 896 : i32
        %dma_wait3A_740 = tpu.memref_slice %arg15[%dma_wait3A_739] : memref<2048xi32, #tpu.memory_space<vmem>> -> memref<128xi32, #tpu.memory_space<vmem>>
        %dma_wait3A_741 = arith.constant 0 : i32
        %dma_wait3A_742 = tpu.memref_slice %arg3[%dma_wait3A_741] : memref<4000000xi32, #tpu.memory_space<hbm>> -> memref<4000000xi32, #tpu.memory_space<hbm>>
        tpu.wait_indirect_dma semaphore(%arg19 : memref<!tpu.dma_semaphore, #tpu.memory_space<semaphore_mem>>) src(%dma_wait3A_742 : memref<4000000xi32, #tpu.memory_space<hbm>>) dst(%dma_wait3A_738 : memref<128xi32, #tpu.memory_space<vmem>>)
        %dma_wait3A_743 = arith.constant 1024 : i32
        %dma_wait3A_744 = tpu.memref_slice %arg16[%dma_wait3A_743] : memref<2048xi32, #tpu.memory_space<vmem>> -> memref<128xi32, #tpu.memory_space<vmem>>
        %dma_wait3A_745 = arith.constant 1024 : i32
        %dma_wait3A_746 = tpu.memref_slice %arg15[%dma_wait3A_745] : memref<2048xi32, #tpu.memory_space<vmem>> -> memref<128xi32, #tpu.memory_space<vmem>>
        %dma_wait3A_747 = arith.constant 0 : i32
        %dma_wait3A_748 = tpu.memref_slice %arg2[%dma_wait3A_747] : memref<4000000xi32, #tpu.memory_space<hbm>> -> memref<4000000xi32, #tpu.memory_space<hbm>>
        tpu.wait_indirect_dma semaphore(%arg19 : memref<!tpu.dma_semaphore, #tpu.memory_space<semaphore_mem>>) src(%dma_wait3A_748 : memref<4000000xi32, #tpu.memory_space<hbm>>) dst(%dma_wait3A_744 : memref<128xi32, #tpu.memory_space<vmem>>)
        %dma_wait3A_749 = arith.constant 1024 : i32
        %dma_wait3A_750 = tpu.memref_slice %arg17[%dma_wait3A_749] : memref<2048xi32, #tpu.memory_space<vmem>> -> memref<128xi32, #tpu.memory_space<vmem>>
        %dma_wait3A_751 = arith.constant 1024 : i32
        %dma_wait3A_752 = tpu.memref_slice %arg15[%dma_wait3A_751] : memref<2048xi32, #tpu.memory_space<vmem>> -> memref<128xi32, #tpu.memory_space<vmem>>
        %dma_wait3A_753 = arith.constant 0 : i32
        %dma_wait3A_754 = tpu.memref_slice %arg3[%dma_wait3A_753] : memref<4000000xi32, #tpu.memory_space<hbm>> -> memref<4000000xi32, #tpu.memory_space<hbm>>
        tpu.wait_indirect_dma semaphore(%arg19 : memref<!tpu.dma_semaphore, #tpu.memory_space<semaphore_mem>>) src(%dma_wait3A_754 : memref<4000000xi32, #tpu.memory_space<hbm>>) dst(%dma_wait3A_750 : memref<128xi32, #tpu.memory_space<vmem>>)
        %dma_wait3A_755 = arith.constant 1152 : i32
        %dma_wait3A_756 = tpu.memref_slice %arg16[%dma_wait3A_755] : memref<2048xi32, #tpu.memory_space<vmem>> -> memref<128xi32, #tpu.memory_space<vmem>>
        %dma_wait3A_757 = arith.constant 1152 : i32
        %dma_wait3A_758 = tpu.memref_slice %arg15[%dma_wait3A_757] : memref<2048xi32, #tpu.memory_space<vmem>> -> memref<128xi32, #tpu.memory_space<vmem>>
        %dma_wait3A_759 = arith.constant 0 : i32
        %dma_wait3A_760 = tpu.memref_slice %arg2[%dma_wait3A_759] : memref<4000000xi32, #tpu.memory_space<hbm>> -> memref<4000000xi32, #tpu.memory_space<hbm>>
        tpu.wait_indirect_dma semaphore(%arg19 : memref<!tpu.dma_semaphore, #tpu.memory_space<semaphore_mem>>) src(%dma_wait3A_760 : memref<4000000xi32, #tpu.memory_space<hbm>>) dst(%dma_wait3A_756 : memref<128xi32, #tpu.memory_space<vmem>>)
        %dma_wait3A_761 = arith.constant 1152 : i32
        %dma_wait3A_762 = tpu.memref_slice %arg17[%dma_wait3A_761] : memref<2048xi32, #tpu.memory_space<vmem>> -> memref<128xi32, #tpu.memory_space<vmem>>
        %dma_wait3A_763 = arith.constant 1152 : i32
        %dma_wait3A_764 = tpu.memref_slice %arg15[%dma_wait3A_763] : memref<2048xi32, #tpu.memory_space<vmem>> -> memref<128xi32, #tpu.memory_space<vmem>>
        %dma_wait3A_765 = arith.constant 0 : i32
        %dma_wait3A_766 = tpu.memref_slice %arg3[%dma_wait3A_765] : memref<4000000xi32, #tpu.memory_space<hbm>> -> memref<4000000xi32, #tpu.memory_space<hbm>>
        tpu.wait_indirect_dma semaphore(%arg19 : memref<!tpu.dma_semaphore, #tpu.memory_space<semaphore_mem>>) src(%dma_wait3A_766 : memref<4000000xi32, #tpu.memory_space<hbm>>) dst(%dma_wait3A_762 : memref<128xi32, #tpu.memory_space<vmem>>)
        %dma_wait3A_767 = arith.constant 1280 : i32
        %dma_wait3A_768 = tpu.memref_slice %arg16[%dma_wait3A_767] : memref<2048xi32, #tpu.memory_space<vmem>> -> memref<128xi32, #tpu.memory_space<vmem>>
        %dma_wait3A_769 = arith.constant 1280 : i32
        %dma_wait3A_770 = tpu.memref_slice %arg15[%dma_wait3A_769] : memref<2048xi32, #tpu.memory_space<vmem>> -> memref<128xi32, #tpu.memory_space<vmem>>
        %dma_wait3A_771 = arith.constant 0 : i32
        %dma_wait3A_772 = tpu.memref_slice %arg2[%dma_wait3A_771] : memref<4000000xi32, #tpu.memory_space<hbm>> -> memref<4000000xi32, #tpu.memory_space<hbm>>
        tpu.wait_indirect_dma semaphore(%arg19 : memref<!tpu.dma_semaphore, #tpu.memory_space<semaphore_mem>>) src(%dma_wait3A_772 : memref<4000000xi32, #tpu.memory_space<hbm>>) dst(%dma_wait3A_768 : memref<128xi32, #tpu.memory_space<vmem>>)
        %dma_wait3A_773 = arith.constant 1280 : i32
        %dma_wait3A_774 = tpu.memref_slice %arg17[%dma_wait3A_773] : memref<2048xi32, #tpu.memory_space<vmem>> -> memref<128xi32, #tpu.memory_space<vmem>>
        %dma_wait3A_775 = arith.constant 1280 : i32
        %dma_wait3A_776 = tpu.memref_slice %arg15[%dma_wait3A_775] : memref<2048xi32, #tpu.memory_space<vmem>> -> memref<128xi32, #tpu.memory_space<vmem>>
        %dma_wait3A_777 = arith.constant 0 : i32
        %dma_wait3A_778 = tpu.memref_slice %arg3[%dma_wait3A_777] : memref<4000000xi32, #tpu.memory_space<hbm>> -> memref<4000000xi32, #tpu.memory_space<hbm>>
        tpu.wait_indirect_dma semaphore(%arg19 : memref<!tpu.dma_semaphore, #tpu.memory_space<semaphore_mem>>) src(%dma_wait3A_778 : memref<4000000xi32, #tpu.memory_space<hbm>>) dst(%dma_wait3A_774 : memref<128xi32, #tpu.memory_space<vmem>>)
        %dma_wait3A_779 = arith.constant 1408 : i32
        %dma_wait3A_780 = tpu.memref_slice %arg16[%dma_wait3A_779] : memref<2048xi32, #tpu.memory_space<vmem>> -> memref<128xi32, #tpu.memory_space<vmem>>
        %dma_wait3A_781 = arith.constant 1408 : i32
        %dma_wait3A_782 = tpu.memref_slice %arg15[%dma_wait3A_781] : memref<2048xi32, #tpu.memory_space<vmem>> -> memref<128xi32, #tpu.memory_space<vmem>>
        %dma_wait3A_783 = arith.constant 0 : i32
        %dma_wait3A_784 = tpu.memref_slice %arg2[%dma_wait3A_783] : memref<4000000xi32, #tpu.memory_space<hbm>> -> memref<4000000xi32, #tpu.memory_space<hbm>>
        tpu.wait_indirect_dma semaphore(%arg19 : memref<!tpu.dma_semaphore, #tpu.memory_space<semaphore_mem>>) src(%dma_wait3A_784 : memref<4000000xi32, #tpu.memory_space<hbm>>) dst(%dma_wait3A_780 : memref<128xi32, #tpu.memory_space<vmem>>)
        %dma_wait3A_785 = arith.constant 1408 : i32
        %dma_wait3A_786 = tpu.memref_slice %arg17[%dma_wait3A_785] : memref<2048xi32, #tpu.memory_space<vmem>> -> memref<128xi32, #tpu.memory_space<vmem>>
        %dma_wait3A_787 = arith.constant 1408 : i32
        %dma_wait3A_788 = tpu.memref_slice %arg15[%dma_wait3A_787] : memref<2048xi32, #tpu.memory_space<vmem>> -> memref<128xi32, #tpu.memory_space<vmem>>
        %dma_wait3A_789 = arith.constant 0 : i32
        %dma_wait3A_790 = tpu.memref_slice %arg3[%dma_wait3A_789] : memref<4000000xi32, #tpu.memory_space<hbm>> -> memref<4000000xi32, #tpu.memory_space<hbm>>
        tpu.wait_indirect_dma semaphore(%arg19 : memref<!tpu.dma_semaphore, #tpu.memory_space<semaphore_mem>>) src(%dma_wait3A_790 : memref<4000000xi32, #tpu.memory_space<hbm>>) dst(%dma_wait3A_786 : memref<128xi32, #tpu.memory_space<vmem>>)
        %dma_wait3A_791 = arith.constant 1536 : i32
        %dma_wait3A_792 = tpu.memref_slice %arg16[%dma_wait3A_791] : memref<2048xi32, #tpu.memory_space<vmem>> -> memref<128xi32, #tpu.memory_space<vmem>>
        %dma_wait3A_793 = arith.constant 1536 : i32
        %dma_wait3A_794 = tpu.memref_slice %arg15[%dma_wait3A_793] : memref<2048xi32, #tpu.memory_space<vmem>> -> memref<128xi32, #tpu.memory_space<vmem>>
        %dma_wait3A_795 = arith.constant 0 : i32
        %dma_wait3A_796 = tpu.memref_slice %arg2[%dma_wait3A_795] : memref<4000000xi32, #tpu.memory_space<hbm>> -> memref<4000000xi32, #tpu.memory_space<hbm>>
        tpu.wait_indirect_dma semaphore(%arg19 : memref<!tpu.dma_semaphore, #tpu.memory_space<semaphore_mem>>) src(%dma_wait3A_796 : memref<4000000xi32, #tpu.memory_space<hbm>>) dst(%dma_wait3A_792 : memref<128xi32, #tpu.memory_space<vmem>>)
        %dma_wait3A_797 = arith.constant 1536 : i32
        %dma_wait3A_798 = tpu.memref_slice %arg17[%dma_wait3A_797] : memref<2048xi32, #tpu.memory_space<vmem>> -> memref<128xi32, #tpu.memory_space<vmem>>
        %dma_wait3A_799 = arith.constant 1536 : i32
        %dma_wait3A_800 = tpu.memref_slice %arg15[%dma_wait3A_799] : memref<2048xi32, #tpu.memory_space<vmem>> -> memref<128xi32, #tpu.memory_space<vmem>>
        %dma_wait3A_801 = arith.constant 0 : i32
        %dma_wait3A_802 = tpu.memref_slice %arg3[%dma_wait3A_801] : memref<4000000xi32, #tpu.memory_space<hbm>> -> memref<4000000xi32, #tpu.memory_space<hbm>>
        tpu.wait_indirect_dma semaphore(%arg19 : memref<!tpu.dma_semaphore, #tpu.memory_space<semaphore_mem>>) src(%dma_wait3A_802 : memref<4000000xi32, #tpu.memory_space<hbm>>) dst(%dma_wait3A_798 : memref<128xi32, #tpu.memory_space<vmem>>)
        %dma_wait3A_803 = arith.constant 1664 : i32
        %dma_wait3A_804 = tpu.memref_slice %arg16[%dma_wait3A_803] : memref<2048xi32, #tpu.memory_space<vmem>> -> memref<128xi32, #tpu.memory_space<vmem>>
        %dma_wait3A_805 = arith.constant 1664 : i32
        %dma_wait3A_806 = tpu.memref_slice %arg15[%dma_wait3A_805] : memref<2048xi32, #tpu.memory_space<vmem>> -> memref<128xi32, #tpu.memory_space<vmem>>
        %dma_wait3A_807 = arith.constant 0 : i32
        %dma_wait3A_808 = tpu.memref_slice %arg2[%dma_wait3A_807] : memref<4000000xi32, #tpu.memory_space<hbm>> -> memref<4000000xi32, #tpu.memory_space<hbm>>
        tpu.wait_indirect_dma semaphore(%arg19 : memref<!tpu.dma_semaphore, #tpu.memory_space<semaphore_mem>>) src(%dma_wait3A_808 : memref<4000000xi32, #tpu.memory_space<hbm>>) dst(%dma_wait3A_804 : memref<128xi32, #tpu.memory_space<vmem>>)
        %dma_wait3A_809 = arith.constant 1664 : i32
        %dma_wait3A_810 = tpu.memref_slice %arg17[%dma_wait3A_809] : memref<2048xi32, #tpu.memory_space<vmem>> -> memref<128xi32, #tpu.memory_space<vmem>>
        %dma_wait3A_811 = arith.constant 1664 : i32
        %dma_wait3A_812 = tpu.memref_slice %arg15[%dma_wait3A_811] : memref<2048xi32, #tpu.memory_space<vmem>> -> memref<128xi32, #tpu.memory_space<vmem>>
        %dma_wait3A_813 = arith.constant 0 : i32
        %dma_wait3A_814 = tpu.memref_slice %arg3[%dma_wait3A_813] : memref<4000000xi32, #tpu.memory_space<hbm>> -> memref<4000000xi32, #tpu.memory_space<hbm>>
        tpu.wait_indirect_dma semaphore(%arg19 : memref<!tpu.dma_semaphore, #tpu.memory_space<semaphore_mem>>) src(%dma_wait3A_814 : memref<4000000xi32, #tpu.memory_space<hbm>>) dst(%dma_wait3A_810 : memref<128xi32, #tpu.memory_space<vmem>>)
        %dma_wait3A_815 = arith.constant 1792 : i32
        %dma_wait3A_816 = tpu.memref_slice %arg16[%dma_wait3A_815] : memref<2048xi32, #tpu.memory_space<vmem>> -> memref<128xi32, #tpu.memory_space<vmem>>
        %dma_wait3A_817 = arith.constant 1792 : i32
        %dma_wait3A_818 = tpu.memref_slice %arg15[%dma_wait3A_817] : memref<2048xi32, #tpu.memory_space<vmem>> -> memref<128xi32, #tpu.memory_space<vmem>>
        %dma_wait3A_819 = arith.constant 0 : i32
        %dma_wait3A_820 = tpu.memref_slice %arg2[%dma_wait3A_819] : memref<4000000xi32, #tpu.memory_space<hbm>> -> memref<4000000xi32, #tpu.memory_space<hbm>>
        tpu.wait_indirect_dma semaphore(%arg19 : memref<!tpu.dma_semaphore, #tpu.memory_space<semaphore_mem>>) src(%dma_wait3A_820 : memref<4000000xi32, #tpu.memory_space<hbm>>) dst(%dma_wait3A_816 : memref<128xi32, #tpu.memory_space<vmem>>)
        %dma_wait3A_821 = arith.constant 1792 : i32
        %dma_wait3A_822 = tpu.memref_slice %arg17[%dma_wait3A_821] : memref<2048xi32, #tpu.memory_space<vmem>> -> memref<128xi32, #tpu.memory_space<vmem>>
        %dma_wait3A_823 = arith.constant 1792 : i32
        %dma_wait3A_824 = tpu.memref_slice %arg15[%dma_wait3A_823] : memref<2048xi32, #tpu.memory_space<vmem>> -> memref<128xi32, #tpu.memory_space<vmem>>
        %dma_wait3A_825 = arith.constant 0 : i32
        %dma_wait3A_826 = tpu.memref_slice %arg3[%dma_wait3A_825] : memref<4000000xi32, #tpu.memory_space<hbm>> -> memref<4000000xi32, #tpu.memory_space<hbm>>
        tpu.wait_indirect_dma semaphore(%arg19 : memref<!tpu.dma_semaphore, #tpu.memory_space<semaphore_mem>>) src(%dma_wait3A_826 : memref<4000000xi32, #tpu.memory_space<hbm>>) dst(%dma_wait3A_822 : memref<128xi32, #tpu.memory_space<vmem>>)
        %dma_wait3A_827 = arith.constant 1920 : i32
        %dma_wait3A_828 = tpu.memref_slice %arg16[%dma_wait3A_827] : memref<2048xi32, #tpu.memory_space<vmem>> -> memref<128xi32, #tpu.memory_space<vmem>>
        %dma_wait3A_829 = arith.constant 1920 : i32
        %dma_wait3A_830 = tpu.memref_slice %arg15[%dma_wait3A_829] : memref<2048xi32, #tpu.memory_space<vmem>> -> memref<128xi32, #tpu.memory_space<vmem>>
        %dma_wait3A_831 = arith.constant 0 : i32
        %dma_wait3A_832 = tpu.memref_slice %arg2[%dma_wait3A_831] : memref<4000000xi32, #tpu.memory_space<hbm>> -> memref<4000000xi32, #tpu.memory_space<hbm>>
        tpu.wait_indirect_dma semaphore(%arg19 : memref<!tpu.dma_semaphore, #tpu.memory_space<semaphore_mem>>) src(%dma_wait3A_832 : memref<4000000xi32, #tpu.memory_space<hbm>>) dst(%dma_wait3A_828 : memref<128xi32, #tpu.memory_space<vmem>>)
        %dma_wait3A_833 = arith.constant 1920 : i32
        %dma_wait3A_834 = tpu.memref_slice %arg17[%dma_wait3A_833] : memref<2048xi32, #tpu.memory_space<vmem>> -> memref<128xi32, #tpu.memory_space<vmem>>
        %dma_wait3A_835 = arith.constant 1920 : i32
        %dma_wait3A_836 = tpu.memref_slice %arg15[%dma_wait3A_835] : memref<2048xi32, #tpu.memory_space<vmem>> -> memref<128xi32, #tpu.memory_space<vmem>>
        %dma_wait3A_837 = arith.constant 0 : i32
        %dma_wait3A_838 = tpu.memref_slice %arg3[%dma_wait3A_837] : memref<4000000xi32, #tpu.memory_space<hbm>> -> memref<4000000xi32, #tpu.memory_space<hbm>>
        tpu.wait_indirect_dma semaphore(%arg19 : memref<!tpu.dma_semaphore, #tpu.memory_space<semaphore_mem>>) src(%dma_wait3A_838 : memref<4000000xi32, #tpu.memory_space<hbm>>) dst(%dma_wait3A_834 : memref<128xi32, #tpu.memory_space<vmem>>)
        %while3A_839 = arith.constant 0 : i32
        %while3A_840 = arith.constant 0 : i32
        %while3A_841 = arith.constant 128 : i32
        %while3A_842 = arith.subi %while3A_841, %while3A_840 : i32
        %while3A_843 = arith.addi %while3A_840, %while3A_842 : i32
        %while3A_844 = arith.constant 1 : i32
        %while3A_845 = arith.divsi %while3A_842, %while3A_844 : i32
        %while3A_846 = arith.muli %while3A_845, %while3A_844 : i32
        %while3A_847 = arith.addi %while3A_840, %while3A_846 : i32
        %while3A_848 = arith.constant 1 : i32
        scf.for %while3A_850 = %while3A_840 to %while3A_847 step %while3A_848  : i32 {
          %mul3A_851 = arith.constant 16 : i32
          %mul3A_852 = arith.muli %while3A_850, %mul3A_851 : i32
          %get3A = arith.index_cast %mul3A_852 : i32 to index
          %get3A_853 = tpu.vector_load %arg16[%get3A] {strides = array<i32>} : memref<2048xi32, #tpu.memory_space<vmem>>, vector<16xi32>,
          %get3A_854 = vector.shape_cast %get3A_853 : vector<16xi32> to vector<16xi32>
          %get3A_855 = arith.index_cast %mul3A_852 : i32 to index
          %get3A_856 = tpu.vector_load %arg17[%get3A_855] {strides = array<i32>} : memref<2048xi32, #tpu.memory_space<vmem>>, vector<16xi32>,
          %get3A_857 = vector.shape_cast %get3A_856 : vector<16xi32> to vector<16xi32>
          %get3A_858 = arith.index_cast %mul3A_852 : i32 to index
          %get3A_859 = tpu.vector_load %arg11[%get3A_858] {strides = array<i32>} : memref<2048xi32, #tpu.memory_space<vmem>>, vector<16xi32>,
          %get3A_860 = vector.shape_cast %get3A_859 : vector<16xi32> to vector<16xi32>
          %get3A_861 = arith.index_cast %mul3A_852 : i32 to index
          %get3A_862 = tpu.vector_load %arg12[%get3A_861] {strides = array<i32>} : memref<2048xi32, #tpu.memory_space<vmem>>, vector<16xi32>,
          %get3A_863 = vector.shape_cast %get3A_862 : vector<16xi32> to vector<16xi32>
          %lt3A = arith.cmpi slt, %get3A_854, %get3A_860 : vector<16xi32>
          %eq3A = arith.cmpi eq, %get3A_854, %get3A_860 : vector<16xi32>
          %le3A = arith.cmpi sle, %get3A_857, %get3A_863 : vector<16xi32>
          %and3A = arith.andi %eq3A, %le3A : vector<16xi1>
          %or3A = arith.ori %lt3A, %and3A : vector<16xi1>
          %get3A_864 = arith.index_cast %mul3A_852 : i32 to index
          %get3A_865 = tpu.vector_load %arg13[%get3A_864] {strides = array<i32>} : memref<2048xi32, #tpu.memory_space<vmem>>, vector<16xi32>,
          %get3A_866 = vector.shape_cast %get3A_865 : vector<16xi32> to vector<16xi32>
          %get3A_867 = arith.index_cast %mul3A_852 : i32 to index
          %get3A_868 = tpu.vector_load %arg14[%get3A_867] {strides = array<i32>} : memref<2048xi32, #tpu.memory_space<vmem>>, vector<16xi32>,
          %get3A_869 = vector.shape_cast %get3A_868 : vector<16xi32> to vector<16xi32>
          %add3A_870 = arith.addi %get3A_866, %get3A_869 : vector<16xi32>
          %shift_right_arithmetic3A = arith.constant 1 : i32
          %shift_right_arithmetic3A_871 = vector.broadcast %shift_right_arithmetic3A : i32 to vector<16xi32>
          %shift_right_arithmetic3A_872 = arith.shrsi %add3A_870, %shift_right_arithmetic3A_871 : vector<16xi32>
          %add3A_873 = arith.constant 1 : i32
          %add3A_874 = vector.broadcast %add3A_873 : i32 to vector<16xi32>
          %add3A_875 = arith.addi %shift_right_arithmetic3A_872, %add3A_874 : vector<16xi32>
          %get3A_876 = arith.index_cast %mul3A_852 : i32 to index
          %get3A_877 = tpu.vector_load %arg13[%get3A_876] {strides = array<i32>} : memref<2048xi32, #tpu.memory_space<vmem>>, vector<16xi32>,
          %get3A_878 = vector.shape_cast %get3A_877 : vector<16xi32> to vector<16xi32>
          %select_n3A = arith.select %or3A, %add3A_875, %get3A_878 : vector<16xi1>, vector<16xi32>
          %swap3A = arith.index_cast %mul3A_852 : i32 to index
          %swap3A_879 = tpu.vector_load %arg13[%swap3A] {strides = array<i32>} : memref<2048xi32, #tpu.memory_space<vmem>>, vector<16xi32>,
          %swap3A_880 = vector.shape_cast %swap3A_879 : vector<16xi32> to vector<16xi32>
          %swap3A_881 = vector.shape_cast %select_n3A : vector<16xi32> to vector<16xi32>
          tpu.vector_store %arg13[%swap3A], %swap3A_881 {strides = array<i32>} : memref<2048xi32, #tpu.memory_space<vmem>>, vector<16xi32>,
          %get3A_882 = arith.index_cast %mul3A_852 : i32 to index
          %get3A_883 = tpu.vector_load %arg14[%get3A_882] {strides = array<i32>} : memref<2048xi32, #tpu.memory_space<vmem>>, vector<16xi32>,
          %get3A_884 = vector.shape_cast %get3A_883 : vector<16xi32> to vector<16xi32>
          %select_n3A_885 = arith.select %or3A, %get3A_884, %shift_right_arithmetic3A_872 : vector<16xi1>, vector<16xi32>
          %swap3A_886 = arith.index_cast %mul3A_852 : i32 to index
          %swap3A_887 = tpu.vector_load %arg14[%swap3A_886] {strides = array<i32>} : memref<2048xi32, #tpu.memory_space<vmem>>, vector<16xi32>,
          %swap3A_888 = vector.shape_cast %swap3A_887 : vector<16xi32> to vector<16xi32>
          %swap3A_889 = vector.shape_cast %select_n3A_885 : vector<16xi32> to vector<16xi32>
          tpu.vector_store %arg14[%swap3A_886], %swap3A_889 {strides = array<i32>} : memref<2048xi32, #tpu.memory_space<vmem>>, vector<16xi32>,
        }
        %while3A_849 = arith.constant 1 : i32
        scf.for %while3A_850 = %while3A_847 to %while3A_843 step %while3A_849  : i32 {
          %mul3A_851 = arith.constant 16 : i32
          %mul3A_852 = arith.muli %while3A_850, %mul3A_851 : i32
          %get3A = arith.index_cast %mul3A_852 : i32 to index
          %get3A_853 = tpu.vector_load %arg16[%get3A] {strides = array<i32>} : memref<2048xi32, #tpu.memory_space<vmem>>, vector<16xi32>,
          %get3A_854 = vector.shape_cast %get3A_853 : vector<16xi32> to vector<16xi32>
          %get3A_855 = arith.index_cast %mul3A_852 : i32 to index
          %get3A_856 = tpu.vector_load %arg17[%get3A_855] {strides = array<i32>} : memref<2048xi32, #tpu.memory_space<vmem>>, vector<16xi32>,
          %get3A_857 = vector.shape_cast %get3A_856 : vector<16xi32> to vector<16xi32>
          %get3A_858 = arith.index_cast %mul3A_852 : i32 to index
          %get3A_859 = tpu.vector_load %arg11[%get3A_858] {strides = array<i32>} : memref<2048xi32, #tpu.memory_space<vmem>>, vector<16xi32>,
          %get3A_860 = vector.shape_cast %get3A_859 : vector<16xi32> to vector<16xi32>
          %get3A_861 = arith.index_cast %mul3A_852 : i32 to index
          %get3A_862 = tpu.vector_load %arg12[%get3A_861] {strides = array<i32>} : memref<2048xi32, #tpu.memory_space<vmem>>, vector<16xi32>,
          %get3A_863 = vector.shape_cast %get3A_862 : vector<16xi32> to vector<16xi32>
          %lt3A = arith.cmpi slt, %get3A_854, %get3A_860 : vector<16xi32>
          %eq3A = arith.cmpi eq, %get3A_854, %get3A_860 : vector<16xi32>
          %le3A = arith.cmpi sle, %get3A_857, %get3A_863 : vector<16xi32>
          %and3A = arith.andi %eq3A, %le3A : vector<16xi1>
          %or3A = arith.ori %lt3A, %and3A : vector<16xi1>
          %get3A_864 = arith.index_cast %mul3A_852 : i32 to index
          %get3A_865 = tpu.vector_load %arg13[%get3A_864] {strides = array<i32>} : memref<2048xi32, #tpu.memory_space<vmem>>, vector<16xi32>,
          %get3A_866 = vector.shape_cast %get3A_865 : vector<16xi32> to vector<16xi32>
          %get3A_867 = arith.index_cast %mul3A_852 : i32 to index
          %get3A_868 = tpu.vector_load %arg14[%get3A_867] {strides = array<i32>} : memref<2048xi32, #tpu.memory_space<vmem>>, vector<16xi32>,
          %get3A_869 = vector.shape_cast %get3A_868 : vector<16xi32> to vector<16xi32>
          %add3A_870 = arith.addi %get3A_866, %get3A_869 : vector<16xi32>
          %shift_right_arithmetic3A = arith.constant 1 : i32
          %shift_right_arithmetic3A_871 = vector.broadcast %shift_right_arithmetic3A : i32 to vector<16xi32>
          %shift_right_arithmetic3A_872 = arith.shrsi %add3A_870, %shift_right_arithmetic3A_871 : vector<16xi32>
          %add3A_873 = arith.constant 1 : i32
          %add3A_874 = vector.broadcast %add3A_873 : i32 to vector<16xi32>
          %add3A_875 = arith.addi %shift_right_arithmetic3A_872, %add3A_874 : vector<16xi32>
          %get3A_876 = arith.index_cast %mul3A_852 : i32 to index
          %get3A_877 = tpu.vector_load %arg13[%get3A_876] {strides = array<i32>} : memref<2048xi32, #tpu.memory_space<vmem>>, vector<16xi32>,
          %get3A_878 = vector.shape_cast %get3A_877 : vector<16xi32> to vector<16xi32>
          %select_n3A = arith.select %or3A, %add3A_875, %get3A_878 : vector<16xi1>, vector<16xi32>
          %swap3A = arith.index_cast %mul3A_852 : i32 to index
          %swap3A_879 = tpu.vector_load %arg13[%swap3A] {strides = array<i32>} : memref<2048xi32, #tpu.memory_space<vmem>>, vector<16xi32>,
          %swap3A_880 = vector.shape_cast %swap3A_879 : vector<16xi32> to vector<16xi32>
          %swap3A_881 = vector.shape_cast %select_n3A : vector<16xi32> to vector<16xi32>
          tpu.vector_store %arg13[%swap3A], %swap3A_881 {strides = array<i32>} : memref<2048xi32, #tpu.memory_space<vmem>>, vector<16xi32>,
          %get3A_882 = arith.index_cast %mul3A_852 : i32 to index
          %get3A_883 = tpu.vector_load %arg14[%get3A_882] {strides = array<i32>} : memref<2048xi32, #tpu.memory_space<vmem>>, vector<16xi32>,
          %get3A_884 = vector.shape_cast %get3A_883 : vector<16xi32> to vector<16xi32>
          %select_n3A_885 = arith.select %or3A, %get3A_884, %shift_right_arithmetic3A_872 : vector<16xi1>, vector<16xi32>
          %swap3A_886 = arith.index_cast %mul3A_852 : i32 to index
          %swap3A_887 = tpu.vector_load %arg14[%swap3A_886] {strides = array<i32>} : memref<2048xi32, #tpu.memory_space<vmem>>, vector<16xi32>,
          %swap3A_888 = vector.shape_cast %swap3A_887 : vector<16xi32> to vector<16xi32>
          %swap3A_889 = vector.shape_cast %select_n3A_885 : vector<16xi32> to vector<16xi32>
          tpu.vector_store %arg14[%swap3A_886], %swap3A_889 {strides = array<i32>} : memref<2048xi32, #tpu.memory_space<vmem>>, vector<16xi32>,
        }
      }
      %while3A_38 = arith.constant 1 : i32
      scf.for %while3A_443 = %while3A_36 to %while3A_32 step %while3A_38  : i32 {
        %while3A_444 = arith.constant 0 : i32
        %while3A_445 = arith.constant 0 : i32
        %while3A_446 = arith.constant 128 : i32
        %while3A_447 = arith.subi %while3A_446, %while3A_445 : i32
        %while3A_448 = arith.addi %while3A_445, %while3A_447 : i32
        %while3A_449 = arith.constant 1 : i32
        %while3A_450 = arith.divsi %while3A_447, %while3A_449 : i32
        %while3A_451 = arith.muli %while3A_450, %while3A_449 : i32
        %while3A_452 = arith.addi %while3A_445, %while3A_451 : i32
        %while3A_453 = arith.constant 1 : i32
        scf.for %while3A_850 = %while3A_445 to %while3A_452 step %while3A_453  : i32 {
          %mul3A_851 = arith.constant 16 : i32
          %mul3A_852 = arith.muli %while3A_850, %mul3A_851 : i32
          %get3A = arith.index_cast %mul3A_852 : i32 to index
          %get3A_853 = tpu.vector_load %arg13[%get3A] {strides = array<i32>} : memref<2048xi32, #tpu.memory_space<vmem>>, vector<16xi32>,
          %get3A_854 = vector.shape_cast %get3A_853 : vector<16xi32> to vector<16xi32>
          %get3A_855 = arith.index_cast %mul3A_852 : i32 to index
          %get3A_856 = tpu.vector_load %arg14[%get3A_855] {strides = array<i32>} : memref<2048xi32, #tpu.memory_space<vmem>>, vector<16xi32>,
          %get3A_857 = vector.shape_cast %get3A_856 : vector<16xi32> to vector<16xi32>
          %add3A_858 = arith.addi %get3A_854, %get3A_857 : vector<16xi32>
          %shift_right_arithmetic3A = arith.constant 1 : i32
          %shift_right_arithmetic3A_859 = vector.broadcast %shift_right_arithmetic3A : i32 to vector<16xi32>
          %shift_right_arithmetic3A_860 = arith.shrsi %add3A_858, %shift_right_arithmetic3A_859 : vector<16xi32>
          %swap3A = arith.index_cast %mul3A_852 : i32 to index
          %swap3A_861 = tpu.vector_load %arg15[%swap3A] {strides = array<i32>} : memref<2048xi32, #tpu.memory_space<vmem>>, vector<16xi32>,
          %swap3A_862 = vector.shape_cast %swap3A_861 : vector<16xi32> to vector<16xi32>
          %swap3A_863 = vector.shape_cast %shift_right_arithmetic3A_860 : vector<16xi32> to vector<16xi32>
          tpu.vector_store %arg15[%swap3A], %swap3A_863 {strides = array<i32>} : memref<2048xi32, #tpu.memory_space<vmem>>, vector<16xi32>,
        }
        %while3A_454 = arith.constant 1 : i32
        scf.for %while3A_850 = %while3A_452 to %while3A_448 step %while3A_454  : i32 {
          %mul3A_851 = arith.constant 16 : i32
          %mul3A_852 = arith.muli %while3A_850, %mul3A_851 : i32
          %get3A = arith.index_cast %mul3A_852 : i32 to index
          %get3A_853 = tpu.vector_load %arg13[%get3A] {strides = array<i32>} : memref<2048xi32, #tpu.memory_space<vmem>>, vector<16xi32>,
          %get3A_854 = vector.shape_cast %get3A_853 : vector<16xi32> to vector<16xi32>
          %get3A_855 = arith.index_cast %mul3A_852 : i32 to index
          %get3A_856 = tpu.vector_load %arg14[%get3A_855] {strides = array<i32>} : memref<2048xi32, #tpu.memory_space<vmem>>, vector<16xi32>,
          %get3A_857 = vector.shape_cast %get3A_856 : vector<16xi32> to vector<16xi32>
          %add3A_858 = arith.addi %get3A_854, %get3A_857 : vector<16xi32>
          %shift_right_arithmetic3A = arith.constant 1 : i32
          %shift_right_arithmetic3A_859 = vector.broadcast %shift_right_arithmetic3A : i32 to vector<16xi32>
          %shift_right_arithmetic3A_860 = arith.shrsi %add3A_858, %shift_right_arithmetic3A_859 : vector<16xi32>
          %swap3A = arith.index_cast %mul3A_852 : i32 to index
          %swap3A_861 = tpu.vector_load %arg15[%swap3A] {strides = array<i32>} : memref<2048xi32, #tpu.memory_space<vmem>>, vector<16xi32>,
          %swap3A_862 = vector.shape_cast %swap3A_861 : vector<16xi32> to vector<16xi32>
          %swap3A_863 = vector.shape_cast %shift_right_arithmetic3A_860 : vector<16xi32> to vector<16xi32>
          tpu.vector_store %arg15[%swap3A], %swap3A_863 {strides = array<i32>} : memref<2048xi32, #tpu.memory_space<vmem>>, vector<16xi32>,
        }
        %dma_start3A_455 = arith.constant 0 : i32
        %dma_start3A_456 = tpu.memref_slice %arg16[%dma_start3A_455] : memref<2048xi32, #tpu.memory_space<vmem>> -> memref<128xi32, #tpu.memory_space<vmem>>
        %dma_start3A_457 = arith.constant 0 : i32
        %dma_start3A_458 = tpu.memref_slice %arg15[%dma_start3A_457] : memref<2048xi32, #tpu.memory_space<vmem>> -> memref<128xi32, #tpu.memory_space<vmem>>
        %dma_start3A_459 = arith.constant 0 : i32
        %dma_start3A_460 = tpu.memref_slice %arg2[%dma_start3A_459] : memref<4000000xi32, #tpu.memory_space<hbm>> -> memref<4000000xi32, #tpu.memory_space<hbm>>
        tpu.enqueue_indirect_dma source(%dma_start3A_460 : memref<4000000xi32, #tpu.memory_space<hbm>>) target(%dma_start3A_456 : memref<128xi32, #tpu.memory_space<vmem>>) offsets(%dma_start3A_458 : memref<128xi32, #tpu.memory_space<vmem>>) semaphore(%arg19 : memref<!tpu.dma_semaphore, #tpu.memory_space<semaphore_mem>>)
        %dma_start3A_461 = arith.constant 0 : i32
        %dma_start3A_462 = tpu.memref_slice %arg17[%dma_start3A_461] : memref<2048xi32, #tpu.memory_space<vmem>> -> memref<128xi32, #tpu.memory_space<vmem>>
        %dma_start3A_463 = arith.constant 0 : i32
        %dma_start3A_464 = tpu.memref_slice %arg15[%dma_start3A_463] : memref<2048xi32, #tpu.memory_space<vmem>> -> memref<128xi32, #tpu.memory_space<vmem>>
        %dma_start3A_465 = arith.constant 0 : i32
        %dma_start3A_466 = tpu.memref_slice %arg3[%dma_start3A_465] : memref<4000000xi32, #tpu.memory_space<hbm>> -> memref<4000000xi32, #tpu.memory_space<hbm>>
        tpu.enqueue_indirect_dma source(%dma_start3A_466 : memref<4000000xi32, #tpu.memory_space<hbm>>) target(%dma_start3A_462 : memref<128xi32, #tpu.memory_space<vmem>>) offsets(%dma_start3A_464 : memref<128xi32, #tpu.memory_space<vmem>>) semaphore(%arg19 : memref<!tpu.dma_semaphore, #tpu.memory_space<semaphore_mem>>)
        %dma_start3A_467 = arith.constant 128 : i32
        %dma_start3A_468 = tpu.memref_slice %arg16[%dma_start3A_467] : memref<2048xi32, #tpu.memory_space<vmem>> -> memref<128xi32, #tpu.memory_space<vmem>>
        %dma_start3A_469 = arith.constant 128 : i32
        %dma_start3A_470 = tpu.memref_slice %arg15[%dma_start3A_469] : memref<2048xi32, #tpu.memory_space<vmem>> -> memref<128xi32, #tpu.memory_space<vmem>>
        %dma_start3A_471 = arith.constant 0 : i32
        %dma_start3A_472 = tpu.memref_slice %arg2[%dma_start3A_471] : memref<4000000xi32, #tpu.memory_space<hbm>> -> memref<4000000xi32, #tpu.memory_space<hbm>>
        tpu.enqueue_indirect_dma source(%dma_start3A_472 : memref<4000000xi32, #tpu.memory_space<hbm>>) target(%dma_start3A_468 : memref<128xi32, #tpu.memory_space<vmem>>) offsets(%dma_start3A_470 : memref<128xi32, #tpu.memory_space<vmem>>) semaphore(%arg19 : memref<!tpu.dma_semaphore, #tpu.memory_space<semaphore_mem>>)
        %dma_start3A_473 = arith.constant 128 : i32
        %dma_start3A_474 = tpu.memref_slice %arg17[%dma_start3A_473] : memref<2048xi32, #tpu.memory_space<vmem>> -> memref<128xi32, #tpu.memory_space<vmem>>
        %dma_start3A_475 = arith.constant 128 : i32
        %dma_start3A_476 = tpu.memref_slice %arg15[%dma_start3A_475] : memref<2048xi32, #tpu.memory_space<vmem>> -> memref<128xi32, #tpu.memory_space<vmem>>
        %dma_start3A_477 = arith.constant 0 : i32
        %dma_start3A_478 = tpu.memref_slice %arg3[%dma_start3A_477] : memref<4000000xi32, #tpu.memory_space<hbm>> -> memref<4000000xi32, #tpu.memory_space<hbm>>
        tpu.enqueue_indirect_dma source(%dma_start3A_478 : memref<4000000xi32, #tpu.memory_space<hbm>>) target(%dma_start3A_474 : memref<128xi32, #tpu.memory_space<vmem>>) offsets(%dma_start3A_476 : memref<128xi32, #tpu.memory_space<vmem>>) semaphore(%arg19 : memref<!tpu.dma_semaphore, #tpu.memory_space<semaphore_mem>>)
        %dma_start3A_479 = arith.constant 256 : i32
        %dma_start3A_480 = tpu.memref_slice %arg16[%dma_start3A_479] : memref<2048xi32, #tpu.memory_space<vmem>> -> memref<128xi32, #tpu.memory_space<vmem>>
        %dma_start3A_481 = arith.constant 256 : i32
        %dma_start3A_482 = tpu.memref_slice %arg15[%dma_start3A_481] : memref<2048xi32, #tpu.memory_space<vmem>> -> memref<128xi32, #tpu.memory_space<vmem>>
        %dma_start3A_483 = arith.constant 0 : i32
        %dma_start3A_484 = tpu.memref_slice %arg2[%dma_start3A_483] : memref<4000000xi32, #tpu.memory_space<hbm>> -> memref<4000000xi32, #tpu.memory_space<hbm>>
        tpu.enqueue_indirect_dma source(%dma_start3A_484 : memref<4000000xi32, #tpu.memory_space<hbm>>) target(%dma_start3A_480 : memref<128xi32, #tpu.memory_space<vmem>>) offsets(%dma_start3A_482 : memref<128xi32, #tpu.memory_space<vmem>>) semaphore(%arg19 : memref<!tpu.dma_semaphore, #tpu.memory_space<semaphore_mem>>)
        %dma_start3A_485 = arith.constant 256 : i32
        %dma_start3A_486 = tpu.memref_slice %arg17[%dma_start3A_485] : memref<2048xi32, #tpu.memory_space<vmem>> -> memref<128xi32, #tpu.memory_space<vmem>>
        %dma_start3A_487 = arith.constant 256 : i32
        %dma_start3A_488 = tpu.memref_slice %arg15[%dma_start3A_487] : memref<2048xi32, #tpu.memory_space<vmem>> -> memref<128xi32, #tpu.memory_space<vmem>>
        %dma_start3A_489 = arith.constant 0 : i32
        %dma_start3A_490 = tpu.memref_slice %arg3[%dma_start3A_489] : memref<4000000xi32, #tpu.memory_space<hbm>> -> memref<4000000xi32, #tpu.memory_space<hbm>>
        tpu.enqueue_indirect_dma source(%dma_start3A_490 : memref<4000000xi32, #tpu.memory_space<hbm>>) target(%dma_start3A_486 : memref<128xi32, #tpu.memory_space<vmem>>) offsets(%dma_start3A_488 : memref<128xi32, #tpu.memory_space<vmem>>) semaphore(%arg19 : memref<!tpu.dma_semaphore, #tpu.memory_space<semaphore_mem>>)
        %dma_start3A_491 = arith.constant 384 : i32
        %dma_start3A_492 = tpu.memref_slice %arg16[%dma_start3A_491] : memref<2048xi32, #tpu.memory_space<vmem>> -> memref<128xi32, #tpu.memory_space<vmem>>
        %dma_start3A_493 = arith.constant 384 : i32
        %dma_start3A_494 = tpu.memref_slice %arg15[%dma_start3A_493] : memref<2048xi32, #tpu.memory_space<vmem>> -> memref<128xi32, #tpu.memory_space<vmem>>
        %dma_start3A_495 = arith.constant 0 : i32
        %dma_start3A_496 = tpu.memref_slice %arg2[%dma_start3A_495] : memref<4000000xi32, #tpu.memory_space<hbm>> -> memref<4000000xi32, #tpu.memory_space<hbm>>
        tpu.enqueue_indirect_dma source(%dma_start3A_496 : memref<4000000xi32, #tpu.memory_space<hbm>>) target(%dma_start3A_492 : memref<128xi32, #tpu.memory_space<vmem>>) offsets(%dma_start3A_494 : memref<128xi32, #tpu.memory_space<vmem>>) semaphore(%arg19 : memref<!tpu.dma_semaphore, #tpu.memory_space<semaphore_mem>>)
        %dma_start3A_497 = arith.constant 384 : i32
        %dma_start3A_498 = tpu.memref_slice %arg17[%dma_start3A_497] : memref<2048xi32, #tpu.memory_space<vmem>> -> memref<128xi32, #tpu.memory_space<vmem>>
        %dma_start3A_499 = arith.constant 384 : i32
        %dma_start3A_500 = tpu.memref_slice %arg15[%dma_start3A_499] : memref<2048xi32, #tpu.memory_space<vmem>> -> memref<128xi32, #tpu.memory_space<vmem>>
        %dma_start3A_501 = arith.constant 0 : i32
        %dma_start3A_502 = tpu.memref_slice %arg3[%dma_start3A_501] : memref<4000000xi32, #tpu.memory_space<hbm>> -> memref<4000000xi32, #tpu.memory_space<hbm>>
        tpu.enqueue_indirect_dma source(%dma_start3A_502 : memref<4000000xi32, #tpu.memory_space<hbm>>) target(%dma_start3A_498 : memref<128xi32, #tpu.memory_space<vmem>>) offsets(%dma_start3A_500 : memref<128xi32, #tpu.memory_space<vmem>>) semaphore(%arg19 : memref<!tpu.dma_semaphore, #tpu.memory_space<semaphore_mem>>)
        %dma_start3A_503 = arith.constant 512 : i32
        %dma_start3A_504 = tpu.memref_slice %arg16[%dma_start3A_503] : memref<2048xi32, #tpu.memory_space<vmem>> -> memref<128xi32, #tpu.memory_space<vmem>>
        %dma_start3A_505 = arith.constant 512 : i32
        %dma_start3A_506 = tpu.memref_slice %arg15[%dma_start3A_505] : memref<2048xi32, #tpu.memory_space<vmem>> -> memref<128xi32, #tpu.memory_space<vmem>>
        %dma_start3A_507 = arith.constant 0 : i32
        %dma_start3A_508 = tpu.memref_slice %arg2[%dma_start3A_507] : memref<4000000xi32, #tpu.memory_space<hbm>> -> memref<4000000xi32, #tpu.memory_space<hbm>>
        tpu.enqueue_indirect_dma source(%dma_start3A_508 : memref<4000000xi32, #tpu.memory_space<hbm>>) target(%dma_start3A_504 : memref<128xi32, #tpu.memory_space<vmem>>) offsets(%dma_start3A_506 : memref<128xi32, #tpu.memory_space<vmem>>) semaphore(%arg19 : memref<!tpu.dma_semaphore, #tpu.memory_space<semaphore_mem>>)
        %dma_start3A_509 = arith.constant 512 : i32
        %dma_start3A_510 = tpu.memref_slice %arg17[%dma_start3A_509] : memref<2048xi32, #tpu.memory_space<vmem>> -> memref<128xi32, #tpu.memory_space<vmem>>
        %dma_start3A_511 = arith.constant 512 : i32
        %dma_start3A_512 = tpu.memref_slice %arg15[%dma_start3A_511] : memref<2048xi32, #tpu.memory_space<vmem>> -> memref<128xi32, #tpu.memory_space<vmem>>
        %dma_start3A_513 = arith.constant 0 : i32
        %dma_start3A_514 = tpu.memref_slice %arg3[%dma_start3A_513] : memref<4000000xi32, #tpu.memory_space<hbm>> -> memref<4000000xi32, #tpu.memory_space<hbm>>
        tpu.enqueue_indirect_dma source(%dma_start3A_514 : memref<4000000xi32, #tpu.memory_space<hbm>>) target(%dma_start3A_510 : memref<128xi32, #tpu.memory_space<vmem>>) offsets(%dma_start3A_512 : memref<128xi32, #tpu.memory_space<vmem>>) semaphore(%arg19 : memref<!tpu.dma_semaphore, #tpu.memory_space<semaphore_mem>>)
        %dma_start3A_515 = arith.constant 640 : i32
        %dma_start3A_516 = tpu.memref_slice %arg16[%dma_start3A_515] : memref<2048xi32, #tpu.memory_space<vmem>> -> memref<128xi32, #tpu.memory_space<vmem>>
        %dma_start3A_517 = arith.constant 640 : i32
        %dma_start3A_518 = tpu.memref_slice %arg15[%dma_start3A_517] : memref<2048xi32, #tpu.memory_space<vmem>> -> memref<128xi32, #tpu.memory_space<vmem>>
        %dma_start3A_519 = arith.constant 0 : i32
        %dma_start3A_520 = tpu.memref_slice %arg2[%dma_start3A_519] : memref<4000000xi32, #tpu.memory_space<hbm>> -> memref<4000000xi32, #tpu.memory_space<hbm>>
        tpu.enqueue_indirect_dma source(%dma_start3A_520 : memref<4000000xi32, #tpu.memory_space<hbm>>) target(%dma_start3A_516 : memref<128xi32, #tpu.memory_space<vmem>>) offsets(%dma_start3A_518 : memref<128xi32, #tpu.memory_space<vmem>>) semaphore(%arg19 : memref<!tpu.dma_semaphore, #tpu.memory_space<semaphore_mem>>)
        %dma_start3A_521 = arith.constant 640 : i32
        %dma_start3A_522 = tpu.memref_slice %arg17[%dma_start3A_521] : memref<2048xi32, #tpu.memory_space<vmem>> -> memref<128xi32, #tpu.memory_space<vmem>>
        %dma_start3A_523 = arith.constant 640 : i32
        %dma_start3A_524 = tpu.memref_slice %arg15[%dma_start3A_523] : memref<2048xi32, #tpu.memory_space<vmem>> -> memref<128xi32, #tpu.memory_space<vmem>>
        %dma_start3A_525 = arith.constant 0 : i32
        %dma_start3A_526 = tpu.memref_slice %arg3[%dma_start3A_525] : memref<4000000xi32, #tpu.memory_space<hbm>> -> memref<4000000xi32, #tpu.memory_space<hbm>>
        tpu.enqueue_indirect_dma source(%dma_start3A_526 : memref<4000000xi32, #tpu.memory_space<hbm>>) target(%dma_start3A_522 : memref<128xi32, #tpu.memory_space<vmem>>) offsets(%dma_start3A_524 : memref<128xi32, #tpu.memory_space<vmem>>) semaphore(%arg19 : memref<!tpu.dma_semaphore, #tpu.memory_space<semaphore_mem>>)
        %dma_start3A_527 = arith.constant 768 : i32
        %dma_start3A_528 = tpu.memref_slice %arg16[%dma_start3A_527] : memref<2048xi32, #tpu.memory_space<vmem>> -> memref<128xi32, #tpu.memory_space<vmem>>
        %dma_start3A_529 = arith.constant 768 : i32
        %dma_start3A_530 = tpu.memref_slice %arg15[%dma_start3A_529] : memref<2048xi32, #tpu.memory_space<vmem>> -> memref<128xi32, #tpu.memory_space<vmem>>
        %dma_start3A_531 = arith.constant 0 : i32
        %dma_start3A_532 = tpu.memref_slice %arg2[%dma_start3A_531] : memref<4000000xi32, #tpu.memory_space<hbm>> -> memref<4000000xi32, #tpu.memory_space<hbm>>
        tpu.enqueue_indirect_dma source(%dma_start3A_532 : memref<4000000xi32, #tpu.memory_space<hbm>>) target(%dma_start3A_528 : memref<128xi32, #tpu.memory_space<vmem>>) offsets(%dma_start3A_530 : memref<128xi32, #tpu.memory_space<vmem>>) semaphore(%arg19 : memref<!tpu.dma_semaphore, #tpu.memory_space<semaphore_mem>>)
        %dma_start3A_533 = arith.constant 768 : i32
        %dma_start3A_534 = tpu.memref_slice %arg17[%dma_start3A_533] : memref<2048xi32, #tpu.memory_space<vmem>> -> memref<128xi32, #tpu.memory_space<vmem>>
        %dma_start3A_535 = arith.constant 768 : i32
        %dma_start3A_536 = tpu.memref_slice %arg15[%dma_start3A_535] : memref<2048xi32, #tpu.memory_space<vmem>> -> memref<128xi32, #tpu.memory_space<vmem>>
        %dma_start3A_537 = arith.constant 0 : i32
        %dma_start3A_538 = tpu.memref_slice %arg3[%dma_start3A_537] : memref<4000000xi32, #tpu.memory_space<hbm>> -> memref<4000000xi32, #tpu.memory_space<hbm>>
        tpu.enqueue_indirect_dma source(%dma_start3A_538 : memref<4000000xi32, #tpu.memory_space<hbm>>) target(%dma_start3A_534 : memref<128xi32, #tpu.memory_space<vmem>>) offsets(%dma_start3A_536 : memref<128xi32, #tpu.memory_space<vmem>>) semaphore(%arg19 : memref<!tpu.dma_semaphore, #tpu.memory_space<semaphore_mem>>)
        %dma_start3A_539 = arith.constant 896 : i32
        %dma_start3A_540 = tpu.memref_slice %arg16[%dma_start3A_539] : memref<2048xi32, #tpu.memory_space<vmem>> -> memref<128xi32, #tpu.memory_space<vmem>>
        %dma_start3A_541 = arith.constant 896 : i32
        %dma_start3A_542 = tpu.memref_slice %arg15[%dma_start3A_541] : memref<2048xi32, #tpu.memory_space<vmem>> -> memref<128xi32, #tpu.memory_space<vmem>>
        %dma_start3A_543 = arith.constant 0 : i32
        %dma_start3A_544 = tpu.memref_slice %arg2[%dma_start3A_543] : memref<4000000xi32, #tpu.memory_space<hbm>> -> memref<4000000xi32, #tpu.memory_space<hbm>>
        tpu.enqueue_indirect_dma source(%dma_start3A_544 : memref<4000000xi32, #tpu.memory_space<hbm>>) target(%dma_start3A_540 : memref<128xi32, #tpu.memory_space<vmem>>) offsets(%dma_start3A_542 : memref<128xi32, #tpu.memory_space<vmem>>) semaphore(%arg19 : memref<!tpu.dma_semaphore, #tpu.memory_space<semaphore_mem>>)
        %dma_start3A_545 = arith.constant 896 : i32
        %dma_start3A_546 = tpu.memref_slice %arg17[%dma_start3A_545] : memref<2048xi32, #tpu.memory_space<vmem>> -> memref<128xi32, #tpu.memory_space<vmem>>
        %dma_start3A_547 = arith.constant 896 : i32
        %dma_start3A_548 = tpu.memref_slice %arg15[%dma_start3A_547] : memref<2048xi32, #tpu.memory_space<vmem>> -> memref<128xi32, #tpu.memory_space<vmem>>
        %dma_start3A_549 = arith.constant 0 : i32
        %dma_start3A_550 = tpu.memref_slice %arg3[%dma_start3A_549] : memref<4000000xi32, #tpu.memory_space<hbm>> -> memref<4000000xi32, #tpu.memory_space<hbm>>
        tpu.enqueue_indirect_dma source(%dma_start3A_550 : memref<4000000xi32, #tpu.memory_space<hbm>>) target(%dma_start3A_546 : memref<128xi32, #tpu.memory_space<vmem>>) offsets(%dma_start3A_548 : memref<128xi32, #tpu.memory_space<vmem>>) semaphore(%arg19 : memref<!tpu.dma_semaphore, #tpu.memory_space<semaphore_mem>>)
        %dma_start3A_551 = arith.constant 1024 : i32
        %dma_start3A_552 = tpu.memref_slice %arg16[%dma_start3A_551] : memref<2048xi32, #tpu.memory_space<vmem>> -> memref<128xi32, #tpu.memory_space<vmem>>
        %dma_start3A_553 = arith.constant 1024 : i32
        %dma_start3A_554 = tpu.memref_slice %arg15[%dma_start3A_553] : memref<2048xi32, #tpu.memory_space<vmem>> -> memref<128xi32, #tpu.memory_space<vmem>>
        %dma_start3A_555 = arith.constant 0 : i32
        %dma_start3A_556 = tpu.memref_slice %arg2[%dma_start3A_555] : memref<4000000xi32, #tpu.memory_space<hbm>> -> memref<4000000xi32, #tpu.memory_space<hbm>>
        tpu.enqueue_indirect_dma source(%dma_start3A_556 : memref<4000000xi32, #tpu.memory_space<hbm>>) target(%dma_start3A_552 : memref<128xi32, #tpu.memory_space<vmem>>) offsets(%dma_start3A_554 : memref<128xi32, #tpu.memory_space<vmem>>) semaphore(%arg19 : memref<!tpu.dma_semaphore, #tpu.memory_space<semaphore_mem>>)
        %dma_start3A_557 = arith.constant 1024 : i32
        %dma_start3A_558 = tpu.memref_slice %arg17[%dma_start3A_557] : memref<2048xi32, #tpu.memory_space<vmem>> -> memref<128xi32, #tpu.memory_space<vmem>>
        %dma_start3A_559 = arith.constant 1024 : i32
        %dma_start3A_560 = tpu.memref_slice %arg15[%dma_start3A_559] : memref<2048xi32, #tpu.memory_space<vmem>> -> memref<128xi32, #tpu.memory_space<vmem>>
        %dma_start3A_561 = arith.constant 0 : i32
        %dma_start3A_562 = tpu.memref_slice %arg3[%dma_start3A_561] : memref<4000000xi32, #tpu.memory_space<hbm>> -> memref<4000000xi32, #tpu.memory_space<hbm>>
        tpu.enqueue_indirect_dma source(%dma_start3A_562 : memref<4000000xi32, #tpu.memory_space<hbm>>) target(%dma_start3A_558 : memref<128xi32, #tpu.memory_space<vmem>>) offsets(%dma_start3A_560 : memref<128xi32, #tpu.memory_space<vmem>>) semaphore(%arg19 : memref<!tpu.dma_semaphore, #tpu.memory_space<semaphore_mem>>)
        %dma_start3A_563 = arith.constant 1152 : i32
        %dma_start3A_564 = tpu.memref_slice %arg16[%dma_start3A_563] : memref<2048xi32, #tpu.memory_space<vmem>> -> memref<128xi32, #tpu.memory_space<vmem>>
        %dma_start3A_565 = arith.constant 1152 : i32
        %dma_start3A_566 = tpu.memref_slice %arg15[%dma_start3A_565] : memref<2048xi32, #tpu.memory_space<vmem>> -> memref<128xi32, #tpu.memory_space<vmem>>
        %dma_start3A_567 = arith.constant 0 : i32
        %dma_start3A_568 = tpu.memref_slice %arg2[%dma_start3A_567] : memref<4000000xi32, #tpu.memory_space<hbm>> -> memref<4000000xi32, #tpu.memory_space<hbm>>
        tpu.enqueue_indirect_dma source(%dma_start3A_568 : memref<4000000xi32, #tpu.memory_space<hbm>>) target(%dma_start3A_564 : memref<128xi32, #tpu.memory_space<vmem>>) offsets(%dma_start3A_566 : memref<128xi32, #tpu.memory_space<vmem>>) semaphore(%arg19 : memref<!tpu.dma_semaphore, #tpu.memory_space<semaphore_mem>>)
        %dma_start3A_569 = arith.constant 1152 : i32
        %dma_start3A_570 = tpu.memref_slice %arg17[%dma_start3A_569] : memref<2048xi32, #tpu.memory_space<vmem>> -> memref<128xi32, #tpu.memory_space<vmem>>
        %dma_start3A_571 = arith.constant 1152 : i32
        %dma_start3A_572 = tpu.memref_slice %arg15[%dma_start3A_571] : memref<2048xi32, #tpu.memory_space<vmem>> -> memref<128xi32, #tpu.memory_space<vmem>>
        %dma_start3A_573 = arith.constant 0 : i32
        %dma_start3A_574 = tpu.memref_slice %arg3[%dma_start3A_573] : memref<4000000xi32, #tpu.memory_space<hbm>> -> memref<4000000xi32, #tpu.memory_space<hbm>>
        tpu.enqueue_indirect_dma source(%dma_start3A_574 : memref<4000000xi32, #tpu.memory_space<hbm>>) target(%dma_start3A_570 : memref<128xi32, #tpu.memory_space<vmem>>) offsets(%dma_start3A_572 : memref<128xi32, #tpu.memory_space<vmem>>) semaphore(%arg19 : memref<!tpu.dma_semaphore, #tpu.memory_space<semaphore_mem>>)
        %dma_start3A_575 = arith.constant 1280 : i32
        %dma_start3A_576 = tpu.memref_slice %arg16[%dma_start3A_575] : memref<2048xi32, #tpu.memory_space<vmem>> -> memref<128xi32, #tpu.memory_space<vmem>>
        %dma_start3A_577 = arith.constant 1280 : i32
        %dma_start3A_578 = tpu.memref_slice %arg15[%dma_start3A_577] : memref<2048xi32, #tpu.memory_space<vmem>> -> memref<128xi32, #tpu.memory_space<vmem>>
        %dma_start3A_579 = arith.constant 0 : i32
        %dma_start3A_580 = tpu.memref_slice %arg2[%dma_start3A_579] : memref<4000000xi32, #tpu.memory_space<hbm>> -> memref<4000000xi32, #tpu.memory_space<hbm>>
        tpu.enqueue_indirect_dma source(%dma_start3A_580 : memref<4000000xi32, #tpu.memory_space<hbm>>) target(%dma_start3A_576 : memref<128xi32, #tpu.memory_space<vmem>>) offsets(%dma_start3A_578 : memref<128xi32, #tpu.memory_space<vmem>>) semaphore(%arg19 : memref<!tpu.dma_semaphore, #tpu.memory_space<semaphore_mem>>)
        %dma_start3A_581 = arith.constant 1280 : i32
        %dma_start3A_582 = tpu.memref_slice %arg17[%dma_start3A_581] : memref<2048xi32, #tpu.memory_space<vmem>> -> memref<128xi32, #tpu.memory_space<vmem>>
        %dma_start3A_583 = arith.constant 1280 : i32
        %dma_start3A_584 = tpu.memref_slice %arg15[%dma_start3A_583] : memref<2048xi32, #tpu.memory_space<vmem>> -> memref<128xi32, #tpu.memory_space<vmem>>
        %dma_start3A_585 = arith.constant 0 : i32
        %dma_start3A_586 = tpu.memref_slice %arg3[%dma_start3A_585] : memref<4000000xi32, #tpu.memory_space<hbm>> -> memref<4000000xi32, #tpu.memory_space<hbm>>
        tpu.enqueue_indirect_dma source(%dma_start3A_586 : memref<4000000xi32, #tpu.memory_space<hbm>>) target(%dma_start3A_582 : memref<128xi32, #tpu.memory_space<vmem>>) offsets(%dma_start3A_584 : memref<128xi32, #tpu.memory_space<vmem>>) semaphore(%arg19 : memref<!tpu.dma_semaphore, #tpu.memory_space<semaphore_mem>>)
        %dma_start3A_587 = arith.constant 1408 : i32
        %dma_start3A_588 = tpu.memref_slice %arg16[%dma_start3A_587] : memref<2048xi32, #tpu.memory_space<vmem>> -> memref<128xi32, #tpu.memory_space<vmem>>
        %dma_start3A_589 = arith.constant 1408 : i32
        %dma_start3A_590 = tpu.memref_slice %arg15[%dma_start3A_589] : memref<2048xi32, #tpu.memory_space<vmem>> -> memref<128xi32, #tpu.memory_space<vmem>>
        %dma_start3A_591 = arith.constant 0 : i32
        %dma_start3A_592 = tpu.memref_slice %arg2[%dma_start3A_591] : memref<4000000xi32, #tpu.memory_space<hbm>> -> memref<4000000xi32, #tpu.memory_space<hbm>>
        tpu.enqueue_indirect_dma source(%dma_start3A_592 : memref<4000000xi32, #tpu.memory_space<hbm>>) target(%dma_start3A_588 : memref<128xi32, #tpu.memory_space<vmem>>) offsets(%dma_start3A_590 : memref<128xi32, #tpu.memory_space<vmem>>) semaphore(%arg19 : memref<!tpu.dma_semaphore, #tpu.memory_space<semaphore_mem>>)
        %dma_start3A_593 = arith.constant 1408 : i32
        %dma_start3A_594 = tpu.memref_slice %arg17[%dma_start3A_593] : memref<2048xi32, #tpu.memory_space<vmem>> -> memref<128xi32, #tpu.memory_space<vmem>>
        %dma_start3A_595 = arith.constant 1408 : i32
        %dma_start3A_596 = tpu.memref_slice %arg15[%dma_start3A_595] : memref<2048xi32, #tpu.memory_space<vmem>> -> memref<128xi32, #tpu.memory_space<vmem>>
        %dma_start3A_597 = arith.constant 0 : i32
        %dma_start3A_598 = tpu.memref_slice %arg3[%dma_start3A_597] : memref<4000000xi32, #tpu.memory_space<hbm>> -> memref<4000000xi32, #tpu.memory_space<hbm>>
        tpu.enqueue_indirect_dma source(%dma_start3A_598 : memref<4000000xi32, #tpu.memory_space<hbm>>) target(%dma_start3A_594 : memref<128xi32, #tpu.memory_space<vmem>>) offsets(%dma_start3A_596 : memref<128xi32, #tpu.memory_space<vmem>>) semaphore(%arg19 : memref<!tpu.dma_semaphore, #tpu.memory_space<semaphore_mem>>)
        %dma_start3A_599 = arith.constant 1536 : i32
        %dma_start3A_600 = tpu.memref_slice %arg16[%dma_start3A_599] : memref<2048xi32, #tpu.memory_space<vmem>> -> memref<128xi32, #tpu.memory_space<vmem>>
        %dma_start3A_601 = arith.constant 1536 : i32
        %dma_start3A_602 = tpu.memref_slice %arg15[%dma_start3A_601] : memref<2048xi32, #tpu.memory_space<vmem>> -> memref<128xi32, #tpu.memory_space<vmem>>
        %dma_start3A_603 = arith.constant 0 : i32
        %dma_start3A_604 = tpu.memref_slice %arg2[%dma_start3A_603] : memref<4000000xi32, #tpu.memory_space<hbm>> -> memref<4000000xi32, #tpu.memory_space<hbm>>
        tpu.enqueue_indirect_dma source(%dma_start3A_604 : memref<4000000xi32, #tpu.memory_space<hbm>>) target(%dma_start3A_600 : memref<128xi32, #tpu.memory_space<vmem>>) offsets(%dma_start3A_602 : memref<128xi32, #tpu.memory_space<vmem>>) semaphore(%arg19 : memref<!tpu.dma_semaphore, #tpu.memory_space<semaphore_mem>>)
        %dma_start3A_605 = arith.constant 1536 : i32
        %dma_start3A_606 = tpu.memref_slice %arg17[%dma_start3A_605] : memref<2048xi32, #tpu.memory_space<vmem>> -> memref<128xi32, #tpu.memory_space<vmem>>
        %dma_start3A_607 = arith.constant 1536 : i32
        %dma_start3A_608 = tpu.memref_slice %arg15[%dma_start3A_607] : memref<2048xi32, #tpu.memory_space<vmem>> -> memref<128xi32, #tpu.memory_space<vmem>>
        %dma_start3A_609 = arith.constant 0 : i32
        %dma_start3A_610 = tpu.memref_slice %arg3[%dma_start3A_609] : memref<4000000xi32, #tpu.memory_space<hbm>> -> memref<4000000xi32, #tpu.memory_space<hbm>>
        tpu.enqueue_indirect_dma source(%dma_start3A_610 : memref<4000000xi32, #tpu.memory_space<hbm>>) target(%dma_start3A_606 : memref<128xi32, #tpu.memory_space<vmem>>) offsets(%dma_start3A_608 : memref<128xi32, #tpu.memory_space<vmem>>) semaphore(%arg19 : memref<!tpu.dma_semaphore, #tpu.memory_space<semaphore_mem>>)
        %dma_start3A_611 = arith.constant 1664 : i32
        %dma_start3A_612 = tpu.memref_slice %arg16[%dma_start3A_611] : memref<2048xi32, #tpu.memory_space<vmem>> -> memref<128xi32, #tpu.memory_space<vmem>>
        %dma_start3A_613 = arith.constant 1664 : i32
        %dma_start3A_614 = tpu.memref_slice %arg15[%dma_start3A_613] : memref<2048xi32, #tpu.memory_space<vmem>> -> memref<128xi32, #tpu.memory_space<vmem>>
        %dma_start3A_615 = arith.constant 0 : i32
        %dma_start3A_616 = tpu.memref_slice %arg2[%dma_start3A_615] : memref<4000000xi32, #tpu.memory_space<hbm>> -> memref<4000000xi32, #tpu.memory_space<hbm>>
        tpu.enqueue_indirect_dma source(%dma_start3A_616 : memref<4000000xi32, #tpu.memory_space<hbm>>) target(%dma_start3A_612 : memref<128xi32, #tpu.memory_space<vmem>>) offsets(%dma_start3A_614 : memref<128xi32, #tpu.memory_space<vmem>>) semaphore(%arg19 : memref<!tpu.dma_semaphore, #tpu.memory_space<semaphore_mem>>)
        %dma_start3A_617 = arith.constant 1664 : i32
        %dma_start3A_618 = tpu.memref_slice %arg17[%dma_start3A_617] : memref<2048xi32, #tpu.memory_space<vmem>> -> memref<128xi32, #tpu.memory_space<vmem>>
        %dma_start3A_619 = arith.constant 1664 : i32
        %dma_start3A_620 = tpu.memref_slice %arg15[%dma_start3A_619] : memref<2048xi32, #tpu.memory_space<vmem>> -> memref<128xi32, #tpu.memory_space<vmem>>
        %dma_start3A_621 = arith.constant 0 : i32
        %dma_start3A_622 = tpu.memref_slice %arg3[%dma_start3A_621] : memref<4000000xi32, #tpu.memory_space<hbm>> -> memref<4000000xi32, #tpu.memory_space<hbm>>
        tpu.enqueue_indirect_dma source(%dma_start3A_622 : memref<4000000xi32, #tpu.memory_space<hbm>>) target(%dma_start3A_618 : memref<128xi32, #tpu.memory_space<vmem>>) offsets(%dma_start3A_620 : memref<128xi32, #tpu.memory_space<vmem>>) semaphore(%arg19 : memref<!tpu.dma_semaphore, #tpu.memory_space<semaphore_mem>>)
        %dma_start3A_623 = arith.constant 1792 : i32
        %dma_start3A_624 = tpu.memref_slice %arg16[%dma_start3A_623] : memref<2048xi32, #tpu.memory_space<vmem>> -> memref<128xi32, #tpu.memory_space<vmem>>
        %dma_start3A_625 = arith.constant 1792 : i32
        %dma_start3A_626 = tpu.memref_slice %arg15[%dma_start3A_625] : memref<2048xi32, #tpu.memory_space<vmem>> -> memref<128xi32, #tpu.memory_space<vmem>>
        %dma_start3A_627 = arith.constant 0 : i32
        %dma_start3A_628 = tpu.memref_slice %arg2[%dma_start3A_627] : memref<4000000xi32, #tpu.memory_space<hbm>> -> memref<4000000xi32, #tpu.memory_space<hbm>>
        tpu.enqueue_indirect_dma source(%dma_start3A_628 : memref<4000000xi32, #tpu.memory_space<hbm>>) target(%dma_start3A_624 : memref<128xi32, #tpu.memory_space<vmem>>) offsets(%dma_start3A_626 : memref<128xi32, #tpu.memory_space<vmem>>) semaphore(%arg19 : memref<!tpu.dma_semaphore, #tpu.memory_space<semaphore_mem>>)
        %dma_start3A_629 = arith.constant 1792 : i32
        %dma_start3A_630 = tpu.memref_slice %arg17[%dma_start3A_629] : memref<2048xi32, #tpu.memory_space<vmem>> -> memref<128xi32, #tpu.memory_space<vmem>>
        %dma_start3A_631 = arith.constant 1792 : i32
        %dma_start3A_632 = tpu.memref_slice %arg15[%dma_start3A_631] : memref<2048xi32, #tpu.memory_space<vmem>> -> memref<128xi32, #tpu.memory_space<vmem>>
        %dma_start3A_633 = arith.constant 0 : i32
        %dma_start3A_634 = tpu.memref_slice %arg3[%dma_start3A_633] : memref<4000000xi32, #tpu.memory_space<hbm>> -> memref<4000000xi32, #tpu.memory_space<hbm>>
        tpu.enqueue_indirect_dma source(%dma_start3A_634 : memref<4000000xi32, #tpu.memory_space<hbm>>) target(%dma_start3A_630 : memref<128xi32, #tpu.memory_space<vmem>>) offsets(%dma_start3A_632 : memref<128xi32, #tpu.memory_space<vmem>>) semaphore(%arg19 : memref<!tpu.dma_semaphore, #tpu.memory_space<semaphore_mem>>)
        %dma_start3A_635 = arith.constant 1920 : i32
        %dma_start3A_636 = tpu.memref_slice %arg16[%dma_start3A_635] : memref<2048xi32, #tpu.memory_space<vmem>> -> memref<128xi32, #tpu.memory_space<vmem>>
        %dma_start3A_637 = arith.constant 1920 : i32
        %dma_start3A_638 = tpu.memref_slice %arg15[%dma_start3A_637] : memref<2048xi32, #tpu.memory_space<vmem>> -> memref<128xi32, #tpu.memory_space<vmem>>
        %dma_start3A_639 = arith.constant 0 : i32
        %dma_start3A_640 = tpu.memref_slice %arg2[%dma_start3A_639] : memref<4000000xi32, #tpu.memory_space<hbm>> -> memref<4000000xi32, #tpu.memory_space<hbm>>
        tpu.enqueue_indirect_dma source(%dma_start3A_640 : memref<4000000xi32, #tpu.memory_space<hbm>>) target(%dma_start3A_636 : memref<128xi32, #tpu.memory_space<vmem>>) offsets(%dma_start3A_638 : memref<128xi32, #tpu.memory_space<vmem>>) semaphore(%arg19 : memref<!tpu.dma_semaphore, #tpu.memory_space<semaphore_mem>>)
        %dma_start3A_641 = arith.constant 1920 : i32
        %dma_start3A_642 = tpu.memref_slice %arg17[%dma_start3A_641] : memref<2048xi32, #tpu.memory_space<vmem>> -> memref<128xi32, #tpu.memory_space<vmem>>
        %dma_start3A_643 = arith.constant 1920 : i32
        %dma_start3A_644 = tpu.memref_slice %arg15[%dma_start3A_643] : memref<2048xi32, #tpu.memory_space<vmem>> -> memref<128xi32, #tpu.memory_space<vmem>>
        %dma_start3A_645 = arith.constant 0 : i32
        %dma_start3A_646 = tpu.memref_slice %arg3[%dma_start3A_645] : memref<4000000xi32, #tpu.memory_space<hbm>> -> memref<4000000xi32, #tpu.memory_space<hbm>>
        tpu.enqueue_indirect_dma source(%dma_start3A_646 : memref<4000000xi32, #tpu.memory_space<hbm>>) target(%dma_start3A_642 : memref<128xi32, #tpu.memory_space<vmem>>) offsets(%dma_start3A_644 : memref<128xi32, #tpu.memory_space<vmem>>) semaphore(%arg19 : memref<!tpu.dma_semaphore, #tpu.memory_space<semaphore_mem>>)
        %dma_wait3A_647 = arith.constant 0 : i32
        %dma_wait3A_648 = tpu.memref_slice %arg16[%dma_wait3A_647] : memref<2048xi32, #tpu.memory_space<vmem>> -> memref<128xi32, #tpu.memory_space<vmem>>
        %dma_wait3A_649 = arith.constant 0 : i32
        %dma_wait3A_650 = tpu.memref_slice %arg15[%dma_wait3A_649] : memref<2048xi32, #tpu.memory_space<vmem>> -> memref<128xi32, #tpu.memory_space<vmem>>
        %dma_wait3A_651 = arith.constant 0 : i32
        %dma_wait3A_652 = tpu.memref_slice %arg2[%dma_wait3A_651] : memref<4000000xi32, #tpu.memory_space<hbm>> -> memref<4000000xi32, #tpu.memory_space<hbm>>
        tpu.wait_indirect_dma semaphore(%arg19 : memref<!tpu.dma_semaphore, #tpu.memory_space<semaphore_mem>>) src(%dma_wait3A_652 : memref<4000000xi32, #tpu.memory_space<hbm>>) dst(%dma_wait3A_648 : memref<128xi32, #tpu.memory_space<vmem>>)
        %dma_wait3A_653 = arith.constant 0 : i32
        %dma_wait3A_654 = tpu.memref_slice %arg17[%dma_wait3A_653] : memref<2048xi32, #tpu.memory_space<vmem>> -> memref<128xi32, #tpu.memory_space<vmem>>
        %dma_wait3A_655 = arith.constant 0 : i32
        %dma_wait3A_656 = tpu.memref_slice %arg15[%dma_wait3A_655] : memref<2048xi32, #tpu.memory_space<vmem>> -> memref<128xi32, #tpu.memory_space<vmem>>
        %dma_wait3A_657 = arith.constant 0 : i32
        %dma_wait3A_658 = tpu.memref_slice %arg3[%dma_wait3A_657] : memref<4000000xi32, #tpu.memory_space<hbm>> -> memref<4000000xi32, #tpu.memory_space<hbm>>
        tpu.wait_indirect_dma semaphore(%arg19 : memref<!tpu.dma_semaphore, #tpu.memory_space<semaphore_mem>>) src(%dma_wait3A_658 : memref<4000000xi32, #tpu.memory_space<hbm>>) dst(%dma_wait3A_654 : memref<128xi32, #tpu.memory_space<vmem>>)
        %dma_wait3A_659 = arith.constant 128 : i32
        %dma_wait3A_660 = tpu.memref_slice %arg16[%dma_wait3A_659] : memref<2048xi32, #tpu.memory_space<vmem>> -> memref<128xi32, #tpu.memory_space<vmem>>
        %dma_wait3A_661 = arith.constant 128 : i32
        %dma_wait3A_662 = tpu.memref_slice %arg15[%dma_wait3A_661] : memref<2048xi32, #tpu.memory_space<vmem>> -> memref<128xi32, #tpu.memory_space<vmem>>
        %dma_wait3A_663 = arith.constant 0 : i32
        %dma_wait3A_664 = tpu.memref_slice %arg2[%dma_wait3A_663] : memref<4000000xi32, #tpu.memory_space<hbm>> -> memref<4000000xi32, #tpu.memory_space<hbm>>
        tpu.wait_indirect_dma semaphore(%arg19 : memref<!tpu.dma_semaphore, #tpu.memory_space<semaphore_mem>>) src(%dma_wait3A_664 : memref<4000000xi32, #tpu.memory_space<hbm>>) dst(%dma_wait3A_660 : memref<128xi32, #tpu.memory_space<vmem>>)
        %dma_wait3A_665 = arith.constant 128 : i32
        %dma_wait3A_666 = tpu.memref_slice %arg17[%dma_wait3A_665] : memref<2048xi32, #tpu.memory_space<vmem>> -> memref<128xi32, #tpu.memory_space<vmem>>
        %dma_wait3A_667 = arith.constant 128 : i32
        %dma_wait3A_668 = tpu.memref_slice %arg15[%dma_wait3A_667] : memref<2048xi32, #tpu.memory_space<vmem>> -> memref<128xi32, #tpu.memory_space<vmem>>
        %dma_wait3A_669 = arith.constant 0 : i32
        %dma_wait3A_670 = tpu.memref_slice %arg3[%dma_wait3A_669] : memref<4000000xi32, #tpu.memory_space<hbm>> -> memref<4000000xi32, #tpu.memory_space<hbm>>
        tpu.wait_indirect_dma semaphore(%arg19 : memref<!tpu.dma_semaphore, #tpu.memory_space<semaphore_mem>>) src(%dma_wait3A_670 : memref<4000000xi32, #tpu.memory_space<hbm>>) dst(%dma_wait3A_666 : memref<128xi32, #tpu.memory_space<vmem>>)
        %dma_wait3A_671 = arith.constant 256 : i32
        %dma_wait3A_672 = tpu.memref_slice %arg16[%dma_wait3A_671] : memref<2048xi32, #tpu.memory_space<vmem>> -> memref<128xi32, #tpu.memory_space<vmem>>
        %dma_wait3A_673 = arith.constant 256 : i32
        %dma_wait3A_674 = tpu.memref_slice %arg15[%dma_wait3A_673] : memref<2048xi32, #tpu.memory_space<vmem>> -> memref<128xi32, #tpu.memory_space<vmem>>
        %dma_wait3A_675 = arith.constant 0 : i32
        %dma_wait3A_676 = tpu.memref_slice %arg2[%dma_wait3A_675] : memref<4000000xi32, #tpu.memory_space<hbm>> -> memref<4000000xi32, #tpu.memory_space<hbm>>
        tpu.wait_indirect_dma semaphore(%arg19 : memref<!tpu.dma_semaphore, #tpu.memory_space<semaphore_mem>>) src(%dma_wait3A_676 : memref<4000000xi32, #tpu.memory_space<hbm>>) dst(%dma_wait3A_672 : memref<128xi32, #tpu.memory_space<vmem>>)
        %dma_wait3A_677 = arith.constant 256 : i32
        %dma_wait3A_678 = tpu.memref_slice %arg17[%dma_wait3A_677] : memref<2048xi32, #tpu.memory_space<vmem>> -> memref<128xi32, #tpu.memory_space<vmem>>
        %dma_wait3A_679 = arith.constant 256 : i32
        %dma_wait3A_680 = tpu.memref_slice %arg15[%dma_wait3A_679] : memref<2048xi32, #tpu.memory_space<vmem>> -> memref<128xi32, #tpu.memory_space<vmem>>
        %dma_wait3A_681 = arith.constant 0 : i32
        %dma_wait3A_682 = tpu.memref_slice %arg3[%dma_wait3A_681] : memref<4000000xi32, #tpu.memory_space<hbm>> -> memref<4000000xi32, #tpu.memory_space<hbm>>
        tpu.wait_indirect_dma semaphore(%arg19 : memref<!tpu.dma_semaphore, #tpu.memory_space<semaphore_mem>>) src(%dma_wait3A_682 : memref<4000000xi32, #tpu.memory_space<hbm>>) dst(%dma_wait3A_678 : memref<128xi32, #tpu.memory_space<vmem>>)
        %dma_wait3A_683 = arith.constant 384 : i32
        %dma_wait3A_684 = tpu.memref_slice %arg16[%dma_wait3A_683] : memref<2048xi32, #tpu.memory_space<vmem>> -> memref<128xi32, #tpu.memory_space<vmem>>
        %dma_wait3A_685 = arith.constant 384 : i32
        %dma_wait3A_686 = tpu.memref_slice %arg15[%dma_wait3A_685] : memref<2048xi32, #tpu.memory_space<vmem>> -> memref<128xi32, #tpu.memory_space<vmem>>
        %dma_wait3A_687 = arith.constant 0 : i32
        %dma_wait3A_688 = tpu.memref_slice %arg2[%dma_wait3A_687] : memref<4000000xi32, #tpu.memory_space<hbm>> -> memref<4000000xi32, #tpu.memory_space<hbm>>
        tpu.wait_indirect_dma semaphore(%arg19 : memref<!tpu.dma_semaphore, #tpu.memory_space<semaphore_mem>>) src(%dma_wait3A_688 : memref<4000000xi32, #tpu.memory_space<hbm>>) dst(%dma_wait3A_684 : memref<128xi32, #tpu.memory_space<vmem>>)
        %dma_wait3A_689 = arith.constant 384 : i32
        %dma_wait3A_690 = tpu.memref_slice %arg17[%dma_wait3A_689] : memref<2048xi32, #tpu.memory_space<vmem>> -> memref<128xi32, #tpu.memory_space<vmem>>
        %dma_wait3A_691 = arith.constant 384 : i32
        %dma_wait3A_692 = tpu.memref_slice %arg15[%dma_wait3A_691] : memref<2048xi32, #tpu.memory_space<vmem>> -> memref<128xi32, #tpu.memory_space<vmem>>
        %dma_wait3A_693 = arith.constant 0 : i32
        %dma_wait3A_694 = tpu.memref_slice %arg3[%dma_wait3A_693] : memref<4000000xi32, #tpu.memory_space<hbm>> -> memref<4000000xi32, #tpu.memory_space<hbm>>
        tpu.wait_indirect_dma semaphore(%arg19 : memref<!tpu.dma_semaphore, #tpu.memory_space<semaphore_mem>>) src(%dma_wait3A_694 : memref<4000000xi32, #tpu.memory_space<hbm>>) dst(%dma_wait3A_690 : memref<128xi32, #tpu.memory_space<vmem>>)
        %dma_wait3A_695 = arith.constant 512 : i32
        %dma_wait3A_696 = tpu.memref_slice %arg16[%dma_wait3A_695] : memref<2048xi32, #tpu.memory_space<vmem>> -> memref<128xi32, #tpu.memory_space<vmem>>
        %dma_wait3A_697 = arith.constant 512 : i32
        %dma_wait3A_698 = tpu.memref_slice %arg15[%dma_wait3A_697] : memref<2048xi32, #tpu.memory_space<vmem>> -> memref<128xi32, #tpu.memory_space<vmem>>
        %dma_wait3A_699 = arith.constant 0 : i32
        %dma_wait3A_700 = tpu.memref_slice %arg2[%dma_wait3A_699] : memref<4000000xi32, #tpu.memory_space<hbm>> -> memref<4000000xi32, #tpu.memory_space<hbm>>
        tpu.wait_indirect_dma semaphore(%arg19 : memref<!tpu.dma_semaphore, #tpu.memory_space<semaphore_mem>>) src(%dma_wait3A_700 : memref<4000000xi32, #tpu.memory_space<hbm>>) dst(%dma_wait3A_696 : memref<128xi32, #tpu.memory_space<vmem>>)
        %dma_wait3A_701 = arith.constant 512 : i32
        %dma_wait3A_702 = tpu.memref_slice %arg17[%dma_wait3A_701] : memref<2048xi32, #tpu.memory_space<vmem>> -> memref<128xi32, #tpu.memory_space<vmem>>
        %dma_wait3A_703 = arith.constant 512 : i32
        %dma_wait3A_704 = tpu.memref_slice %arg15[%dma_wait3A_703] : memref<2048xi32, #tpu.memory_space<vmem>> -> memref<128xi32, #tpu.memory_space<vmem>>
        %dma_wait3A_705 = arith.constant 0 : i32
        %dma_wait3A_706 = tpu.memref_slice %arg3[%dma_wait3A_705] : memref<4000000xi32, #tpu.memory_space<hbm>> -> memref<4000000xi32, #tpu.memory_space<hbm>>
        tpu.wait_indirect_dma semaphore(%arg19 : memref<!tpu.dma_semaphore, #tpu.memory_space<semaphore_mem>>) src(%dma_wait3A_706 : memref<4000000xi32, #tpu.memory_space<hbm>>) dst(%dma_wait3A_702 : memref<128xi32, #tpu.memory_space<vmem>>)
        %dma_wait3A_707 = arith.constant 640 : i32
        %dma_wait3A_708 = tpu.memref_slice %arg16[%dma_wait3A_707] : memref<2048xi32, #tpu.memory_space<vmem>> -> memref<128xi32, #tpu.memory_space<vmem>>
        %dma_wait3A_709 = arith.constant 640 : i32
        %dma_wait3A_710 = tpu.memref_slice %arg15[%dma_wait3A_709] : memref<2048xi32, #tpu.memory_space<vmem>> -> memref<128xi32, #tpu.memory_space<vmem>>
        %dma_wait3A_711 = arith.constant 0 : i32
        %dma_wait3A_712 = tpu.memref_slice %arg2[%dma_wait3A_711] : memref<4000000xi32, #tpu.memory_space<hbm>> -> memref<4000000xi32, #tpu.memory_space<hbm>>
        tpu.wait_indirect_dma semaphore(%arg19 : memref<!tpu.dma_semaphore, #tpu.memory_space<semaphore_mem>>) src(%dma_wait3A_712 : memref<4000000xi32, #tpu.memory_space<hbm>>) dst(%dma_wait3A_708 : memref<128xi32, #tpu.memory_space<vmem>>)
        %dma_wait3A_713 = arith.constant 640 : i32
        %dma_wait3A_714 = tpu.memref_slice %arg17[%dma_wait3A_713] : memref<2048xi32, #tpu.memory_space<vmem>> -> memref<128xi32, #tpu.memory_space<vmem>>
        %dma_wait3A_715 = arith.constant 640 : i32
        %dma_wait3A_716 = tpu.memref_slice %arg15[%dma_wait3A_715] : memref<2048xi32, #tpu.memory_space<vmem>> -> memref<128xi32, #tpu.memory_space<vmem>>
        %dma_wait3A_717 = arith.constant 0 : i32
        %dma_wait3A_718 = tpu.memref_slice %arg3[%dma_wait3A_717] : memref<4000000xi32, #tpu.memory_space<hbm>> -> memref<4000000xi32, #tpu.memory_space<hbm>>
        tpu.wait_indirect_dma semaphore(%arg19 : memref<!tpu.dma_semaphore, #tpu.memory_space<semaphore_mem>>) src(%dma_wait3A_718 : memref<4000000xi32, #tpu.memory_space<hbm>>) dst(%dma_wait3A_714 : memref<128xi32, #tpu.memory_space<vmem>>)
        %dma_wait3A_719 = arith.constant 768 : i32
        %dma_wait3A_720 = tpu.memref_slice %arg16[%dma_wait3A_719] : memref<2048xi32, #tpu.memory_space<vmem>> -> memref<128xi32, #tpu.memory_space<vmem>>
        %dma_wait3A_721 = arith.constant 768 : i32
        %dma_wait3A_722 = tpu.memref_slice %arg15[%dma_wait3A_721] : memref<2048xi32, #tpu.memory_space<vmem>> -> memref<128xi32, #tpu.memory_space<vmem>>
        %dma_wait3A_723 = arith.constant 0 : i32
        %dma_wait3A_724 = tpu.memref_slice %arg2[%dma_wait3A_723] : memref<4000000xi32, #tpu.memory_space<hbm>> -> memref<4000000xi32, #tpu.memory_space<hbm>>
        tpu.wait_indirect_dma semaphore(%arg19 : memref<!tpu.dma_semaphore, #tpu.memory_space<semaphore_mem>>) src(%dma_wait3A_724 : memref<4000000xi32, #tpu.memory_space<hbm>>) dst(%dma_wait3A_720 : memref<128xi32, #tpu.memory_space<vmem>>)
        %dma_wait3A_725 = arith.constant 768 : i32
        %dma_wait3A_726 = tpu.memref_slice %arg17[%dma_wait3A_725] : memref<2048xi32, #tpu.memory_space<vmem>> -> memref<128xi32, #tpu.memory_space<vmem>>
        %dma_wait3A_727 = arith.constant 768 : i32
        %dma_wait3A_728 = tpu.memref_slice %arg15[%dma_wait3A_727] : memref<2048xi32, #tpu.memory_space<vmem>> -> memref<128xi32, #tpu.memory_space<vmem>>
        %dma_wait3A_729 = arith.constant 0 : i32
        %dma_wait3A_730 = tpu.memref_slice %arg3[%dma_wait3A_729] : memref<4000000xi32, #tpu.memory_space<hbm>> -> memref<4000000xi32, #tpu.memory_space<hbm>>
        tpu.wait_indirect_dma semaphore(%arg19 : memref<!tpu.dma_semaphore, #tpu.memory_space<semaphore_mem>>) src(%dma_wait3A_730 : memref<4000000xi32, #tpu.memory_space<hbm>>) dst(%dma_wait3A_726 : memref<128xi32, #tpu.memory_space<vmem>>)
        %dma_wait3A_731 = arith.constant 896 : i32
        %dma_wait3A_732 = tpu.memref_slice %arg16[%dma_wait3A_731] : memref<2048xi32, #tpu.memory_space<vmem>> -> memref<128xi32, #tpu.memory_space<vmem>>
        %dma_wait3A_733 = arith.constant 896 : i32
        %dma_wait3A_734 = tpu.memref_slice %arg15[%dma_wait3A_733] : memref<2048xi32, #tpu.memory_space<vmem>> -> memref<128xi32, #tpu.memory_space<vmem>>
        %dma_wait3A_735 = arith.constant 0 : i32
        %dma_wait3A_736 = tpu.memref_slice %arg2[%dma_wait3A_735] : memref<4000000xi32, #tpu.memory_space<hbm>> -> memref<4000000xi32, #tpu.memory_space<hbm>>
        tpu.wait_indirect_dma semaphore(%arg19 : memref<!tpu.dma_semaphore, #tpu.memory_space<semaphore_mem>>) src(%dma_wait3A_736 : memref<4000000xi32, #tpu.memory_space<hbm>>) dst(%dma_wait3A_732 : memref<128xi32, #tpu.memory_space<vmem>>)
        %dma_wait3A_737 = arith.constant 896 : i32
        %dma_wait3A_738 = tpu.memref_slice %arg17[%dma_wait3A_737] : memref<2048xi32, #tpu.memory_space<vmem>> -> memref<128xi32, #tpu.memory_space<vmem>>
        %dma_wait3A_739 = arith.constant 896 : i32
        %dma_wait3A_740 = tpu.memref_slice %arg15[%dma_wait3A_739] : memref<2048xi32, #tpu.memory_space<vmem>> -> memref<128xi32, #tpu.memory_space<vmem>>
        %dma_wait3A_741 = arith.constant 0 : i32
        %dma_wait3A_742 = tpu.memref_slice %arg3[%dma_wait3A_741] : memref<4000000xi32, #tpu.memory_space<hbm>> -> memref<4000000xi32, #tpu.memory_space<hbm>>
        tpu.wait_indirect_dma semaphore(%arg19 : memref<!tpu.dma_semaphore, #tpu.memory_space<semaphore_mem>>) src(%dma_wait3A_742 : memref<4000000xi32, #tpu.memory_space<hbm>>) dst(%dma_wait3A_738 : memref<128xi32, #tpu.memory_space<vmem>>)
        %dma_wait3A_743 = arith.constant 1024 : i32
        %dma_wait3A_744 = tpu.memref_slice %arg16[%dma_wait3A_743] : memref<2048xi32, #tpu.memory_space<vmem>> -> memref<128xi32, #tpu.memory_space<vmem>>
        %dma_wait3A_745 = arith.constant 1024 : i32
        %dma_wait3A_746 = tpu.memref_slice %arg15[%dma_wait3A_745] : memref<2048xi32, #tpu.memory_space<vmem>> -> memref<128xi32, #tpu.memory_space<vmem>>
        %dma_wait3A_747 = arith.constant 0 : i32
        %dma_wait3A_748 = tpu.memref_slice %arg2[%dma_wait3A_747] : memref<4000000xi32, #tpu.memory_space<hbm>> -> memref<4000000xi32, #tpu.memory_space<hbm>>
        tpu.wait_indirect_dma semaphore(%arg19 : memref<!tpu.dma_semaphore, #tpu.memory_space<semaphore_mem>>) src(%dma_wait3A_748 : memref<4000000xi32, #tpu.memory_space<hbm>>) dst(%dma_wait3A_744 : memref<128xi32, #tpu.memory_space<vmem>>)
        %dma_wait3A_749 = arith.constant 1024 : i32
        %dma_wait3A_750 = tpu.memref_slice %arg17[%dma_wait3A_749] : memref<2048xi32, #tpu.memory_space<vmem>> -> memref<128xi32, #tpu.memory_space<vmem>>
        %dma_wait3A_751 = arith.constant 1024 : i32
        %dma_wait3A_752 = tpu.memref_slice %arg15[%dma_wait3A_751] : memref<2048xi32, #tpu.memory_space<vmem>> -> memref<128xi32, #tpu.memory_space<vmem>>
        %dma_wait3A_753 = arith.constant 0 : i32
        %dma_wait3A_754 = tpu.memref_slice %arg3[%dma_wait3A_753] : memref<4000000xi32, #tpu.memory_space<hbm>> -> memref<4000000xi32, #tpu.memory_space<hbm>>
        tpu.wait_indirect_dma semaphore(%arg19 : memref<!tpu.dma_semaphore, #tpu.memory_space<semaphore_mem>>) src(%dma_wait3A_754 : memref<4000000xi32, #tpu.memory_space<hbm>>) dst(%dma_wait3A_750 : memref<128xi32, #tpu.memory_space<vmem>>)
        %dma_wait3A_755 = arith.constant 1152 : i32
        %dma_wait3A_756 = tpu.memref_slice %arg16[%dma_wait3A_755] : memref<2048xi32, #tpu.memory_space<vmem>> -> memref<128xi32, #tpu.memory_space<vmem>>
        %dma_wait3A_757 = arith.constant 1152 : i32
        %dma_wait3A_758 = tpu.memref_slice %arg15[%dma_wait3A_757] : memref<2048xi32, #tpu.memory_space<vmem>> -> memref<128xi32, #tpu.memory_space<vmem>>
        %dma_wait3A_759 = arith.constant 0 : i32
        %dma_wait3A_760 = tpu.memref_slice %arg2[%dma_wait3A_759] : memref<4000000xi32, #tpu.memory_space<hbm>> -> memref<4000000xi32, #tpu.memory_space<hbm>>
        tpu.wait_indirect_dma semaphore(%arg19 : memref<!tpu.dma_semaphore, #tpu.memory_space<semaphore_mem>>) src(%dma_wait3A_760 : memref<4000000xi32, #tpu.memory_space<hbm>>) dst(%dma_wait3A_756 : memref<128xi32, #tpu.memory_space<vmem>>)
        %dma_wait3A_761 = arith.constant 1152 : i32
        %dma_wait3A_762 = tpu.memref_slice %arg17[%dma_wait3A_761] : memref<2048xi32, #tpu.memory_space<vmem>> -> memref<128xi32, #tpu.memory_space<vmem>>
        %dma_wait3A_763 = arith.constant 1152 : i32
        %dma_wait3A_764 = tpu.memref_slice %arg15[%dma_wait3A_763] : memref<2048xi32, #tpu.memory_space<vmem>> -> memref<128xi32, #tpu.memory_space<vmem>>
        %dma_wait3A_765 = arith.constant 0 : i32
        %dma_wait3A_766 = tpu.memref_slice %arg3[%dma_wait3A_765] : memref<4000000xi32, #tpu.memory_space<hbm>> -> memref<4000000xi32, #tpu.memory_space<hbm>>
        tpu.wait_indirect_dma semaphore(%arg19 : memref<!tpu.dma_semaphore, #tpu.memory_space<semaphore_mem>>) src(%dma_wait3A_766 : memref<4000000xi32, #tpu.memory_space<hbm>>) dst(%dma_wait3A_762 : memref<128xi32, #tpu.memory_space<vmem>>)
        %dma_wait3A_767 = arith.constant 1280 : i32
        %dma_wait3A_768 = tpu.memref_slice %arg16[%dma_wait3A_767] : memref<2048xi32, #tpu.memory_space<vmem>> -> memref<128xi32, #tpu.memory_space<vmem>>
        %dma_wait3A_769 = arith.constant 1280 : i32
        %dma_wait3A_770 = tpu.memref_slice %arg15[%dma_wait3A_769] : memref<2048xi32, #tpu.memory_space<vmem>> -> memref<128xi32, #tpu.memory_space<vmem>>
        %dma_wait3A_771 = arith.constant 0 : i32
        %dma_wait3A_772 = tpu.memref_slice %arg2[%dma_wait3A_771] : memref<4000000xi32, #tpu.memory_space<hbm>> -> memref<4000000xi32, #tpu.memory_space<hbm>>
        tpu.wait_indirect_dma semaphore(%arg19 : memref<!tpu.dma_semaphore, #tpu.memory_space<semaphore_mem>>) src(%dma_wait3A_772 : memref<4000000xi32, #tpu.memory_space<hbm>>) dst(%dma_wait3A_768 : memref<128xi32, #tpu.memory_space<vmem>>)
        %dma_wait3A_773 = arith.constant 1280 : i32
        %dma_wait3A_774 = tpu.memref_slice %arg17[%dma_wait3A_773] : memref<2048xi32, #tpu.memory_space<vmem>> -> memref<128xi32, #tpu.memory_space<vmem>>
        %dma_wait3A_775 = arith.constant 1280 : i32
        %dma_wait3A_776 = tpu.memref_slice %arg15[%dma_wait3A_775] : memref<2048xi32, #tpu.memory_space<vmem>> -> memref<128xi32, #tpu.memory_space<vmem>>
        %dma_wait3A_777 = arith.constant 0 : i32
        %dma_wait3A_778 = tpu.memref_slice %arg3[%dma_wait3A_777] : memref<4000000xi32, #tpu.memory_space<hbm>> -> memref<4000000xi32, #tpu.memory_space<hbm>>
        tpu.wait_indirect_dma semaphore(%arg19 : memref<!tpu.dma_semaphore, #tpu.memory_space<semaphore_mem>>) src(%dma_wait3A_778 : memref<4000000xi32, #tpu.memory_space<hbm>>) dst(%dma_wait3A_774 : memref<128xi32, #tpu.memory_space<vmem>>)
        %dma_wait3A_779 = arith.constant 1408 : i32
        %dma_wait3A_780 = tpu.memref_slice %arg16[%dma_wait3A_779] : memref<2048xi32, #tpu.memory_space<vmem>> -> memref<128xi32, #tpu.memory_space<vmem>>
        %dma_wait3A_781 = arith.constant 1408 : i32
        %dma_wait3A_782 = tpu.memref_slice %arg15[%dma_wait3A_781] : memref<2048xi32, #tpu.memory_space<vmem>> -> memref<128xi32, #tpu.memory_space<vmem>>
        %dma_wait3A_783 = arith.constant 0 : i32
        %dma_wait3A_784 = tpu.memref_slice %arg2[%dma_wait3A_783] : memref<4000000xi32, #tpu.memory_space<hbm>> -> memref<4000000xi32, #tpu.memory_space<hbm>>
        tpu.wait_indirect_dma semaphore(%arg19 : memref<!tpu.dma_semaphore, #tpu.memory_space<semaphore_mem>>) src(%dma_wait3A_784 : memref<4000000xi32, #tpu.memory_space<hbm>>) dst(%dma_wait3A_780 : memref<128xi32, #tpu.memory_space<vmem>>)
        %dma_wait3A_785 = arith.constant 1408 : i32
        %dma_wait3A_786 = tpu.memref_slice %arg17[%dma_wait3A_785] : memref<2048xi32, #tpu.memory_space<vmem>> -> memref<128xi32, #tpu.memory_space<vmem>>
        %dma_wait3A_787 = arith.constant 1408 : i32
        %dma_wait3A_788 = tpu.memref_slice %arg15[%dma_wait3A_787] : memref<2048xi32, #tpu.memory_space<vmem>> -> memref<128xi32, #tpu.memory_space<vmem>>
        %dma_wait3A_789 = arith.constant 0 : i32
        %dma_wait3A_790 = tpu.memref_slice %arg3[%dma_wait3A_789] : memref<4000000xi32, #tpu.memory_space<hbm>> -> memref<4000000xi32, #tpu.memory_space<hbm>>
        tpu.wait_indirect_dma semaphore(%arg19 : memref<!tpu.dma_semaphore, #tpu.memory_space<semaphore_mem>>) src(%dma_wait3A_790 : memref<4000000xi32, #tpu.memory_space<hbm>>) dst(%dma_wait3A_786 : memref<128xi32, #tpu.memory_space<vmem>>)
        %dma_wait3A_791 = arith.constant 1536 : i32
        %dma_wait3A_792 = tpu.memref_slice %arg16[%dma_wait3A_791] : memref<2048xi32, #tpu.memory_space<vmem>> -> memref<128xi32, #tpu.memory_space<vmem>>
        %dma_wait3A_793 = arith.constant 1536 : i32
        %dma_wait3A_794 = tpu.memref_slice %arg15[%dma_wait3A_793] : memref<2048xi32, #tpu.memory_space<vmem>> -> memref<128xi32, #tpu.memory_space<vmem>>
        %dma_wait3A_795 = arith.constant 0 : i32
        %dma_wait3A_796 = tpu.memref_slice %arg2[%dma_wait3A_795] : memref<4000000xi32, #tpu.memory_space<hbm>> -> memref<4000000xi32, #tpu.memory_space<hbm>>
        tpu.wait_indirect_dma semaphore(%arg19 : memref<!tpu.dma_semaphore, #tpu.memory_space<semaphore_mem>>) src(%dma_wait3A_796 : memref<4000000xi32, #tpu.memory_space<hbm>>) dst(%dma_wait3A_792 : memref<128xi32, #tpu.memory_space<vmem>>)
        %dma_wait3A_797 = arith.constant 1536 : i32
        %dma_wait3A_798 = tpu.memref_slice %arg17[%dma_wait3A_797] : memref<2048xi32, #tpu.memory_space<vmem>> -> memref<128xi32, #tpu.memory_space<vmem>>
        %dma_wait3A_799 = arith.constant 1536 : i32
        %dma_wait3A_800 = tpu.memref_slice %arg15[%dma_wait3A_799] : memref<2048xi32, #tpu.memory_space<vmem>> -> memref<128xi32, #tpu.memory_space<vmem>>
        %dma_wait3A_801 = arith.constant 0 : i32
        %dma_wait3A_802 = tpu.memref_slice %arg3[%dma_wait3A_801] : memref<4000000xi32, #tpu.memory_space<hbm>> -> memref<4000000xi32, #tpu.memory_space<hbm>>
        tpu.wait_indirect_dma semaphore(%arg19 : memref<!tpu.dma_semaphore, #tpu.memory_space<semaphore_mem>>) src(%dma_wait3A_802 : memref<4000000xi32, #tpu.memory_space<hbm>>) dst(%dma_wait3A_798 : memref<128xi32, #tpu.memory_space<vmem>>)
        %dma_wait3A_803 = arith.constant 1664 : i32
        %dma_wait3A_804 = tpu.memref_slice %arg16[%dma_wait3A_803] : memref<2048xi32, #tpu.memory_space<vmem>> -> memref<128xi32, #tpu.memory_space<vmem>>
        %dma_wait3A_805 = arith.constant 1664 : i32
        %dma_wait3A_806 = tpu.memref_slice %arg15[%dma_wait3A_805] : memref<2048xi32, #tpu.memory_space<vmem>> -> memref<128xi32, #tpu.memory_space<vmem>>
        %dma_wait3A_807 = arith.constant 0 : i32
        %dma_wait3A_808 = tpu.memref_slice %arg2[%dma_wait3A_807] : memref<4000000xi32, #tpu.memory_space<hbm>> -> memref<4000000xi32, #tpu.memory_space<hbm>>
        tpu.wait_indirect_dma semaphore(%arg19 : memref<!tpu.dma_semaphore, #tpu.memory_space<semaphore_mem>>) src(%dma_wait3A_808 : memref<4000000xi32, #tpu.memory_space<hbm>>) dst(%dma_wait3A_804 : memref<128xi32, #tpu.memory_space<vmem>>)
        %dma_wait3A_809 = arith.constant 1664 : i32
        %dma_wait3A_810 = tpu.memref_slice %arg17[%dma_wait3A_809] : memref<2048xi32, #tpu.memory_space<vmem>> -> memref<128xi32, #tpu.memory_space<vmem>>
        %dma_wait3A_811 = arith.constant 1664 : i32
        %dma_wait3A_812 = tpu.memref_slice %arg15[%dma_wait3A_811] : memref<2048xi32, #tpu.memory_space<vmem>> -> memref<128xi32, #tpu.memory_space<vmem>>
        %dma_wait3A_813 = arith.constant 0 : i32
        %dma_wait3A_814 = tpu.memref_slice %arg3[%dma_wait3A_813] : memref<4000000xi32, #tpu.memory_space<hbm>> -> memref<4000000xi32, #tpu.memory_space<hbm>>
        tpu.wait_indirect_dma semaphore(%arg19 : memref<!tpu.dma_semaphore, #tpu.memory_space<semaphore_mem>>) src(%dma_wait3A_814 : memref<4000000xi32, #tpu.memory_space<hbm>>) dst(%dma_wait3A_810 : memref<128xi32, #tpu.memory_space<vmem>>)
        %dma_wait3A_815 = arith.constant 1792 : i32
        %dma_wait3A_816 = tpu.memref_slice %arg16[%dma_wait3A_815] : memref<2048xi32, #tpu.memory_space<vmem>> -> memref<128xi32, #tpu.memory_space<vmem>>
        %dma_wait3A_817 = arith.constant 1792 : i32
        %dma_wait3A_818 = tpu.memref_slice %arg15[%dma_wait3A_817] : memref<2048xi32, #tpu.memory_space<vmem>> -> memref<128xi32, #tpu.memory_space<vmem>>
        %dma_wait3A_819 = arith.constant 0 : i32
        %dma_wait3A_820 = tpu.memref_slice %arg2[%dma_wait3A_819] : memref<4000000xi32, #tpu.memory_space<hbm>> -> memref<4000000xi32, #tpu.memory_space<hbm>>
        tpu.wait_indirect_dma semaphore(%arg19 : memref<!tpu.dma_semaphore, #tpu.memory_space<semaphore_mem>>) src(%dma_wait3A_820 : memref<4000000xi32, #tpu.memory_space<hbm>>) dst(%dma_wait3A_816 : memref<128xi32, #tpu.memory_space<vmem>>)
        %dma_wait3A_821 = arith.constant 1792 : i32
        %dma_wait3A_822 = tpu.memref_slice %arg17[%dma_wait3A_821] : memref<2048xi32, #tpu.memory_space<vmem>> -> memref<128xi32, #tpu.memory_space<vmem>>
        %dma_wait3A_823 = arith.constant 1792 : i32
        %dma_wait3A_824 = tpu.memref_slice %arg15[%dma_wait3A_823] : memref<2048xi32, #tpu.memory_space<vmem>> -> memref<128xi32, #tpu.memory_space<vmem>>
        %dma_wait3A_825 = arith.constant 0 : i32
        %dma_wait3A_826 = tpu.memref_slice %arg3[%dma_wait3A_825] : memref<4000000xi32, #tpu.memory_space<hbm>> -> memref<4000000xi32, #tpu.memory_space<hbm>>
        tpu.wait_indirect_dma semaphore(%arg19 : memref<!tpu.dma_semaphore, #tpu.memory_space<semaphore_mem>>) src(%dma_wait3A_826 : memref<4000000xi32, #tpu.memory_space<hbm>>) dst(%dma_wait3A_822 : memref<128xi32, #tpu.memory_space<vmem>>)
        %dma_wait3A_827 = arith.constant 1920 : i32
        %dma_wait3A_828 = tpu.memref_slice %arg16[%dma_wait3A_827] : memref<2048xi32, #tpu.memory_space<vmem>> -> memref<128xi32, #tpu.memory_space<vmem>>
        %dma_wait3A_829 = arith.constant 1920 : i32
        %dma_wait3A_830 = tpu.memref_slice %arg15[%dma_wait3A_829] : memref<2048xi32, #tpu.memory_space<vmem>> -> memref<128xi32, #tpu.memory_space<vmem>>
        %dma_wait3A_831 = arith.constant 0 : i32
        %dma_wait3A_832 = tpu.memref_slice %arg2[%dma_wait3A_831] : memref<4000000xi32, #tpu.memory_space<hbm>> -> memref<4000000xi32, #tpu.memory_space<hbm>>
        tpu.wait_indirect_dma semaphore(%arg19 : memref<!tpu.dma_semaphore, #tpu.memory_space<semaphore_mem>>) src(%dma_wait3A_832 : memref<4000000xi32, #tpu.memory_space<hbm>>) dst(%dma_wait3A_828 : memref<128xi32, #tpu.memory_space<vmem>>)
        %dma_wait3A_833 = arith.constant 1920 : i32
        %dma_wait3A_834 = tpu.memref_slice %arg17[%dma_wait3A_833] : memref<2048xi32, #tpu.memory_space<vmem>> -> memref<128xi32, #tpu.memory_space<vmem>>
        %dma_wait3A_835 = arith.constant 1920 : i32
        %dma_wait3A_836 = tpu.memref_slice %arg15[%dma_wait3A_835] : memref<2048xi32, #tpu.memory_space<vmem>> -> memref<128xi32, #tpu.memory_space<vmem>>
        %dma_wait3A_837 = arith.constant 0 : i32
        %dma_wait3A_838 = tpu.memref_slice %arg3[%dma_wait3A_837] : memref<4000000xi32, #tpu.memory_space<hbm>> -> memref<4000000xi32, #tpu.memory_space<hbm>>
        tpu.wait_indirect_dma semaphore(%arg19 : memref<!tpu.dma_semaphore, #tpu.memory_space<semaphore_mem>>) src(%dma_wait3A_838 : memref<4000000xi32, #tpu.memory_space<hbm>>) dst(%dma_wait3A_834 : memref<128xi32, #tpu.memory_space<vmem>>)
        %while3A_839 = arith.constant 0 : i32
        %while3A_840 = arith.constant 0 : i32
        %while3A_841 = arith.constant 128 : i32
        %while3A_842 = arith.subi %while3A_841, %while3A_840 : i32
        %while3A_843 = arith.addi %while3A_840, %while3A_842 : i32
        %while3A_844 = arith.constant 1 : i32
        %while3A_845 = arith.divsi %while3A_842, %while3A_844 : i32
        %while3A_846 = arith.muli %while3A_845, %while3A_844 : i32
        %while3A_847 = arith.addi %while3A_840, %while3A_846 : i32
        %while3A_848 = arith.constant 1 : i32
        scf.for %while3A_850 = %while3A_840 to %while3A_847 step %while3A_848  : i32 {
          %mul3A_851 = arith.constant 16 : i32
          %mul3A_852 = arith.muli %while3A_850, %mul3A_851 : i32
          %get3A = arith.index_cast %mul3A_852 : i32 to index
          %get3A_853 = tpu.vector_load %arg16[%get3A] {strides = array<i32>} : memref<2048xi32, #tpu.memory_space<vmem>>, vector<16xi32>,
          %get3A_854 = vector.shape_cast %get3A_853 : vector<16xi32> to vector<16xi32>
          %get3A_855 = arith.index_cast %mul3A_852 : i32 to index
          %get3A_856 = tpu.vector_load %arg17[%get3A_855] {strides = array<i32>} : memref<2048xi32, #tpu.memory_space<vmem>>, vector<16xi32>,
          %get3A_857 = vector.shape_cast %get3A_856 : vector<16xi32> to vector<16xi32>
          %get3A_858 = arith.index_cast %mul3A_852 : i32 to index
          %get3A_859 = tpu.vector_load %arg11[%get3A_858] {strides = array<i32>} : memref<2048xi32, #tpu.memory_space<vmem>>, vector<16xi32>,
          %get3A_860 = vector.shape_cast %get3A_859 : vector<16xi32> to vector<16xi32>
          %get3A_861 = arith.index_cast %mul3A_852 : i32 to index
          %get3A_862 = tpu.vector_load %arg12[%get3A_861] {strides = array<i32>} : memref<2048xi32, #tpu.memory_space<vmem>>, vector<16xi32>,
          %get3A_863 = vector.shape_cast %get3A_862 : vector<16xi32> to vector<16xi32>
          %lt3A = arith.cmpi slt, %get3A_854, %get3A_860 : vector<16xi32>
          %eq3A = arith.cmpi eq, %get3A_854, %get3A_860 : vector<16xi32>
          %le3A = arith.cmpi sle, %get3A_857, %get3A_863 : vector<16xi32>
          %and3A = arith.andi %eq3A, %le3A : vector<16xi1>
          %or3A = arith.ori %lt3A, %and3A : vector<16xi1>
          %get3A_864 = arith.index_cast %mul3A_852 : i32 to index
          %get3A_865 = tpu.vector_load %arg13[%get3A_864] {strides = array<i32>} : memref<2048xi32, #tpu.memory_space<vmem>>, vector<16xi32>,
          %get3A_866 = vector.shape_cast %get3A_865 : vector<16xi32> to vector<16xi32>
          %get3A_867 = arith.index_cast %mul3A_852 : i32 to index
          %get3A_868 = tpu.vector_load %arg14[%get3A_867] {strides = array<i32>} : memref<2048xi32, #tpu.memory_space<vmem>>, vector<16xi32>,
          %get3A_869 = vector.shape_cast %get3A_868 : vector<16xi32> to vector<16xi32>
          %add3A_870 = arith.addi %get3A_866, %get3A_869 : vector<16xi32>
          %shift_right_arithmetic3A = arith.constant 1 : i32
          %shift_right_arithmetic3A_871 = vector.broadcast %shift_right_arithmetic3A : i32 to vector<16xi32>
          %shift_right_arithmetic3A_872 = arith.shrsi %add3A_870, %shift_right_arithmetic3A_871 : vector<16xi32>
          %add3A_873 = arith.constant 1 : i32
          %add3A_874 = vector.broadcast %add3A_873 : i32 to vector<16xi32>
          %add3A_875 = arith.addi %shift_right_arithmetic3A_872, %add3A_874 : vector<16xi32>
          %get3A_876 = arith.index_cast %mul3A_852 : i32 to index
          %get3A_877 = tpu.vector_load %arg13[%get3A_876] {strides = array<i32>} : memref<2048xi32, #tpu.memory_space<vmem>>, vector<16xi32>,
          %get3A_878 = vector.shape_cast %get3A_877 : vector<16xi32> to vector<16xi32>
          %select_n3A = arith.select %or3A, %add3A_875, %get3A_878 : vector<16xi1>, vector<16xi32>
          %swap3A = arith.index_cast %mul3A_852 : i32 to index
          %swap3A_879 = tpu.vector_load %arg13[%swap3A] {strides = array<i32>} : memref<2048xi32, #tpu.memory_space<vmem>>, vector<16xi32>,
          %swap3A_880 = vector.shape_cast %swap3A_879 : vector<16xi32> to vector<16xi32>
          %swap3A_881 = vector.shape_cast %select_n3A : vector<16xi32> to vector<16xi32>
          tpu.vector_store %arg13[%swap3A], %swap3A_881 {strides = array<i32>} : memref<2048xi32, #tpu.memory_space<vmem>>, vector<16xi32>,
          %get3A_882 = arith.index_cast %mul3A_852 : i32 to index
          %get3A_883 = tpu.vector_load %arg14[%get3A_882] {strides = array<i32>} : memref<2048xi32, #tpu.memory_space<vmem>>, vector<16xi32>,
          %get3A_884 = vector.shape_cast %get3A_883 : vector<16xi32> to vector<16xi32>
          %select_n3A_885 = arith.select %or3A, %get3A_884, %shift_right_arithmetic3A_872 : vector<16xi1>, vector<16xi32>
          %swap3A_886 = arith.index_cast %mul3A_852 : i32 to index
          %swap3A_887 = tpu.vector_load %arg14[%swap3A_886] {strides = array<i32>} : memref<2048xi32, #tpu.memory_space<vmem>>, vector<16xi32>,
          %swap3A_888 = vector.shape_cast %swap3A_887 : vector<16xi32> to vector<16xi32>
          %swap3A_889 = vector.shape_cast %select_n3A_885 : vector<16xi32> to vector<16xi32>
          tpu.vector_store %arg14[%swap3A_886], %swap3A_889 {strides = array<i32>} : memref<2048xi32, #tpu.memory_space<vmem>>, vector<16xi32>,
        }
        %while3A_849 = arith.constant 1 : i32
        scf.for %while3A_850 = %while3A_847 to %while3A_843 step %while3A_849  : i32 {
          %mul3A_851 = arith.constant 16 : i32
          %mul3A_852 = arith.muli %while3A_850, %mul3A_851 : i32
          %get3A = arith.index_cast %mul3A_852 : i32 to index
          %get3A_853 = tpu.vector_load %arg16[%get3A] {strides = array<i32>} : memref<2048xi32, #tpu.memory_space<vmem>>, vector<16xi32>,
          %get3A_854 = vector.shape_cast %get3A_853 : vector<16xi32> to vector<16xi32>
          %get3A_855 = arith.index_cast %mul3A_852 : i32 to index
          %get3A_856 = tpu.vector_load %arg17[%get3A_855] {strides = array<i32>} : memref<2048xi32, #tpu.memory_space<vmem>>, vector<16xi32>,
          %get3A_857 = vector.shape_cast %get3A_856 : vector<16xi32> to vector<16xi32>
          %get3A_858 = arith.index_cast %mul3A_852 : i32 to index
          %get3A_859 = tpu.vector_load %arg11[%get3A_858] {strides = array<i32>} : memref<2048xi32, #tpu.memory_space<vmem>>, vector<16xi32>,
          %get3A_860 = vector.shape_cast %get3A_859 : vector<16xi32> to vector<16xi32>
          %get3A_861 = arith.index_cast %mul3A_852 : i32 to index
          %get3A_862 = tpu.vector_load %arg12[%get3A_861] {strides = array<i32>} : memref<2048xi32, #tpu.memory_space<vmem>>, vector<16xi32>,
          %get3A_863 = vector.shape_cast %get3A_862 : vector<16xi32> to vector<16xi32>
          %lt3A = arith.cmpi slt, %get3A_854, %get3A_860 : vector<16xi32>
          %eq3A = arith.cmpi eq, %get3A_854, %get3A_860 : vector<16xi32>
          %le3A = arith.cmpi sle, %get3A_857, %get3A_863 : vector<16xi32>
          %and3A = arith.andi %eq3A, %le3A : vector<16xi1>
          %or3A = arith.ori %lt3A, %and3A : vector<16xi1>
          %get3A_864 = arith.index_cast %mul3A_852 : i32 to index
          %get3A_865 = tpu.vector_load %arg13[%get3A_864] {strides = array<i32>} : memref<2048xi32, #tpu.memory_space<vmem>>, vector<16xi32>,
          %get3A_866 = vector.shape_cast %get3A_865 : vector<16xi32> to vector<16xi32>
          %get3A_867 = arith.index_cast %mul3A_852 : i32 to index
          %get3A_868 = tpu.vector_load %arg14[%get3A_867] {strides = array<i32>} : memref<2048xi32, #tpu.memory_space<vmem>>, vector<16xi32>,
          %get3A_869 = vector.shape_cast %get3A_868 : vector<16xi32> to vector<16xi32>
          %add3A_870 = arith.addi %get3A_866, %get3A_869 : vector<16xi32>
          %shift_right_arithmetic3A = arith.constant 1 : i32
          %shift_right_arithmetic3A_871 = vector.broadcast %shift_right_arithmetic3A : i32 to vector<16xi32>
          %shift_right_arithmetic3A_872 = arith.shrsi %add3A_870, %shift_right_arithmetic3A_871 : vector<16xi32>
          %add3A_873 = arith.constant 1 : i32
          %add3A_874 = vector.broadcast %add3A_873 : i32 to vector<16xi32>
          %add3A_875 = arith.addi %shift_right_arithmetic3A_872, %add3A_874 : vector<16xi32>
          %get3A_876 = arith.index_cast %mul3A_852 : i32 to index
          %get3A_877 = tpu.vector_load %arg13[%get3A_876] {strides = array<i32>} : memref<2048xi32, #tpu.memory_space<vmem>>, vector<16xi32>,
          %get3A_878 = vector.shape_cast %get3A_877 : vector<16xi32> to vector<16xi32>
          %select_n3A = arith.select %or3A, %add3A_875, %get3A_878 : vector<16xi1>, vector<16xi32>
          %swap3A = arith.index_cast %mul3A_852 : i32 to index
          %swap3A_879 = tpu.vector_load %arg13[%swap3A] {strides = array<i32>} : memref<2048xi32, #tpu.memory_space<vmem>>, vector<16xi32>,
          %swap3A_880 = vector.shape_cast %swap3A_879 : vector<16xi32> to vector<16xi32>
          %swap3A_881 = vector.shape_cast %select_n3A : vector<16xi32> to vector<16xi32>
          tpu.vector_store %arg13[%swap3A], %swap3A_881 {strides = array<i32>} : memref<2048xi32, #tpu.memory_space<vmem>>, vector<16xi32>,
          %get3A_882 = arith.index_cast %mul3A_852 : i32 to index
          %get3A_883 = tpu.vector_load %arg14[%get3A_882] {strides = array<i32>} : memref<2048xi32, #tpu.memory_space<vmem>>, vector<16xi32>,
          %get3A_884 = vector.shape_cast %get3A_883 : vector<16xi32> to vector<16xi32>
          %select_n3A_885 = arith.select %or3A, %get3A_884, %shift_right_arithmetic3A_872 : vector<16xi1>, vector<16xi32>
          %swap3A_886 = arith.index_cast %mul3A_852 : i32 to index
          %swap3A_887 = tpu.vector_load %arg14[%swap3A_886] {strides = array<i32>} : memref<2048xi32, #tpu.memory_space<vmem>>, vector<16xi32>,
          %swap3A_888 = vector.shape_cast %swap3A_887 : vector<16xi32> to vector<16xi32>
          %swap3A_889 = vector.shape_cast %select_n3A_885 : vector<16xi32> to vector<16xi32>
          tpu.vector_store %arg14[%swap3A_886], %swap3A_889 {strides = array<i32>} : memref<2048xi32, #tpu.memory_space<vmem>>, vector<16xi32>,
        }
      }
      %while3A_39 = arith.constant 0 : i32
      %while3A_40 = arith.constant 0 : i32
      %while3A_41 = arith.constant 128 : i32
      %while3A_42 = arith.subi %while3A_41, %while3A_40 : i32
      %while3A_43 = arith.addi %while3A_40, %while3A_42 : i32
      %while3A_44 = arith.constant 1 : i32
      %while3A_45 = arith.divsi %while3A_42, %while3A_44 : i32
      %while3A_46 = arith.muli %while3A_45, %while3A_44 : i32
      %while3A_47 = arith.addi %while3A_40, %while3A_46 : i32
      %while3A_48 = arith.constant 1 : i32
      scf.for %while3A_443 = %while3A_40 to %while3A_47 step %while3A_48  : i32 {
        %mul3A_444 = arith.constant 16 : i32
        %mul3A_445 = arith.muli %while3A_443, %mul3A_444 : i32
        %get3A = arith.index_cast %mul3A_445 : i32 to index
        %get3A_446 = tpu.vector_load %arg13[%get3A] {strides = array<i32>} : memref<2048xi32, #tpu.memory_space<vmem>>, vector<16xi32>,
        %get3A_447 = vector.shape_cast %get3A_446 : vector<16xi32> to vector<16xi32>
        %sub3A = arith.constant 1 : i32
        %sub3A_448 = vector.broadcast %sub3A : i32 to vector<16xi32>
        %sub3A_449 = arith.subi %get3A_447, %sub3A_448 : vector<16xi32>
        %max3A = arith.constant 0 : i32
        %max3A_450 = vector.broadcast %max3A : i32 to vector<16xi32>
        %max3A_451 = arith.maxsi %sub3A_449, %max3A_450 : vector<16xi32>
        %swap3A = arith.index_cast %mul3A_445 : i32 to index
        %swap3A_452 = tpu.vector_load %arg15[%swap3A] {strides = array<i32>} : memref<2048xi32, #tpu.memory_space<vmem>>, vector<16xi32>,
        %swap3A_453 = vector.shape_cast %swap3A_452 : vector<16xi32> to vector<16xi32>
        %swap3A_454 = vector.shape_cast %max3A_451 : vector<16xi32> to vector<16xi32>
        tpu.vector_store %arg15[%swap3A], %swap3A_454 {strides = array<i32>} : memref<2048xi32, #tpu.memory_space<vmem>>, vector<16xi32>,
      }
      %while3A_49 = arith.constant 1 : i32
      scf.for %while3A_443 = %while3A_47 to %while3A_43 step %while3A_49  : i32 {
        %mul3A_444 = arith.constant 16 : i32
        %mul3A_445 = arith.muli %while3A_443, %mul3A_444 : i32
        %get3A = arith.index_cast %mul3A_445 : i32 to index
        %get3A_446 = tpu.vector_load %arg13[%get3A] {strides = array<i32>} : memref<2048xi32, #tpu.memory_space<vmem>>, vector<16xi32>,
        %get3A_447 = vector.shape_cast %get3A_446 : vector<16xi32> to vector<16xi32>
        %sub3A = arith.constant 1 : i32
        %sub3A_448 = vector.broadcast %sub3A : i32 to vector<16xi32>
        %sub3A_449 = arith.subi %get3A_447, %sub3A_448 : vector<16xi32>
        %max3A = arith.constant 0 : i32
        %max3A_450 = vector.broadcast %max3A : i32 to vector<16xi32>
        %max3A_451 = arith.maxsi %sub3A_449, %max3A_450 : vector<16xi32>
        %swap3A = arith.index_cast %mul3A_445 : i32 to index
        %swap3A_452 = tpu.vector_load %arg15[%swap3A] {strides = array<i32>} : memref<2048xi32, #tpu.memory_space<vmem>>, vector<16xi32>,
        %swap3A_453 = vector.shape_cast %swap3A_452 : vector<16xi32> to vector<16xi32>
        %swap3A_454 = vector.shape_cast %max3A_451 : vector<16xi32> to vector<16xi32>
        tpu.vector_store %arg15[%swap3A], %swap3A_454 {strides = array<i32>} : memref<2048xi32, #tpu.memory_space<vmem>>, vector<16xi32>,
      }
      %dma_start3A = arith.constant 0 : i32
      %dma_start3A_50 = tpu.memref_slice %arg16[%dma_start3A] : memref<2048xi32, #tpu.memory_space<vmem>> -> memref<128xi32, #tpu.memory_space<vmem>>
      %dma_start3A_51 = arith.constant 0 : i32
      %dma_start3A_52 = tpu.memref_slice %arg15[%dma_start3A_51] : memref<2048xi32, #tpu.memory_space<vmem>> -> memref<128xi32, #tpu.memory_space<vmem>>
      %dma_start3A_53 = arith.constant 0 : i32
      %dma_start3A_54 = tpu.memref_slice %arg2[%dma_start3A_53] : memref<4000000xi32, #tpu.memory_space<hbm>> -> memref<4000000xi32, #tpu.memory_space<hbm>>
      tpu.enqueue_indirect_dma source(%dma_start3A_54 : memref<4000000xi32, #tpu.memory_space<hbm>>) target(%dma_start3A_50 : memref<128xi32, #tpu.memory_space<vmem>>) offsets(%dma_start3A_52 : memref<128xi32, #tpu.memory_space<vmem>>) semaphore(%arg19 : memref<!tpu.dma_semaphore, #tpu.memory_space<semaphore_mem>>)
      %dma_start3A_55 = arith.constant 0 : i32
      %dma_start3A_56 = tpu.memref_slice %arg17[%dma_start3A_55] : memref<2048xi32, #tpu.memory_space<vmem>> -> memref<128xi32, #tpu.memory_space<vmem>>
      %dma_start3A_57 = arith.constant 0 : i32
      %dma_start3A_58 = tpu.memref_slice %arg15[%dma_start3A_57] : memref<2048xi32, #tpu.memory_space<vmem>> -> memref<128xi32, #tpu.memory_space<vmem>>
      %dma_start3A_59 = arith.constant 0 : i32
      %dma_start3A_60 = tpu.memref_slice %arg3[%dma_start3A_59] : memref<4000000xi32, #tpu.memory_space<hbm>> -> memref<4000000xi32, #tpu.memory_space<hbm>>
      tpu.enqueue_indirect_dma source(%dma_start3A_60 : memref<4000000xi32, #tpu.memory_space<hbm>>) target(%dma_start3A_56 : memref<128xi32, #tpu.memory_space<vmem>>) offsets(%dma_start3A_58 : memref<128xi32, #tpu.memory_space<vmem>>) semaphore(%arg19 : memref<!tpu.dma_semaphore, #tpu.memory_space<semaphore_mem>>)
      %dma_start3A_61 = arith.constant 128 : i32
      %dma_start3A_62 = tpu.memref_slice %arg16[%dma_start3A_61] : memref<2048xi32, #tpu.memory_space<vmem>> -> memref<128xi32, #tpu.memory_space<vmem>>
      %dma_start3A_63 = arith.constant 128 : i32
      %dma_start3A_64 = tpu.memref_slice %arg15[%dma_start3A_63] : memref<2048xi32, #tpu.memory_space<vmem>> -> memref<128xi32, #tpu.memory_space<vmem>>
      %dma_start3A_65 = arith.constant 0 : i32
      %dma_start3A_66 = tpu.memref_slice %arg2[%dma_start3A_65] : memref<4000000xi32, #tpu.memory_space<hbm>> -> memref<4000000xi32, #tpu.memory_space<hbm>>
      tpu.enqueue_indirect_dma source(%dma_start3A_66 : memref<4000000xi32, #tpu.memory_space<hbm>>) target(%dma_start3A_62 : memref<128xi32, #tpu.memory_space<vmem>>) offsets(%dma_start3A_64 : memref<128xi32, #tpu.memory_space<vmem>>) semaphore(%arg19 : memref<!tpu.dma_semaphore, #tpu.memory_space<semaphore_mem>>)
      %dma_start3A_67 = arith.constant 128 : i32
      %dma_start3A_68 = tpu.memref_slice %arg17[%dma_start3A_67] : memref<2048xi32, #tpu.memory_space<vmem>> -> memref<128xi32, #tpu.memory_space<vmem>>
      %dma_start3A_69 = arith.constant 128 : i32
      %dma_start3A_70 = tpu.memref_slice %arg15[%dma_start3A_69] : memref<2048xi32, #tpu.memory_space<vmem>> -> memref<128xi32, #tpu.memory_space<vmem>>
      %dma_start3A_71 = arith.constant 0 : i32
      %dma_start3A_72 = tpu.memref_slice %arg3[%dma_start3A_71] : memref<4000000xi32, #tpu.memory_space<hbm>> -> memref<4000000xi32, #tpu.memory_space<hbm>>
      tpu.enqueue_indirect_dma source(%dma_start3A_72 : memref<4000000xi32, #tpu.memory_space<hbm>>) target(%dma_start3A_68 : memref<128xi32, #tpu.memory_space<vmem>>) offsets(%dma_start3A_70 : memref<128xi32, #tpu.memory_space<vmem>>) semaphore(%arg19 : memref<!tpu.dma_semaphore, #tpu.memory_space<semaphore_mem>>)
      %dma_start3A_73 = arith.constant 256 : i32
      %dma_start3A_74 = tpu.memref_slice %arg16[%dma_start3A_73] : memref<2048xi32, #tpu.memory_space<vmem>> -> memref<128xi32, #tpu.memory_space<vmem>>
      %dma_start3A_75 = arith.constant 256 : i32
      %dma_start3A_76 = tpu.memref_slice %arg15[%dma_start3A_75] : memref<2048xi32, #tpu.memory_space<vmem>> -> memref<128xi32, #tpu.memory_space<vmem>>
      %dma_start3A_77 = arith.constant 0 : i32
      %dma_start3A_78 = tpu.memref_slice %arg2[%dma_start3A_77] : memref<4000000xi32, #tpu.memory_space<hbm>> -> memref<4000000xi32, #tpu.memory_space<hbm>>
      tpu.enqueue_indirect_dma source(%dma_start3A_78 : memref<4000000xi32, #tpu.memory_space<hbm>>) target(%dma_start3A_74 : memref<128xi32, #tpu.memory_space<vmem>>) offsets(%dma_start3A_76 : memref<128xi32, #tpu.memory_space<vmem>>) semaphore(%arg19 : memref<!tpu.dma_semaphore, #tpu.memory_space<semaphore_mem>>)
      %dma_start3A_79 = arith.constant 256 : i32
      %dma_start3A_80 = tpu.memref_slice %arg17[%dma_start3A_79] : memref<2048xi32, #tpu.memory_space<vmem>> -> memref<128xi32, #tpu.memory_space<vmem>>
      %dma_start3A_81 = arith.constant 256 : i32
      %dma_start3A_82 = tpu.memref_slice %arg15[%dma_start3A_81] : memref<2048xi32, #tpu.memory_space<vmem>> -> memref<128xi32, #tpu.memory_space<vmem>>
      %dma_start3A_83 = arith.constant 0 : i32
      %dma_start3A_84 = tpu.memref_slice %arg3[%dma_start3A_83] : memref<4000000xi32, #tpu.memory_space<hbm>> -> memref<4000000xi32, #tpu.memory_space<hbm>>
      tpu.enqueue_indirect_dma source(%dma_start3A_84 : memref<4000000xi32, #tpu.memory_space<hbm>>) target(%dma_start3A_80 : memref<128xi32, #tpu.memory_space<vmem>>) offsets(%dma_start3A_82 : memref<128xi32, #tpu.memory_space<vmem>>) semaphore(%arg19 : memref<!tpu.dma_semaphore, #tpu.memory_space<semaphore_mem>>)
      %dma_start3A_85 = arith.constant 384 : i32
      %dma_start3A_86 = tpu.memref_slice %arg16[%dma_start3A_85] : memref<2048xi32, #tpu.memory_space<vmem>> -> memref<128xi32, #tpu.memory_space<vmem>>
      %dma_start3A_87 = arith.constant 384 : i32
      %dma_start3A_88 = tpu.memref_slice %arg15[%dma_start3A_87] : memref<2048xi32, #tpu.memory_space<vmem>> -> memref<128xi32, #tpu.memory_space<vmem>>
      %dma_start3A_89 = arith.constant 0 : i32
      %dma_start3A_90 = tpu.memref_slice %arg2[%dma_start3A_89] : memref<4000000xi32, #tpu.memory_space<hbm>> -> memref<4000000xi32, #tpu.memory_space<hbm>>
      tpu.enqueue_indirect_dma source(%dma_start3A_90 : memref<4000000xi32, #tpu.memory_space<hbm>>) target(%dma_start3A_86 : memref<128xi32, #tpu.memory_space<vmem>>) offsets(%dma_start3A_88 : memref<128xi32, #tpu.memory_space<vmem>>) semaphore(%arg19 : memref<!tpu.dma_semaphore, #tpu.memory_space<semaphore_mem>>)
      %dma_start3A_91 = arith.constant 384 : i32
      %dma_start3A_92 = tpu.memref_slice %arg17[%dma_start3A_91] : memref<2048xi32, #tpu.memory_space<vmem>> -> memref<128xi32, #tpu.memory_space<vmem>>
      %dma_start3A_93 = arith.constant 384 : i32
      %dma_start3A_94 = tpu.memref_slice %arg15[%dma_start3A_93] : memref<2048xi32, #tpu.memory_space<vmem>> -> memref<128xi32, #tpu.memory_space<vmem>>
      %dma_start3A_95 = arith.constant 0 : i32
      %dma_start3A_96 = tpu.memref_slice %arg3[%dma_start3A_95] : memref<4000000xi32, #tpu.memory_space<hbm>> -> memref<4000000xi32, #tpu.memory_space<hbm>>
      tpu.enqueue_indirect_dma source(%dma_start3A_96 : memref<4000000xi32, #tpu.memory_space<hbm>>) target(%dma_start3A_92 : memref<128xi32, #tpu.memory_space<vmem>>) offsets(%dma_start3A_94 : memref<128xi32, #tpu.memory_space<vmem>>) semaphore(%arg19 : memref<!tpu.dma_semaphore, #tpu.memory_space<semaphore_mem>>)
      %dma_start3A_97 = arith.constant 512 : i32
      %dma_start3A_98 = tpu.memref_slice %arg16[%dma_start3A_97] : memref<2048xi32, #tpu.memory_space<vmem>> -> memref<128xi32, #tpu.memory_space<vmem>>
      %dma_start3A_99 = arith.constant 512 : i32
      %dma_start3A_100 = tpu.memref_slice %arg15[%dma_start3A_99] : memref<2048xi32, #tpu.memory_space<vmem>> -> memref<128xi32, #tpu.memory_space<vmem>>
      %dma_start3A_101 = arith.constant 0 : i32
      %dma_start3A_102 = tpu.memref_slice %arg2[%dma_start3A_101] : memref<4000000xi32, #tpu.memory_space<hbm>> -> memref<4000000xi32, #tpu.memory_space<hbm>>
      tpu.enqueue_indirect_dma source(%dma_start3A_102 : memref<4000000xi32, #tpu.memory_space<hbm>>) target(%dma_start3A_98 : memref<128xi32, #tpu.memory_space<vmem>>) offsets(%dma_start3A_100 : memref<128xi32, #tpu.memory_space<vmem>>) semaphore(%arg19 : memref<!tpu.dma_semaphore, #tpu.memory_space<semaphore_mem>>)
      %dma_start3A_103 = arith.constant 512 : i32
      %dma_start3A_104 = tpu.memref_slice %arg17[%dma_start3A_103] : memref<2048xi32, #tpu.memory_space<vmem>> -> memref<128xi32, #tpu.memory_space<vmem>>
      %dma_start3A_105 = arith.constant 512 : i32
      %dma_start3A_106 = tpu.memref_slice %arg15[%dma_start3A_105] : memref<2048xi32, #tpu.memory_space<vmem>> -> memref<128xi32, #tpu.memory_space<vmem>>
      %dma_start3A_107 = arith.constant 0 : i32
      %dma_start3A_108 = tpu.memref_slice %arg3[%dma_start3A_107] : memref<4000000xi32, #tpu.memory_space<hbm>> -> memref<4000000xi32, #tpu.memory_space<hbm>>
      tpu.enqueue_indirect_dma source(%dma_start3A_108 : memref<4000000xi32, #tpu.memory_space<hbm>>) target(%dma_start3A_104 : memref<128xi32, #tpu.memory_space<vmem>>) offsets(%dma_start3A_106 : memref<128xi32, #tpu.memory_space<vmem>>) semaphore(%arg19 : memref<!tpu.dma_semaphore, #tpu.memory_space<semaphore_mem>>)
      %dma_start3A_109 = arith.constant 640 : i32
      %dma_start3A_110 = tpu.memref_slice %arg16[%dma_start3A_109] : memref<2048xi32, #tpu.memory_space<vmem>> -> memref<128xi32, #tpu.memory_space<vmem>>
      %dma_start3A_111 = arith.constant 640 : i32
      %dma_start3A_112 = tpu.memref_slice %arg15[%dma_start3A_111] : memref<2048xi32, #tpu.memory_space<vmem>> -> memref<128xi32, #tpu.memory_space<vmem>>
      %dma_start3A_113 = arith.constant 0 : i32
      %dma_start3A_114 = tpu.memref_slice %arg2[%dma_start3A_113] : memref<4000000xi32, #tpu.memory_space<hbm>> -> memref<4000000xi32, #tpu.memory_space<hbm>>
      tpu.enqueue_indirect_dma source(%dma_start3A_114 : memref<4000000xi32, #tpu.memory_space<hbm>>) target(%dma_start3A_110 : memref<128xi32, #tpu.memory_space<vmem>>) offsets(%dma_start3A_112 : memref<128xi32, #tpu.memory_space<vmem>>) semaphore(%arg19 : memref<!tpu.dma_semaphore, #tpu.memory_space<semaphore_mem>>)
      %dma_start3A_115 = arith.constant 640 : i32
      %dma_start3A_116 = tpu.memref_slice %arg17[%dma_start3A_115] : memref<2048xi32, #tpu.memory_space<vmem>> -> memref<128xi32, #tpu.memory_space<vmem>>
      %dma_start3A_117 = arith.constant 640 : i32
      %dma_start3A_118 = tpu.memref_slice %arg15[%dma_start3A_117] : memref<2048xi32, #tpu.memory_space<vmem>> -> memref<128xi32, #tpu.memory_space<vmem>>
      %dma_start3A_119 = arith.constant 0 : i32
      %dma_start3A_120 = tpu.memref_slice %arg3[%dma_start3A_119] : memref<4000000xi32, #tpu.memory_space<hbm>> -> memref<4000000xi32, #tpu.memory_space<hbm>>
      tpu.enqueue_indirect_dma source(%dma_start3A_120 : memref<4000000xi32, #tpu.memory_space<hbm>>) target(%dma_start3A_116 : memref<128xi32, #tpu.memory_space<vmem>>) offsets(%dma_start3A_118 : memref<128xi32, #tpu.memory_space<vmem>>) semaphore(%arg19 : memref<!tpu.dma_semaphore, #tpu.memory_space<semaphore_mem>>)
      %dma_start3A_121 = arith.constant 768 : i32
      %dma_start3A_122 = tpu.memref_slice %arg16[%dma_start3A_121] : memref<2048xi32, #tpu.memory_space<vmem>> -> memref<128xi32, #tpu.memory_space<vmem>>
      %dma_start3A_123 = arith.constant 768 : i32
      %dma_start3A_124 = tpu.memref_slice %arg15[%dma_start3A_123] : memref<2048xi32, #tpu.memory_space<vmem>> -> memref<128xi32, #tpu.memory_space<vmem>>
      %dma_start3A_125 = arith.constant 0 : i32
      %dma_start3A_126 = tpu.memref_slice %arg2[%dma_start3A_125] : memref<4000000xi32, #tpu.memory_space<hbm>> -> memref<4000000xi32, #tpu.memory_space<hbm>>
      tpu.enqueue_indirect_dma source(%dma_start3A_126 : memref<4000000xi32, #tpu.memory_space<hbm>>) target(%dma_start3A_122 : memref<128xi32, #tpu.memory_space<vmem>>) offsets(%dma_start3A_124 : memref<128xi32, #tpu.memory_space<vmem>>) semaphore(%arg19 : memref<!tpu.dma_semaphore, #tpu.memory_space<semaphore_mem>>)
      %dma_start3A_127 = arith.constant 768 : i32
      %dma_start3A_128 = tpu.memref_slice %arg17[%dma_start3A_127] : memref<2048xi32, #tpu.memory_space<vmem>> -> memref<128xi32, #tpu.memory_space<vmem>>
      %dma_start3A_129 = arith.constant 768 : i32
      %dma_start3A_130 = tpu.memref_slice %arg15[%dma_start3A_129] : memref<2048xi32, #tpu.memory_space<vmem>> -> memref<128xi32, #tpu.memory_space<vmem>>
      %dma_start3A_131 = arith.constant 0 : i32
      %dma_start3A_132 = tpu.memref_slice %arg3[%dma_start3A_131] : memref<4000000xi32, #tpu.memory_space<hbm>> -> memref<4000000xi32, #tpu.memory_space<hbm>>
      tpu.enqueue_indirect_dma source(%dma_start3A_132 : memref<4000000xi32, #tpu.memory_space<hbm>>) target(%dma_start3A_128 : memref<128xi32, #tpu.memory_space<vmem>>) offsets(%dma_start3A_130 : memref<128xi32, #tpu.memory_space<vmem>>) semaphore(%arg19 : memref<!tpu.dma_semaphore, #tpu.memory_space<semaphore_mem>>)
      %dma_start3A_133 = arith.constant 896 : i32
      %dma_start3A_134 = tpu.memref_slice %arg16[%dma_start3A_133] : memref<2048xi32, #tpu.memory_space<vmem>> -> memref<128xi32, #tpu.memory_space<vmem>>
      %dma_start3A_135 = arith.constant 896 : i32
      %dma_start3A_136 = tpu.memref_slice %arg15[%dma_start3A_135] : memref<2048xi32, #tpu.memory_space<vmem>> -> memref<128xi32, #tpu.memory_space<vmem>>
      %dma_start3A_137 = arith.constant 0 : i32
      %dma_start3A_138 = tpu.memref_slice %arg2[%dma_start3A_137] : memref<4000000xi32, #tpu.memory_space<hbm>> -> memref<4000000xi32, #tpu.memory_space<hbm>>
      tpu.enqueue_indirect_dma source(%dma_start3A_138 : memref<4000000xi32, #tpu.memory_space<hbm>>) target(%dma_start3A_134 : memref<128xi32, #tpu.memory_space<vmem>>) offsets(%dma_start3A_136 : memref<128xi32, #tpu.memory_space<vmem>>) semaphore(%arg19 : memref<!tpu.dma_semaphore, #tpu.memory_space<semaphore_mem>>)
      %dma_start3A_139 = arith.constant 896 : i32
      %dma_start3A_140 = tpu.memref_slice %arg17[%dma_start3A_139] : memref<2048xi32, #tpu.memory_space<vmem>> -> memref<128xi32, #tpu.memory_space<vmem>>
      %dma_start3A_141 = arith.constant 896 : i32
      %dma_start3A_142 = tpu.memref_slice %arg15[%dma_start3A_141] : memref<2048xi32, #tpu.memory_space<vmem>> -> memref<128xi32, #tpu.memory_space<vmem>>
      %dma_start3A_143 = arith.constant 0 : i32
      %dma_start3A_144 = tpu.memref_slice %arg3[%dma_start3A_143] : memref<4000000xi32, #tpu.memory_space<hbm>> -> memref<4000000xi32, #tpu.memory_space<hbm>>
      tpu.enqueue_indirect_dma source(%dma_start3A_144 : memref<4000000xi32, #tpu.memory_space<hbm>>) target(%dma_start3A_140 : memref<128xi32, #tpu.memory_space<vmem>>) offsets(%dma_start3A_142 : memref<128xi32, #tpu.memory_space<vmem>>) semaphore(%arg19 : memref<!tpu.dma_semaphore, #tpu.memory_space<semaphore_mem>>)
      %dma_start3A_145 = arith.constant 1024 : i32
      %dma_start3A_146 = tpu.memref_slice %arg16[%dma_start3A_145] : memref<2048xi32, #tpu.memory_space<vmem>> -> memref<128xi32, #tpu.memory_space<vmem>>
      %dma_start3A_147 = arith.constant 1024 : i32
      %dma_start3A_148 = tpu.memref_slice %arg15[%dma_start3A_147] : memref<2048xi32, #tpu.memory_space<vmem>> -> memref<128xi32, #tpu.memory_space<vmem>>
      %dma_start3A_149 = arith.constant 0 : i32
      %dma_start3A_150 = tpu.memref_slice %arg2[%dma_start3A_149] : memref<4000000xi32, #tpu.memory_space<hbm>> -> memref<4000000xi32, #tpu.memory_space<hbm>>
      tpu.enqueue_indirect_dma source(%dma_start3A_150 : memref<4000000xi32, #tpu.memory_space<hbm>>) target(%dma_start3A_146 : memref<128xi32, #tpu.memory_space<vmem>>) offsets(%dma_start3A_148 : memref<128xi32, #tpu.memory_space<vmem>>) semaphore(%arg19 : memref<!tpu.dma_semaphore, #tpu.memory_space<semaphore_mem>>)
      %dma_start3A_151 = arith.constant 1024 : i32
      %dma_start3A_152 = tpu.memref_slice %arg17[%dma_start3A_151] : memref<2048xi32, #tpu.memory_space<vmem>> -> memref<128xi32, #tpu.memory_space<vmem>>
      %dma_start3A_153 = arith.constant 1024 : i32
      %dma_start3A_154 = tpu.memref_slice %arg15[%dma_start3A_153] : memref<2048xi32, #tpu.memory_space<vmem>> -> memref<128xi32, #tpu.memory_space<vmem>>
      %dma_start3A_155 = arith.constant 0 : i32
      %dma_start3A_156 = tpu.memref_slice %arg3[%dma_start3A_155] : memref<4000000xi32, #tpu.memory_space<hbm>> -> memref<4000000xi32, #tpu.memory_space<hbm>>
      tpu.enqueue_indirect_dma source(%dma_start3A_156 : memref<4000000xi32, #tpu.memory_space<hbm>>) target(%dma_start3A_152 : memref<128xi32, #tpu.memory_space<vmem>>) offsets(%dma_start3A_154 : memref<128xi32, #tpu.memory_space<vmem>>) semaphore(%arg19 : memref<!tpu.dma_semaphore, #tpu.memory_space<semaphore_mem>>)
      %dma_start3A_157 = arith.constant 1152 : i32
      %dma_start3A_158 = tpu.memref_slice %arg16[%dma_start3A_157] : memref<2048xi32, #tpu.memory_space<vmem>> -> memref<128xi32, #tpu.memory_space<vmem>>
      %dma_start3A_159 = arith.constant 1152 : i32
      %dma_start3A_160 = tpu.memref_slice %arg15[%dma_start3A_159] : memref<2048xi32, #tpu.memory_space<vmem>> -> memref<128xi32, #tpu.memory_space<vmem>>
      %dma_start3A_161 = arith.constant 0 : i32
      %dma_start3A_162 = tpu.memref_slice %arg2[%dma_start3A_161] : memref<4000000xi32, #tpu.memory_space<hbm>> -> memref<4000000xi32, #tpu.memory_space<hbm>>
      tpu.enqueue_indirect_dma source(%dma_start3A_162 : memref<4000000xi32, #tpu.memory_space<hbm>>) target(%dma_start3A_158 : memref<128xi32, #tpu.memory_space<vmem>>) offsets(%dma_start3A_160 : memref<128xi32, #tpu.memory_space<vmem>>) semaphore(%arg19 : memref<!tpu.dma_semaphore, #tpu.memory_space<semaphore_mem>>)
      %dma_start3A_163 = arith.constant 1152 : i32
      %dma_start3A_164 = tpu.memref_slice %arg17[%dma_start3A_163] : memref<2048xi32, #tpu.memory_space<vmem>> -> memref<128xi32, #tpu.memory_space<vmem>>
      %dma_start3A_165 = arith.constant 1152 : i32
      %dma_start3A_166 = tpu.memref_slice %arg15[%dma_start3A_165] : memref<2048xi32, #tpu.memory_space<vmem>> -> memref<128xi32, #tpu.memory_space<vmem>>
      %dma_start3A_167 = arith.constant 0 : i32
      %dma_start3A_168 = tpu.memref_slice %arg3[%dma_start3A_167] : memref<4000000xi32, #tpu.memory_space<hbm>> -> memref<4000000xi32, #tpu.memory_space<hbm>>
      tpu.enqueue_indirect_dma source(%dma_start3A_168 : memref<4000000xi32, #tpu.memory_space<hbm>>) target(%dma_start3A_164 : memref<128xi32, #tpu.memory_space<vmem>>) offsets(%dma_start3A_166 : memref<128xi32, #tpu.memory_space<vmem>>) semaphore(%arg19 : memref<!tpu.dma_semaphore, #tpu.memory_space<semaphore_mem>>)
      %dma_start3A_169 = arith.constant 1280 : i32
      %dma_start3A_170 = tpu.memref_slice %arg16[%dma_start3A_169] : memref<2048xi32, #tpu.memory_space<vmem>> -> memref<128xi32, #tpu.memory_space<vmem>>
      %dma_start3A_171 = arith.constant 1280 : i32
      %dma_start3A_172 = tpu.memref_slice %arg15[%dma_start3A_171] : memref<2048xi32, #tpu.memory_space<vmem>> -> memref<128xi32, #tpu.memory_space<vmem>>
      %dma_start3A_173 = arith.constant 0 : i32
      %dma_start3A_174 = tpu.memref_slice %arg2[%dma_start3A_173] : memref<4000000xi32, #tpu.memory_space<hbm>> -> memref<4000000xi32, #tpu.memory_space<hbm>>
      tpu.enqueue_indirect_dma source(%dma_start3A_174 : memref<4000000xi32, #tpu.memory_space<hbm>>) target(%dma_start3A_170 : memref<128xi32, #tpu.memory_space<vmem>>) offsets(%dma_start3A_172 : memref<128xi32, #tpu.memory_space<vmem>>) semaphore(%arg19 : memref<!tpu.dma_semaphore, #tpu.memory_space<semaphore_mem>>)
      %dma_start3A_175 = arith.constant 1280 : i32
      %dma_start3A_176 = tpu.memref_slice %arg17[%dma_start3A_175] : memref<2048xi32, #tpu.memory_space<vmem>> -> memref<128xi32, #tpu.memory_space<vmem>>
      %dma_start3A_177 = arith.constant 1280 : i32
      %dma_start3A_178 = tpu.memref_slice %arg15[%dma_start3A_177] : memref<2048xi32, #tpu.memory_space<vmem>> -> memref<128xi32, #tpu.memory_space<vmem>>
      %dma_start3A_179 = arith.constant 0 : i32
      %dma_start3A_180 = tpu.memref_slice %arg3[%dma_start3A_179] : memref<4000000xi32, #tpu.memory_space<hbm>> -> memref<4000000xi32, #tpu.memory_space<hbm>>
      tpu.enqueue_indirect_dma source(%dma_start3A_180 : memref<4000000xi32, #tpu.memory_space<hbm>>) target(%dma_start3A_176 : memref<128xi32, #tpu.memory_space<vmem>>) offsets(%dma_start3A_178 : memref<128xi32, #tpu.memory_space<vmem>>) semaphore(%arg19 : memref<!tpu.dma_semaphore, #tpu.memory_space<semaphore_mem>>)
      %dma_start3A_181 = arith.constant 1408 : i32
      %dma_start3A_182 = tpu.memref_slice %arg16[%dma_start3A_181] : memref<2048xi32, #tpu.memory_space<vmem>> -> memref<128xi32, #tpu.memory_space<vmem>>
      %dma_start3A_183 = arith.constant 1408 : i32
      %dma_start3A_184 = tpu.memref_slice %arg15[%dma_start3A_183] : memref<2048xi32, #tpu.memory_space<vmem>> -> memref<128xi32, #tpu.memory_space<vmem>>
      %dma_start3A_185 = arith.constant 0 : i32
      %dma_start3A_186 = tpu.memref_slice %arg2[%dma_start3A_185] : memref<4000000xi32, #tpu.memory_space<hbm>> -> memref<4000000xi32, #tpu.memory_space<hbm>>
      tpu.enqueue_indirect_dma source(%dma_start3A_186 : memref<4000000xi32, #tpu.memory_space<hbm>>) target(%dma_start3A_182 : memref<128xi32, #tpu.memory_space<vmem>>) offsets(%dma_start3A_184 : memref<128xi32, #tpu.memory_space<vmem>>) semaphore(%arg19 : memref<!tpu.dma_semaphore, #tpu.memory_space<semaphore_mem>>)
      %dma_start3A_187 = arith.constant 1408 : i32
      %dma_start3A_188 = tpu.memref_slice %arg17[%dma_start3A_187] : memref<2048xi32, #tpu.memory_space<vmem>> -> memref<128xi32, #tpu.memory_space<vmem>>
      %dma_start3A_189 = arith.constant 1408 : i32
      %dma_start3A_190 = tpu.memref_slice %arg15[%dma_start3A_189] : memref<2048xi32, #tpu.memory_space<vmem>> -> memref<128xi32, #tpu.memory_space<vmem>>
      %dma_start3A_191 = arith.constant 0 : i32
      %dma_start3A_192 = tpu.memref_slice %arg3[%dma_start3A_191] : memref<4000000xi32, #tpu.memory_space<hbm>> -> memref<4000000xi32, #tpu.memory_space<hbm>>
      tpu.enqueue_indirect_dma source(%dma_start3A_192 : memref<4000000xi32, #tpu.memory_space<hbm>>) target(%dma_start3A_188 : memref<128xi32, #tpu.memory_space<vmem>>) offsets(%dma_start3A_190 : memref<128xi32, #tpu.memory_space<vmem>>) semaphore(%arg19 : memref<!tpu.dma_semaphore, #tpu.memory_space<semaphore_mem>>)
      %dma_start3A_193 = arith.constant 1536 : i32
      %dma_start3A_194 = tpu.memref_slice %arg16[%dma_start3A_193] : memref<2048xi32, #tpu.memory_space<vmem>> -> memref<128xi32, #tpu.memory_space<vmem>>
      %dma_start3A_195 = arith.constant 1536 : i32
      %dma_start3A_196 = tpu.memref_slice %arg15[%dma_start3A_195] : memref<2048xi32, #tpu.memory_space<vmem>> -> memref<128xi32, #tpu.memory_space<vmem>>
      %dma_start3A_197 = arith.constant 0 : i32
      %dma_start3A_198 = tpu.memref_slice %arg2[%dma_start3A_197] : memref<4000000xi32, #tpu.memory_space<hbm>> -> memref<4000000xi32, #tpu.memory_space<hbm>>
      tpu.enqueue_indirect_dma source(%dma_start3A_198 : memref<4000000xi32, #tpu.memory_space<hbm>>) target(%dma_start3A_194 : memref<128xi32, #tpu.memory_space<vmem>>) offsets(%dma_start3A_196 : memref<128xi32, #tpu.memory_space<vmem>>) semaphore(%arg19 : memref<!tpu.dma_semaphore, #tpu.memory_space<semaphore_mem>>)
      %dma_start3A_199 = arith.constant 1536 : i32
      %dma_start3A_200 = tpu.memref_slice %arg17[%dma_start3A_199] : memref<2048xi32, #tpu.memory_space<vmem>> -> memref<128xi32, #tpu.memory_space<vmem>>
      %dma_start3A_201 = arith.constant 1536 : i32
      %dma_start3A_202 = tpu.memref_slice %arg15[%dma_start3A_201] : memref<2048xi32, #tpu.memory_space<vmem>> -> memref<128xi32, #tpu.memory_space<vmem>>
      %dma_start3A_203 = arith.constant 0 : i32
      %dma_start3A_204 = tpu.memref_slice %arg3[%dma_start3A_203] : memref<4000000xi32, #tpu.memory_space<hbm>> -> memref<4000000xi32, #tpu.memory_space<hbm>>
      tpu.enqueue_indirect_dma source(%dma_start3A_204 : memref<4000000xi32, #tpu.memory_space<hbm>>) target(%dma_start3A_200 : memref<128xi32, #tpu.memory_space<vmem>>) offsets(%dma_start3A_202 : memref<128xi32, #tpu.memory_space<vmem>>) semaphore(%arg19 : memref<!tpu.dma_semaphore, #tpu.memory_space<semaphore_mem>>)
      %dma_start3A_205 = arith.constant 1664 : i32
      %dma_start3A_206 = tpu.memref_slice %arg16[%dma_start3A_205] : memref<2048xi32, #tpu.memory_space<vmem>> -> memref<128xi32, #tpu.memory_space<vmem>>
      %dma_start3A_207 = arith.constant 1664 : i32
      %dma_start3A_208 = tpu.memref_slice %arg15[%dma_start3A_207] : memref<2048xi32, #tpu.memory_space<vmem>> -> memref<128xi32, #tpu.memory_space<vmem>>
      %dma_start3A_209 = arith.constant 0 : i32
      %dma_start3A_210 = tpu.memref_slice %arg2[%dma_start3A_209] : memref<4000000xi32, #tpu.memory_space<hbm>> -> memref<4000000xi32, #tpu.memory_space<hbm>>
      tpu.enqueue_indirect_dma source(%dma_start3A_210 : memref<4000000xi32, #tpu.memory_space<hbm>>) target(%dma_start3A_206 : memref<128xi32, #tpu.memory_space<vmem>>) offsets(%dma_start3A_208 : memref<128xi32, #tpu.memory_space<vmem>>) semaphore(%arg19 : memref<!tpu.dma_semaphore, #tpu.memory_space<semaphore_mem>>)
      %dma_start3A_211 = arith.constant 1664 : i32
      %dma_start3A_212 = tpu.memref_slice %arg17[%dma_start3A_211] : memref<2048xi32, #tpu.memory_space<vmem>> -> memref<128xi32, #tpu.memory_space<vmem>>
      %dma_start3A_213 = arith.constant 1664 : i32
      %dma_start3A_214 = tpu.memref_slice %arg15[%dma_start3A_213] : memref<2048xi32, #tpu.memory_space<vmem>> -> memref<128xi32, #tpu.memory_space<vmem>>
      %dma_start3A_215 = arith.constant 0 : i32
      %dma_start3A_216 = tpu.memref_slice %arg3[%dma_start3A_215] : memref<4000000xi32, #tpu.memory_space<hbm>> -> memref<4000000xi32, #tpu.memory_space<hbm>>
      tpu.enqueue_indirect_dma source(%dma_start3A_216 : memref<4000000xi32, #tpu.memory_space<hbm>>) target(%dma_start3A_212 : memref<128xi32, #tpu.memory_space<vmem>>) offsets(%dma_start3A_214 : memref<128xi32, #tpu.memory_space<vmem>>) semaphore(%arg19 : memref<!tpu.dma_semaphore, #tpu.memory_space<semaphore_mem>>)
      %dma_start3A_217 = arith.constant 1792 : i32
      %dma_start3A_218 = tpu.memref_slice %arg16[%dma_start3A_217] : memref<2048xi32, #tpu.memory_space<vmem>> -> memref<128xi32, #tpu.memory_space<vmem>>
      %dma_start3A_219 = arith.constant 1792 : i32
      %dma_start3A_220 = tpu.memref_slice %arg15[%dma_start3A_219] : memref<2048xi32, #tpu.memory_space<vmem>> -> memref<128xi32, #tpu.memory_space<vmem>>
      %dma_start3A_221 = arith.constant 0 : i32
      %dma_start3A_222 = tpu.memref_slice %arg2[%dma_start3A_221] : memref<4000000xi32, #tpu.memory_space<hbm>> -> memref<4000000xi32, #tpu.memory_space<hbm>>
      tpu.enqueue_indirect_dma source(%dma_start3A_222 : memref<4000000xi32, #tpu.memory_space<hbm>>) target(%dma_start3A_218 : memref<128xi32, #tpu.memory_space<vmem>>) offsets(%dma_start3A_220 : memref<128xi32, #tpu.memory_space<vmem>>) semaphore(%arg19 : memref<!tpu.dma_semaphore, #tpu.memory_space<semaphore_mem>>)
      %dma_start3A_223 = arith.constant 1792 : i32
      %dma_start3A_224 = tpu.memref_slice %arg17[%dma_start3A_223] : memref<2048xi32, #tpu.memory_space<vmem>> -> memref<128xi32, #tpu.memory_space<vmem>>
      %dma_start3A_225 = arith.constant 1792 : i32
      %dma_start3A_226 = tpu.memref_slice %arg15[%dma_start3A_225] : memref<2048xi32, #tpu.memory_space<vmem>> -> memref<128xi32, #tpu.memory_space<vmem>>
      %dma_start3A_227 = arith.constant 0 : i32
      %dma_start3A_228 = tpu.memref_slice %arg3[%dma_start3A_227] : memref<4000000xi32, #tpu.memory_space<hbm>> -> memref<4000000xi32, #tpu.memory_space<hbm>>
      tpu.enqueue_indirect_dma source(%dma_start3A_228 : memref<4000000xi32, #tpu.memory_space<hbm>>) target(%dma_start3A_224 : memref<128xi32, #tpu.memory_space<vmem>>) offsets(%dma_start3A_226 : memref<128xi32, #tpu.memory_space<vmem>>) semaphore(%arg19 : memref<!tpu.dma_semaphore, #tpu.memory_space<semaphore_mem>>)
      %dma_start3A_229 = arith.constant 1920 : i32
      %dma_start3A_230 = tpu.memref_slice %arg16[%dma_start3A_229] : memref<2048xi32, #tpu.memory_space<vmem>> -> memref<128xi32, #tpu.memory_space<vmem>>
      %dma_start3A_231 = arith.constant 1920 : i32
      %dma_start3A_232 = tpu.memref_slice %arg15[%dma_start3A_231] : memref<2048xi32, #tpu.memory_space<vmem>> -> memref<128xi32, #tpu.memory_space<vmem>>
      %dma_start3A_233 = arith.constant 0 : i32
      %dma_start3A_234 = tpu.memref_slice %arg2[%dma_start3A_233] : memref<4000000xi32, #tpu.memory_space<hbm>> -> memref<4000000xi32, #tpu.memory_space<hbm>>
      tpu.enqueue_indirect_dma source(%dma_start3A_234 : memref<4000000xi32, #tpu.memory_space<hbm>>) target(%dma_start3A_230 : memref<128xi32, #tpu.memory_space<vmem>>) offsets(%dma_start3A_232 : memref<128xi32, #tpu.memory_space<vmem>>) semaphore(%arg19 : memref<!tpu.dma_semaphore, #tpu.memory_space<semaphore_mem>>)
      %dma_start3A_235 = arith.constant 1920 : i32
      %dma_start3A_236 = tpu.memref_slice %arg17[%dma_start3A_235] : memref<2048xi32, #tpu.memory_space<vmem>> -> memref<128xi32, #tpu.memory_space<vmem>>
      %dma_start3A_237 = arith.constant 1920 : i32
      %dma_start3A_238 = tpu.memref_slice %arg15[%dma_start3A_237] : memref<2048xi32, #tpu.memory_space<vmem>> -> memref<128xi32, #tpu.memory_space<vmem>>
      %dma_start3A_239 = arith.constant 0 : i32
      %dma_start3A_240 = tpu.memref_slice %arg3[%dma_start3A_239] : memref<4000000xi32, #tpu.memory_space<hbm>> -> memref<4000000xi32, #tpu.memory_space<hbm>>
      tpu.enqueue_indirect_dma source(%dma_start3A_240 : memref<4000000xi32, #tpu.memory_space<hbm>>) target(%dma_start3A_236 : memref<128xi32, #tpu.memory_space<vmem>>) offsets(%dma_start3A_238 : memref<128xi32, #tpu.memory_space<vmem>>) semaphore(%arg19 : memref<!tpu.dma_semaphore, #tpu.memory_space<semaphore_mem>>)
      %dma_wait3A = arith.constant 0 : i32
      %dma_wait3A_241 = tpu.memref_slice %arg16[%dma_wait3A] : memref<2048xi32, #tpu.memory_space<vmem>> -> memref<128xi32, #tpu.memory_space<vmem>>
      %dma_wait3A_242 = arith.constant 0 : i32
      %dma_wait3A_243 = tpu.memref_slice %arg15[%dma_wait3A_242] : memref<2048xi32, #tpu.memory_space<vmem>> -> memref<128xi32, #tpu.memory_space<vmem>>
      %dma_wait3A_244 = arith.constant 0 : i32
      %dma_wait3A_245 = tpu.memref_slice %arg2[%dma_wait3A_244] : memref<4000000xi32, #tpu.memory_space<hbm>> -> memref<4000000xi32, #tpu.memory_space<hbm>>
      tpu.wait_indirect_dma semaphore(%arg19 : memref<!tpu.dma_semaphore, #tpu.memory_space<semaphore_mem>>) src(%dma_wait3A_245 : memref<4000000xi32, #tpu.memory_space<hbm>>) dst(%dma_wait3A_241 : memref<128xi32, #tpu.memory_space<vmem>>)
      %dma_wait3A_246 = arith.constant 0 : i32
      %dma_wait3A_247 = tpu.memref_slice %arg17[%dma_wait3A_246] : memref<2048xi32, #tpu.memory_space<vmem>> -> memref<128xi32, #tpu.memory_space<vmem>>
      %dma_wait3A_248 = arith.constant 0 : i32
      %dma_wait3A_249 = tpu.memref_slice %arg15[%dma_wait3A_248] : memref<2048xi32, #tpu.memory_space<vmem>> -> memref<128xi32, #tpu.memory_space<vmem>>
      %dma_wait3A_250 = arith.constant 0 : i32
      %dma_wait3A_251 = tpu.memref_slice %arg3[%dma_wait3A_250] : memref<4000000xi32, #tpu.memory_space<hbm>> -> memref<4000000xi32, #tpu.memory_space<hbm>>
      tpu.wait_indirect_dma semaphore(%arg19 : memref<!tpu.dma_semaphore, #tpu.memory_space<semaphore_mem>>) src(%dma_wait3A_251 : memref<4000000xi32, #tpu.memory_space<hbm>>) dst(%dma_wait3A_247 : memref<128xi32, #tpu.memory_space<vmem>>)
      %dma_wait3A_252 = arith.constant 128 : i32
      %dma_wait3A_253 = tpu.memref_slice %arg16[%dma_wait3A_252] : memref<2048xi32, #tpu.memory_space<vmem>> -> memref<128xi32, #tpu.memory_space<vmem>>
      %dma_wait3A_254 = arith.constant 128 : i32
      %dma_wait3A_255 = tpu.memref_slice %arg15[%dma_wait3A_254] : memref<2048xi32, #tpu.memory_space<vmem>> -> memref<128xi32, #tpu.memory_space<vmem>>
      %dma_wait3A_256 = arith.constant 0 : i32
      %dma_wait3A_257 = tpu.memref_slice %arg2[%dma_wait3A_256] : memref<4000000xi32, #tpu.memory_space<hbm>> -> memref<4000000xi32, #tpu.memory_space<hbm>>
      tpu.wait_indirect_dma semaphore(%arg19 : memref<!tpu.dma_semaphore, #tpu.memory_space<semaphore_mem>>) src(%dma_wait3A_257 : memref<4000000xi32, #tpu.memory_space<hbm>>) dst(%dma_wait3A_253 : memref<128xi32, #tpu.memory_space<vmem>>)
      %dma_wait3A_258 = arith.constant 128 : i32
      %dma_wait3A_259 = tpu.memref_slice %arg17[%dma_wait3A_258] : memref<2048xi32, #tpu.memory_space<vmem>> -> memref<128xi32, #tpu.memory_space<vmem>>
      %dma_wait3A_260 = arith.constant 128 : i32
      %dma_wait3A_261 = tpu.memref_slice %arg15[%dma_wait3A_260] : memref<2048xi32, #tpu.memory_space<vmem>> -> memref<128xi32, #tpu.memory_space<vmem>>
      %dma_wait3A_262 = arith.constant 0 : i32
      %dma_wait3A_263 = tpu.memref_slice %arg3[%dma_wait3A_262] : memref<4000000xi32, #tpu.memory_space<hbm>> -> memref<4000000xi32, #tpu.memory_space<hbm>>
      tpu.wait_indirect_dma semaphore(%arg19 : memref<!tpu.dma_semaphore, #tpu.memory_space<semaphore_mem>>) src(%dma_wait3A_263 : memref<4000000xi32, #tpu.memory_space<hbm>>) dst(%dma_wait3A_259 : memref<128xi32, #tpu.memory_space<vmem>>)
      %dma_wait3A_264 = arith.constant 256 : i32
      %dma_wait3A_265 = tpu.memref_slice %arg16[%dma_wait3A_264] : memref<2048xi32, #tpu.memory_space<vmem>> -> memref<128xi32, #tpu.memory_space<vmem>>
      %dma_wait3A_266 = arith.constant 256 : i32
      %dma_wait3A_267 = tpu.memref_slice %arg15[%dma_wait3A_266] : memref<2048xi32, #tpu.memory_space<vmem>> -> memref<128xi32, #tpu.memory_space<vmem>>
      %dma_wait3A_268 = arith.constant 0 : i32
      %dma_wait3A_269 = tpu.memref_slice %arg2[%dma_wait3A_268] : memref<4000000xi32, #tpu.memory_space<hbm>> -> memref<4000000xi32, #tpu.memory_space<hbm>>
      tpu.wait_indirect_dma semaphore(%arg19 : memref<!tpu.dma_semaphore, #tpu.memory_space<semaphore_mem>>) src(%dma_wait3A_269 : memref<4000000xi32, #tpu.memory_space<hbm>>) dst(%dma_wait3A_265 : memref<128xi32, #tpu.memory_space<vmem>>)
      %dma_wait3A_270 = arith.constant 256 : i32
      %dma_wait3A_271 = tpu.memref_slice %arg17[%dma_wait3A_270] : memref<2048xi32, #tpu.memory_space<vmem>> -> memref<128xi32, #tpu.memory_space<vmem>>
      %dma_wait3A_272 = arith.constant 256 : i32
      %dma_wait3A_273 = tpu.memref_slice %arg15[%dma_wait3A_272] : memref<2048xi32, #tpu.memory_space<vmem>> -> memref<128xi32, #tpu.memory_space<vmem>>
      %dma_wait3A_274 = arith.constant 0 : i32
      %dma_wait3A_275 = tpu.memref_slice %arg3[%dma_wait3A_274] : memref<4000000xi32, #tpu.memory_space<hbm>> -> memref<4000000xi32, #tpu.memory_space<hbm>>
      tpu.wait_indirect_dma semaphore(%arg19 : memref<!tpu.dma_semaphore, #tpu.memory_space<semaphore_mem>>) src(%dma_wait3A_275 : memref<4000000xi32, #tpu.memory_space<hbm>>) dst(%dma_wait3A_271 : memref<128xi32, #tpu.memory_space<vmem>>)
      %dma_wait3A_276 = arith.constant 384 : i32
      %dma_wait3A_277 = tpu.memref_slice %arg16[%dma_wait3A_276] : memref<2048xi32, #tpu.memory_space<vmem>> -> memref<128xi32, #tpu.memory_space<vmem>>
      %dma_wait3A_278 = arith.constant 384 : i32
      %dma_wait3A_279 = tpu.memref_slice %arg15[%dma_wait3A_278] : memref<2048xi32, #tpu.memory_space<vmem>> -> memref<128xi32, #tpu.memory_space<vmem>>
      %dma_wait3A_280 = arith.constant 0 : i32
      %dma_wait3A_281 = tpu.memref_slice %arg2[%dma_wait3A_280] : memref<4000000xi32, #tpu.memory_space<hbm>> -> memref<4000000xi32, #tpu.memory_space<hbm>>
      tpu.wait_indirect_dma semaphore(%arg19 : memref<!tpu.dma_semaphore, #tpu.memory_space<semaphore_mem>>) src(%dma_wait3A_281 : memref<4000000xi32, #tpu.memory_space<hbm>>) dst(%dma_wait3A_277 : memref<128xi32, #tpu.memory_space<vmem>>)
      %dma_wait3A_282 = arith.constant 384 : i32
      %dma_wait3A_283 = tpu.memref_slice %arg17[%dma_wait3A_282] : memref<2048xi32, #tpu.memory_space<vmem>> -> memref<128xi32, #tpu.memory_space<vmem>>
      %dma_wait3A_284 = arith.constant 384 : i32
      %dma_wait3A_285 = tpu.memref_slice %arg15[%dma_wait3A_284] : memref<2048xi32, #tpu.memory_space<vmem>> -> memref<128xi32, #tpu.memory_space<vmem>>
      %dma_wait3A_286 = arith.constant 0 : i32
      %dma_wait3A_287 = tpu.memref_slice %arg3[%dma_wait3A_286] : memref<4000000xi32, #tpu.memory_space<hbm>> -> memref<4000000xi32, #tpu.memory_space<hbm>>
      tpu.wait_indirect_dma semaphore(%arg19 : memref<!tpu.dma_semaphore, #tpu.memory_space<semaphore_mem>>) src(%dma_wait3A_287 : memref<4000000xi32, #tpu.memory_space<hbm>>) dst(%dma_wait3A_283 : memref<128xi32, #tpu.memory_space<vmem>>)
      %dma_wait3A_288 = arith.constant 512 : i32
      %dma_wait3A_289 = tpu.memref_slice %arg16[%dma_wait3A_288] : memref<2048xi32, #tpu.memory_space<vmem>> -> memref<128xi32, #tpu.memory_space<vmem>>
      %dma_wait3A_290 = arith.constant 512 : i32
      %dma_wait3A_291 = tpu.memref_slice %arg15[%dma_wait3A_290] : memref<2048xi32, #tpu.memory_space<vmem>> -> memref<128xi32, #tpu.memory_space<vmem>>
      %dma_wait3A_292 = arith.constant 0 : i32
      %dma_wait3A_293 = tpu.memref_slice %arg2[%dma_wait3A_292] : memref<4000000xi32, #tpu.memory_space<hbm>> -> memref<4000000xi32, #tpu.memory_space<hbm>>
      tpu.wait_indirect_dma semaphore(%arg19 : memref<!tpu.dma_semaphore, #tpu.memory_space<semaphore_mem>>) src(%dma_wait3A_293 : memref<4000000xi32, #tpu.memory_space<hbm>>) dst(%dma_wait3A_289 : memref<128xi32, #tpu.memory_space<vmem>>)
      %dma_wait3A_294 = arith.constant 512 : i32
      %dma_wait3A_295 = tpu.memref_slice %arg17[%dma_wait3A_294] : memref<2048xi32, #tpu.memory_space<vmem>> -> memref<128xi32, #tpu.memory_space<vmem>>
      %dma_wait3A_296 = arith.constant 512 : i32
      %dma_wait3A_297 = tpu.memref_slice %arg15[%dma_wait3A_296] : memref<2048xi32, #tpu.memory_space<vmem>> -> memref<128xi32, #tpu.memory_space<vmem>>
      %dma_wait3A_298 = arith.constant 0 : i32
      %dma_wait3A_299 = tpu.memref_slice %arg3[%dma_wait3A_298] : memref<4000000xi32, #tpu.memory_space<hbm>> -> memref<4000000xi32, #tpu.memory_space<hbm>>
      tpu.wait_indirect_dma semaphore(%arg19 : memref<!tpu.dma_semaphore, #tpu.memory_space<semaphore_mem>>) src(%dma_wait3A_299 : memref<4000000xi32, #tpu.memory_space<hbm>>) dst(%dma_wait3A_295 : memref<128xi32, #tpu.memory_space<vmem>>)
      %dma_wait3A_300 = arith.constant 640 : i32
      %dma_wait3A_301 = tpu.memref_slice %arg16[%dma_wait3A_300] : memref<2048xi32, #tpu.memory_space<vmem>> -> memref<128xi32, #tpu.memory_space<vmem>>
      %dma_wait3A_302 = arith.constant 640 : i32
      %dma_wait3A_303 = tpu.memref_slice %arg15[%dma_wait3A_302] : memref<2048xi32, #tpu.memory_space<vmem>> -> memref<128xi32, #tpu.memory_space<vmem>>
      %dma_wait3A_304 = arith.constant 0 : i32
      %dma_wait3A_305 = tpu.memref_slice %arg2[%dma_wait3A_304] : memref<4000000xi32, #tpu.memory_space<hbm>> -> memref<4000000xi32, #tpu.memory_space<hbm>>
      tpu.wait_indirect_dma semaphore(%arg19 : memref<!tpu.dma_semaphore, #tpu.memory_space<semaphore_mem>>) src(%dma_wait3A_305 : memref<4000000xi32, #tpu.memory_space<hbm>>) dst(%dma_wait3A_301 : memref<128xi32, #tpu.memory_space<vmem>>)
      %dma_wait3A_306 = arith.constant 640 : i32
      %dma_wait3A_307 = tpu.memref_slice %arg17[%dma_wait3A_306] : memref<2048xi32, #tpu.memory_space<vmem>> -> memref<128xi32, #tpu.memory_space<vmem>>
      %dma_wait3A_308 = arith.constant 640 : i32
      %dma_wait3A_309 = tpu.memref_slice %arg15[%dma_wait3A_308] : memref<2048xi32, #tpu.memory_space<vmem>> -> memref<128xi32, #tpu.memory_space<vmem>>
      %dma_wait3A_310 = arith.constant 0 : i32
      %dma_wait3A_311 = tpu.memref_slice %arg3[%dma_wait3A_310] : memref<4000000xi32, #tpu.memory_space<hbm>> -> memref<4000000xi32, #tpu.memory_space<hbm>>
      tpu.wait_indirect_dma semaphore(%arg19 : memref<!tpu.dma_semaphore, #tpu.memory_space<semaphore_mem>>) src(%dma_wait3A_311 : memref<4000000xi32, #tpu.memory_space<hbm>>) dst(%dma_wait3A_307 : memref<128xi32, #tpu.memory_space<vmem>>)
      %dma_wait3A_312 = arith.constant 768 : i32
      %dma_wait3A_313 = tpu.memref_slice %arg16[%dma_wait3A_312] : memref<2048xi32, #tpu.memory_space<vmem>> -> memref<128xi32, #tpu.memory_space<vmem>>
      %dma_wait3A_314 = arith.constant 768 : i32
      %dma_wait3A_315 = tpu.memref_slice %arg15[%dma_wait3A_314] : memref<2048xi32, #tpu.memory_space<vmem>> -> memref<128xi32, #tpu.memory_space<vmem>>
      %dma_wait3A_316 = arith.constant 0 : i32
      %dma_wait3A_317 = tpu.memref_slice %arg2[%dma_wait3A_316] : memref<4000000xi32, #tpu.memory_space<hbm>> -> memref<4000000xi32, #tpu.memory_space<hbm>>
      tpu.wait_indirect_dma semaphore(%arg19 : memref<!tpu.dma_semaphore, #tpu.memory_space<semaphore_mem>>) src(%dma_wait3A_317 : memref<4000000xi32, #tpu.memory_space<hbm>>) dst(%dma_wait3A_313 : memref<128xi32, #tpu.memory_space<vmem>>)
      %dma_wait3A_318 = arith.constant 768 : i32
      %dma_wait3A_319 = tpu.memref_slice %arg17[%dma_wait3A_318] : memref<2048xi32, #tpu.memory_space<vmem>> -> memref<128xi32, #tpu.memory_space<vmem>>
      %dma_wait3A_320 = arith.constant 768 : i32
      %dma_wait3A_321 = tpu.memref_slice %arg15[%dma_wait3A_320] : memref<2048xi32, #tpu.memory_space<vmem>> -> memref<128xi32, #tpu.memory_space<vmem>>
      %dma_wait3A_322 = arith.constant 0 : i32
      %dma_wait3A_323 = tpu.memref_slice %arg3[%dma_wait3A_322] : memref<4000000xi32, #tpu.memory_space<hbm>> -> memref<4000000xi32, #tpu.memory_space<hbm>>
      tpu.wait_indirect_dma semaphore(%arg19 : memref<!tpu.dma_semaphore, #tpu.memory_space<semaphore_mem>>) src(%dma_wait3A_323 : memref<4000000xi32, #tpu.memory_space<hbm>>) dst(%dma_wait3A_319 : memref<128xi32, #tpu.memory_space<vmem>>)
      %dma_wait3A_324 = arith.constant 896 : i32
      %dma_wait3A_325 = tpu.memref_slice %arg16[%dma_wait3A_324] : memref<2048xi32, #tpu.memory_space<vmem>> -> memref<128xi32, #tpu.memory_space<vmem>>
      %dma_wait3A_326 = arith.constant 896 : i32
      %dma_wait3A_327 = tpu.memref_slice %arg15[%dma_wait3A_326] : memref<2048xi32, #tpu.memory_space<vmem>> -> memref<128xi32, #tpu.memory_space<vmem>>
      %dma_wait3A_328 = arith.constant 0 : i32
      %dma_wait3A_329 = tpu.memref_slice %arg2[%dma_wait3A_328] : memref<4000000xi32, #tpu.memory_space<hbm>> -> memref<4000000xi32, #tpu.memory_space<hbm>>
      tpu.wait_indirect_dma semaphore(%arg19 : memref<!tpu.dma_semaphore, #tpu.memory_space<semaphore_mem>>) src(%dma_wait3A_329 : memref<4000000xi32, #tpu.memory_space<hbm>>) dst(%dma_wait3A_325 : memref<128xi32, #tpu.memory_space<vmem>>)
      %dma_wait3A_330 = arith.constant 896 : i32
      %dma_wait3A_331 = tpu.memref_slice %arg17[%dma_wait3A_330] : memref<2048xi32, #tpu.memory_space<vmem>> -> memref<128xi32, #tpu.memory_space<vmem>>
      %dma_wait3A_332 = arith.constant 896 : i32
      %dma_wait3A_333 = tpu.memref_slice %arg15[%dma_wait3A_332] : memref<2048xi32, #tpu.memory_space<vmem>> -> memref<128xi32, #tpu.memory_space<vmem>>
      %dma_wait3A_334 = arith.constant 0 : i32
      %dma_wait3A_335 = tpu.memref_slice %arg3[%dma_wait3A_334] : memref<4000000xi32, #tpu.memory_space<hbm>> -> memref<4000000xi32, #tpu.memory_space<hbm>>
      tpu.wait_indirect_dma semaphore(%arg19 : memref<!tpu.dma_semaphore, #tpu.memory_space<semaphore_mem>>) src(%dma_wait3A_335 : memref<4000000xi32, #tpu.memory_space<hbm>>) dst(%dma_wait3A_331 : memref<128xi32, #tpu.memory_space<vmem>>)
      %dma_wait3A_336 = arith.constant 1024 : i32
      %dma_wait3A_337 = tpu.memref_slice %arg16[%dma_wait3A_336] : memref<2048xi32, #tpu.memory_space<vmem>> -> memref<128xi32, #tpu.memory_space<vmem>>
      %dma_wait3A_338 = arith.constant 1024 : i32
      %dma_wait3A_339 = tpu.memref_slice %arg15[%dma_wait3A_338] : memref<2048xi32, #tpu.memory_space<vmem>> -> memref<128xi32, #tpu.memory_space<vmem>>
      %dma_wait3A_340 = arith.constant 0 : i32
      %dma_wait3A_341 = tpu.memref_slice %arg2[%dma_wait3A_340] : memref<4000000xi32, #tpu.memory_space<hbm>> -> memref<4000000xi32, #tpu.memory_space<hbm>>
      tpu.wait_indirect_dma semaphore(%arg19 : memref<!tpu.dma_semaphore, #tpu.memory_space<semaphore_mem>>) src(%dma_wait3A_341 : memref<4000000xi32, #tpu.memory_space<hbm>>) dst(%dma_wait3A_337 : memref<128xi32, #tpu.memory_space<vmem>>)
      %dma_wait3A_342 = arith.constant 1024 : i32
      %dma_wait3A_343 = tpu.memref_slice %arg17[%dma_wait3A_342] : memref<2048xi32, #tpu.memory_space<vmem>> -> memref<128xi32, #tpu.memory_space<vmem>>
      %dma_wait3A_344 = arith.constant 1024 : i32
      %dma_wait3A_345 = tpu.memref_slice %arg15[%dma_wait3A_344] : memref<2048xi32, #tpu.memory_space<vmem>> -> memref<128xi32, #tpu.memory_space<vmem>>
      %dma_wait3A_346 = arith.constant 0 : i32
      %dma_wait3A_347 = tpu.memref_slice %arg3[%dma_wait3A_346] : memref<4000000xi32, #tpu.memory_space<hbm>> -> memref<4000000xi32, #tpu.memory_space<hbm>>
      tpu.wait_indirect_dma semaphore(%arg19 : memref<!tpu.dma_semaphore, #tpu.memory_space<semaphore_mem>>) src(%dma_wait3A_347 : memref<4000000xi32, #tpu.memory_space<hbm>>) dst(%dma_wait3A_343 : memref<128xi32, #tpu.memory_space<vmem>>)
      %dma_wait3A_348 = arith.constant 1152 : i32
      %dma_wait3A_349 = tpu.memref_slice %arg16[%dma_wait3A_348] : memref<2048xi32, #tpu.memory_space<vmem>> -> memref<128xi32, #tpu.memory_space<vmem>>
      %dma_wait3A_350 = arith.constant 1152 : i32
      %dma_wait3A_351 = tpu.memref_slice %arg15[%dma_wait3A_350] : memref<2048xi32, #tpu.memory_space<vmem>> -> memref<128xi32, #tpu.memory_space<vmem>>
      %dma_wait3A_352 = arith.constant 0 : i32
      %dma_wait3A_353 = tpu.memref_slice %arg2[%dma_wait3A_352] : memref<4000000xi32, #tpu.memory_space<hbm>> -> memref<4000000xi32, #tpu.memory_space<hbm>>
      tpu.wait_indirect_dma semaphore(%arg19 : memref<!tpu.dma_semaphore, #tpu.memory_space<semaphore_mem>>) src(%dma_wait3A_353 : memref<4000000xi32, #tpu.memory_space<hbm>>) dst(%dma_wait3A_349 : memref<128xi32, #tpu.memory_space<vmem>>)
      %dma_wait3A_354 = arith.constant 1152 : i32
      %dma_wait3A_355 = tpu.memref_slice %arg17[%dma_wait3A_354] : memref<2048xi32, #tpu.memory_space<vmem>> -> memref<128xi32, #tpu.memory_space<vmem>>
      %dma_wait3A_356 = arith.constant 1152 : i32
      %dma_wait3A_357 = tpu.memref_slice %arg15[%dma_wait3A_356] : memref<2048xi32, #tpu.memory_space<vmem>> -> memref<128xi32, #tpu.memory_space<vmem>>
      %dma_wait3A_358 = arith.constant 0 : i32
      %dma_wait3A_359 = tpu.memref_slice %arg3[%dma_wait3A_358] : memref<4000000xi32, #tpu.memory_space<hbm>> -> memref<4000000xi32, #tpu.memory_space<hbm>>
      tpu.wait_indirect_dma semaphore(%arg19 : memref<!tpu.dma_semaphore, #tpu.memory_space<semaphore_mem>>) src(%dma_wait3A_359 : memref<4000000xi32, #tpu.memory_space<hbm>>) dst(%dma_wait3A_355 : memref<128xi32, #tpu.memory_space<vmem>>)
      %dma_wait3A_360 = arith.constant 1280 : i32
      %dma_wait3A_361 = tpu.memref_slice %arg16[%dma_wait3A_360] : memref<2048xi32, #tpu.memory_space<vmem>> -> memref<128xi32, #tpu.memory_space<vmem>>
      %dma_wait3A_362 = arith.constant 1280 : i32
      %dma_wait3A_363 = tpu.memref_slice %arg15[%dma_wait3A_362] : memref<2048xi32, #tpu.memory_space<vmem>> -> memref<128xi32, #tpu.memory_space<vmem>>
      %dma_wait3A_364 = arith.constant 0 : i32
      %dma_wait3A_365 = tpu.memref_slice %arg2[%dma_wait3A_364] : memref<4000000xi32, #tpu.memory_space<hbm>> -> memref<4000000xi32, #tpu.memory_space<hbm>>
      tpu.wait_indirect_dma semaphore(%arg19 : memref<!tpu.dma_semaphore, #tpu.memory_space<semaphore_mem>>) src(%dma_wait3A_365 : memref<4000000xi32, #tpu.memory_space<hbm>>) dst(%dma_wait3A_361 : memref<128xi32, #tpu.memory_space<vmem>>)
      %dma_wait3A_366 = arith.constant 1280 : i32
      %dma_wait3A_367 = tpu.memref_slice %arg17[%dma_wait3A_366] : memref<2048xi32, #tpu.memory_space<vmem>> -> memref<128xi32, #tpu.memory_space<vmem>>
      %dma_wait3A_368 = arith.constant 1280 : i32
      %dma_wait3A_369 = tpu.memref_slice %arg15[%dma_wait3A_368] : memref<2048xi32, #tpu.memory_space<vmem>> -> memref<128xi32, #tpu.memory_space<vmem>>
      %dma_wait3A_370 = arith.constant 0 : i32
      %dma_wait3A_371 = tpu.memref_slice %arg3[%dma_wait3A_370] : memref<4000000xi32, #tpu.memory_space<hbm>> -> memref<4000000xi32, #tpu.memory_space<hbm>>
      tpu.wait_indirect_dma semaphore(%arg19 : memref<!tpu.dma_semaphore, #tpu.memory_space<semaphore_mem>>) src(%dma_wait3A_371 : memref<4000000xi32, #tpu.memory_space<hbm>>) dst(%dma_wait3A_367 : memref<128xi32, #tpu.memory_space<vmem>>)
      %dma_wait3A_372 = arith.constant 1408 : i32
      %dma_wait3A_373 = tpu.memref_slice %arg16[%dma_wait3A_372] : memref<2048xi32, #tpu.memory_space<vmem>> -> memref<128xi32, #tpu.memory_space<vmem>>
      %dma_wait3A_374 = arith.constant 1408 : i32
      %dma_wait3A_375 = tpu.memref_slice %arg15[%dma_wait3A_374] : memref<2048xi32, #tpu.memory_space<vmem>> -> memref<128xi32, #tpu.memory_space<vmem>>
      %dma_wait3A_376 = arith.constant 0 : i32
      %dma_wait3A_377 = tpu.memref_slice %arg2[%dma_wait3A_376] : memref<4000000xi32, #tpu.memory_space<hbm>> -> memref<4000000xi32, #tpu.memory_space<hbm>>
      tpu.wait_indirect_dma semaphore(%arg19 : memref<!tpu.dma_semaphore, #tpu.memory_space<semaphore_mem>>) src(%dma_wait3A_377 : memref<4000000xi32, #tpu.memory_space<hbm>>) dst(%dma_wait3A_373 : memref<128xi32, #tpu.memory_space<vmem>>)
      %dma_wait3A_378 = arith.constant 1408 : i32
      %dma_wait3A_379 = tpu.memref_slice %arg17[%dma_wait3A_378] : memref<2048xi32, #tpu.memory_space<vmem>> -> memref<128xi32, #tpu.memory_space<vmem>>
      %dma_wait3A_380 = arith.constant 1408 : i32
      %dma_wait3A_381 = tpu.memref_slice %arg15[%dma_wait3A_380] : memref<2048xi32, #tpu.memory_space<vmem>> -> memref<128xi32, #tpu.memory_space<vmem>>
      %dma_wait3A_382 = arith.constant 0 : i32
      %dma_wait3A_383 = tpu.memref_slice %arg3[%dma_wait3A_382] : memref<4000000xi32, #tpu.memory_space<hbm>> -> memref<4000000xi32, #tpu.memory_space<hbm>>
      tpu.wait_indirect_dma semaphore(%arg19 : memref<!tpu.dma_semaphore, #tpu.memory_space<semaphore_mem>>) src(%dma_wait3A_383 : memref<4000000xi32, #tpu.memory_space<hbm>>) dst(%dma_wait3A_379 : memref<128xi32, #tpu.memory_space<vmem>>)
      %dma_wait3A_384 = arith.constant 1536 : i32
      %dma_wait3A_385 = tpu.memref_slice %arg16[%dma_wait3A_384] : memref<2048xi32, #tpu.memory_space<vmem>> -> memref<128xi32, #tpu.memory_space<vmem>>
      %dma_wait3A_386 = arith.constant 1536 : i32
      %dma_wait3A_387 = tpu.memref_slice %arg15[%dma_wait3A_386] : memref<2048xi32, #tpu.memory_space<vmem>> -> memref<128xi32, #tpu.memory_space<vmem>>
      %dma_wait3A_388 = arith.constant 0 : i32
      %dma_wait3A_389 = tpu.memref_slice %arg2[%dma_wait3A_388] : memref<4000000xi32, #tpu.memory_space<hbm>> -> memref<4000000xi32, #tpu.memory_space<hbm>>
      tpu.wait_indirect_dma semaphore(%arg19 : memref<!tpu.dma_semaphore, #tpu.memory_space<semaphore_mem>>) src(%dma_wait3A_389 : memref<4000000xi32, #tpu.memory_space<hbm>>) dst(%dma_wait3A_385 : memref<128xi32, #tpu.memory_space<vmem>>)
      %dma_wait3A_390 = arith.constant 1536 : i32
      %dma_wait3A_391 = tpu.memref_slice %arg17[%dma_wait3A_390] : memref<2048xi32, #tpu.memory_space<vmem>> -> memref<128xi32, #tpu.memory_space<vmem>>
      %dma_wait3A_392 = arith.constant 1536 : i32
      %dma_wait3A_393 = tpu.memref_slice %arg15[%dma_wait3A_392] : memref<2048xi32, #tpu.memory_space<vmem>> -> memref<128xi32, #tpu.memory_space<vmem>>
      %dma_wait3A_394 = arith.constant 0 : i32
      %dma_wait3A_395 = tpu.memref_slice %arg3[%dma_wait3A_394] : memref<4000000xi32, #tpu.memory_space<hbm>> -> memref<4000000xi32, #tpu.memory_space<hbm>>
      tpu.wait_indirect_dma semaphore(%arg19 : memref<!tpu.dma_semaphore, #tpu.memory_space<semaphore_mem>>) src(%dma_wait3A_395 : memref<4000000xi32, #tpu.memory_space<hbm>>) dst(%dma_wait3A_391 : memref<128xi32, #tpu.memory_space<vmem>>)
      %dma_wait3A_396 = arith.constant 1664 : i32
      %dma_wait3A_397 = tpu.memref_slice %arg16[%dma_wait3A_396] : memref<2048xi32, #tpu.memory_space<vmem>> -> memref<128xi32, #tpu.memory_space<vmem>>
      %dma_wait3A_398 = arith.constant 1664 : i32
      %dma_wait3A_399 = tpu.memref_slice %arg15[%dma_wait3A_398] : memref<2048xi32, #tpu.memory_space<vmem>> -> memref<128xi32, #tpu.memory_space<vmem>>
      %dma_wait3A_400 = arith.constant 0 : i32
      %dma_wait3A_401 = tpu.memref_slice %arg2[%dma_wait3A_400] : memref<4000000xi32, #tpu.memory_space<hbm>> -> memref<4000000xi32, #tpu.memory_space<hbm>>
      tpu.wait_indirect_dma semaphore(%arg19 : memref<!tpu.dma_semaphore, #tpu.memory_space<semaphore_mem>>) src(%dma_wait3A_401 : memref<4000000xi32, #tpu.memory_space<hbm>>) dst(%dma_wait3A_397 : memref<128xi32, #tpu.memory_space<vmem>>)
      %dma_wait3A_402 = arith.constant 1664 : i32
      %dma_wait3A_403 = tpu.memref_slice %arg17[%dma_wait3A_402] : memref<2048xi32, #tpu.memory_space<vmem>> -> memref<128xi32, #tpu.memory_space<vmem>>
      %dma_wait3A_404 = arith.constant 1664 : i32
      %dma_wait3A_405 = tpu.memref_slice %arg15[%dma_wait3A_404] : memref<2048xi32, #tpu.memory_space<vmem>> -> memref<128xi32, #tpu.memory_space<vmem>>
      %dma_wait3A_406 = arith.constant 0 : i32
      %dma_wait3A_407 = tpu.memref_slice %arg3[%dma_wait3A_406] : memref<4000000xi32, #tpu.memory_space<hbm>> -> memref<4000000xi32, #tpu.memory_space<hbm>>
      tpu.wait_indirect_dma semaphore(%arg19 : memref<!tpu.dma_semaphore, #tpu.memory_space<semaphore_mem>>) src(%dma_wait3A_407 : memref<4000000xi32, #tpu.memory_space<hbm>>) dst(%dma_wait3A_403 : memref<128xi32, #tpu.memory_space<vmem>>)
      %dma_wait3A_408 = arith.constant 1792 : i32
      %dma_wait3A_409 = tpu.memref_slice %arg16[%dma_wait3A_408] : memref<2048xi32, #tpu.memory_space<vmem>> -> memref<128xi32, #tpu.memory_space<vmem>>
      %dma_wait3A_410 = arith.constant 1792 : i32
      %dma_wait3A_411 = tpu.memref_slice %arg15[%dma_wait3A_410] : memref<2048xi32, #tpu.memory_space<vmem>> -> memref<128xi32, #tpu.memory_space<vmem>>
      %dma_wait3A_412 = arith.constant 0 : i32
      %dma_wait3A_413 = tpu.memref_slice %arg2[%dma_wait3A_412] : memref<4000000xi32, #tpu.memory_space<hbm>> -> memref<4000000xi32, #tpu.memory_space<hbm>>
      tpu.wait_indirect_dma semaphore(%arg19 : memref<!tpu.dma_semaphore, #tpu.memory_space<semaphore_mem>>) src(%dma_wait3A_413 : memref<4000000xi32, #tpu.memory_space<hbm>>) dst(%dma_wait3A_409 : memref<128xi32, #tpu.memory_space<vmem>>)
      %dma_wait3A_414 = arith.constant 1792 : i32
      %dma_wait3A_415 = tpu.memref_slice %arg17[%dma_wait3A_414] : memref<2048xi32, #tpu.memory_space<vmem>> -> memref<128xi32, #tpu.memory_space<vmem>>
      %dma_wait3A_416 = arith.constant 1792 : i32
      %dma_wait3A_417 = tpu.memref_slice %arg15[%dma_wait3A_416] : memref<2048xi32, #tpu.memory_space<vmem>> -> memref<128xi32, #tpu.memory_space<vmem>>
      %dma_wait3A_418 = arith.constant 0 : i32
      %dma_wait3A_419 = tpu.memref_slice %arg3[%dma_wait3A_418] : memref<4000000xi32, #tpu.memory_space<hbm>> -> memref<4000000xi32, #tpu.memory_space<hbm>>
      tpu.wait_indirect_dma semaphore(%arg19 : memref<!tpu.dma_semaphore, #tpu.memory_space<semaphore_mem>>) src(%dma_wait3A_419 : memref<4000000xi32, #tpu.memory_space<hbm>>) dst(%dma_wait3A_415 : memref<128xi32, #tpu.memory_space<vmem>>)
      %dma_wait3A_420 = arith.constant 1920 : i32
      %dma_wait3A_421 = tpu.memref_slice %arg16[%dma_wait3A_420] : memref<2048xi32, #tpu.memory_space<vmem>> -> memref<128xi32, #tpu.memory_space<vmem>>
      %dma_wait3A_422 = arith.constant 1920 : i32
      %dma_wait3A_423 = tpu.memref_slice %arg15[%dma_wait3A_422] : memref<2048xi32, #tpu.memory_space<vmem>> -> memref<128xi32, #tpu.memory_space<vmem>>
      %dma_wait3A_424 = arith.constant 0 : i32
      %dma_wait3A_425 = tpu.memref_slice %arg2[%dma_wait3A_424] : memref<4000000xi32, #tpu.memory_space<hbm>> -> memref<4000000xi32, #tpu.memory_space<hbm>>
      tpu.wait_indirect_dma semaphore(%arg19 : memref<!tpu.dma_semaphore, #tpu.memory_space<semaphore_mem>>) src(%dma_wait3A_425 : memref<4000000xi32, #tpu.memory_space<hbm>>) dst(%dma_wait3A_421 : memref<128xi32, #tpu.memory_space<vmem>>)
      %dma_wait3A_426 = arith.constant 1920 : i32
      %dma_wait3A_427 = tpu.memref_slice %arg17[%dma_wait3A_426] : memref<2048xi32, #tpu.memory_space<vmem>> -> memref<128xi32, #tpu.memory_space<vmem>>
      %dma_wait3A_428 = arith.constant 1920 : i32
      %dma_wait3A_429 = tpu.memref_slice %arg15[%dma_wait3A_428] : memref<2048xi32, #tpu.memory_space<vmem>> -> memref<128xi32, #tpu.memory_space<vmem>>
      %dma_wait3A_430 = arith.constant 0 : i32
      %dma_wait3A_431 = tpu.memref_slice %arg3[%dma_wait3A_430] : memref<4000000xi32, #tpu.memory_space<hbm>> -> memref<4000000xi32, #tpu.memory_space<hbm>>
      tpu.wait_indirect_dma semaphore(%arg19 : memref<!tpu.dma_semaphore, #tpu.memory_space<semaphore_mem>>) src(%dma_wait3A_431 : memref<4000000xi32, #tpu.memory_space<hbm>>) dst(%dma_wait3A_427 : memref<128xi32, #tpu.memory_space<vmem>>)
      %while3A_432 = arith.constant 0 : i32
      %while3A_433 = arith.constant 0 : i32
      %while3A_434 = arith.constant 128 : i32
      %while3A_435 = arith.subi %while3A_434, %while3A_433 : i32
      %while3A_436 = arith.addi %while3A_433, %while3A_435 : i32
      %while3A_437 = arith.constant 1 : i32
      %while3A_438 = arith.divsi %while3A_435, %while3A_437 : i32
      %while3A_439 = arith.muli %while3A_438, %while3A_437 : i32
      %while3A_440 = arith.addi %while3A_433, %while3A_439 : i32
      %while3A_441 = arith.constant 1 : i32
      scf.for %while3A_443 = %while3A_433 to %while3A_440 step %while3A_441  : i32 {
        %mul3A_444 = arith.constant 16 : i32
        %mul3A_445 = arith.muli %while3A_443, %mul3A_444 : i32
        %get3A = arith.index_cast %mul3A_445 : i32 to index
        %get3A_446 = tpu.vector_load %arg16[%get3A] {strides = array<i32>} : memref<2048xi32, #tpu.memory_space<vmem>>, vector<16xi32>,
        %get3A_447 = vector.shape_cast %get3A_446 : vector<16xi32> to vector<16xi32>
        %get3A_448 = arith.index_cast %mul3A_445 : i32 to index
        %get3A_449 = tpu.vector_load %arg11[%get3A_448] {strides = array<i32>} : memref<2048xi32, #tpu.memory_space<vmem>>, vector<16xi32>,
        %get3A_450 = vector.shape_cast %get3A_449 : vector<16xi32> to vector<16xi32>
        %eq3A = arith.cmpi eq, %get3A_447, %get3A_450 : vector<16xi32>
        %get3A_451 = arith.index_cast %mul3A_445 : i32 to index
        %get3A_452 = tpu.vector_load %arg17[%get3A_451] {strides = array<i32>} : memref<2048xi32, #tpu.memory_space<vmem>>, vector<16xi32>,
        %get3A_453 = vector.shape_cast %get3A_452 : vector<16xi32> to vector<16xi32>
        %get3A_454 = arith.index_cast %mul3A_445 : i32 to index
        %get3A_455 = tpu.vector_load %arg12[%get3A_454] {strides = array<i32>} : memref<2048xi32, #tpu.memory_space<vmem>>, vector<16xi32>,
        %get3A_456 = vector.shape_cast %get3A_455 : vector<16xi32> to vector<16xi32>
        %eq3A_457 = arith.cmpi eq, %get3A_453, %get3A_456 : vector<16xi32>
        %and3A = arith.andi %eq3A, %eq3A_457 : vector<16xi1>
        %get3A_458 = arith.index_cast %mul3A_445 : i32 to index
        %get3A_459 = tpu.vector_load %arg13[%get3A_458] {strides = array<i32>} : memref<2048xi32, #tpu.memory_space<vmem>>, vector<16xi32>,
        %get3A_460 = vector.shape_cast %get3A_459 : vector<16xi32> to vector<16xi32>
        %gt3A = arith.constant 0 : i32
        %gt3A_461 = vector.broadcast %gt3A : i32 to vector<16xi32>
        %gt3A_462 = arith.cmpi sgt, %get3A_460, %gt3A_461 : vector<16xi32>
        %and3A_463 = arith.andi %and3A, %gt3A_462 : vector<16xi1>
        %jit3A = arith.constant 1 : i32
        %jit3A_464 = arith.constant 0 : i32
        %broadcast_in_dim3A = vector.broadcast %jit3A : i32 to vector<16xi32>
        %broadcast_in_dim3A_465 = vector.broadcast %jit3A_464 : i32 to vector<16xi32>
        %select_n3A = arith.select %and3A_463, %broadcast_in_dim3A, %broadcast_in_dim3A_465 : vector<16xi1>, vector<16xi32>
        %swap3A = arith.index_cast %mul3A_445 : i32 to index
        %swap3A_466 = tpu.vector_load %arg18[%swap3A] {strides = array<i32>} : memref<2048xi32, #tpu.memory_space<vmem>>, vector<16xi32>,
        %swap3A_467 = vector.shape_cast %swap3A_466 : vector<16xi32> to vector<16xi32>
        %swap3A_468 = vector.shape_cast %select_n3A : vector<16xi32> to vector<16xi32>
        tpu.vector_store %arg18[%swap3A], %swap3A_468 {strides = array<i32>} : memref<2048xi32, #tpu.memory_space<vmem>>, vector<16xi32>,
      }
      %while3A_442 = arith.constant 1 : i32
      scf.for %while3A_443 = %while3A_440 to %while3A_436 step %while3A_442  : i32 {
        %mul3A_444 = arith.constant 16 : i32
        %mul3A_445 = arith.muli %while3A_443, %mul3A_444 : i32
        %get3A = arith.index_cast %mul3A_445 : i32 to index
        %get3A_446 = tpu.vector_load %arg16[%get3A] {strides = array<i32>} : memref<2048xi32, #tpu.memory_space<vmem>>, vector<16xi32>,
        %get3A_447 = vector.shape_cast %get3A_446 : vector<16xi32> to vector<16xi32>
        %get3A_448 = arith.index_cast %mul3A_445 : i32 to index
        %get3A_449 = tpu.vector_load %arg11[%get3A_448] {strides = array<i32>} : memref<2048xi32, #tpu.memory_space<vmem>>, vector<16xi32>,
        %get3A_450 = vector.shape_cast %get3A_449 : vector<16xi32> to vector<16xi32>
        %eq3A = arith.cmpi eq, %get3A_447, %get3A_450 : vector<16xi32>
        %get3A_451 = arith.index_cast %mul3A_445 : i32 to index
        %get3A_452 = tpu.vector_load %arg17[%get3A_451] {strides = array<i32>} : memref<2048xi32, #tpu.memory_space<vmem>>, vector<16xi32>,
        %get3A_453 = vector.shape_cast %get3A_452 : vector<16xi32> to vector<16xi32>
        %get3A_454 = arith.index_cast %mul3A_445 : i32 to index
        %get3A_455 = tpu.vector_load %arg12[%get3A_454] {strides = array<i32>} : memref<2048xi32, #tpu.memory_space<vmem>>, vector<16xi32>,
        %get3A_456 = vector.shape_cast %get3A_455 : vector<16xi32> to vector<16xi32>
        %eq3A_457 = arith.cmpi eq, %get3A_453, %get3A_456 : vector<16xi32>
        %and3A = arith.andi %eq3A, %eq3A_457 : vector<16xi1>
        %get3A_458 = arith.index_cast %mul3A_445 : i32 to index
        %get3A_459 = tpu.vector_load %arg13[%get3A_458] {strides = array<i32>} : memref<2048xi32, #tpu.memory_space<vmem>>, vector<16xi32>,
        %get3A_460 = vector.shape_cast %get3A_459 : vector<16xi32> to vector<16xi32>
        %gt3A = arith.constant 0 : i32
        %gt3A_461 = vector.broadcast %gt3A : i32 to vector<16xi32>
        %gt3A_462 = arith.cmpi sgt, %get3A_460, %gt3A_461 : vector<16xi32>
        %and3A_463 = arith.andi %and3A, %gt3A_462 : vector<16xi1>
        %jit3A = arith.constant 1 : i32
        %jit3A_464 = arith.constant 0 : i32
        %broadcast_in_dim3A = vector.broadcast %jit3A : i32 to vector<16xi32>
        %broadcast_in_dim3A_465 = vector.broadcast %jit3A_464 : i32 to vector<16xi32>
        %select_n3A = arith.select %and3A_463, %broadcast_in_dim3A, %broadcast_in_dim3A_465 : vector<16xi1>, vector<16xi32>
        %swap3A = arith.index_cast %mul3A_445 : i32 to index
        %swap3A_466 = tpu.vector_load %arg18[%swap3A] {strides = array<i32>} : memref<2048xi32, #tpu.memory_space<vmem>>, vector<16xi32>,
        %swap3A_467 = vector.shape_cast %swap3A_466 : vector<16xi32> to vector<16xi32>
        %swap3A_468 = vector.shape_cast %select_n3A : vector<16xi32> to vector<16xi32>
        tpu.vector_store %arg18[%swap3A], %swap3A_468 {strides = array<i32>} : memref<2048xi32, #tpu.memory_space<vmem>>, vector<16xi32>,
      }
      "tpu.region"() ({
        %run_scoped3A = tpu.sem_alloc : memref<!tpu.dma_semaphore, #tpu.memory_space<semaphore_mem>>
        %dma_start3A_443 = tpu.memref_slice %arg7[%add3A_16] : memref<1048576xi32, #tpu.memory_space<hbm>> -> memref<2048xi32, #tpu.memory_space<hbm>>
        %dma_start3A_444 = tpu.memref_slice %arg7[%add3A_16] : memref<1048576xi32, #tpu.memory_space<hbm>> -> memref<2048xi32, #tpu.memory_space<hbm>>
        tpu.enqueue_dma source(%arg18 : memref<2048xi32, #tpu.memory_space<vmem>>) target(%dma_start3A_444 : memref<2048xi32, #tpu.memory_space<hbm>>) target_semaphore(%run_scoped3A : memref<!tpu.dma_semaphore, #tpu.memory_space<semaphore_mem>>)
        %dma_wait3A_445 = tpu.memref_slice %arg7[%add3A_16] : memref<1048576xi32, #tpu.memory_space<hbm>> -> memref<2048xi32, #tpu.memory_space<hbm>>
        %dma_wait3A_446 = tpu.memref_slice %arg7[%add3A_16] : memref<1048576xi32, #tpu.memory_space<hbm>> -> memref<2048xi32, #tpu.memory_space<hbm>>
        tpu.wait_dma2 semaphore(%run_scoped3A : memref<!tpu.dma_semaphore, #tpu.memory_space<semaphore_mem>>) src(%arg18 : memref<2048xi32, #tpu.memory_space<vmem>>) dst(%dma_wait3A_446 : memref<2048xi32, #tpu.memory_space<hbm>>)
        tpu.yield
      }) : () -> ()
    }
    %while3A_12 = arith.constant 1 : i32
    scf.for %while3A_13 = %while3A_10 to %while3A_6 step %while3A_12  : i32 {
      %mul3A_14 = arith.constant 2048 : i32
      %mul3A_15 = arith.muli %while3A_13, %mul3A_14 : i32
      %add3A_16 = arith.addi %mul3A_2, %mul3A_15 : i32
      "tpu.region"() ({
        %run_scoped3A = tpu.sem_alloc : memref<!tpu.dma_semaphore, #tpu.memory_space<semaphore_mem>>
        %dma_start3A_443 = tpu.memref_slice %arg4[%add3A_16] : memref<1048576xi32, #tpu.memory_space<hbm>> -> memref<2048xi32, #tpu.memory_space<hbm>>
        %dma_start3A_444 = tpu.memref_slice %arg4[%add3A_16] : memref<1048576xi32, #tpu.memory_space<hbm>> -> memref<2048xi32, #tpu.memory_space<hbm>>
        tpu.enqueue_dma source(%dma_start3A_444 : memref<2048xi32, #tpu.memory_space<hbm>>) target(%arg8 : memref<2048xi32, #tpu.memory_space<vmem>>) target_semaphore(%run_scoped3A : memref<!tpu.dma_semaphore, #tpu.memory_space<semaphore_mem>>)
        %dma_wait3A_445 = tpu.memref_slice %arg4[%add3A_16] : memref<1048576xi32, #tpu.memory_space<hbm>> -> memref<2048xi32, #tpu.memory_space<hbm>>
        %dma_wait3A_446 = tpu.memref_slice %arg4[%add3A_16] : memref<1048576xi32, #tpu.memory_space<hbm>> -> memref<2048xi32, #tpu.memory_space<hbm>>
        tpu.wait_dma2 semaphore(%run_scoped3A : memref<!tpu.dma_semaphore, #tpu.memory_space<semaphore_mem>>) src(%dma_wait3A_446 : memref<2048xi32, #tpu.memory_space<hbm>>) dst(%arg8 : memref<2048xi32, #tpu.memory_space<vmem>>)
        tpu.yield
      }) : () -> ()
      "tpu.region"() ({
        %run_scoped3A = tpu.sem_alloc : memref<!tpu.dma_semaphore, #tpu.memory_space<semaphore_mem>>
        %dma_start3A_443 = tpu.memref_slice %arg5[%add3A_16] : memref<1048576xi32, #tpu.memory_space<hbm>> -> memref<2048xi32, #tpu.memory_space<hbm>>
        %dma_start3A_444 = tpu.memref_slice %arg5[%add3A_16] : memref<1048576xi32, #tpu.memory_space<hbm>> -> memref<2048xi32, #tpu.memory_space<hbm>>
        tpu.enqueue_dma source(%dma_start3A_444 : memref<2048xi32, #tpu.memory_space<hbm>>) target(%arg9 : memref<2048xi32, #tpu.memory_space<vmem>>) target_semaphore(%run_scoped3A : memref<!tpu.dma_semaphore, #tpu.memory_space<semaphore_mem>>)
        %dma_wait3A_445 = tpu.memref_slice %arg5[%add3A_16] : memref<1048576xi32, #tpu.memory_space<hbm>> -> memref<2048xi32, #tpu.memory_space<hbm>>
        %dma_wait3A_446 = tpu.memref_slice %arg5[%add3A_16] : memref<1048576xi32, #tpu.memory_space<hbm>> -> memref<2048xi32, #tpu.memory_space<hbm>>
        tpu.wait_dma2 semaphore(%run_scoped3A : memref<!tpu.dma_semaphore, #tpu.memory_space<semaphore_mem>>) src(%dma_wait3A_446 : memref<2048xi32, #tpu.memory_space<hbm>>) dst(%arg9 : memref<2048xi32, #tpu.memory_space<vmem>>)
        tpu.yield
      }) : () -> ()
      "tpu.region"() ({
        %run_scoped3A = tpu.sem_alloc : memref<!tpu.dma_semaphore, #tpu.memory_space<semaphore_mem>>
        %dma_start3A_443 = tpu.memref_slice %arg6[%add3A_16] : memref<1048576xi32, #tpu.memory_space<hbm>> -> memref<2048xi32, #tpu.memory_space<hbm>>
        %dma_start3A_444 = tpu.memref_slice %arg6[%add3A_16] : memref<1048576xi32, #tpu.memory_space<hbm>> -> memref<2048xi32, #tpu.memory_space<hbm>>
        tpu.enqueue_dma source(%dma_start3A_444 : memref<2048xi32, #tpu.memory_space<hbm>>) target(%arg10 : memref<2048xi32, #tpu.memory_space<vmem>>) target_semaphore(%run_scoped3A : memref<!tpu.dma_semaphore, #tpu.memory_space<semaphore_mem>>)
        %dma_wait3A_445 = tpu.memref_slice %arg6[%add3A_16] : memref<1048576xi32, #tpu.memory_space<hbm>> -> memref<2048xi32, #tpu.memory_space<hbm>>
        %dma_wait3A_446 = tpu.memref_slice %arg6[%add3A_16] : memref<1048576xi32, #tpu.memory_space<hbm>> -> memref<2048xi32, #tpu.memory_space<hbm>>
        tpu.wait_dma2 semaphore(%run_scoped3A : memref<!tpu.dma_semaphore, #tpu.memory_space<semaphore_mem>>) src(%dma_wait3A_446 : memref<2048xi32, #tpu.memory_space<hbm>>) dst(%arg10 : memref<2048xi32, #tpu.memory_space<vmem>>)
        tpu.yield
      }) : () -> ()
      %while3A_17 = arith.constant 0 : i32
      %while3A_18 = arith.constant 0 : i32
      %while3A_19 = arith.constant 128 : i32
      %while3A_20 = arith.subi %while3A_19, %while3A_18 : i32
      %while3A_21 = arith.addi %while3A_18, %while3A_20 : i32
      %while3A_22 = arith.constant 1 : i32
      %while3A_23 = arith.divsi %while3A_20, %while3A_22 : i32
      %while3A_24 = arith.muli %while3A_23, %while3A_22 : i32
      %while3A_25 = arith.addi %while3A_18, %while3A_24 : i32
      %while3A_26 = arith.constant 1 : i32
      scf.for %while3A_443 = %while3A_18 to %while3A_25 step %while3A_26  : i32 {
        %mul3A_444 = arith.constant 16 : i32
        %mul3A_445 = arith.muli %while3A_443, %mul3A_444 : i32
        %get3A = arith.index_cast %mul3A_445 : i32 to index
        %get3A_446 = tpu.vector_load %arg8[%get3A] {strides = array<i32>} : memref<2048xi32, #tpu.memory_space<vmem>>, vector<16xi32>,
        %get3A_447 = vector.shape_cast %get3A_446 : vector<16xi32> to vector<16xi32>
        %get3A_448 = arith.index_cast %mul3A_445 : i32 to index
        %get3A_449 = tpu.vector_load %arg9[%get3A_448] {strides = array<i32>} : memref<2048xi32, #tpu.memory_space<vmem>>, vector<16xi32>,
        %get3A_450 = vector.shape_cast %get3A_449 : vector<16xi32> to vector<16xi32>
        %get3A_451 = arith.index_cast %mul3A_445 : i32 to index
        %get3A_452 = tpu.vector_load %arg10[%get3A_451] {strides = array<i32>} : memref<2048xi32, #tpu.memory_space<vmem>>, vector<16xi32>,
        %get3A_453 = vector.shape_cast %get3A_452 : vector<16xi32> to vector<16xi32>
        %shift_left3A = arith.constant 2 : i32
        %shift_left3A_454 = vector.broadcast %shift_left3A : i32 to vector<16xi32>
        %shift_left3A_455 = arith.shli %get3A_447, %shift_left3A_454 : vector<16xi32>
        %shift_right_logical3A = arith.constant 15 : i32
        %shift_right_logical3A_456 = vector.broadcast %shift_right_logical3A : i32 to vector<16xi32>
        %shift_right_logical3A_457 = arith.shrui %get3A_450, %shift_right_logical3A_456 : vector<16xi32>
        %or3A = arith.ori %shift_left3A_455, %shift_right_logical3A_457 : vector<16xi32>
        %swap3A = arith.index_cast %mul3A_445 : i32 to index
        %swap3A_458 = tpu.vector_load %arg11[%swap3A] {strides = array<i32>} : memref<2048xi32, #tpu.memory_space<vmem>>, vector<16xi32>,
        %swap3A_459 = vector.shape_cast %swap3A_458 : vector<16xi32> to vector<16xi32>
        %swap3A_460 = vector.shape_cast %or3A : vector<16xi32> to vector<16xi32>
        tpu.vector_store %arg11[%swap3A], %swap3A_460 {strides = array<i32>} : memref<2048xi32, #tpu.memory_space<vmem>>, vector<16xi32>,
        %and3A = arith.constant 32767 : i32
        %and3A_461 = vector.broadcast %and3A : i32 to vector<16xi32>
        %and3A_462 = arith.andi %get3A_450, %and3A_461 : vector<16xi32>
        %shift_left3A_463 = arith.constant 17 : i32
        %shift_left3A_464 = vector.broadcast %shift_left3A_463 : i32 to vector<16xi32>
        %shift_left3A_465 = arith.shli %and3A_462, %shift_left3A_464 : vector<16xi32>
        %or3A_466 = arith.ori %shift_left3A_465, %get3A_453 : vector<16xi32>
        %xor3A = arith.constant -2147483648 : i32
        %xor3A_467 = vector.broadcast %xor3A : i32 to vector<16xi32>
        %xor3A_468 = arith.xori %or3A_466, %xor3A_467 : vector<16xi32>
        %swap3A_469 = arith.index_cast %mul3A_445 : i32 to index
        %swap3A_470 = tpu.vector_load %arg12[%swap3A_469] {strides = array<i32>} : memref<2048xi32, #tpu.memory_space<vmem>>, vector<16xi32>,
        %swap3A_471 = vector.shape_cast %swap3A_470 : vector<16xi32> to vector<16xi32>
        %swap3A_472 = vector.shape_cast %xor3A_468 : vector<16xi32> to vector<16xi32>
        tpu.vector_store %arg12[%swap3A_469], %swap3A_472 {strides = array<i32>} : memref<2048xi32, #tpu.memory_space<vmem>>, vector<16xi32>,
        %broadcast_in_dim3A = arith.constant 0 : i32
        %broadcast_in_dim3A_473 = vector.broadcast %broadcast_in_dim3A : i32 to vector<16xi32>
        %swap3A_474 = arith.index_cast %mul3A_445 : i32 to index
        %swap3A_475 = tpu.vector_load %arg13[%swap3A_474] {strides = array<i32>} : memref<2048xi32, #tpu.memory_space<vmem>>, vector<16xi32>,
        %swap3A_476 = vector.shape_cast %swap3A_475 : vector<16xi32> to vector<16xi32>
        %swap3A_477 = vector.shape_cast %broadcast_in_dim3A_473 : vector<16xi32> to vector<16xi32>
        tpu.vector_store %arg13[%swap3A_474], %swap3A_477 {strides = array<i32>} : memref<2048xi32, #tpu.memory_space<vmem>>, vector<16xi32>,
        %broadcast_in_dim3A_478 = arith.constant 4000000 : i32
        %broadcast_in_dim3A_479 = vector.broadcast %broadcast_in_dim3A_478 : i32 to vector<16xi32>
        %swap3A_480 = arith.index_cast %mul3A_445 : i32 to index
        %swap3A_481 = tpu.vector_load %arg14[%swap3A_480] {strides = array<i32>} : memref<2048xi32, #tpu.memory_space<vmem>>, vector<16xi32>,
        %swap3A_482 = vector.shape_cast %swap3A_481 : vector<16xi32> to vector<16xi32>
        %swap3A_483 = vector.shape_cast %broadcast_in_dim3A_479 : vector<16xi32> to vector<16xi32>
        tpu.vector_store %arg14[%swap3A_480], %swap3A_483 {strides = array<i32>} : memref<2048xi32, #tpu.memory_space<vmem>>, vector<16xi32>,
      }
      %while3A_27 = arith.constant 1 : i32
      scf.for %while3A_443 = %while3A_25 to %while3A_21 step %while3A_27  : i32 {
        %mul3A_444 = arith.constant 16 : i32
        %mul3A_445 = arith.muli %while3A_443, %mul3A_444 : i32
        %get3A = arith.index_cast %mul3A_445 : i32 to index
        %get3A_446 = tpu.vector_load %arg8[%get3A] {strides = array<i32>} : memref<2048xi32, #tpu.memory_space<vmem>>, vector<16xi32>,
        %get3A_447 = vector.shape_cast %get3A_446 : vector<16xi32> to vector<16xi32>
        %get3A_448 = arith.index_cast %mul3A_445 : i32 to index
        %get3A_449 = tpu.vector_load %arg9[%get3A_448] {strides = array<i32>} : memref<2048xi32, #tpu.memory_space<vmem>>, vector<16xi32>,
        %get3A_450 = vector.shape_cast %get3A_449 : vector<16xi32> to vector<16xi32>
        %get3A_451 = arith.index_cast %mul3A_445 : i32 to index
        %get3A_452 = tpu.vector_load %arg10[%get3A_451] {strides = array<i32>} : memref<2048xi32, #tpu.memory_space<vmem>>, vector<16xi32>,
        %get3A_453 = vector.shape_cast %get3A_452 : vector<16xi32> to vector<16xi32>
        %shift_left3A = arith.constant 2 : i32
        %shift_left3A_454 = vector.broadcast %shift_left3A : i32 to vector<16xi32>
        %shift_left3A_455 = arith.shli %get3A_447, %shift_left3A_454 : vector<16xi32>
        %shift_right_logical3A = arith.constant 15 : i32
        %shift_right_logical3A_456 = vector.broadcast %shift_right_logical3A : i32 to vector<16xi32>
        %shift_right_logical3A_457 = arith.shrui %get3A_450, %shift_right_logical3A_456 : vector<16xi32>
        %or3A = arith.ori %shift_left3A_455, %shift_right_logical3A_457 : vector<16xi32>
        %swap3A = arith.index_cast %mul3A_445 : i32 to index
        %swap3A_458 = tpu.vector_load %arg11[%swap3A] {strides = array<i32>} : memref<2048xi32, #tpu.memory_space<vmem>>, vector<16xi32>,
        %swap3A_459 = vector.shape_cast %swap3A_458 : vector<16xi32> to vector<16xi32>
        %swap3A_460 = vector.shape_cast %or3A : vector<16xi32> to vector<16xi32>
        tpu.vector_store %arg11[%swap3A], %swap3A_460 {strides = array<i32>} : memref<2048xi32, #tpu.memory_space<vmem>>, vector<16xi32>,
        %and3A = arith.constant 32767 : i32
        %and3A_461 = vector.broadcast %and3A : i32 to vector<16xi32>
        %and3A_462 = arith.andi %get3A_450, %and3A_461 : vector<16xi32>
        %shift_left3A_463 = arith.constant 17 : i32
        %shift_left3A_464 = vector.broadcast %shift_left3A_463 : i32 to vector<16xi32>
        %shift_left3A_465 = arith.shli %and3A_462, %shift_left3A_464 : vector<16xi32>
        %or3A_466 = arith.ori %shift_left3A_465, %get3A_453 : vector<16xi32>
        %xor3A = arith.constant -2147483648 : i32
        %xor3A_467 = vector.broadcast %xor3A : i32 to vector<16xi32>
        %xor3A_468 = arith.xori %or3A_466, %xor3A_467 : vector<16xi32>
        %swap3A_469 = arith.index_cast %mul3A_445 : i32 to index
        %swap3A_470 = tpu.vector_load %arg12[%swap3A_469] {strides = array<i32>} : memref<2048xi32, #tpu.memory_space<vmem>>, vector<16xi32>,
        %swap3A_471 = vector.shape_cast %swap3A_470 : vector<16xi32> to vector<16xi32>
        %swap3A_472 = vector.shape_cast %xor3A_468 : vector<16xi32> to vector<16xi32>
        tpu.vector_store %arg12[%swap3A_469], %swap3A_472 {strides = array<i32>} : memref<2048xi32, #tpu.memory_space<vmem>>, vector<16xi32>,
        %broadcast_in_dim3A = arith.constant 0 : i32
        %broadcast_in_dim3A_473 = vector.broadcast %broadcast_in_dim3A : i32 to vector<16xi32>
        %swap3A_474 = arith.index_cast %mul3A_445 : i32 to index
        %swap3A_475 = tpu.vector_load %arg13[%swap3A_474] {strides = array<i32>} : memref<2048xi32, #tpu.memory_space<vmem>>, vector<16xi32>,
        %swap3A_476 = vector.shape_cast %swap3A_475 : vector<16xi32> to vector<16xi32>
        %swap3A_477 = vector.shape_cast %broadcast_in_dim3A_473 : vector<16xi32> to vector<16xi32>
        tpu.vector_store %arg13[%swap3A_474], %swap3A_477 {strides = array<i32>} : memref<2048xi32, #tpu.memory_space<vmem>>, vector<16xi32>,
        %broadcast_in_dim3A_478 = arith.constant 4000000 : i32
        %broadcast_in_dim3A_479 = vector.broadcast %broadcast_in_dim3A_478 : i32 to vector<16xi32>
        %swap3A_480 = arith.index_cast %mul3A_445 : i32 to index
        %swap3A_481 = tpu.vector_load %arg14[%swap3A_480] {strides = array<i32>} : memref<2048xi32, #tpu.memory_space<vmem>>, vector<16xi32>,
        %swap3A_482 = vector.shape_cast %swap3A_481 : vector<16xi32> to vector<16xi32>
        %swap3A_483 = vector.shape_cast %broadcast_in_dim3A_479 : vector<16xi32> to vector<16xi32>
        tpu.vector_store %arg14[%swap3A_480], %swap3A_483 {strides = array<i32>} : memref<2048xi32, #tpu.memory_space<vmem>>, vector<16xi32>,
      }
      %while3A_28 = arith.constant 0 : i32
      %while3A_29 = arith.constant 0 : i32
      %while3A_30 = arith.constant 22 : i32
      %while3A_31 = arith.subi %while3A_30, %while3A_29 : i32
      %while3A_32 = arith.addi %while3A_29, %while3A_31 : i32
      %while3A_33 = arith.constant 1 : i32
      %while3A_34 = arith.divsi %while3A_31, %while3A_33 : i32
      %while3A_35 = arith.muli %while3A_34, %while3A_33 : i32
      %while3A_36 = arith.addi %while3A_29, %while3A_35 : i32
      %while3A_37 = arith.constant 1 : i32
      scf.for %while3A_443 = %while3A_29 to %while3A_36 step %while3A_37  : i32 {
        %while3A_444 = arith.constant 0 : i32
        %while3A_445 = arith.constant 0 : i32
        %while3A_446 = arith.constant 128 : i32
        %while3A_447 = arith.subi %while3A_446, %while3A_445 : i32
        %while3A_448 = arith.addi %while3A_445, %while3A_447 : i32
        %while3A_449 = arith.constant 1 : i32
        %while3A_450 = arith.divsi %while3A_447, %while3A_449 : i32
        %while3A_451 = arith.muli %while3A_450, %while3A_449 : i32
        %while3A_452 = arith.addi %while3A_445, %while3A_451 : i32
        %while3A_453 = arith.constant 1 : i32
        scf.for %while3A_850 = %while3A_445 to %while3A_452 step %while3A_453  : i32 {
          %mul3A_851 = arith.constant 16 : i32
          %mul3A_852 = arith.muli %while3A_850, %mul3A_851 : i32
          %get3A = arith.index_cast %mul3A_852 : i32 to index
          %get3A_853 = tpu.vector_load %arg13[%get3A] {strides = array<i32>} : memref<2048xi32, #tpu.memory_space<vmem>>, vector<16xi32>,
          %get3A_854 = vector.shape_cast %get3A_853 : vector<16xi32> to vector<16xi32>
          %get3A_855 = arith.index_cast %mul3A_852 : i32 to index
          %get3A_856 = tpu.vector_load %arg14[%get3A_855] {strides = array<i32>} : memref<2048xi32, #tpu.memory_space<vmem>>, vector<16xi32>,
          %get3A_857 = vector.shape_cast %get3A_856 : vector<16xi32> to vector<16xi32>
          %add3A_858 = arith.addi %get3A_854, %get3A_857 : vector<16xi32>
          %shift_right_arithmetic3A = arith.constant 1 : i32
          %shift_right_arithmetic3A_859 = vector.broadcast %shift_right_arithmetic3A : i32 to vector<16xi32>
          %shift_right_arithmetic3A_860 = arith.shrsi %add3A_858, %shift_right_arithmetic3A_859 : vector<16xi32>
          %swap3A = arith.index_cast %mul3A_852 : i32 to index
          %swap3A_861 = tpu.vector_load %arg15[%swap3A] {strides = array<i32>} : memref<2048xi32, #tpu.memory_space<vmem>>, vector<16xi32>,
          %swap3A_862 = vector.shape_cast %swap3A_861 : vector<16xi32> to vector<16xi32>
          %swap3A_863 = vector.shape_cast %shift_right_arithmetic3A_860 : vector<16xi32> to vector<16xi32>
          tpu.vector_store %arg15[%swap3A], %swap3A_863 {strides = array<i32>} : memref<2048xi32, #tpu.memory_space<vmem>>, vector<16xi32>,
        }
        %while3A_454 = arith.constant 1 : i32
        scf.for %while3A_850 = %while3A_452 to %while3A_448 step %while3A_454  : i32 {
          %mul3A_851 = arith.constant 16 : i32
          %mul3A_852 = arith.muli %while3A_850, %mul3A_851 : i32
          %get3A = arith.index_cast %mul3A_852 : i32 to index
          %get3A_853 = tpu.vector_load %arg13[%get3A] {strides = array<i32>} : memref<2048xi32, #tpu.memory_space<vmem>>, vector<16xi32>,
          %get3A_854 = vector.shape_cast %get3A_853 : vector<16xi32> to vector<16xi32>
          %get3A_855 = arith.index_cast %mul3A_852 : i32 to index
          %get3A_856 = tpu.vector_load %arg14[%get3A_855] {strides = array<i32>} : memref<2048xi32, #tpu.memory_space<vmem>>, vector<16xi32>,
          %get3A_857 = vector.shape_cast %get3A_856 : vector<16xi32> to vector<16xi32>
          %add3A_858 = arith.addi %get3A_854, %get3A_857 : vector<16xi32>
          %shift_right_arithmetic3A = arith.constant 1 : i32
          %shift_right_arithmetic3A_859 = vector.broadcast %shift_right_arithmetic3A : i32 to vector<16xi32>
          %shift_right_arithmetic3A_860 = arith.shrsi %add3A_858, %shift_right_arithmetic3A_859 : vector<16xi32>
          %swap3A = arith.index_cast %mul3A_852 : i32 to index
          %swap3A_861 = tpu.vector_load %arg15[%swap3A] {strides = array<i32>} : memref<2048xi32, #tpu.memory_space<vmem>>, vector<16xi32>,
          %swap3A_862 = vector.shape_cast %swap3A_861 : vector<16xi32> to vector<16xi32>
          %swap3A_863 = vector.shape_cast %shift_right_arithmetic3A_860 : vector<16xi32> to vector<16xi32>
          tpu.vector_store %arg15[%swap3A], %swap3A_863 {strides = array<i32>} : memref<2048xi32, #tpu.memory_space<vmem>>, vector<16xi32>,
        }
        %dma_start3A_455 = arith.constant 0 : i32
        %dma_start3A_456 = tpu.memref_slice %arg16[%dma_start3A_455] : memref<2048xi32, #tpu.memory_space<vmem>> -> memref<128xi32, #tpu.memory_space<vmem>>
        %dma_start3A_457 = arith.constant 0 : i32
        %dma_start3A_458 = tpu.memref_slice %arg15[%dma_start3A_457] : memref<2048xi32, #tpu.memory_space<vmem>> -> memref<128xi32, #tpu.memory_space<vmem>>
        %dma_start3A_459 = arith.constant 0 : i32
        %dma_start3A_460 = tpu.memref_slice %arg2[%dma_start3A_459] : memref<4000000xi32, #tpu.memory_space<hbm>> -> memref<4000000xi32, #tpu.memory_space<hbm>>
        tpu.enqueue_indirect_dma source(%dma_start3A_460 : memref<4000000xi32, #tpu.memory_space<hbm>>) target(%dma_start3A_456 : memref<128xi32, #tpu.memory_space<vmem>>) offsets(%dma_start3A_458 : memref<128xi32, #tpu.memory_space<vmem>>) semaphore(%arg19 : memref<!tpu.dma_semaphore, #tpu.memory_space<semaphore_mem>>)
        %dma_start3A_461 = arith.constant 0 : i32
        %dma_start3A_462 = tpu.memref_slice %arg17[%dma_start3A_461] : memref<2048xi32, #tpu.memory_space<vmem>> -> memref<128xi32, #tpu.memory_space<vmem>>
        %dma_start3A_463 = arith.constant 0 : i32
        %dma_start3A_464 = tpu.memref_slice %arg15[%dma_start3A_463] : memref<2048xi32, #tpu.memory_space<vmem>> -> memref<128xi32, #tpu.memory_space<vmem>>
        %dma_start3A_465 = arith.constant 0 : i32
        %dma_start3A_466 = tpu.memref_slice %arg3[%dma_start3A_465] : memref<4000000xi32, #tpu.memory_space<hbm>> -> memref<4000000xi32, #tpu.memory_space<hbm>>
        tpu.enqueue_indirect_dma source(%dma_start3A_466 : memref<4000000xi32, #tpu.memory_space<hbm>>) target(%dma_start3A_462 : memref<128xi32, #tpu.memory_space<vmem>>) offsets(%dma_start3A_464 : memref<128xi32, #tpu.memory_space<vmem>>) semaphore(%arg19 : memref<!tpu.dma_semaphore, #tpu.memory_space<semaphore_mem>>)
        %dma_start3A_467 = arith.constant 128 : i32
        %dma_start3A_468 = tpu.memref_slice %arg16[%dma_start3A_467] : memref<2048xi32, #tpu.memory_space<vmem>> -> memref<128xi32, #tpu.memory_space<vmem>>
        %dma_start3A_469 = arith.constant 128 : i32
        %dma_start3A_470 = tpu.memref_slice %arg15[%dma_start3A_469] : memref<2048xi32, #tpu.memory_space<vmem>> -> memref<128xi32, #tpu.memory_space<vmem>>
        %dma_start3A_471 = arith.constant 0 : i32
        %dma_start3A_472 = tpu.memref_slice %arg2[%dma_start3A_471] : memref<4000000xi32, #tpu.memory_space<hbm>> -> memref<4000000xi32, #tpu.memory_space<hbm>>
        tpu.enqueue_indirect_dma source(%dma_start3A_472 : memref<4000000xi32, #tpu.memory_space<hbm>>) target(%dma_start3A_468 : memref<128xi32, #tpu.memory_space<vmem>>) offsets(%dma_start3A_470 : memref<128xi32, #tpu.memory_space<vmem>>) semaphore(%arg19 : memref<!tpu.dma_semaphore, #tpu.memory_space<semaphore_mem>>)
        %dma_start3A_473 = arith.constant 128 : i32
        %dma_start3A_474 = tpu.memref_slice %arg17[%dma_start3A_473] : memref<2048xi32, #tpu.memory_space<vmem>> -> memref<128xi32, #tpu.memory_space<vmem>>
        %dma_start3A_475 = arith.constant 128 : i32
        %dma_start3A_476 = tpu.memref_slice %arg15[%dma_start3A_475] : memref<2048xi32, #tpu.memory_space<vmem>> -> memref<128xi32, #tpu.memory_space<vmem>>
        %dma_start3A_477 = arith.constant 0 : i32
        %dma_start3A_478 = tpu.memref_slice %arg3[%dma_start3A_477] : memref<4000000xi32, #tpu.memory_space<hbm>> -> memref<4000000xi32, #tpu.memory_space<hbm>>
        tpu.enqueue_indirect_dma source(%dma_start3A_478 : memref<4000000xi32, #tpu.memory_space<hbm>>) target(%dma_start3A_474 : memref<128xi32, #tpu.memory_space<vmem>>) offsets(%dma_start3A_476 : memref<128xi32, #tpu.memory_space<vmem>>) semaphore(%arg19 : memref<!tpu.dma_semaphore, #tpu.memory_space<semaphore_mem>>)
        %dma_start3A_479 = arith.constant 256 : i32
        %dma_start3A_480 = tpu.memref_slice %arg16[%dma_start3A_479] : memref<2048xi32, #tpu.memory_space<vmem>> -> memref<128xi32, #tpu.memory_space<vmem>>
        %dma_start3A_481 = arith.constant 256 : i32
        %dma_start3A_482 = tpu.memref_slice %arg15[%dma_start3A_481] : memref<2048xi32, #tpu.memory_space<vmem>> -> memref<128xi32, #tpu.memory_space<vmem>>
        %dma_start3A_483 = arith.constant 0 : i32
        %dma_start3A_484 = tpu.memref_slice %arg2[%dma_start3A_483] : memref<4000000xi32, #tpu.memory_space<hbm>> -> memref<4000000xi32, #tpu.memory_space<hbm>>
        tpu.enqueue_indirect_dma source(%dma_start3A_484 : memref<4000000xi32, #tpu.memory_space<hbm>>) target(%dma_start3A_480 : memref<128xi32, #tpu.memory_space<vmem>>) offsets(%dma_start3A_482 : memref<128xi32, #tpu.memory_space<vmem>>) semaphore(%arg19 : memref<!tpu.dma_semaphore, #tpu.memory_space<semaphore_mem>>)
        %dma_start3A_485 = arith.constant 256 : i32
        %dma_start3A_486 = tpu.memref_slice %arg17[%dma_start3A_485] : memref<2048xi32, #tpu.memory_space<vmem>> -> memref<128xi32, #tpu.memory_space<vmem>>
        %dma_start3A_487 = arith.constant 256 : i32
        %dma_start3A_488 = tpu.memref_slice %arg15[%dma_start3A_487] : memref<2048xi32, #tpu.memory_space<vmem>> -> memref<128xi32, #tpu.memory_space<vmem>>
        %dma_start3A_489 = arith.constant 0 : i32
        %dma_start3A_490 = tpu.memref_slice %arg3[%dma_start3A_489] : memref<4000000xi32, #tpu.memory_space<hbm>> -> memref<4000000xi32, #tpu.memory_space<hbm>>
        tpu.enqueue_indirect_dma source(%dma_start3A_490 : memref<4000000xi32, #tpu.memory_space<hbm>>) target(%dma_start3A_486 : memref<128xi32, #tpu.memory_space<vmem>>) offsets(%dma_start3A_488 : memref<128xi32, #tpu.memory_space<vmem>>) semaphore(%arg19 : memref<!tpu.dma_semaphore, #tpu.memory_space<semaphore_mem>>)
        %dma_start3A_491 = arith.constant 384 : i32
        %dma_start3A_492 = tpu.memref_slice %arg16[%dma_start3A_491] : memref<2048xi32, #tpu.memory_space<vmem>> -> memref<128xi32, #tpu.memory_space<vmem>>
        %dma_start3A_493 = arith.constant 384 : i32
        %dma_start3A_494 = tpu.memref_slice %arg15[%dma_start3A_493] : memref<2048xi32, #tpu.memory_space<vmem>> -> memref<128xi32, #tpu.memory_space<vmem>>
        %dma_start3A_495 = arith.constant 0 : i32
        %dma_start3A_496 = tpu.memref_slice %arg2[%dma_start3A_495] : memref<4000000xi32, #tpu.memory_space<hbm>> -> memref<4000000xi32, #tpu.memory_space<hbm>>
        tpu.enqueue_indirect_dma source(%dma_start3A_496 : memref<4000000xi32, #tpu.memory_space<hbm>>) target(%dma_start3A_492 : memref<128xi32, #tpu.memory_space<vmem>>) offsets(%dma_start3A_494 : memref<128xi32, #tpu.memory_space<vmem>>) semaphore(%arg19 : memref<!tpu.dma_semaphore, #tpu.memory_space<semaphore_mem>>)
        %dma_start3A_497 = arith.constant 384 : i32
        %dma_start3A_498 = tpu.memref_slice %arg17[%dma_start3A_497] : memref<2048xi32, #tpu.memory_space<vmem>> -> memref<128xi32, #tpu.memory_space<vmem>>
        %dma_start3A_499 = arith.constant 384 : i32
        %dma_start3A_500 = tpu.memref_slice %arg15[%dma_start3A_499] : memref<2048xi32, #tpu.memory_space<vmem>> -> memref<128xi32, #tpu.memory_space<vmem>>
        %dma_start3A_501 = arith.constant 0 : i32
        %dma_start3A_502 = tpu.memref_slice %arg3[%dma_start3A_501] : memref<4000000xi32, #tpu.memory_space<hbm>> -> memref<4000000xi32, #tpu.memory_space<hbm>>
        tpu.enqueue_indirect_dma source(%dma_start3A_502 : memref<4000000xi32, #tpu.memory_space<hbm>>) target(%dma_start3A_498 : memref<128xi32, #tpu.memory_space<vmem>>) offsets(%dma_start3A_500 : memref<128xi32, #tpu.memory_space<vmem>>) semaphore(%arg19 : memref<!tpu.dma_semaphore, #tpu.memory_space<semaphore_mem>>)
        %dma_start3A_503 = arith.constant 512 : i32
        %dma_start3A_504 = tpu.memref_slice %arg16[%dma_start3A_503] : memref<2048xi32, #tpu.memory_space<vmem>> -> memref<128xi32, #tpu.memory_space<vmem>>
        %dma_start3A_505 = arith.constant 512 : i32
        %dma_start3A_506 = tpu.memref_slice %arg15[%dma_start3A_505] : memref<2048xi32, #tpu.memory_space<vmem>> -> memref<128xi32, #tpu.memory_space<vmem>>
        %dma_start3A_507 = arith.constant 0 : i32
        %dma_start3A_508 = tpu.memref_slice %arg2[%dma_start3A_507] : memref<4000000xi32, #tpu.memory_space<hbm>> -> memref<4000000xi32, #tpu.memory_space<hbm>>
        tpu.enqueue_indirect_dma source(%dma_start3A_508 : memref<4000000xi32, #tpu.memory_space<hbm>>) target(%dma_start3A_504 : memref<128xi32, #tpu.memory_space<vmem>>) offsets(%dma_start3A_506 : memref<128xi32, #tpu.memory_space<vmem>>) semaphore(%arg19 : memref<!tpu.dma_semaphore, #tpu.memory_space<semaphore_mem>>)
        %dma_start3A_509 = arith.constant 512 : i32
        %dma_start3A_510 = tpu.memref_slice %arg17[%dma_start3A_509] : memref<2048xi32, #tpu.memory_space<vmem>> -> memref<128xi32, #tpu.memory_space<vmem>>
        %dma_start3A_511 = arith.constant 512 : i32
        %dma_start3A_512 = tpu.memref_slice %arg15[%dma_start3A_511] : memref<2048xi32, #tpu.memory_space<vmem>> -> memref<128xi32, #tpu.memory_space<vmem>>
        %dma_start3A_513 = arith.constant 0 : i32
        %dma_start3A_514 = tpu.memref_slice %arg3[%dma_start3A_513] : memref<4000000xi32, #tpu.memory_space<hbm>> -> memref<4000000xi32, #tpu.memory_space<hbm>>
        tpu.enqueue_indirect_dma source(%dma_start3A_514 : memref<4000000xi32, #tpu.memory_space<hbm>>) target(%dma_start3A_510 : memref<128xi32, #tpu.memory_space<vmem>>) offsets(%dma_start3A_512 : memref<128xi32, #tpu.memory_space<vmem>>) semaphore(%arg19 : memref<!tpu.dma_semaphore, #tpu.memory_space<semaphore_mem>>)
        %dma_start3A_515 = arith.constant 640 : i32
        %dma_start3A_516 = tpu.memref_slice %arg16[%dma_start3A_515] : memref<2048xi32, #tpu.memory_space<vmem>> -> memref<128xi32, #tpu.memory_space<vmem>>
        %dma_start3A_517 = arith.constant 640 : i32
        %dma_start3A_518 = tpu.memref_slice %arg15[%dma_start3A_517] : memref<2048xi32, #tpu.memory_space<vmem>> -> memref<128xi32, #tpu.memory_space<vmem>>
        %dma_start3A_519 = arith.constant 0 : i32
        %dma_start3A_520 = tpu.memref_slice %arg2[%dma_start3A_519] : memref<4000000xi32, #tpu.memory_space<hbm>> -> memref<4000000xi32, #tpu.memory_space<hbm>>
        tpu.enqueue_indirect_dma source(%dma_start3A_520 : memref<4000000xi32, #tpu.memory_space<hbm>>) target(%dma_start3A_516 : memref<128xi32, #tpu.memory_space<vmem>>) offsets(%dma_start3A_518 : memref<128xi32, #tpu.memory_space<vmem>>) semaphore(%arg19 : memref<!tpu.dma_semaphore, #tpu.memory_space<semaphore_mem>>)
        %dma_start3A_521 = arith.constant 640 : i32
        %dma_start3A_522 = tpu.memref_slice %arg17[%dma_start3A_521] : memref<2048xi32, #tpu.memory_space<vmem>> -> memref<128xi32, #tpu.memory_space<vmem>>
        %dma_start3A_523 = arith.constant 640 : i32
        %dma_start3A_524 = tpu.memref_slice %arg15[%dma_start3A_523] : memref<2048xi32, #tpu.memory_space<vmem>> -> memref<128xi32, #tpu.memory_space<vmem>>
        %dma_start3A_525 = arith.constant 0 : i32
        %dma_start3A_526 = tpu.memref_slice %arg3[%dma_start3A_525] : memref<4000000xi32, #tpu.memory_space<hbm>> -> memref<4000000xi32, #tpu.memory_space<hbm>>
        tpu.enqueue_indirect_dma source(%dma_start3A_526 : memref<4000000xi32, #tpu.memory_space<hbm>>) target(%dma_start3A_522 : memref<128xi32, #tpu.memory_space<vmem>>) offsets(%dma_start3A_524 : memref<128xi32, #tpu.memory_space<vmem>>) semaphore(%arg19 : memref<!tpu.dma_semaphore, #tpu.memory_space<semaphore_mem>>)
        %dma_start3A_527 = arith.constant 768 : i32
        %dma_start3A_528 = tpu.memref_slice %arg16[%dma_start3A_527] : memref<2048xi32, #tpu.memory_space<vmem>> -> memref<128xi32, #tpu.memory_space<vmem>>
        %dma_start3A_529 = arith.constant 768 : i32
        %dma_start3A_530 = tpu.memref_slice %arg15[%dma_start3A_529] : memref<2048xi32, #tpu.memory_space<vmem>> -> memref<128xi32, #tpu.memory_space<vmem>>
        %dma_start3A_531 = arith.constant 0 : i32
        %dma_start3A_532 = tpu.memref_slice %arg2[%dma_start3A_531] : memref<4000000xi32, #tpu.memory_space<hbm>> -> memref<4000000xi32, #tpu.memory_space<hbm>>
        tpu.enqueue_indirect_dma source(%dma_start3A_532 : memref<4000000xi32, #tpu.memory_space<hbm>>) target(%dma_start3A_528 : memref<128xi32, #tpu.memory_space<vmem>>) offsets(%dma_start3A_530 : memref<128xi32, #tpu.memory_space<vmem>>) semaphore(%arg19 : memref<!tpu.dma_semaphore, #tpu.memory_space<semaphore_mem>>)
        %dma_start3A_533 = arith.constant 768 : i32
        %dma_start3A_534 = tpu.memref_slice %arg17[%dma_start3A_533] : memref<2048xi32, #tpu.memory_space<vmem>> -> memref<128xi32, #tpu.memory_space<vmem>>
        %dma_start3A_535 = arith.constant 768 : i32
        %dma_start3A_536 = tpu.memref_slice %arg15[%dma_start3A_535] : memref<2048xi32, #tpu.memory_space<vmem>> -> memref<128xi32, #tpu.memory_space<vmem>>
        %dma_start3A_537 = arith.constant 0 : i32
        %dma_start3A_538 = tpu.memref_slice %arg3[%dma_start3A_537] : memref<4000000xi32, #tpu.memory_space<hbm>> -> memref<4000000xi32, #tpu.memory_space<hbm>>
        tpu.enqueue_indirect_dma source(%dma_start3A_538 : memref<4000000xi32, #tpu.memory_space<hbm>>) target(%dma_start3A_534 : memref<128xi32, #tpu.memory_space<vmem>>) offsets(%dma_start3A_536 : memref<128xi32, #tpu.memory_space<vmem>>) semaphore(%arg19 : memref<!tpu.dma_semaphore, #tpu.memory_space<semaphore_mem>>)
        %dma_start3A_539 = arith.constant 896 : i32
        %dma_start3A_540 = tpu.memref_slice %arg16[%dma_start3A_539] : memref<2048xi32, #tpu.memory_space<vmem>> -> memref<128xi32, #tpu.memory_space<vmem>>
        %dma_start3A_541 = arith.constant 896 : i32
        %dma_start3A_542 = tpu.memref_slice %arg15[%dma_start3A_541] : memref<2048xi32, #tpu.memory_space<vmem>> -> memref<128xi32, #tpu.memory_space<vmem>>
        %dma_start3A_543 = arith.constant 0 : i32
        %dma_start3A_544 = tpu.memref_slice %arg2[%dma_start3A_543] : memref<4000000xi32, #tpu.memory_space<hbm>> -> memref<4000000xi32, #tpu.memory_space<hbm>>
        tpu.enqueue_indirect_dma source(%dma_start3A_544 : memref<4000000xi32, #tpu.memory_space<hbm>>) target(%dma_start3A_540 : memref<128xi32, #tpu.memory_space<vmem>>) offsets(%dma_start3A_542 : memref<128xi32, #tpu.memory_space<vmem>>) semaphore(%arg19 : memref<!tpu.dma_semaphore, #tpu.memory_space<semaphore_mem>>)
        %dma_start3A_545 = arith.constant 896 : i32
        %dma_start3A_546 = tpu.memref_slice %arg17[%dma_start3A_545] : memref<2048xi32, #tpu.memory_space<vmem>> -> memref<128xi32, #tpu.memory_space<vmem>>
        %dma_start3A_547 = arith.constant 896 : i32
        %dma_start3A_548 = tpu.memref_slice %arg15[%dma_start3A_547] : memref<2048xi32, #tpu.memory_space<vmem>> -> memref<128xi32, #tpu.memory_space<vmem>>
        %dma_start3A_549 = arith.constant 0 : i32
        %dma_start3A_550 = tpu.memref_slice %arg3[%dma_start3A_549] : memref<4000000xi32, #tpu.memory_space<hbm>> -> memref<4000000xi32, #tpu.memory_space<hbm>>
        tpu.enqueue_indirect_dma source(%dma_start3A_550 : memref<4000000xi32, #tpu.memory_space<hbm>>) target(%dma_start3A_546 : memref<128xi32, #tpu.memory_space<vmem>>) offsets(%dma_start3A_548 : memref<128xi32, #tpu.memory_space<vmem>>) semaphore(%arg19 : memref<!tpu.dma_semaphore, #tpu.memory_space<semaphore_mem>>)
        %dma_start3A_551 = arith.constant 1024 : i32
        %dma_start3A_552 = tpu.memref_slice %arg16[%dma_start3A_551] : memref<2048xi32, #tpu.memory_space<vmem>> -> memref<128xi32, #tpu.memory_space<vmem>>
        %dma_start3A_553 = arith.constant 1024 : i32
        %dma_start3A_554 = tpu.memref_slice %arg15[%dma_start3A_553] : memref<2048xi32, #tpu.memory_space<vmem>> -> memref<128xi32, #tpu.memory_space<vmem>>
        %dma_start3A_555 = arith.constant 0 : i32
        %dma_start3A_556 = tpu.memref_slice %arg2[%dma_start3A_555] : memref<4000000xi32, #tpu.memory_space<hbm>> -> memref<4000000xi32, #tpu.memory_space<hbm>>
        tpu.enqueue_indirect_dma source(%dma_start3A_556 : memref<4000000xi32, #tpu.memory_space<hbm>>) target(%dma_start3A_552 : memref<128xi32, #tpu.memory_space<vmem>>) offsets(%dma_start3A_554 : memref<128xi32, #tpu.memory_space<vmem>>) semaphore(%arg19 : memref<!tpu.dma_semaphore, #tpu.memory_space<semaphore_mem>>)
        %dma_start3A_557 = arith.constant 1024 : i32
        %dma_start3A_558 = tpu.memref_slice %arg17[%dma_start3A_557] : memref<2048xi32, #tpu.memory_space<vmem>> -> memref<128xi32, #tpu.memory_space<vmem>>
        %dma_start3A_559 = arith.constant 1024 : i32
        %dma_start3A_560 = tpu.memref_slice %arg15[%dma_start3A_559] : memref<2048xi32, #tpu.memory_space<vmem>> -> memref<128xi32, #tpu.memory_space<vmem>>
        %dma_start3A_561 = arith.constant 0 : i32
        %dma_start3A_562 = tpu.memref_slice %arg3[%dma_start3A_561] : memref<4000000xi32, #tpu.memory_space<hbm>> -> memref<4000000xi32, #tpu.memory_space<hbm>>
        tpu.enqueue_indirect_dma source(%dma_start3A_562 : memref<4000000xi32, #tpu.memory_space<hbm>>) target(%dma_start3A_558 : memref<128xi32, #tpu.memory_space<vmem>>) offsets(%dma_start3A_560 : memref<128xi32, #tpu.memory_space<vmem>>) semaphore(%arg19 : memref<!tpu.dma_semaphore, #tpu.memory_space<semaphore_mem>>)
        %dma_start3A_563 = arith.constant 1152 : i32
        %dma_start3A_564 = tpu.memref_slice %arg16[%dma_start3A_563] : memref<2048xi32, #tpu.memory_space<vmem>> -> memref<128xi32, #tpu.memory_space<vmem>>
        %dma_start3A_565 = arith.constant 1152 : i32
        %dma_start3A_566 = tpu.memref_slice %arg15[%dma_start3A_565] : memref<2048xi32, #tpu.memory_space<vmem>> -> memref<128xi32, #tpu.memory_space<vmem>>
        %dma_start3A_567 = arith.constant 0 : i32
        %dma_start3A_568 = tpu.memref_slice %arg2[%dma_start3A_567] : memref<4000000xi32, #tpu.memory_space<hbm>> -> memref<4000000xi32, #tpu.memory_space<hbm>>
        tpu.enqueue_indirect_dma source(%dma_start3A_568 : memref<4000000xi32, #tpu.memory_space<hbm>>) target(%dma_start3A_564 : memref<128xi32, #tpu.memory_space<vmem>>) offsets(%dma_start3A_566 : memref<128xi32, #tpu.memory_space<vmem>>) semaphore(%arg19 : memref<!tpu.dma_semaphore, #tpu.memory_space<semaphore_mem>>)
        %dma_start3A_569 = arith.constant 1152 : i32
        %dma_start3A_570 = tpu.memref_slice %arg17[%dma_start3A_569] : memref<2048xi32, #tpu.memory_space<vmem>> -> memref<128xi32, #tpu.memory_space<vmem>>
        %dma_start3A_571 = arith.constant 1152 : i32
        %dma_start3A_572 = tpu.memref_slice %arg15[%dma_start3A_571] : memref<2048xi32, #tpu.memory_space<vmem>> -> memref<128xi32, #tpu.memory_space<vmem>>
        %dma_start3A_573 = arith.constant 0 : i32
        %dma_start3A_574 = tpu.memref_slice %arg3[%dma_start3A_573] : memref<4000000xi32, #tpu.memory_space<hbm>> -> memref<4000000xi32, #tpu.memory_space<hbm>>
        tpu.enqueue_indirect_dma source(%dma_start3A_574 : memref<4000000xi32, #tpu.memory_space<hbm>>) target(%dma_start3A_570 : memref<128xi32, #tpu.memory_space<vmem>>) offsets(%dma_start3A_572 : memref<128xi32, #tpu.memory_space<vmem>>) semaphore(%arg19 : memref<!tpu.dma_semaphore, #tpu.memory_space<semaphore_mem>>)
        %dma_start3A_575 = arith.constant 1280 : i32
        %dma_start3A_576 = tpu.memref_slice %arg16[%dma_start3A_575] : memref<2048xi32, #tpu.memory_space<vmem>> -> memref<128xi32, #tpu.memory_space<vmem>>
        %dma_start3A_577 = arith.constant 1280 : i32
        %dma_start3A_578 = tpu.memref_slice %arg15[%dma_start3A_577] : memref<2048xi32, #tpu.memory_space<vmem>> -> memref<128xi32, #tpu.memory_space<vmem>>
        %dma_start3A_579 = arith.constant 0 : i32
        %dma_start3A_580 = tpu.memref_slice %arg2[%dma_start3A_579] : memref<4000000xi32, #tpu.memory_space<hbm>> -> memref<4000000xi32, #tpu.memory_space<hbm>>
        tpu.enqueue_indirect_dma source(%dma_start3A_580 : memref<4000000xi32, #tpu.memory_space<hbm>>) target(%dma_start3A_576 : memref<128xi32, #tpu.memory_space<vmem>>) offsets(%dma_start3A_578 : memref<128xi32, #tpu.memory_space<vmem>>) semaphore(%arg19 : memref<!tpu.dma_semaphore, #tpu.memory_space<semaphore_mem>>)
        %dma_start3A_581 = arith.constant 1280 : i32
        %dma_start3A_582 = tpu.memref_slice %arg17[%dma_start3A_581] : memref<2048xi32, #tpu.memory_space<vmem>> -> memref<128xi32, #tpu.memory_space<vmem>>
        %dma_start3A_583 = arith.constant 1280 : i32
        %dma_start3A_584 = tpu.memref_slice %arg15[%dma_start3A_583] : memref<2048xi32, #tpu.memory_space<vmem>> -> memref<128xi32, #tpu.memory_space<vmem>>
        %dma_start3A_585 = arith.constant 0 : i32
        %dma_start3A_586 = tpu.memref_slice %arg3[%dma_start3A_585] : memref<4000000xi32, #tpu.memory_space<hbm>> -> memref<4000000xi32, #tpu.memory_space<hbm>>
        tpu.enqueue_indirect_dma source(%dma_start3A_586 : memref<4000000xi32, #tpu.memory_space<hbm>>) target(%dma_start3A_582 : memref<128xi32, #tpu.memory_space<vmem>>) offsets(%dma_start3A_584 : memref<128xi32, #tpu.memory_space<vmem>>) semaphore(%arg19 : memref<!tpu.dma_semaphore, #tpu.memory_space<semaphore_mem>>)
        %dma_start3A_587 = arith.constant 1408 : i32
        %dma_start3A_588 = tpu.memref_slice %arg16[%dma_start3A_587] : memref<2048xi32, #tpu.memory_space<vmem>> -> memref<128xi32, #tpu.memory_space<vmem>>
        %dma_start3A_589 = arith.constant 1408 : i32
        %dma_start3A_590 = tpu.memref_slice %arg15[%dma_start3A_589] : memref<2048xi32, #tpu.memory_space<vmem>> -> memref<128xi32, #tpu.memory_space<vmem>>
        %dma_start3A_591 = arith.constant 0 : i32
        %dma_start3A_592 = tpu.memref_slice %arg2[%dma_start3A_591] : memref<4000000xi32, #tpu.memory_space<hbm>> -> memref<4000000xi32, #tpu.memory_space<hbm>>
        tpu.enqueue_indirect_dma source(%dma_start3A_592 : memref<4000000xi32, #tpu.memory_space<hbm>>) target(%dma_start3A_588 : memref<128xi32, #tpu.memory_space<vmem>>) offsets(%dma_start3A_590 : memref<128xi32, #tpu.memory_space<vmem>>) semaphore(%arg19 : memref<!tpu.dma_semaphore, #tpu.memory_space<semaphore_mem>>)
        %dma_start3A_593 = arith.constant 1408 : i32
        %dma_start3A_594 = tpu.memref_slice %arg17[%dma_start3A_593] : memref<2048xi32, #tpu.memory_space<vmem>> -> memref<128xi32, #tpu.memory_space<vmem>>
        %dma_start3A_595 = arith.constant 1408 : i32
        %dma_start3A_596 = tpu.memref_slice %arg15[%dma_start3A_595] : memref<2048xi32, #tpu.memory_space<vmem>> -> memref<128xi32, #tpu.memory_space<vmem>>
        %dma_start3A_597 = arith.constant 0 : i32
        %dma_start3A_598 = tpu.memref_slice %arg3[%dma_start3A_597] : memref<4000000xi32, #tpu.memory_space<hbm>> -> memref<4000000xi32, #tpu.memory_space<hbm>>
        tpu.enqueue_indirect_dma source(%dma_start3A_598 : memref<4000000xi32, #tpu.memory_space<hbm>>) target(%dma_start3A_594 : memref<128xi32, #tpu.memory_space<vmem>>) offsets(%dma_start3A_596 : memref<128xi32, #tpu.memory_space<vmem>>) semaphore(%arg19 : memref<!tpu.dma_semaphore, #tpu.memory_space<semaphore_mem>>)
        %dma_start3A_599 = arith.constant 1536 : i32
        %dma_start3A_600 = tpu.memref_slice %arg16[%dma_start3A_599] : memref<2048xi32, #tpu.memory_space<vmem>> -> memref<128xi32, #tpu.memory_space<vmem>>
        %dma_start3A_601 = arith.constant 1536 : i32
        %dma_start3A_602 = tpu.memref_slice %arg15[%dma_start3A_601] : memref<2048xi32, #tpu.memory_space<vmem>> -> memref<128xi32, #tpu.memory_space<vmem>>
        %dma_start3A_603 = arith.constant 0 : i32
        %dma_start3A_604 = tpu.memref_slice %arg2[%dma_start3A_603] : memref<4000000xi32, #tpu.memory_space<hbm>> -> memref<4000000xi32, #tpu.memory_space<hbm>>
        tpu.enqueue_indirect_dma source(%dma_start3A_604 : memref<4000000xi32, #tpu.memory_space<hbm>>) target(%dma_start3A_600 : memref<128xi32, #tpu.memory_space<vmem>>) offsets(%dma_start3A_602 : memref<128xi32, #tpu.memory_space<vmem>>) semaphore(%arg19 : memref<!tpu.dma_semaphore, #tpu.memory_space<semaphore_mem>>)
        %dma_start3A_605 = arith.constant 1536 : i32
        %dma_start3A_606 = tpu.memref_slice %arg17[%dma_start3A_605] : memref<2048xi32, #tpu.memory_space<vmem>> -> memref<128xi32, #tpu.memory_space<vmem>>
        %dma_start3A_607 = arith.constant 1536 : i32
        %dma_start3A_608 = tpu.memref_slice %arg15[%dma_start3A_607] : memref<2048xi32, #tpu.memory_space<vmem>> -> memref<128xi32, #tpu.memory_space<vmem>>
        %dma_start3A_609 = arith.constant 0 : i32
        %dma_start3A_610 = tpu.memref_slice %arg3[%dma_start3A_609] : memref<4000000xi32, #tpu.memory_space<hbm>> -> memref<4000000xi32, #tpu.memory_space<hbm>>
        tpu.enqueue_indirect_dma source(%dma_start3A_610 : memref<4000000xi32, #tpu.memory_space<hbm>>) target(%dma_start3A_606 : memref<128xi32, #tpu.memory_space<vmem>>) offsets(%dma_start3A_608 : memref<128xi32, #tpu.memory_space<vmem>>) semaphore(%arg19 : memref<!tpu.dma_semaphore, #tpu.memory_space<semaphore_mem>>)
        %dma_start3A_611 = arith.constant 1664 : i32
        %dma_start3A_612 = tpu.memref_slice %arg16[%dma_start3A_611] : memref<2048xi32, #tpu.memory_space<vmem>> -> memref<128xi32, #tpu.memory_space<vmem>>
        %dma_start3A_613 = arith.constant 1664 : i32
        %dma_start3A_614 = tpu.memref_slice %arg15[%dma_start3A_613] : memref<2048xi32, #tpu.memory_space<vmem>> -> memref<128xi32, #tpu.memory_space<vmem>>
        %dma_start3A_615 = arith.constant 0 : i32
        %dma_start3A_616 = tpu.memref_slice %arg2[%dma_start3A_615] : memref<4000000xi32, #tpu.memory_space<hbm>> -> memref<4000000xi32, #tpu.memory_space<hbm>>
        tpu.enqueue_indirect_dma source(%dma_start3A_616 : memref<4000000xi32, #tpu.memory_space<hbm>>) target(%dma_start3A_612 : memref<128xi32, #tpu.memory_space<vmem>>) offsets(%dma_start3A_614 : memref<128xi32, #tpu.memory_space<vmem>>) semaphore(%arg19 : memref<!tpu.dma_semaphore, #tpu.memory_space<semaphore_mem>>)
        %dma_start3A_617 = arith.constant 1664 : i32
        %dma_start3A_618 = tpu.memref_slice %arg17[%dma_start3A_617] : memref<2048xi32, #tpu.memory_space<vmem>> -> memref<128xi32, #tpu.memory_space<vmem>>
        %dma_start3A_619 = arith.constant 1664 : i32
        %dma_start3A_620 = tpu.memref_slice %arg15[%dma_start3A_619] : memref<2048xi32, #tpu.memory_space<vmem>> -> memref<128xi32, #tpu.memory_space<vmem>>
        %dma_start3A_621 = arith.constant 0 : i32
        %dma_start3A_622 = tpu.memref_slice %arg3[%dma_start3A_621] : memref<4000000xi32, #tpu.memory_space<hbm>> -> memref<4000000xi32, #tpu.memory_space<hbm>>
        tpu.enqueue_indirect_dma source(%dma_start3A_622 : memref<4000000xi32, #tpu.memory_space<hbm>>) target(%dma_start3A_618 : memref<128xi32, #tpu.memory_space<vmem>>) offsets(%dma_start3A_620 : memref<128xi32, #tpu.memory_space<vmem>>) semaphore(%arg19 : memref<!tpu.dma_semaphore, #tpu.memory_space<semaphore_mem>>)
        %dma_start3A_623 = arith.constant 1792 : i32
        %dma_start3A_624 = tpu.memref_slice %arg16[%dma_start3A_623] : memref<2048xi32, #tpu.memory_space<vmem>> -> memref<128xi32, #tpu.memory_space<vmem>>
        %dma_start3A_625 = arith.constant 1792 : i32
        %dma_start3A_626 = tpu.memref_slice %arg15[%dma_start3A_625] : memref<2048xi32, #tpu.memory_space<vmem>> -> memref<128xi32, #tpu.memory_space<vmem>>
        %dma_start3A_627 = arith.constant 0 : i32
        %dma_start3A_628 = tpu.memref_slice %arg2[%dma_start3A_627] : memref<4000000xi32, #tpu.memory_space<hbm>> -> memref<4000000xi32, #tpu.memory_space<hbm>>
        tpu.enqueue_indirect_dma source(%dma_start3A_628 : memref<4000000xi32, #tpu.memory_space<hbm>>) target(%dma_start3A_624 : memref<128xi32, #tpu.memory_space<vmem>>) offsets(%dma_start3A_626 : memref<128xi32, #tpu.memory_space<vmem>>) semaphore(%arg19 : memref<!tpu.dma_semaphore, #tpu.memory_space<semaphore_mem>>)
        %dma_start3A_629 = arith.constant 1792 : i32
        %dma_start3A_630 = tpu.memref_slice %arg17[%dma_start3A_629] : memref<2048xi32, #tpu.memory_space<vmem>> -> memref<128xi32, #tpu.memory_space<vmem>>
        %dma_start3A_631 = arith.constant 1792 : i32
        %dma_start3A_632 = tpu.memref_slice %arg15[%dma_start3A_631] : memref<2048xi32, #tpu.memory_space<vmem>> -> memref<128xi32, #tpu.memory_space<vmem>>
        %dma_start3A_633 = arith.constant 0 : i32
        %dma_start3A_634 = tpu.memref_slice %arg3[%dma_start3A_633] : memref<4000000xi32, #tpu.memory_space<hbm>> -> memref<4000000xi32, #tpu.memory_space<hbm>>
        tpu.enqueue_indirect_dma source(%dma_start3A_634 : memref<4000000xi32, #tpu.memory_space<hbm>>) target(%dma_start3A_630 : memref<128xi32, #tpu.memory_space<vmem>>) offsets(%dma_start3A_632 : memref<128xi32, #tpu.memory_space<vmem>>) semaphore(%arg19 : memref<!tpu.dma_semaphore, #tpu.memory_space<semaphore_mem>>)
        %dma_start3A_635 = arith.constant 1920 : i32
        %dma_start3A_636 = tpu.memref_slice %arg16[%dma_start3A_635] : memref<2048xi32, #tpu.memory_space<vmem>> -> memref<128xi32, #tpu.memory_space<vmem>>
        %dma_start3A_637 = arith.constant 1920 : i32
        %dma_start3A_638 = tpu.memref_slice %arg15[%dma_start3A_637] : memref<2048xi32, #tpu.memory_space<vmem>> -> memref<128xi32, #tpu.memory_space<vmem>>
        %dma_start3A_639 = arith.constant 0 : i32
        %dma_start3A_640 = tpu.memref_slice %arg2[%dma_start3A_639] : memref<4000000xi32, #tpu.memory_space<hbm>> -> memref<4000000xi32, #tpu.memory_space<hbm>>
        tpu.enqueue_indirect_dma source(%dma_start3A_640 : memref<4000000xi32, #tpu.memory_space<hbm>>) target(%dma_start3A_636 : memref<128xi32, #tpu.memory_space<vmem>>) offsets(%dma_start3A_638 : memref<128xi32, #tpu.memory_space<vmem>>) semaphore(%arg19 : memref<!tpu.dma_semaphore, #tpu.memory_space<semaphore_mem>>)
        %dma_start3A_641 = arith.constant 1920 : i32
        %dma_start3A_642 = tpu.memref_slice %arg17[%dma_start3A_641] : memref<2048xi32, #tpu.memory_space<vmem>> -> memref<128xi32, #tpu.memory_space<vmem>>
        %dma_start3A_643 = arith.constant 1920 : i32
        %dma_start3A_644 = tpu.memref_slice %arg15[%dma_start3A_643] : memref<2048xi32, #tpu.memory_space<vmem>> -> memref<128xi32, #tpu.memory_space<vmem>>
        %dma_start3A_645 = arith.constant 0 : i32
        %dma_start3A_646 = tpu.memref_slice %arg3[%dma_start3A_645] : memref<4000000xi32, #tpu.memory_space<hbm>> -> memref<4000000xi32, #tpu.memory_space<hbm>>
        tpu.enqueue_indirect_dma source(%dma_start3A_646 : memref<4000000xi32, #tpu.memory_space<hbm>>) target(%dma_start3A_642 : memref<128xi32, #tpu.memory_space<vmem>>) offsets(%dma_start3A_644 : memref<128xi32, #tpu.memory_space<vmem>>) semaphore(%arg19 : memref<!tpu.dma_semaphore, #tpu.memory_space<semaphore_mem>>)
        %dma_wait3A_647 = arith.constant 0 : i32
        %dma_wait3A_648 = tpu.memref_slice %arg16[%dma_wait3A_647] : memref<2048xi32, #tpu.memory_space<vmem>> -> memref<128xi32, #tpu.memory_space<vmem>>
        %dma_wait3A_649 = arith.constant 0 : i32
        %dma_wait3A_650 = tpu.memref_slice %arg15[%dma_wait3A_649] : memref<2048xi32, #tpu.memory_space<vmem>> -> memref<128xi32, #tpu.memory_space<vmem>>
        %dma_wait3A_651 = arith.constant 0 : i32
        %dma_wait3A_652 = tpu.memref_slice %arg2[%dma_wait3A_651] : memref<4000000xi32, #tpu.memory_space<hbm>> -> memref<4000000xi32, #tpu.memory_space<hbm>>
        tpu.wait_indirect_dma semaphore(%arg19 : memref<!tpu.dma_semaphore, #tpu.memory_space<semaphore_mem>>) src(%dma_wait3A_652 : memref<4000000xi32, #tpu.memory_space<hbm>>) dst(%dma_wait3A_648 : memref<128xi32, #tpu.memory_space<vmem>>)
        %dma_wait3A_653 = arith.constant 0 : i32
        %dma_wait3A_654 = tpu.memref_slice %arg17[%dma_wait3A_653] : memref<2048xi32, #tpu.memory_space<vmem>> -> memref<128xi32, #tpu.memory_space<vmem>>
        %dma_wait3A_655 = arith.constant 0 : i32
        %dma_wait3A_656 = tpu.memref_slice %arg15[%dma_wait3A_655] : memref<2048xi32, #tpu.memory_space<vmem>> -> memref<128xi32, #tpu.memory_space<vmem>>
        %dma_wait3A_657 = arith.constant 0 : i32
        %dma_wait3A_658 = tpu.memref_slice %arg3[%dma_wait3A_657] : memref<4000000xi32, #tpu.memory_space<hbm>> -> memref<4000000xi32, #tpu.memory_space<hbm>>
        tpu.wait_indirect_dma semaphore(%arg19 : memref<!tpu.dma_semaphore, #tpu.memory_space<semaphore_mem>>) src(%dma_wait3A_658 : memref<4000000xi32, #tpu.memory_space<hbm>>) dst(%dma_wait3A_654 : memref<128xi32, #tpu.memory_space<vmem>>)
        %dma_wait3A_659 = arith.constant 128 : i32
        %dma_wait3A_660 = tpu.memref_slice %arg16[%dma_wait3A_659] : memref<2048xi32, #tpu.memory_space<vmem>> -> memref<128xi32, #tpu.memory_space<vmem>>
        %dma_wait3A_661 = arith.constant 128 : i32
        %dma_wait3A_662 = tpu.memref_slice %arg15[%dma_wait3A_661] : memref<2048xi32, #tpu.memory_space<vmem>> -> memref<128xi32, #tpu.memory_space<vmem>>
        %dma_wait3A_663 = arith.constant 0 : i32
        %dma_wait3A_664 = tpu.memref_slice %arg2[%dma_wait3A_663] : memref<4000000xi32, #tpu.memory_space<hbm>> -> memref<4000000xi32, #tpu.memory_space<hbm>>
        tpu.wait_indirect_dma semaphore(%arg19 : memref<!tpu.dma_semaphore, #tpu.memory_space<semaphore_mem>>) src(%dma_wait3A_664 : memref<4000000xi32, #tpu.memory_space<hbm>>) dst(%dma_wait3A_660 : memref<128xi32, #tpu.memory_space<vmem>>)
        %dma_wait3A_665 = arith.constant 128 : i32
        %dma_wait3A_666 = tpu.memref_slice %arg17[%dma_wait3A_665] : memref<2048xi32, #tpu.memory_space<vmem>> -> memref<128xi32, #tpu.memory_space<vmem>>
        %dma_wait3A_667 = arith.constant 128 : i32
        %dma_wait3A_668 = tpu.memref_slice %arg15[%dma_wait3A_667] : memref<2048xi32, #tpu.memory_space<vmem>> -> memref<128xi32, #tpu.memory_space<vmem>>
        %dma_wait3A_669 = arith.constant 0 : i32
        %dma_wait3A_670 = tpu.memref_slice %arg3[%dma_wait3A_669] : memref<4000000xi32, #tpu.memory_space<hbm>> -> memref<4000000xi32, #tpu.memory_space<hbm>>
        tpu.wait_indirect_dma semaphore(%arg19 : memref<!tpu.dma_semaphore, #tpu.memory_space<semaphore_mem>>) src(%dma_wait3A_670 : memref<4000000xi32, #tpu.memory_space<hbm>>) dst(%dma_wait3A_666 : memref<128xi32, #tpu.memory_space<vmem>>)
        %dma_wait3A_671 = arith.constant 256 : i32
        %dma_wait3A_672 = tpu.memref_slice %arg16[%dma_wait3A_671] : memref<2048xi32, #tpu.memory_space<vmem>> -> memref<128xi32, #tpu.memory_space<vmem>>
        %dma_wait3A_673 = arith.constant 256 : i32
        %dma_wait3A_674 = tpu.memref_slice %arg15[%dma_wait3A_673] : memref<2048xi32, #tpu.memory_space<vmem>> -> memref<128xi32, #tpu.memory_space<vmem>>
        %dma_wait3A_675 = arith.constant 0 : i32
        %dma_wait3A_676 = tpu.memref_slice %arg2[%dma_wait3A_675] : memref<4000000xi32, #tpu.memory_space<hbm>> -> memref<4000000xi32, #tpu.memory_space<hbm>>
        tpu.wait_indirect_dma semaphore(%arg19 : memref<!tpu.dma_semaphore, #tpu.memory_space<semaphore_mem>>) src(%dma_wait3A_676 : memref<4000000xi32, #tpu.memory_space<hbm>>) dst(%dma_wait3A_672 : memref<128xi32, #tpu.memory_space<vmem>>)
        %dma_wait3A_677 = arith.constant 256 : i32
        %dma_wait3A_678 = tpu.memref_slice %arg17[%dma_wait3A_677] : memref<2048xi32, #tpu.memory_space<vmem>> -> memref<128xi32, #tpu.memory_space<vmem>>
        %dma_wait3A_679 = arith.constant 256 : i32
        %dma_wait3A_680 = tpu.memref_slice %arg15[%dma_wait3A_679] : memref<2048xi32, #tpu.memory_space<vmem>> -> memref<128xi32, #tpu.memory_space<vmem>>
        %dma_wait3A_681 = arith.constant 0 : i32
        %dma_wait3A_682 = tpu.memref_slice %arg3[%dma_wait3A_681] : memref<4000000xi32, #tpu.memory_space<hbm>> -> memref<4000000xi32, #tpu.memory_space<hbm>>
        tpu.wait_indirect_dma semaphore(%arg19 : memref<!tpu.dma_semaphore, #tpu.memory_space<semaphore_mem>>) src(%dma_wait3A_682 : memref<4000000xi32, #tpu.memory_space<hbm>>) dst(%dma_wait3A_678 : memref<128xi32, #tpu.memory_space<vmem>>)
        %dma_wait3A_683 = arith.constant 384 : i32
        %dma_wait3A_684 = tpu.memref_slice %arg16[%dma_wait3A_683] : memref<2048xi32, #tpu.memory_space<vmem>> -> memref<128xi32, #tpu.memory_space<vmem>>
        %dma_wait3A_685 = arith.constant 384 : i32
        %dma_wait3A_686 = tpu.memref_slice %arg15[%dma_wait3A_685] : memref<2048xi32, #tpu.memory_space<vmem>> -> memref<128xi32, #tpu.memory_space<vmem>>
        %dma_wait3A_687 = arith.constant 0 : i32
        %dma_wait3A_688 = tpu.memref_slice %arg2[%dma_wait3A_687] : memref<4000000xi32, #tpu.memory_space<hbm>> -> memref<4000000xi32, #tpu.memory_space<hbm>>
        tpu.wait_indirect_dma semaphore(%arg19 : memref<!tpu.dma_semaphore, #tpu.memory_space<semaphore_mem>>) src(%dma_wait3A_688 : memref<4000000xi32, #tpu.memory_space<hbm>>) dst(%dma_wait3A_684 : memref<128xi32, #tpu.memory_space<vmem>>)
        %dma_wait3A_689 = arith.constant 384 : i32
        %dma_wait3A_690 = tpu.memref_slice %arg17[%dma_wait3A_689] : memref<2048xi32, #tpu.memory_space<vmem>> -> memref<128xi32, #tpu.memory_space<vmem>>
        %dma_wait3A_691 = arith.constant 384 : i32
        %dma_wait3A_692 = tpu.memref_slice %arg15[%dma_wait3A_691] : memref<2048xi32, #tpu.memory_space<vmem>> -> memref<128xi32, #tpu.memory_space<vmem>>
        %dma_wait3A_693 = arith.constant 0 : i32
        %dma_wait3A_694 = tpu.memref_slice %arg3[%dma_wait3A_693] : memref<4000000xi32, #tpu.memory_space<hbm>> -> memref<4000000xi32, #tpu.memory_space<hbm>>
        tpu.wait_indirect_dma semaphore(%arg19 : memref<!tpu.dma_semaphore, #tpu.memory_space<semaphore_mem>>) src(%dma_wait3A_694 : memref<4000000xi32, #tpu.memory_space<hbm>>) dst(%dma_wait3A_690 : memref<128xi32, #tpu.memory_space<vmem>>)
        %dma_wait3A_695 = arith.constant 512 : i32
        %dma_wait3A_696 = tpu.memref_slice %arg16[%dma_wait3A_695] : memref<2048xi32, #tpu.memory_space<vmem>> -> memref<128xi32, #tpu.memory_space<vmem>>
        %dma_wait3A_697 = arith.constant 512 : i32
        %dma_wait3A_698 = tpu.memref_slice %arg15[%dma_wait3A_697] : memref<2048xi32, #tpu.memory_space<vmem>> -> memref<128xi32, #tpu.memory_space<vmem>>
        %dma_wait3A_699 = arith.constant 0 : i32
        %dma_wait3A_700 = tpu.memref_slice %arg2[%dma_wait3A_699] : memref<4000000xi32, #tpu.memory_space<hbm>> -> memref<4000000xi32, #tpu.memory_space<hbm>>
        tpu.wait_indirect_dma semaphore(%arg19 : memref<!tpu.dma_semaphore, #tpu.memory_space<semaphore_mem>>) src(%dma_wait3A_700 : memref<4000000xi32, #tpu.memory_space<hbm>>) dst(%dma_wait3A_696 : memref<128xi32, #tpu.memory_space<vmem>>)
        %dma_wait3A_701 = arith.constant 512 : i32
        %dma_wait3A_702 = tpu.memref_slice %arg17[%dma_wait3A_701] : memref<2048xi32, #tpu.memory_space<vmem>> -> memref<128xi32, #tpu.memory_space<vmem>>
        %dma_wait3A_703 = arith.constant 512 : i32
        %dma_wait3A_704 = tpu.memref_slice %arg15[%dma_wait3A_703] : memref<2048xi32, #tpu.memory_space<vmem>> -> memref<128xi32, #tpu.memory_space<vmem>>
        %dma_wait3A_705 = arith.constant 0 : i32
        %dma_wait3A_706 = tpu.memref_slice %arg3[%dma_wait3A_705] : memref<4000000xi32, #tpu.memory_space<hbm>> -> memref<4000000xi32, #tpu.memory_space<hbm>>
        tpu.wait_indirect_dma semaphore(%arg19 : memref<!tpu.dma_semaphore, #tpu.memory_space<semaphore_mem>>) src(%dma_wait3A_706 : memref<4000000xi32, #tpu.memory_space<hbm>>) dst(%dma_wait3A_702 : memref<128xi32, #tpu.memory_space<vmem>>)
        %dma_wait3A_707 = arith.constant 640 : i32
        %dma_wait3A_708 = tpu.memref_slice %arg16[%dma_wait3A_707] : memref<2048xi32, #tpu.memory_space<vmem>> -> memref<128xi32, #tpu.memory_space<vmem>>
        %dma_wait3A_709 = arith.constant 640 : i32
        %dma_wait3A_710 = tpu.memref_slice %arg15[%dma_wait3A_709] : memref<2048xi32, #tpu.memory_space<vmem>> -> memref<128xi32, #tpu.memory_space<vmem>>
        %dma_wait3A_711 = arith.constant 0 : i32
        %dma_wait3A_712 = tpu.memref_slice %arg2[%dma_wait3A_711] : memref<4000000xi32, #tpu.memory_space<hbm>> -> memref<4000000xi32, #tpu.memory_space<hbm>>
        tpu.wait_indirect_dma semaphore(%arg19 : memref<!tpu.dma_semaphore, #tpu.memory_space<semaphore_mem>>) src(%dma_wait3A_712 : memref<4000000xi32, #tpu.memory_space<hbm>>) dst(%dma_wait3A_708 : memref<128xi32, #tpu.memory_space<vmem>>)
        %dma_wait3A_713 = arith.constant 640 : i32
        %dma_wait3A_714 = tpu.memref_slice %arg17[%dma_wait3A_713] : memref<2048xi32, #tpu.memory_space<vmem>> -> memref<128xi32, #tpu.memory_space<vmem>>
        %dma_wait3A_715 = arith.constant 640 : i32
        %dma_wait3A_716 = tpu.memref_slice %arg15[%dma_wait3A_715] : memref<2048xi32, #tpu.memory_space<vmem>> -> memref<128xi32, #tpu.memory_space<vmem>>
        %dma_wait3A_717 = arith.constant 0 : i32
        %dma_wait3A_718 = tpu.memref_slice %arg3[%dma_wait3A_717] : memref<4000000xi32, #tpu.memory_space<hbm>> -> memref<4000000xi32, #tpu.memory_space<hbm>>
        tpu.wait_indirect_dma semaphore(%arg19 : memref<!tpu.dma_semaphore, #tpu.memory_space<semaphore_mem>>) src(%dma_wait3A_718 : memref<4000000xi32, #tpu.memory_space<hbm>>) dst(%dma_wait3A_714 : memref<128xi32, #tpu.memory_space<vmem>>)
        %dma_wait3A_719 = arith.constant 768 : i32
        %dma_wait3A_720 = tpu.memref_slice %arg16[%dma_wait3A_719] : memref<2048xi32, #tpu.memory_space<vmem>> -> memref<128xi32, #tpu.memory_space<vmem>>
        %dma_wait3A_721 = arith.constant 768 : i32
        %dma_wait3A_722 = tpu.memref_slice %arg15[%dma_wait3A_721] : memref<2048xi32, #tpu.memory_space<vmem>> -> memref<128xi32, #tpu.memory_space<vmem>>
        %dma_wait3A_723 = arith.constant 0 : i32
        %dma_wait3A_724 = tpu.memref_slice %arg2[%dma_wait3A_723] : memref<4000000xi32, #tpu.memory_space<hbm>> -> memref<4000000xi32, #tpu.memory_space<hbm>>
        tpu.wait_indirect_dma semaphore(%arg19 : memref<!tpu.dma_semaphore, #tpu.memory_space<semaphore_mem>>) src(%dma_wait3A_724 : memref<4000000xi32, #tpu.memory_space<hbm>>) dst(%dma_wait3A_720 : memref<128xi32, #tpu.memory_space<vmem>>)
        %dma_wait3A_725 = arith.constant 768 : i32
        %dma_wait3A_726 = tpu.memref_slice %arg17[%dma_wait3A_725] : memref<2048xi32, #tpu.memory_space<vmem>> -> memref<128xi32, #tpu.memory_space<vmem>>
        %dma_wait3A_727 = arith.constant 768 : i32
        %dma_wait3A_728 = tpu.memref_slice %arg15[%dma_wait3A_727] : memref<2048xi32, #tpu.memory_space<vmem>> -> memref<128xi32, #tpu.memory_space<vmem>>
        %dma_wait3A_729 = arith.constant 0 : i32
        %dma_wait3A_730 = tpu.memref_slice %arg3[%dma_wait3A_729] : memref<4000000xi32, #tpu.memory_space<hbm>> -> memref<4000000xi32, #tpu.memory_space<hbm>>
        tpu.wait_indirect_dma semaphore(%arg19 : memref<!tpu.dma_semaphore, #tpu.memory_space<semaphore_mem>>) src(%dma_wait3A_730 : memref<4000000xi32, #tpu.memory_space<hbm>>) dst(%dma_wait3A_726 : memref<128xi32, #tpu.memory_space<vmem>>)
        %dma_wait3A_731 = arith.constant 896 : i32
        %dma_wait3A_732 = tpu.memref_slice %arg16[%dma_wait3A_731] : memref<2048xi32, #tpu.memory_space<vmem>> -> memref<128xi32, #tpu.memory_space<vmem>>
        %dma_wait3A_733 = arith.constant 896 : i32
        %dma_wait3A_734 = tpu.memref_slice %arg15[%dma_wait3A_733] : memref<2048xi32, #tpu.memory_space<vmem>> -> memref<128xi32, #tpu.memory_space<vmem>>
        %dma_wait3A_735 = arith.constant 0 : i32
        %dma_wait3A_736 = tpu.memref_slice %arg2[%dma_wait3A_735] : memref<4000000xi32, #tpu.memory_space<hbm>> -> memref<4000000xi32, #tpu.memory_space<hbm>>
        tpu.wait_indirect_dma semaphore(%arg19 : memref<!tpu.dma_semaphore, #tpu.memory_space<semaphore_mem>>) src(%dma_wait3A_736 : memref<4000000xi32, #tpu.memory_space<hbm>>) dst(%dma_wait3A_732 : memref<128xi32, #tpu.memory_space<vmem>>)
        %dma_wait3A_737 = arith.constant 896 : i32
        %dma_wait3A_738 = tpu.memref_slice %arg17[%dma_wait3A_737] : memref<2048xi32, #tpu.memory_space<vmem>> -> memref<128xi32, #tpu.memory_space<vmem>>
        %dma_wait3A_739 = arith.constant 896 : i32
        %dma_wait3A_740 = tpu.memref_slice %arg15[%dma_wait3A_739] : memref<2048xi32, #tpu.memory_space<vmem>> -> memref<128xi32, #tpu.memory_space<vmem>>
        %dma_wait3A_741 = arith.constant 0 : i32
        %dma_wait3A_742 = tpu.memref_slice %arg3[%dma_wait3A_741] : memref<4000000xi32, #tpu.memory_space<hbm>> -> memref<4000000xi32, #tpu.memory_space<hbm>>
        tpu.wait_indirect_dma semaphore(%arg19 : memref<!tpu.dma_semaphore, #tpu.memory_space<semaphore_mem>>) src(%dma_wait3A_742 : memref<4000000xi32, #tpu.memory_space<hbm>>) dst(%dma_wait3A_738 : memref<128xi32, #tpu.memory_space<vmem>>)
        %dma_wait3A_743 = arith.constant 1024 : i32
        %dma_wait3A_744 = tpu.memref_slice %arg16[%dma_wait3A_743] : memref<2048xi32, #tpu.memory_space<vmem>> -> memref<128xi32, #tpu.memory_space<vmem>>
        %dma_wait3A_745 = arith.constant 1024 : i32
        %dma_wait3A_746 = tpu.memref_slice %arg15[%dma_wait3A_745] : memref<2048xi32, #tpu.memory_space<vmem>> -> memref<128xi32, #tpu.memory_space<vmem>>
        %dma_wait3A_747 = arith.constant 0 : i32
        %dma_wait3A_748 = tpu.memref_slice %arg2[%dma_wait3A_747] : memref<4000000xi32, #tpu.memory_space<hbm>> -> memref<4000000xi32, #tpu.memory_space<hbm>>
        tpu.wait_indirect_dma semaphore(%arg19 : memref<!tpu.dma_semaphore, #tpu.memory_space<semaphore_mem>>) src(%dma_wait3A_748 : memref<4000000xi32, #tpu.memory_space<hbm>>) dst(%dma_wait3A_744 : memref<128xi32, #tpu.memory_space<vmem>>)
        %dma_wait3A_749 = arith.constant 1024 : i32
        %dma_wait3A_750 = tpu.memref_slice %arg17[%dma_wait3A_749] : memref<2048xi32, #tpu.memory_space<vmem>> -> memref<128xi32, #tpu.memory_space<vmem>>
        %dma_wait3A_751 = arith.constant 1024 : i32
        %dma_wait3A_752 = tpu.memref_slice %arg15[%dma_wait3A_751] : memref<2048xi32, #tpu.memory_space<vmem>> -> memref<128xi32, #tpu.memory_space<vmem>>
        %dma_wait3A_753 = arith.constant 0 : i32
        %dma_wait3A_754 = tpu.memref_slice %arg3[%dma_wait3A_753] : memref<4000000xi32, #tpu.memory_space<hbm>> -> memref<4000000xi32, #tpu.memory_space<hbm>>
        tpu.wait_indirect_dma semaphore(%arg19 : memref<!tpu.dma_semaphore, #tpu.memory_space<semaphore_mem>>) src(%dma_wait3A_754 : memref<4000000xi32, #tpu.memory_space<hbm>>) dst(%dma_wait3A_750 : memref<128xi32, #tpu.memory_space<vmem>>)
        %dma_wait3A_755 = arith.constant 1152 : i32
        %dma_wait3A_756 = tpu.memref_slice %arg16[%dma_wait3A_755] : memref<2048xi32, #tpu.memory_space<vmem>> -> memref<128xi32, #tpu.memory_space<vmem>>
        %dma_wait3A_757 = arith.constant 1152 : i32
        %dma_wait3A_758 = tpu.memref_slice %arg15[%dma_wait3A_757] : memref<2048xi32, #tpu.memory_space<vmem>> -> memref<128xi32, #tpu.memory_space<vmem>>
        %dma_wait3A_759 = arith.constant 0 : i32
        %dma_wait3A_760 = tpu.memref_slice %arg2[%dma_wait3A_759] : memref<4000000xi32, #tpu.memory_space<hbm>> -> memref<4000000xi32, #tpu.memory_space<hbm>>
        tpu.wait_indirect_dma semaphore(%arg19 : memref<!tpu.dma_semaphore, #tpu.memory_space<semaphore_mem>>) src(%dma_wait3A_760 : memref<4000000xi32, #tpu.memory_space<hbm>>) dst(%dma_wait3A_756 : memref<128xi32, #tpu.memory_space<vmem>>)
        %dma_wait3A_761 = arith.constant 1152 : i32
        %dma_wait3A_762 = tpu.memref_slice %arg17[%dma_wait3A_761] : memref<2048xi32, #tpu.memory_space<vmem>> -> memref<128xi32, #tpu.memory_space<vmem>>
        %dma_wait3A_763 = arith.constant 1152 : i32
        %dma_wait3A_764 = tpu.memref_slice %arg15[%dma_wait3A_763] : memref<2048xi32, #tpu.memory_space<vmem>> -> memref<128xi32, #tpu.memory_space<vmem>>
        %dma_wait3A_765 = arith.constant 0 : i32
        %dma_wait3A_766 = tpu.memref_slice %arg3[%dma_wait3A_765] : memref<4000000xi32, #tpu.memory_space<hbm>> -> memref<4000000xi32, #tpu.memory_space<hbm>>
        tpu.wait_indirect_dma semaphore(%arg19 : memref<!tpu.dma_semaphore, #tpu.memory_space<semaphore_mem>>) src(%dma_wait3A_766 : memref<4000000xi32, #tpu.memory_space<hbm>>) dst(%dma_wait3A_762 : memref<128xi32, #tpu.memory_space<vmem>>)
        %dma_wait3A_767 = arith.constant 1280 : i32
        %dma_wait3A_768 = tpu.memref_slice %arg16[%dma_wait3A_767] : memref<2048xi32, #tpu.memory_space<vmem>> -> memref<128xi32, #tpu.memory_space<vmem>>
        %dma_wait3A_769 = arith.constant 1280 : i32
        %dma_wait3A_770 = tpu.memref_slice %arg15[%dma_wait3A_769] : memref<2048xi32, #tpu.memory_space<vmem>> -> memref<128xi32, #tpu.memory_space<vmem>>
        %dma_wait3A_771 = arith.constant 0 : i32
        %dma_wait3A_772 = tpu.memref_slice %arg2[%dma_wait3A_771] : memref<4000000xi32, #tpu.memory_space<hbm>> -> memref<4000000xi32, #tpu.memory_space<hbm>>
        tpu.wait_indirect_dma semaphore(%arg19 : memref<!tpu.dma_semaphore, #tpu.memory_space<semaphore_mem>>) src(%dma_wait3A_772 : memref<4000000xi32, #tpu.memory_space<hbm>>) dst(%dma_wait3A_768 : memref<128xi32, #tpu.memory_space<vmem>>)
        %dma_wait3A_773 = arith.constant 1280 : i32
        %dma_wait3A_774 = tpu.memref_slice %arg17[%dma_wait3A_773] : memref<2048xi32, #tpu.memory_space<vmem>> -> memref<128xi32, #tpu.memory_space<vmem>>
        %dma_wait3A_775 = arith.constant 1280 : i32
        %dma_wait3A_776 = tpu.memref_slice %arg15[%dma_wait3A_775] : memref<2048xi32, #tpu.memory_space<vmem>> -> memref<128xi32, #tpu.memory_space<vmem>>
        %dma_wait3A_777 = arith.constant 0 : i32
        %dma_wait3A_778 = tpu.memref_slice %arg3[%dma_wait3A_777] : memref<4000000xi32, #tpu.memory_space<hbm>> -> memref<4000000xi32, #tpu.memory_space<hbm>>
        tpu.wait_indirect_dma semaphore(%arg19 : memref<!tpu.dma_semaphore, #tpu.memory_space<semaphore_mem>>) src(%dma_wait3A_778 : memref<4000000xi32, #tpu.memory_space<hbm>>) dst(%dma_wait3A_774 : memref<128xi32, #tpu.memory_space<vmem>>)
        %dma_wait3A_779 = arith.constant 1408 : i32
        %dma_wait3A_780 = tpu.memref_slice %arg16[%dma_wait3A_779] : memref<2048xi32, #tpu.memory_space<vmem>> -> memref<128xi32, #tpu.memory_space<vmem>>
        %dma_wait3A_781 = arith.constant 1408 : i32
        %dma_wait3A_782 = tpu.memref_slice %arg15[%dma_wait3A_781] : memref<2048xi32, #tpu.memory_space<vmem>> -> memref<128xi32, #tpu.memory_space<vmem>>
        %dma_wait3A_783 = arith.constant 0 : i32
        %dma_wait3A_784 = tpu.memref_slice %arg2[%dma_wait3A_783] : memref<4000000xi32, #tpu.memory_space<hbm>> -> memref<4000000xi32, #tpu.memory_space<hbm>>
        tpu.wait_indirect_dma semaphore(%arg19 : memref<!tpu.dma_semaphore, #tpu.memory_space<semaphore_mem>>) src(%dma_wait3A_784 : memref<4000000xi32, #tpu.memory_space<hbm>>) dst(%dma_wait3A_780 : memref<128xi32, #tpu.memory_space<vmem>>)
        %dma_wait3A_785 = arith.constant 1408 : i32
        %dma_wait3A_786 = tpu.memref_slice %arg17[%dma_wait3A_785] : memref<2048xi32, #tpu.memory_space<vmem>> -> memref<128xi32, #tpu.memory_space<vmem>>
        %dma_wait3A_787 = arith.constant 1408 : i32
        %dma_wait3A_788 = tpu.memref_slice %arg15[%dma_wait3A_787] : memref<2048xi32, #tpu.memory_space<vmem>> -> memref<128xi32, #tpu.memory_space<vmem>>
        %dma_wait3A_789 = arith.constant 0 : i32
        %dma_wait3A_790 = tpu.memref_slice %arg3[%dma_wait3A_789] : memref<4000000xi32, #tpu.memory_space<hbm>> -> memref<4000000xi32, #tpu.memory_space<hbm>>
        tpu.wait_indirect_dma semaphore(%arg19 : memref<!tpu.dma_semaphore, #tpu.memory_space<semaphore_mem>>) src(%dma_wait3A_790 : memref<4000000xi32, #tpu.memory_space<hbm>>) dst(%dma_wait3A_786 : memref<128xi32, #tpu.memory_space<vmem>>)
        %dma_wait3A_791 = arith.constant 1536 : i32
        %dma_wait3A_792 = tpu.memref_slice %arg16[%dma_wait3A_791] : memref<2048xi32, #tpu.memory_space<vmem>> -> memref<128xi32, #tpu.memory_space<vmem>>
        %dma_wait3A_793 = arith.constant 1536 : i32
        %dma_wait3A_794 = tpu.memref_slice %arg15[%dma_wait3A_793] : memref<2048xi32, #tpu.memory_space<vmem>> -> memref<128xi32, #tpu.memory_space<vmem>>
        %dma_wait3A_795 = arith.constant 0 : i32
        %dma_wait3A_796 = tpu.memref_slice %arg2[%dma_wait3A_795] : memref<4000000xi32, #tpu.memory_space<hbm>> -> memref<4000000xi32, #tpu.memory_space<hbm>>
        tpu.wait_indirect_dma semaphore(%arg19 : memref<!tpu.dma_semaphore, #tpu.memory_space<semaphore_mem>>) src(%dma_wait3A_796 : memref<4000000xi32, #tpu.memory_space<hbm>>) dst(%dma_wait3A_792 : memref<128xi32, #tpu.memory_space<vmem>>)
        %dma_wait3A_797 = arith.constant 1536 : i32
        %dma_wait3A_798 = tpu.memref_slice %arg17[%dma_wait3A_797] : memref<2048xi32, #tpu.memory_space<vmem>> -> memref<128xi32, #tpu.memory_space<vmem>>
        %dma_wait3A_799 = arith.constant 1536 : i32
        %dma_wait3A_800 = tpu.memref_slice %arg15[%dma_wait3A_799] : memref<2048xi32, #tpu.memory_space<vmem>> -> memref<128xi32, #tpu.memory_space<vmem>>
        %dma_wait3A_801 = arith.constant 0 : i32
        %dma_wait3A_802 = tpu.memref_slice %arg3[%dma_wait3A_801] : memref<4000000xi32, #tpu.memory_space<hbm>> -> memref<4000000xi32, #tpu.memory_space<hbm>>
        tpu.wait_indirect_dma semaphore(%arg19 : memref<!tpu.dma_semaphore, #tpu.memory_space<semaphore_mem>>) src(%dma_wait3A_802 : memref<4000000xi32, #tpu.memory_space<hbm>>) dst(%dma_wait3A_798 : memref<128xi32, #tpu.memory_space<vmem>>)
        %dma_wait3A_803 = arith.constant 1664 : i32
        %dma_wait3A_804 = tpu.memref_slice %arg16[%dma_wait3A_803] : memref<2048xi32, #tpu.memory_space<vmem>> -> memref<128xi32, #tpu.memory_space<vmem>>
        %dma_wait3A_805 = arith.constant 1664 : i32
        %dma_wait3A_806 = tpu.memref_slice %arg15[%dma_wait3A_805] : memref<2048xi32, #tpu.memory_space<vmem>> -> memref<128xi32, #tpu.memory_space<vmem>>
        %dma_wait3A_807 = arith.constant 0 : i32
        %dma_wait3A_808 = tpu.memref_slice %arg2[%dma_wait3A_807] : memref<4000000xi32, #tpu.memory_space<hbm>> -> memref<4000000xi32, #tpu.memory_space<hbm>>
        tpu.wait_indirect_dma semaphore(%arg19 : memref<!tpu.dma_semaphore, #tpu.memory_space<semaphore_mem>>) src(%dma_wait3A_808 : memref<4000000xi32, #tpu.memory_space<hbm>>) dst(%dma_wait3A_804 : memref<128xi32, #tpu.memory_space<vmem>>)
        %dma_wait3A_809 = arith.constant 1664 : i32
        %dma_wait3A_810 = tpu.memref_slice %arg17[%dma_wait3A_809] : memref<2048xi32, #tpu.memory_space<vmem>> -> memref<128xi32, #tpu.memory_space<vmem>>
        %dma_wait3A_811 = arith.constant 1664 : i32
        %dma_wait3A_812 = tpu.memref_slice %arg15[%dma_wait3A_811] : memref<2048xi32, #tpu.memory_space<vmem>> -> memref<128xi32, #tpu.memory_space<vmem>>
        %dma_wait3A_813 = arith.constant 0 : i32
        %dma_wait3A_814 = tpu.memref_slice %arg3[%dma_wait3A_813] : memref<4000000xi32, #tpu.memory_space<hbm>> -> memref<4000000xi32, #tpu.memory_space<hbm>>
        tpu.wait_indirect_dma semaphore(%arg19 : memref<!tpu.dma_semaphore, #tpu.memory_space<semaphore_mem>>) src(%dma_wait3A_814 : memref<4000000xi32, #tpu.memory_space<hbm>>) dst(%dma_wait3A_810 : memref<128xi32, #tpu.memory_space<vmem>>)
        %dma_wait3A_815 = arith.constant 1792 : i32
        %dma_wait3A_816 = tpu.memref_slice %arg16[%dma_wait3A_815] : memref<2048xi32, #tpu.memory_space<vmem>> -> memref<128xi32, #tpu.memory_space<vmem>>
        %dma_wait3A_817 = arith.constant 1792 : i32
        %dma_wait3A_818 = tpu.memref_slice %arg15[%dma_wait3A_817] : memref<2048xi32, #tpu.memory_space<vmem>> -> memref<128xi32, #tpu.memory_space<vmem>>
        %dma_wait3A_819 = arith.constant 0 : i32
        %dma_wait3A_820 = tpu.memref_slice %arg2[%dma_wait3A_819] : memref<4000000xi32, #tpu.memory_space<hbm>> -> memref<4000000xi32, #tpu.memory_space<hbm>>
        tpu.wait_indirect_dma semaphore(%arg19 : memref<!tpu.dma_semaphore, #tpu.memory_space<semaphore_mem>>) src(%dma_wait3A_820 : memref<4000000xi32, #tpu.memory_space<hbm>>) dst(%dma_wait3A_816 : memref<128xi32, #tpu.memory_space<vmem>>)
        %dma_wait3A_821 = arith.constant 1792 : i32
        %dma_wait3A_822 = tpu.memref_slice %arg17[%dma_wait3A_821] : memref<2048xi32, #tpu.memory_space<vmem>> -> memref<128xi32, #tpu.memory_space<vmem>>
        %dma_wait3A_823 = arith.constant 1792 : i32
        %dma_wait3A_824 = tpu.memref_slice %arg15[%dma_wait3A_823] : memref<2048xi32, #tpu.memory_space<vmem>> -> memref<128xi32, #tpu.memory_space<vmem>>
        %dma_wait3A_825 = arith.constant 0 : i32
        %dma_wait3A_826 = tpu.memref_slice %arg3[%dma_wait3A_825] : memref<4000000xi32, #tpu.memory_space<hbm>> -> memref<4000000xi32, #tpu.memory_space<hbm>>
        tpu.wait_indirect_dma semaphore(%arg19 : memref<!tpu.dma_semaphore, #tpu.memory_space<semaphore_mem>>) src(%dma_wait3A_826 : memref<4000000xi32, #tpu.memory_space<hbm>>) dst(%dma_wait3A_822 : memref<128xi32, #tpu.memory_space<vmem>>)
        %dma_wait3A_827 = arith.constant 1920 : i32
        %dma_wait3A_828 = tpu.memref_slice %arg16[%dma_wait3A_827] : memref<2048xi32, #tpu.memory_space<vmem>> -> memref<128xi32, #tpu.memory_space<vmem>>
        %dma_wait3A_829 = arith.constant 1920 : i32
        %dma_wait3A_830 = tpu.memref_slice %arg15[%dma_wait3A_829] : memref<2048xi32, #tpu.memory_space<vmem>> -> memref<128xi32, #tpu.memory_space<vmem>>
        %dma_wait3A_831 = arith.constant 0 : i32
        %dma_wait3A_832 = tpu.memref_slice %arg2[%dma_wait3A_831] : memref<4000000xi32, #tpu.memory_space<hbm>> -> memref<4000000xi32, #tpu.memory_space<hbm>>
        tpu.wait_indirect_dma semaphore(%arg19 : memref<!tpu.dma_semaphore, #tpu.memory_space<semaphore_mem>>) src(%dma_wait3A_832 : memref<4000000xi32, #tpu.memory_space<hbm>>) dst(%dma_wait3A_828 : memref<128xi32, #tpu.memory_space<vmem>>)
        %dma_wait3A_833 = arith.constant 1920 : i32
        %dma_wait3A_834 = tpu.memref_slice %arg17[%dma_wait3A_833] : memref<2048xi32, #tpu.memory_space<vmem>> -> memref<128xi32, #tpu.memory_space<vmem>>
        %dma_wait3A_835 = arith.constant 1920 : i32
        %dma_wait3A_836 = tpu.memref_slice %arg15[%dma_wait3A_835] : memref<2048xi32, #tpu.memory_space<vmem>> -> memref<128xi32, #tpu.memory_space<vmem>>
        %dma_wait3A_837 = arith.constant 0 : i32
        %dma_wait3A_838 = tpu.memref_slice %arg3[%dma_wait3A_837] : memref<4000000xi32, #tpu.memory_space<hbm>> -> memref<4000000xi32, #tpu.memory_space<hbm>>
        tpu.wait_indirect_dma semaphore(%arg19 : memref<!tpu.dma_semaphore, #tpu.memory_space<semaphore_mem>>) src(%dma_wait3A_838 : memref<4000000xi32, #tpu.memory_space<hbm>>) dst(%dma_wait3A_834 : memref<128xi32, #tpu.memory_space<vmem>>)
        %while3A_839 = arith.constant 0 : i32
        %while3A_840 = arith.constant 0 : i32
        %while3A_841 = arith.constant 128 : i32
        %while3A_842 = arith.subi %while3A_841, %while3A_840 : i32
        %while3A_843 = arith.addi %while3A_840, %while3A_842 : i32
        %while3A_844 = arith.constant 1 : i32
        %while3A_845 = arith.divsi %while3A_842, %while3A_844 : i32
        %while3A_846 = arith.muli %while3A_845, %while3A_844 : i32
        %while3A_847 = arith.addi %while3A_840, %while3A_846 : i32
        %while3A_848 = arith.constant 1 : i32
        scf.for %while3A_850 = %while3A_840 to %while3A_847 step %while3A_848  : i32 {
          %mul3A_851 = arith.constant 16 : i32
          %mul3A_852 = arith.muli %while3A_850, %mul3A_851 : i32
          %get3A = arith.index_cast %mul3A_852 : i32 to index
          %get3A_853 = tpu.vector_load %arg16[%get3A] {strides = array<i32>} : memref<2048xi32, #tpu.memory_space<vmem>>, vector<16xi32>,
          %get3A_854 = vector.shape_cast %get3A_853 : vector<16xi32> to vector<16xi32>
          %get3A_855 = arith.index_cast %mul3A_852 : i32 to index
          %get3A_856 = tpu.vector_load %arg17[%get3A_855] {strides = array<i32>} : memref<2048xi32, #tpu.memory_space<vmem>>, vector<16xi32>,
          %get3A_857 = vector.shape_cast %get3A_856 : vector<16xi32> to vector<16xi32>
          %get3A_858 = arith.index_cast %mul3A_852 : i32 to index
          %get3A_859 = tpu.vector_load %arg11[%get3A_858] {strides = array<i32>} : memref<2048xi32, #tpu.memory_space<vmem>>, vector<16xi32>,
          %get3A_860 = vector.shape_cast %get3A_859 : vector<16xi32> to vector<16xi32>
          %get3A_861 = arith.index_cast %mul3A_852 : i32 to index
          %get3A_862 = tpu.vector_load %arg12[%get3A_861] {strides = array<i32>} : memref<2048xi32, #tpu.memory_space<vmem>>, vector<16xi32>,
          %get3A_863 = vector.shape_cast %get3A_862 : vector<16xi32> to vector<16xi32>
          %lt3A = arith.cmpi slt, %get3A_854, %get3A_860 : vector<16xi32>
          %eq3A = arith.cmpi eq, %get3A_854, %get3A_860 : vector<16xi32>
          %le3A = arith.cmpi sle, %get3A_857, %get3A_863 : vector<16xi32>
          %and3A = arith.andi %eq3A, %le3A : vector<16xi1>
          %or3A = arith.ori %lt3A, %and3A : vector<16xi1>
          %get3A_864 = arith.index_cast %mul3A_852 : i32 to index
          %get3A_865 = tpu.vector_load %arg13[%get3A_864] {strides = array<i32>} : memref<2048xi32, #tpu.memory_space<vmem>>, vector<16xi32>,
          %get3A_866 = vector.shape_cast %get3A_865 : vector<16xi32> to vector<16xi32>
          %get3A_867 = arith.index_cast %mul3A_852 : i32 to index
          %get3A_868 = tpu.vector_load %arg14[%get3A_867] {strides = array<i32>} : memref<2048xi32, #tpu.memory_space<vmem>>, vector<16xi32>,
          %get3A_869 = vector.shape_cast %get3A_868 : vector<16xi32> to vector<16xi32>
          %add3A_870 = arith.addi %get3A_866, %get3A_869 : vector<16xi32>
          %shift_right_arithmetic3A = arith.constant 1 : i32
          %shift_right_arithmetic3A_871 = vector.broadcast %shift_right_arithmetic3A : i32 to vector<16xi32>
          %shift_right_arithmetic3A_872 = arith.shrsi %add3A_870, %shift_right_arithmetic3A_871 : vector<16xi32>
          %add3A_873 = arith.constant 1 : i32
          %add3A_874 = vector.broadcast %add3A_873 : i32 to vector<16xi32>
          %add3A_875 = arith.addi %shift_right_arithmetic3A_872, %add3A_874 : vector<16xi32>
          %get3A_876 = arith.index_cast %mul3A_852 : i32 to index
          %get3A_877 = tpu.vector_load %arg13[%get3A_876] {strides = array<i32>} : memref<2048xi32, #tpu.memory_space<vmem>>, vector<16xi32>,
          %get3A_878 = vector.shape_cast %get3A_877 : vector<16xi32> to vector<16xi32>
          %select_n3A = arith.select %or3A, %add3A_875, %get3A_878 : vector<16xi1>, vector<16xi32>
          %swap3A = arith.index_cast %mul3A_852 : i32 to index
          %swap3A_879 = tpu.vector_load %arg13[%swap3A] {strides = array<i32>} : memref<2048xi32, #tpu.memory_space<vmem>>, vector<16xi32>,
          %swap3A_880 = vector.shape_cast %swap3A_879 : vector<16xi32> to vector<16xi32>
          %swap3A_881 = vector.shape_cast %select_n3A : vector<16xi32> to vector<16xi32>
          tpu.vector_store %arg13[%swap3A], %swap3A_881 {strides = array<i32>} : memref<2048xi32, #tpu.memory_space<vmem>>, vector<16xi32>,
          %get3A_882 = arith.index_cast %mul3A_852 : i32 to index
          %get3A_883 = tpu.vector_load %arg14[%get3A_882] {strides = array<i32>} : memref<2048xi32, #tpu.memory_space<vmem>>, vector<16xi32>,
          %get3A_884 = vector.shape_cast %get3A_883 : vector<16xi32> to vector<16xi32>
          %select_n3A_885 = arith.select %or3A, %get3A_884, %shift_right_arithmetic3A_872 : vector<16xi1>, vector<16xi32>
          %swap3A_886 = arith.index_cast %mul3A_852 : i32 to index
          %swap3A_887 = tpu.vector_load %arg14[%swap3A_886] {strides = array<i32>} : memref<2048xi32, #tpu.memory_space<vmem>>, vector<16xi32>,
          %swap3A_888 = vector.shape_cast %swap3A_887 : vector<16xi32> to vector<16xi32>
          %swap3A_889 = vector.shape_cast %select_n3A_885 : vector<16xi32> to vector<16xi32>
          tpu.vector_store %arg14[%swap3A_886], %swap3A_889 {strides = array<i32>} : memref<2048xi32, #tpu.memory_space<vmem>>, vector<16xi32>,
        }
        %while3A_849 = arith.constant 1 : i32
        scf.for %while3A_850 = %while3A_847 to %while3A_843 step %while3A_849  : i32 {
          %mul3A_851 = arith.constant 16 : i32
          %mul3A_852 = arith.muli %while3A_850, %mul3A_851 : i32
          %get3A = arith.index_cast %mul3A_852 : i32 to index
          %get3A_853 = tpu.vector_load %arg16[%get3A] {strides = array<i32>} : memref<2048xi32, #tpu.memory_space<vmem>>, vector<16xi32>,
          %get3A_854 = vector.shape_cast %get3A_853 : vector<16xi32> to vector<16xi32>
          %get3A_855 = arith.index_cast %mul3A_852 : i32 to index
          %get3A_856 = tpu.vector_load %arg17[%get3A_855] {strides = array<i32>} : memref<2048xi32, #tpu.memory_space<vmem>>, vector<16xi32>,
          %get3A_857 = vector.shape_cast %get3A_856 : vector<16xi32> to vector<16xi32>
          %get3A_858 = arith.index_cast %mul3A_852 : i32 to index
          %get3A_859 = tpu.vector_load %arg11[%get3A_858] {strides = array<i32>} : memref<2048xi32, #tpu.memory_space<vmem>>, vector<16xi32>,
          %get3A_860 = vector.shape_cast %get3A_859 : vector<16xi32> to vector<16xi32>
          %get3A_861 = arith.index_cast %mul3A_852 : i32 to index
          %get3A_862 = tpu.vector_load %arg12[%get3A_861] {strides = array<i32>} : memref<2048xi32, #tpu.memory_space<vmem>>, vector<16xi32>,
          %get3A_863 = vector.shape_cast %get3A_862 : vector<16xi32> to vector<16xi32>
          %lt3A = arith.cmpi slt, %get3A_854, %get3A_860 : vector<16xi32>
          %eq3A = arith.cmpi eq, %get3A_854, %get3A_860 : vector<16xi32>
          %le3A = arith.cmpi sle, %get3A_857, %get3A_863 : vector<16xi32>
          %and3A = arith.andi %eq3A, %le3A : vector<16xi1>
          %or3A = arith.ori %lt3A, %and3A : vector<16xi1>
          %get3A_864 = arith.index_cast %mul3A_852 : i32 to index
          %get3A_865 = tpu.vector_load %arg13[%get3A_864] {strides = array<i32>} : memref<2048xi32, #tpu.memory_space<vmem>>, vector<16xi32>,
          %get3A_866 = vector.shape_cast %get3A_865 : vector<16xi32> to vector<16xi32>
          %get3A_867 = arith.index_cast %mul3A_852 : i32 to index
          %get3A_868 = tpu.vector_load %arg14[%get3A_867] {strides = array<i32>} : memref<2048xi32, #tpu.memory_space<vmem>>, vector<16xi32>,
          %get3A_869 = vector.shape_cast %get3A_868 : vector<16xi32> to vector<16xi32>
          %add3A_870 = arith.addi %get3A_866, %get3A_869 : vector<16xi32>
          %shift_right_arithmetic3A = arith.constant 1 : i32
          %shift_right_arithmetic3A_871 = vector.broadcast %shift_right_arithmetic3A : i32 to vector<16xi32>
          %shift_right_arithmetic3A_872 = arith.shrsi %add3A_870, %shift_right_arithmetic3A_871 : vector<16xi32>
          %add3A_873 = arith.constant 1 : i32
          %add3A_874 = vector.broadcast %add3A_873 : i32 to vector<16xi32>
          %add3A_875 = arith.addi %shift_right_arithmetic3A_872, %add3A_874 : vector<16xi32>
          %get3A_876 = arith.index_cast %mul3A_852 : i32 to index
          %get3A_877 = tpu.vector_load %arg13[%get3A_876] {strides = array<i32>} : memref<2048xi32, #tpu.memory_space<vmem>>, vector<16xi32>,
          %get3A_878 = vector.shape_cast %get3A_877 : vector<16xi32> to vector<16xi32>
          %select_n3A = arith.select %or3A, %add3A_875, %get3A_878 : vector<16xi1>, vector<16xi32>
          %swap3A = arith.index_cast %mul3A_852 : i32 to index
          %swap3A_879 = tpu.vector_load %arg13[%swap3A] {strides = array<i32>} : memref<2048xi32, #tpu.memory_space<vmem>>, vector<16xi32>,
          %swap3A_880 = vector.shape_cast %swap3A_879 : vector<16xi32> to vector<16xi32>
          %swap3A_881 = vector.shape_cast %select_n3A : vector<16xi32> to vector<16xi32>
          tpu.vector_store %arg13[%swap3A], %swap3A_881 {strides = array<i32>} : memref<2048xi32, #tpu.memory_space<vmem>>, vector<16xi32>,
          %get3A_882 = arith.index_cast %mul3A_852 : i32 to index
          %get3A_883 = tpu.vector_load %arg14[%get3A_882] {strides = array<i32>} : memref<2048xi32, #tpu.memory_space<vmem>>, vector<16xi32>,
          %get3A_884 = vector.shape_cast %get3A_883 : vector<16xi32> to vector<16xi32>
          %select_n3A_885 = arith.select %or3A, %get3A_884, %shift_right_arithmetic3A_872 : vector<16xi1>, vector<16xi32>
          %swap3A_886 = arith.index_cast %mul3A_852 : i32 to index
          %swap3A_887 = tpu.vector_load %arg14[%swap3A_886] {strides = array<i32>} : memref<2048xi32, #tpu.memory_space<vmem>>, vector<16xi32>,
          %swap3A_888 = vector.shape_cast %swap3A_887 : vector<16xi32> to vector<16xi32>
          %swap3A_889 = vector.shape_cast %select_n3A_885 : vector<16xi32> to vector<16xi32>
          tpu.vector_store %arg14[%swap3A_886], %swap3A_889 {strides = array<i32>} : memref<2048xi32, #tpu.memory_space<vmem>>, vector<16xi32>,
        }
      }
      %while3A_38 = arith.constant 1 : i32
      scf.for %while3A_443 = %while3A_36 to %while3A_32 step %while3A_38  : i32 {
        %while3A_444 = arith.constant 0 : i32
        %while3A_445 = arith.constant 0 : i32
        %while3A_446 = arith.constant 128 : i32
        %while3A_447 = arith.subi %while3A_446, %while3A_445 : i32
        %while3A_448 = arith.addi %while3A_445, %while3A_447 : i32
        %while3A_449 = arith.constant 1 : i32
        %while3A_450 = arith.divsi %while3A_447, %while3A_449 : i32
        %while3A_451 = arith.muli %while3A_450, %while3A_449 : i32
        %while3A_452 = arith.addi %while3A_445, %while3A_451 : i32
        %while3A_453 = arith.constant 1 : i32
        scf.for %while3A_850 = %while3A_445 to %while3A_452 step %while3A_453  : i32 {
          %mul3A_851 = arith.constant 16 : i32
          %mul3A_852 = arith.muli %while3A_850, %mul3A_851 : i32
          %get3A = arith.index_cast %mul3A_852 : i32 to index
          %get3A_853 = tpu.vector_load %arg13[%get3A] {strides = array<i32>} : memref<2048xi32, #tpu.memory_space<vmem>>, vector<16xi32>,
          %get3A_854 = vector.shape_cast %get3A_853 : vector<16xi32> to vector<16xi32>
          %get3A_855 = arith.index_cast %mul3A_852 : i32 to index
          %get3A_856 = tpu.vector_load %arg14[%get3A_855] {strides = array<i32>} : memref<2048xi32, #tpu.memory_space<vmem>>, vector<16xi32>,
          %get3A_857 = vector.shape_cast %get3A_856 : vector<16xi32> to vector<16xi32>
          %add3A_858 = arith.addi %get3A_854, %get3A_857 : vector<16xi32>
          %shift_right_arithmetic3A = arith.constant 1 : i32
          %shift_right_arithmetic3A_859 = vector.broadcast %shift_right_arithmetic3A : i32 to vector<16xi32>
          %shift_right_arithmetic3A_860 = arith.shrsi %add3A_858, %shift_right_arithmetic3A_859 : vector<16xi32>
          %swap3A = arith.index_cast %mul3A_852 : i32 to index
          %swap3A_861 = tpu.vector_load %arg15[%swap3A] {strides = array<i32>} : memref<2048xi32, #tpu.memory_space<vmem>>, vector<16xi32>,
          %swap3A_862 = vector.shape_cast %swap3A_861 : vector<16xi32> to vector<16xi32>
          %swap3A_863 = vector.shape_cast %shift_right_arithmetic3A_860 : vector<16xi32> to vector<16xi32>
          tpu.vector_store %arg15[%swap3A], %swap3A_863 {strides = array<i32>} : memref<2048xi32, #tpu.memory_space<vmem>>, vector<16xi32>,
        }
        %while3A_454 = arith.constant 1 : i32
        scf.for %while3A_850 = %while3A_452 to %while3A_448 step %while3A_454  : i32 {
          %mul3A_851 = arith.constant 16 : i32
          %mul3A_852 = arith.muli %while3A_850, %mul3A_851 : i32
          %get3A = arith.index_cast %mul3A_852 : i32 to index
          %get3A_853 = tpu.vector_load %arg13[%get3A] {strides = array<i32>} : memref<2048xi32, #tpu.memory_space<vmem>>, vector<16xi32>,
          %get3A_854 = vector.shape_cast %get3A_853 : vector<16xi32> to vector<16xi32>
          %get3A_855 = arith.index_cast %mul3A_852 : i32 to index
          %get3A_856 = tpu.vector_load %arg14[%get3A_855] {strides = array<i32>} : memref<2048xi32, #tpu.memory_space<vmem>>, vector<16xi32>,
          %get3A_857 = vector.shape_cast %get3A_856 : vector<16xi32> to vector<16xi32>
          %add3A_858 = arith.addi %get3A_854, %get3A_857 : vector<16xi32>
          %shift_right_arithmetic3A = arith.constant 1 : i32
          %shift_right_arithmetic3A_859 = vector.broadcast %shift_right_arithmetic3A : i32 to vector<16xi32>
          %shift_right_arithmetic3A_860 = arith.shrsi %add3A_858, %shift_right_arithmetic3A_859 : vector<16xi32>
          %swap3A = arith.index_cast %mul3A_852 : i32 to index
          %swap3A_861 = tpu.vector_load %arg15[%swap3A] {strides = array<i32>} : memref<2048xi32, #tpu.memory_space<vmem>>, vector<16xi32>,
          %swap3A_862 = vector.shape_cast %swap3A_861 : vector<16xi32> to vector<16xi32>
          %swap3A_863 = vector.shape_cast %shift_right_arithmetic3A_860 : vector<16xi32> to vector<16xi32>
          tpu.vector_store %arg15[%swap3A], %swap3A_863 {strides = array<i32>} : memref<2048xi32, #tpu.memory_space<vmem>>, vector<16xi32>,
        }
        %dma_start3A_455 = arith.constant 0 : i32
        %dma_start3A_456 = tpu.memref_slice %arg16[%dma_start3A_455] : memref<2048xi32, #tpu.memory_space<vmem>> -> memref<128xi32, #tpu.memory_space<vmem>>
        %dma_start3A_457 = arith.constant 0 : i32
        %dma_start3A_458 = tpu.memref_slice %arg15[%dma_start3A_457] : memref<2048xi32, #tpu.memory_space<vmem>> -> memref<128xi32, #tpu.memory_space<vmem>>
        %dma_start3A_459 = arith.constant 0 : i32
        %dma_start3A_460 = tpu.memref_slice %arg2[%dma_start3A_459] : memref<4000000xi32, #tpu.memory_space<hbm>> -> memref<4000000xi32, #tpu.memory_space<hbm>>
        tpu.enqueue_indirect_dma source(%dma_start3A_460 : memref<4000000xi32, #tpu.memory_space<hbm>>) target(%dma_start3A_456 : memref<128xi32, #tpu.memory_space<vmem>>) offsets(%dma_start3A_458 : memref<128xi32, #tpu.memory_space<vmem>>) semaphore(%arg19 : memref<!tpu.dma_semaphore, #tpu.memory_space<semaphore_mem>>)
        %dma_start3A_461 = arith.constant 0 : i32
        %dma_start3A_462 = tpu.memref_slice %arg17[%dma_start3A_461] : memref<2048xi32, #tpu.memory_space<vmem>> -> memref<128xi32, #tpu.memory_space<vmem>>
        %dma_start3A_463 = arith.constant 0 : i32
        %dma_start3A_464 = tpu.memref_slice %arg15[%dma_start3A_463] : memref<2048xi32, #tpu.memory_space<vmem>> -> memref<128xi32, #tpu.memory_space<vmem>>
        %dma_start3A_465 = arith.constant 0 : i32
        %dma_start3A_466 = tpu.memref_slice %arg3[%dma_start3A_465] : memref<4000000xi32, #tpu.memory_space<hbm>> -> memref<4000000xi32, #tpu.memory_space<hbm>>
        tpu.enqueue_indirect_dma source(%dma_start3A_466 : memref<4000000xi32, #tpu.memory_space<hbm>>) target(%dma_start3A_462 : memref<128xi32, #tpu.memory_space<vmem>>) offsets(%dma_start3A_464 : memref<128xi32, #tpu.memory_space<vmem>>) semaphore(%arg19 : memref<!tpu.dma_semaphore, #tpu.memory_space<semaphore_mem>>)
        %dma_start3A_467 = arith.constant 128 : i32
        %dma_start3A_468 = tpu.memref_slice %arg16[%dma_start3A_467] : memref<2048xi32, #tpu.memory_space<vmem>> -> memref<128xi32, #tpu.memory_space<vmem>>
        %dma_start3A_469 = arith.constant 128 : i32
        %dma_start3A_470 = tpu.memref_slice %arg15[%dma_start3A_469] : memref<2048xi32, #tpu.memory_space<vmem>> -> memref<128xi32, #tpu.memory_space<vmem>>
        %dma_start3A_471 = arith.constant 0 : i32
        %dma_start3A_472 = tpu.memref_slice %arg2[%dma_start3A_471] : memref<4000000xi32, #tpu.memory_space<hbm>> -> memref<4000000xi32, #tpu.memory_space<hbm>>
        tpu.enqueue_indirect_dma source(%dma_start3A_472 : memref<4000000xi32, #tpu.memory_space<hbm>>) target(%dma_start3A_468 : memref<128xi32, #tpu.memory_space<vmem>>) offsets(%dma_start3A_470 : memref<128xi32, #tpu.memory_space<vmem>>) semaphore(%arg19 : memref<!tpu.dma_semaphore, #tpu.memory_space<semaphore_mem>>)
        %dma_start3A_473 = arith.constant 128 : i32
        %dma_start3A_474 = tpu.memref_slice %arg17[%dma_start3A_473] : memref<2048xi32, #tpu.memory_space<vmem>> -> memref<128xi32, #tpu.memory_space<vmem>>
        %dma_start3A_475 = arith.constant 128 : i32
        %dma_start3A_476 = tpu.memref_slice %arg15[%dma_start3A_475] : memref<2048xi32, #tpu.memory_space<vmem>> -> memref<128xi32, #tpu.memory_space<vmem>>
        %dma_start3A_477 = arith.constant 0 : i32
        %dma_start3A_478 = tpu.memref_slice %arg3[%dma_start3A_477] : memref<4000000xi32, #tpu.memory_space<hbm>> -> memref<4000000xi32, #tpu.memory_space<hbm>>
        tpu.enqueue_indirect_dma source(%dma_start3A_478 : memref<4000000xi32, #tpu.memory_space<hbm>>) target(%dma_start3A_474 : memref<128xi32, #tpu.memory_space<vmem>>) offsets(%dma_start3A_476 : memref<128xi32, #tpu.memory_space<vmem>>) semaphore(%arg19 : memref<!tpu.dma_semaphore, #tpu.memory_space<semaphore_mem>>)
        %dma_start3A_479 = arith.constant 256 : i32
        %dma_start3A_480 = tpu.memref_slice %arg16[%dma_start3A_479] : memref<2048xi32, #tpu.memory_space<vmem>> -> memref<128xi32, #tpu.memory_space<vmem>>
        %dma_start3A_481 = arith.constant 256 : i32
        %dma_start3A_482 = tpu.memref_slice %arg15[%dma_start3A_481] : memref<2048xi32, #tpu.memory_space<vmem>> -> memref<128xi32, #tpu.memory_space<vmem>>
        %dma_start3A_483 = arith.constant 0 : i32
        %dma_start3A_484 = tpu.memref_slice %arg2[%dma_start3A_483] : memref<4000000xi32, #tpu.memory_space<hbm>> -> memref<4000000xi32, #tpu.memory_space<hbm>>
        tpu.enqueue_indirect_dma source(%dma_start3A_484 : memref<4000000xi32, #tpu.memory_space<hbm>>) target(%dma_start3A_480 : memref<128xi32, #tpu.memory_space<vmem>>) offsets(%dma_start3A_482 : memref<128xi32, #tpu.memory_space<vmem>>) semaphore(%arg19 : memref<!tpu.dma_semaphore, #tpu.memory_space<semaphore_mem>>)
        %dma_start3A_485 = arith.constant 256 : i32
        %dma_start3A_486 = tpu.memref_slice %arg17[%dma_start3A_485] : memref<2048xi32, #tpu.memory_space<vmem>> -> memref<128xi32, #tpu.memory_space<vmem>>
        %dma_start3A_487 = arith.constant 256 : i32
        %dma_start3A_488 = tpu.memref_slice %arg15[%dma_start3A_487] : memref<2048xi32, #tpu.memory_space<vmem>> -> memref<128xi32, #tpu.memory_space<vmem>>
        %dma_start3A_489 = arith.constant 0 : i32
        %dma_start3A_490 = tpu.memref_slice %arg3[%dma_start3A_489] : memref<4000000xi32, #tpu.memory_space<hbm>> -> memref<4000000xi32, #tpu.memory_space<hbm>>
        tpu.enqueue_indirect_dma source(%dma_start3A_490 : memref<4000000xi32, #tpu.memory_space<hbm>>) target(%dma_start3A_486 : memref<128xi32, #tpu.memory_space<vmem>>) offsets(%dma_start3A_488 : memref<128xi32, #tpu.memory_space<vmem>>) semaphore(%arg19 : memref<!tpu.dma_semaphore, #tpu.memory_space<semaphore_mem>>)
        %dma_start3A_491 = arith.constant 384 : i32
        %dma_start3A_492 = tpu.memref_slice %arg16[%dma_start3A_491] : memref<2048xi32, #tpu.memory_space<vmem>> -> memref<128xi32, #tpu.memory_space<vmem>>
        %dma_start3A_493 = arith.constant 384 : i32
        %dma_start3A_494 = tpu.memref_slice %arg15[%dma_start3A_493] : memref<2048xi32, #tpu.memory_space<vmem>> -> memref<128xi32, #tpu.memory_space<vmem>>
        %dma_start3A_495 = arith.constant 0 : i32
        %dma_start3A_496 = tpu.memref_slice %arg2[%dma_start3A_495] : memref<4000000xi32, #tpu.memory_space<hbm>> -> memref<4000000xi32, #tpu.memory_space<hbm>>
        tpu.enqueue_indirect_dma source(%dma_start3A_496 : memref<4000000xi32, #tpu.memory_space<hbm>>) target(%dma_start3A_492 : memref<128xi32, #tpu.memory_space<vmem>>) offsets(%dma_start3A_494 : memref<128xi32, #tpu.memory_space<vmem>>) semaphore(%arg19 : memref<!tpu.dma_semaphore, #tpu.memory_space<semaphore_mem>>)
        %dma_start3A_497 = arith.constant 384 : i32
        %dma_start3A_498 = tpu.memref_slice %arg17[%dma_start3A_497] : memref<2048xi32, #tpu.memory_space<vmem>> -> memref<128xi32, #tpu.memory_space<vmem>>
        %dma_start3A_499 = arith.constant 384 : i32
        %dma_start3A_500 = tpu.memref_slice %arg15[%dma_start3A_499] : memref<2048xi32, #tpu.memory_space<vmem>> -> memref<128xi32, #tpu.memory_space<vmem>>
        %dma_start3A_501 = arith.constant 0 : i32
        %dma_start3A_502 = tpu.memref_slice %arg3[%dma_start3A_501] : memref<4000000xi32, #tpu.memory_space<hbm>> -> memref<4000000xi32, #tpu.memory_space<hbm>>
        tpu.enqueue_indirect_dma source(%dma_start3A_502 : memref<4000000xi32, #tpu.memory_space<hbm>>) target(%dma_start3A_498 : memref<128xi32, #tpu.memory_space<vmem>>) offsets(%dma_start3A_500 : memref<128xi32, #tpu.memory_space<vmem>>) semaphore(%arg19 : memref<!tpu.dma_semaphore, #tpu.memory_space<semaphore_mem>>)
        %dma_start3A_503 = arith.constant 512 : i32
        %dma_start3A_504 = tpu.memref_slice %arg16[%dma_start3A_503] : memref<2048xi32, #tpu.memory_space<vmem>> -> memref<128xi32, #tpu.memory_space<vmem>>
        %dma_start3A_505 = arith.constant 512 : i32
        %dma_start3A_506 = tpu.memref_slice %arg15[%dma_start3A_505] : memref<2048xi32, #tpu.memory_space<vmem>> -> memref<128xi32, #tpu.memory_space<vmem>>
        %dma_start3A_507 = arith.constant 0 : i32
        %dma_start3A_508 = tpu.memref_slice %arg2[%dma_start3A_507] : memref<4000000xi32, #tpu.memory_space<hbm>> -> memref<4000000xi32, #tpu.memory_space<hbm>>
        tpu.enqueue_indirect_dma source(%dma_start3A_508 : memref<4000000xi32, #tpu.memory_space<hbm>>) target(%dma_start3A_504 : memref<128xi32, #tpu.memory_space<vmem>>) offsets(%dma_start3A_506 : memref<128xi32, #tpu.memory_space<vmem>>) semaphore(%arg19 : memref<!tpu.dma_semaphore, #tpu.memory_space<semaphore_mem>>)
        %dma_start3A_509 = arith.constant 512 : i32
        %dma_start3A_510 = tpu.memref_slice %arg17[%dma_start3A_509] : memref<2048xi32, #tpu.memory_space<vmem>> -> memref<128xi32, #tpu.memory_space<vmem>>
        %dma_start3A_511 = arith.constant 512 : i32
        %dma_start3A_512 = tpu.memref_slice %arg15[%dma_start3A_511] : memref<2048xi32, #tpu.memory_space<vmem>> -> memref<128xi32, #tpu.memory_space<vmem>>
        %dma_start3A_513 = arith.constant 0 : i32
        %dma_start3A_514 = tpu.memref_slice %arg3[%dma_start3A_513] : memref<4000000xi32, #tpu.memory_space<hbm>> -> memref<4000000xi32, #tpu.memory_space<hbm>>
        tpu.enqueue_indirect_dma source(%dma_start3A_514 : memref<4000000xi32, #tpu.memory_space<hbm>>) target(%dma_start3A_510 : memref<128xi32, #tpu.memory_space<vmem>>) offsets(%dma_start3A_512 : memref<128xi32, #tpu.memory_space<vmem>>) semaphore(%arg19 : memref<!tpu.dma_semaphore, #tpu.memory_space<semaphore_mem>>)
        %dma_start3A_515 = arith.constant 640 : i32
        %dma_start3A_516 = tpu.memref_slice %arg16[%dma_start3A_515] : memref<2048xi32, #tpu.memory_space<vmem>> -> memref<128xi32, #tpu.memory_space<vmem>>
        %dma_start3A_517 = arith.constant 640 : i32
        %dma_start3A_518 = tpu.memref_slice %arg15[%dma_start3A_517] : memref<2048xi32, #tpu.memory_space<vmem>> -> memref<128xi32, #tpu.memory_space<vmem>>
        %dma_start3A_519 = arith.constant 0 : i32
        %dma_start3A_520 = tpu.memref_slice %arg2[%dma_start3A_519] : memref<4000000xi32, #tpu.memory_space<hbm>> -> memref<4000000xi32, #tpu.memory_space<hbm>>
        tpu.enqueue_indirect_dma source(%dma_start3A_520 : memref<4000000xi32, #tpu.memory_space<hbm>>) target(%dma_start3A_516 : memref<128xi32, #tpu.memory_space<vmem>>) offsets(%dma_start3A_518 : memref<128xi32, #tpu.memory_space<vmem>>) semaphore(%arg19 : memref<!tpu.dma_semaphore, #tpu.memory_space<semaphore_mem>>)
        %dma_start3A_521 = arith.constant 640 : i32
        %dma_start3A_522 = tpu.memref_slice %arg17[%dma_start3A_521] : memref<2048xi32, #tpu.memory_space<vmem>> -> memref<128xi32, #tpu.memory_space<vmem>>
        %dma_start3A_523 = arith.constant 640 : i32
        %dma_start3A_524 = tpu.memref_slice %arg15[%dma_start3A_523] : memref<2048xi32, #tpu.memory_space<vmem>> -> memref<128xi32, #tpu.memory_space<vmem>>
        %dma_start3A_525 = arith.constant 0 : i32
        %dma_start3A_526 = tpu.memref_slice %arg3[%dma_start3A_525] : memref<4000000xi32, #tpu.memory_space<hbm>> -> memref<4000000xi32, #tpu.memory_space<hbm>>
        tpu.enqueue_indirect_dma source(%dma_start3A_526 : memref<4000000xi32, #tpu.memory_space<hbm>>) target(%dma_start3A_522 : memref<128xi32, #tpu.memory_space<vmem>>) offsets(%dma_start3A_524 : memref<128xi32, #tpu.memory_space<vmem>>) semaphore(%arg19 : memref<!tpu.dma_semaphore, #tpu.memory_space<semaphore_mem>>)
        %dma_start3A_527 = arith.constant 768 : i32
        %dma_start3A_528 = tpu.memref_slice %arg16[%dma_start3A_527] : memref<2048xi32, #tpu.memory_space<vmem>> -> memref<128xi32, #tpu.memory_space<vmem>>
        %dma_start3A_529 = arith.constant 768 : i32
        %dma_start3A_530 = tpu.memref_slice %arg15[%dma_start3A_529] : memref<2048xi32, #tpu.memory_space<vmem>> -> memref<128xi32, #tpu.memory_space<vmem>>
        %dma_start3A_531 = arith.constant 0 : i32
        %dma_start3A_532 = tpu.memref_slice %arg2[%dma_start3A_531] : memref<4000000xi32, #tpu.memory_space<hbm>> -> memref<4000000xi32, #tpu.memory_space<hbm>>
        tpu.enqueue_indirect_dma source(%dma_start3A_532 : memref<4000000xi32, #tpu.memory_space<hbm>>) target(%dma_start3A_528 : memref<128xi32, #tpu.memory_space<vmem>>) offsets(%dma_start3A_530 : memref<128xi32, #tpu.memory_space<vmem>>) semaphore(%arg19 : memref<!tpu.dma_semaphore, #tpu.memory_space<semaphore_mem>>)
        %dma_start3A_533 = arith.constant 768 : i32
        %dma_start3A_534 = tpu.memref_slice %arg17[%dma_start3A_533] : memref<2048xi32, #tpu.memory_space<vmem>> -> memref<128xi32, #tpu.memory_space<vmem>>
        %dma_start3A_535 = arith.constant 768 : i32
        %dma_start3A_536 = tpu.memref_slice %arg15[%dma_start3A_535] : memref<2048xi32, #tpu.memory_space<vmem>> -> memref<128xi32, #tpu.memory_space<vmem>>
        %dma_start3A_537 = arith.constant 0 : i32
        %dma_start3A_538 = tpu.memref_slice %arg3[%dma_start3A_537] : memref<4000000xi32, #tpu.memory_space<hbm>> -> memref<4000000xi32, #tpu.memory_space<hbm>>
        tpu.enqueue_indirect_dma source(%dma_start3A_538 : memref<4000000xi32, #tpu.memory_space<hbm>>) target(%dma_start3A_534 : memref<128xi32, #tpu.memory_space<vmem>>) offsets(%dma_start3A_536 : memref<128xi32, #tpu.memory_space<vmem>>) semaphore(%arg19 : memref<!tpu.dma_semaphore, #tpu.memory_space<semaphore_mem>>)
        %dma_start3A_539 = arith.constant 896 : i32
        %dma_start3A_540 = tpu.memref_slice %arg16[%dma_start3A_539] : memref<2048xi32, #tpu.memory_space<vmem>> -> memref<128xi32, #tpu.memory_space<vmem>>
        %dma_start3A_541 = arith.constant 896 : i32
        %dma_start3A_542 = tpu.memref_slice %arg15[%dma_start3A_541] : memref<2048xi32, #tpu.memory_space<vmem>> -> memref<128xi32, #tpu.memory_space<vmem>>
        %dma_start3A_543 = arith.constant 0 : i32
        %dma_start3A_544 = tpu.memref_slice %arg2[%dma_start3A_543] : memref<4000000xi32, #tpu.memory_space<hbm>> -> memref<4000000xi32, #tpu.memory_space<hbm>>
        tpu.enqueue_indirect_dma source(%dma_start3A_544 : memref<4000000xi32, #tpu.memory_space<hbm>>) target(%dma_start3A_540 : memref<128xi32, #tpu.memory_space<vmem>>) offsets(%dma_start3A_542 : memref<128xi32, #tpu.memory_space<vmem>>) semaphore(%arg19 : memref<!tpu.dma_semaphore, #tpu.memory_space<semaphore_mem>>)
        %dma_start3A_545 = arith.constant 896 : i32
        %dma_start3A_546 = tpu.memref_slice %arg17[%dma_start3A_545] : memref<2048xi32, #tpu.memory_space<vmem>> -> memref<128xi32, #tpu.memory_space<vmem>>
        %dma_start3A_547 = arith.constant 896 : i32
        %dma_start3A_548 = tpu.memref_slice %arg15[%dma_start3A_547] : memref<2048xi32, #tpu.memory_space<vmem>> -> memref<128xi32, #tpu.memory_space<vmem>>
        %dma_start3A_549 = arith.constant 0 : i32
        %dma_start3A_550 = tpu.memref_slice %arg3[%dma_start3A_549] : memref<4000000xi32, #tpu.memory_space<hbm>> -> memref<4000000xi32, #tpu.memory_space<hbm>>
        tpu.enqueue_indirect_dma source(%dma_start3A_550 : memref<4000000xi32, #tpu.memory_space<hbm>>) target(%dma_start3A_546 : memref<128xi32, #tpu.memory_space<vmem>>) offsets(%dma_start3A_548 : memref<128xi32, #tpu.memory_space<vmem>>) semaphore(%arg19 : memref<!tpu.dma_semaphore, #tpu.memory_space<semaphore_mem>>)
        %dma_start3A_551 = arith.constant 1024 : i32
        %dma_start3A_552 = tpu.memref_slice %arg16[%dma_start3A_551] : memref<2048xi32, #tpu.memory_space<vmem>> -> memref<128xi32, #tpu.memory_space<vmem>>
        %dma_start3A_553 = arith.constant 1024 : i32
        %dma_start3A_554 = tpu.memref_slice %arg15[%dma_start3A_553] : memref<2048xi32, #tpu.memory_space<vmem>> -> memref<128xi32, #tpu.memory_space<vmem>>
        %dma_start3A_555 = arith.constant 0 : i32
        %dma_start3A_556 = tpu.memref_slice %arg2[%dma_start3A_555] : memref<4000000xi32, #tpu.memory_space<hbm>> -> memref<4000000xi32, #tpu.memory_space<hbm>>
        tpu.enqueue_indirect_dma source(%dma_start3A_556 : memref<4000000xi32, #tpu.memory_space<hbm>>) target(%dma_start3A_552 : memref<128xi32, #tpu.memory_space<vmem>>) offsets(%dma_start3A_554 : memref<128xi32, #tpu.memory_space<vmem>>) semaphore(%arg19 : memref<!tpu.dma_semaphore, #tpu.memory_space<semaphore_mem>>)
        %dma_start3A_557 = arith.constant 1024 : i32
        %dma_start3A_558 = tpu.memref_slice %arg17[%dma_start3A_557] : memref<2048xi32, #tpu.memory_space<vmem>> -> memref<128xi32, #tpu.memory_space<vmem>>
        %dma_start3A_559 = arith.constant 1024 : i32
        %dma_start3A_560 = tpu.memref_slice %arg15[%dma_start3A_559] : memref<2048xi32, #tpu.memory_space<vmem>> -> memref<128xi32, #tpu.memory_space<vmem>>
        %dma_start3A_561 = arith.constant 0 : i32
        %dma_start3A_562 = tpu.memref_slice %arg3[%dma_start3A_561] : memref<4000000xi32, #tpu.memory_space<hbm>> -> memref<4000000xi32, #tpu.memory_space<hbm>>
        tpu.enqueue_indirect_dma source(%dma_start3A_562 : memref<4000000xi32, #tpu.memory_space<hbm>>) target(%dma_start3A_558 : memref<128xi32, #tpu.memory_space<vmem>>) offsets(%dma_start3A_560 : memref<128xi32, #tpu.memory_space<vmem>>) semaphore(%arg19 : memref<!tpu.dma_semaphore, #tpu.memory_space<semaphore_mem>>)
        %dma_start3A_563 = arith.constant 1152 : i32
        %dma_start3A_564 = tpu.memref_slice %arg16[%dma_start3A_563] : memref<2048xi32, #tpu.memory_space<vmem>> -> memref<128xi32, #tpu.memory_space<vmem>>
        %dma_start3A_565 = arith.constant 1152 : i32
        %dma_start3A_566 = tpu.memref_slice %arg15[%dma_start3A_565] : memref<2048xi32, #tpu.memory_space<vmem>> -> memref<128xi32, #tpu.memory_space<vmem>>
        %dma_start3A_567 = arith.constant 0 : i32
        %dma_start3A_568 = tpu.memref_slice %arg2[%dma_start3A_567] : memref<4000000xi32, #tpu.memory_space<hbm>> -> memref<4000000xi32, #tpu.memory_space<hbm>>
        tpu.enqueue_indirect_dma source(%dma_start3A_568 : memref<4000000xi32, #tpu.memory_space<hbm>>) target(%dma_start3A_564 : memref<128xi32, #tpu.memory_space<vmem>>) offsets(%dma_start3A_566 : memref<128xi32, #tpu.memory_space<vmem>>) semaphore(%arg19 : memref<!tpu.dma_semaphore, #tpu.memory_space<semaphore_mem>>)
        %dma_start3A_569 = arith.constant 1152 : i32
        %dma_start3A_570 = tpu.memref_slice %arg17[%dma_start3A_569] : memref<2048xi32, #tpu.memory_space<vmem>> -> memref<128xi32, #tpu.memory_space<vmem>>
        %dma_start3A_571 = arith.constant 1152 : i32
        %dma_start3A_572 = tpu.memref_slice %arg15[%dma_start3A_571] : memref<2048xi32, #tpu.memory_space<vmem>> -> memref<128xi32, #tpu.memory_space<vmem>>
        %dma_start3A_573 = arith.constant 0 : i32
        %dma_start3A_574 = tpu.memref_slice %arg3[%dma_start3A_573] : memref<4000000xi32, #tpu.memory_space<hbm>> -> memref<4000000xi32, #tpu.memory_space<hbm>>
        tpu.enqueue_indirect_dma source(%dma_start3A_574 : memref<4000000xi32, #tpu.memory_space<hbm>>) target(%dma_start3A_570 : memref<128xi32, #tpu.memory_space<vmem>>) offsets(%dma_start3A_572 : memref<128xi32, #tpu.memory_space<vmem>>) semaphore(%arg19 : memref<!tpu.dma_semaphore, #tpu.memory_space<semaphore_mem>>)
        %dma_start3A_575 = arith.constant 1280 : i32
        %dma_start3A_576 = tpu.memref_slice %arg16[%dma_start3A_575] : memref<2048xi32, #tpu.memory_space<vmem>> -> memref<128xi32, #tpu.memory_space<vmem>>
        %dma_start3A_577 = arith.constant 1280 : i32
        %dma_start3A_578 = tpu.memref_slice %arg15[%dma_start3A_577] : memref<2048xi32, #tpu.memory_space<vmem>> -> memref<128xi32, #tpu.memory_space<vmem>>
        %dma_start3A_579 = arith.constant 0 : i32
        %dma_start3A_580 = tpu.memref_slice %arg2[%dma_start3A_579] : memref<4000000xi32, #tpu.memory_space<hbm>> -> memref<4000000xi32, #tpu.memory_space<hbm>>
        tpu.enqueue_indirect_dma source(%dma_start3A_580 : memref<4000000xi32, #tpu.memory_space<hbm>>) target(%dma_start3A_576 : memref<128xi32, #tpu.memory_space<vmem>>) offsets(%dma_start3A_578 : memref<128xi32, #tpu.memory_space<vmem>>) semaphore(%arg19 : memref<!tpu.dma_semaphore, #tpu.memory_space<semaphore_mem>>)
        %dma_start3A_581 = arith.constant 1280 : i32
        %dma_start3A_582 = tpu.memref_slice %arg17[%dma_start3A_581] : memref<2048xi32, #tpu.memory_space<vmem>> -> memref<128xi32, #tpu.memory_space<vmem>>
        %dma_start3A_583 = arith.constant 1280 : i32
        %dma_start3A_584 = tpu.memref_slice %arg15[%dma_start3A_583] : memref<2048xi32, #tpu.memory_space<vmem>> -> memref<128xi32, #tpu.memory_space<vmem>>
        %dma_start3A_585 = arith.constant 0 : i32
        %dma_start3A_586 = tpu.memref_slice %arg3[%dma_start3A_585] : memref<4000000xi32, #tpu.memory_space<hbm>> -> memref<4000000xi32, #tpu.memory_space<hbm>>
        tpu.enqueue_indirect_dma source(%dma_start3A_586 : memref<4000000xi32, #tpu.memory_space<hbm>>) target(%dma_start3A_582 : memref<128xi32, #tpu.memory_space<vmem>>) offsets(%dma_start3A_584 : memref<128xi32, #tpu.memory_space<vmem>>) semaphore(%arg19 : memref<!tpu.dma_semaphore, #tpu.memory_space<semaphore_mem>>)
        %dma_start3A_587 = arith.constant 1408 : i32
        %dma_start3A_588 = tpu.memref_slice %arg16[%dma_start3A_587] : memref<2048xi32, #tpu.memory_space<vmem>> -> memref<128xi32, #tpu.memory_space<vmem>>
        %dma_start3A_589 = arith.constant 1408 : i32
        %dma_start3A_590 = tpu.memref_slice %arg15[%dma_start3A_589] : memref<2048xi32, #tpu.memory_space<vmem>> -> memref<128xi32, #tpu.memory_space<vmem>>
        %dma_start3A_591 = arith.constant 0 : i32
        %dma_start3A_592 = tpu.memref_slice %arg2[%dma_start3A_591] : memref<4000000xi32, #tpu.memory_space<hbm>> -> memref<4000000xi32, #tpu.memory_space<hbm>>
        tpu.enqueue_indirect_dma source(%dma_start3A_592 : memref<4000000xi32, #tpu.memory_space<hbm>>) target(%dma_start3A_588 : memref<128xi32, #tpu.memory_space<vmem>>) offsets(%dma_start3A_590 : memref<128xi32, #tpu.memory_space<vmem>>) semaphore(%arg19 : memref<!tpu.dma_semaphore, #tpu.memory_space<semaphore_mem>>)
        %dma_start3A_593 = arith.constant 1408 : i32
        %dma_start3A_594 = tpu.memref_slice %arg17[%dma_start3A_593] : memref<2048xi32, #tpu.memory_space<vmem>> -> memref<128xi32, #tpu.memory_space<vmem>>
        %dma_start3A_595 = arith.constant 1408 : i32
        %dma_start3A_596 = tpu.memref_slice %arg15[%dma_start3A_595] : memref<2048xi32, #tpu.memory_space<vmem>> -> memref<128xi32, #tpu.memory_space<vmem>>
        %dma_start3A_597 = arith.constant 0 : i32
        %dma_start3A_598 = tpu.memref_slice %arg3[%dma_start3A_597] : memref<4000000xi32, #tpu.memory_space<hbm>> -> memref<4000000xi32, #tpu.memory_space<hbm>>
        tpu.enqueue_indirect_dma source(%dma_start3A_598 : memref<4000000xi32, #tpu.memory_space<hbm>>) target(%dma_start3A_594 : memref<128xi32, #tpu.memory_space<vmem>>) offsets(%dma_start3A_596 : memref<128xi32, #tpu.memory_space<vmem>>) semaphore(%arg19 : memref<!tpu.dma_semaphore, #tpu.memory_space<semaphore_mem>>)
        %dma_start3A_599 = arith.constant 1536 : i32
        %dma_start3A_600 = tpu.memref_slice %arg16[%dma_start3A_599] : memref<2048xi32, #tpu.memory_space<vmem>> -> memref<128xi32, #tpu.memory_space<vmem>>
        %dma_start3A_601 = arith.constant 1536 : i32
        %dma_start3A_602 = tpu.memref_slice %arg15[%dma_start3A_601] : memref<2048xi32, #tpu.memory_space<vmem>> -> memref<128xi32, #tpu.memory_space<vmem>>
        %dma_start3A_603 = arith.constant 0 : i32
        %dma_start3A_604 = tpu.memref_slice %arg2[%dma_start3A_603] : memref<4000000xi32, #tpu.memory_space<hbm>> -> memref<4000000xi32, #tpu.memory_space<hbm>>
        tpu.enqueue_indirect_dma source(%dma_start3A_604 : memref<4000000xi32, #tpu.memory_space<hbm>>) target(%dma_start3A_600 : memref<128xi32, #tpu.memory_space<vmem>>) offsets(%dma_start3A_602 : memref<128xi32, #tpu.memory_space<vmem>>) semaphore(%arg19 : memref<!tpu.dma_semaphore, #tpu.memory_space<semaphore_mem>>)
        %dma_start3A_605 = arith.constant 1536 : i32
        %dma_start3A_606 = tpu.memref_slice %arg17[%dma_start3A_605] : memref<2048xi32, #tpu.memory_space<vmem>> -> memref<128xi32, #tpu.memory_space<vmem>>
        %dma_start3A_607 = arith.constant 1536 : i32
        %dma_start3A_608 = tpu.memref_slice %arg15[%dma_start3A_607] : memref<2048xi32, #tpu.memory_space<vmem>> -> memref<128xi32, #tpu.memory_space<vmem>>
        %dma_start3A_609 = arith.constant 0 : i32
        %dma_start3A_610 = tpu.memref_slice %arg3[%dma_start3A_609] : memref<4000000xi32, #tpu.memory_space<hbm>> -> memref<4000000xi32, #tpu.memory_space<hbm>>
        tpu.enqueue_indirect_dma source(%dma_start3A_610 : memref<4000000xi32, #tpu.memory_space<hbm>>) target(%dma_start3A_606 : memref<128xi32, #tpu.memory_space<vmem>>) offsets(%dma_start3A_608 : memref<128xi32, #tpu.memory_space<vmem>>) semaphore(%arg19 : memref<!tpu.dma_semaphore, #tpu.memory_space<semaphore_mem>>)
        %dma_start3A_611 = arith.constant 1664 : i32
        %dma_start3A_612 = tpu.memref_slice %arg16[%dma_start3A_611] : memref<2048xi32, #tpu.memory_space<vmem>> -> memref<128xi32, #tpu.memory_space<vmem>>
        %dma_start3A_613 = arith.constant 1664 : i32
        %dma_start3A_614 = tpu.memref_slice %arg15[%dma_start3A_613] : memref<2048xi32, #tpu.memory_space<vmem>> -> memref<128xi32, #tpu.memory_space<vmem>>
        %dma_start3A_615 = arith.constant 0 : i32
        %dma_start3A_616 = tpu.memref_slice %arg2[%dma_start3A_615] : memref<4000000xi32, #tpu.memory_space<hbm>> -> memref<4000000xi32, #tpu.memory_space<hbm>>
        tpu.enqueue_indirect_dma source(%dma_start3A_616 : memref<4000000xi32, #tpu.memory_space<hbm>>) target(%dma_start3A_612 : memref<128xi32, #tpu.memory_space<vmem>>) offsets(%dma_start3A_614 : memref<128xi32, #tpu.memory_space<vmem>>) semaphore(%arg19 : memref<!tpu.dma_semaphore, #tpu.memory_space<semaphore_mem>>)
        %dma_start3A_617 = arith.constant 1664 : i32
        %dma_start3A_618 = tpu.memref_slice %arg17[%dma_start3A_617] : memref<2048xi32, #tpu.memory_space<vmem>> -> memref<128xi32, #tpu.memory_space<vmem>>
        %dma_start3A_619 = arith.constant 1664 : i32
        %dma_start3A_620 = tpu.memref_slice %arg15[%dma_start3A_619] : memref<2048xi32, #tpu.memory_space<vmem>> -> memref<128xi32, #tpu.memory_space<vmem>>
        %dma_start3A_621 = arith.constant 0 : i32
        %dma_start3A_622 = tpu.memref_slice %arg3[%dma_start3A_621] : memref<4000000xi32, #tpu.memory_space<hbm>> -> memref<4000000xi32, #tpu.memory_space<hbm>>
        tpu.enqueue_indirect_dma source(%dma_start3A_622 : memref<4000000xi32, #tpu.memory_space<hbm>>) target(%dma_start3A_618 : memref<128xi32, #tpu.memory_space<vmem>>) offsets(%dma_start3A_620 : memref<128xi32, #tpu.memory_space<vmem>>) semaphore(%arg19 : memref<!tpu.dma_semaphore, #tpu.memory_space<semaphore_mem>>)
        %dma_start3A_623 = arith.constant 1792 : i32
        %dma_start3A_624 = tpu.memref_slice %arg16[%dma_start3A_623] : memref<2048xi32, #tpu.memory_space<vmem>> -> memref<128xi32, #tpu.memory_space<vmem>>
        %dma_start3A_625 = arith.constant 1792 : i32
        %dma_start3A_626 = tpu.memref_slice %arg15[%dma_start3A_625] : memref<2048xi32, #tpu.memory_space<vmem>> -> memref<128xi32, #tpu.memory_space<vmem>>
        %dma_start3A_627 = arith.constant 0 : i32
        %dma_start3A_628 = tpu.memref_slice %arg2[%dma_start3A_627] : memref<4000000xi32, #tpu.memory_space<hbm>> -> memref<4000000xi32, #tpu.memory_space<hbm>>
        tpu.enqueue_indirect_dma source(%dma_start3A_628 : memref<4000000xi32, #tpu.memory_space<hbm>>) target(%dma_start3A_624 : memref<128xi32, #tpu.memory_space<vmem>>) offsets(%dma_start3A_626 : memref<128xi32, #tpu.memory_space<vmem>>) semaphore(%arg19 : memref<!tpu.dma_semaphore, #tpu.memory_space<semaphore_mem>>)
        %dma_start3A_629 = arith.constant 1792 : i32
        %dma_start3A_630 = tpu.memref_slice %arg17[%dma_start3A_629] : memref<2048xi32, #tpu.memory_space<vmem>> -> memref<128xi32, #tpu.memory_space<vmem>>
        %dma_start3A_631 = arith.constant 1792 : i32
        %dma_start3A_632 = tpu.memref_slice %arg15[%dma_start3A_631] : memref<2048xi32, #tpu.memory_space<vmem>> -> memref<128xi32, #tpu.memory_space<vmem>>
        %dma_start3A_633 = arith.constant 0 : i32
        %dma_start3A_634 = tpu.memref_slice %arg3[%dma_start3A_633] : memref<4000000xi32, #tpu.memory_space<hbm>> -> memref<4000000xi32, #tpu.memory_space<hbm>>
        tpu.enqueue_indirect_dma source(%dma_start3A_634 : memref<4000000xi32, #tpu.memory_space<hbm>>) target(%dma_start3A_630 : memref<128xi32, #tpu.memory_space<vmem>>) offsets(%dma_start3A_632 : memref<128xi32, #tpu.memory_space<vmem>>) semaphore(%arg19 : memref<!tpu.dma_semaphore, #tpu.memory_space<semaphore_mem>>)
        %dma_start3A_635 = arith.constant 1920 : i32
        %dma_start3A_636 = tpu.memref_slice %arg16[%dma_start3A_635] : memref<2048xi32, #tpu.memory_space<vmem>> -> memref<128xi32, #tpu.memory_space<vmem>>
        %dma_start3A_637 = arith.constant 1920 : i32
        %dma_start3A_638 = tpu.memref_slice %arg15[%dma_start3A_637] : memref<2048xi32, #tpu.memory_space<vmem>> -> memref<128xi32, #tpu.memory_space<vmem>>
        %dma_start3A_639 = arith.constant 0 : i32
        %dma_start3A_640 = tpu.memref_slice %arg2[%dma_start3A_639] : memref<4000000xi32, #tpu.memory_space<hbm>> -> memref<4000000xi32, #tpu.memory_space<hbm>>
        tpu.enqueue_indirect_dma source(%dma_start3A_640 : memref<4000000xi32, #tpu.memory_space<hbm>>) target(%dma_start3A_636 : memref<128xi32, #tpu.memory_space<vmem>>) offsets(%dma_start3A_638 : memref<128xi32, #tpu.memory_space<vmem>>) semaphore(%arg19 : memref<!tpu.dma_semaphore, #tpu.memory_space<semaphore_mem>>)
        %dma_start3A_641 = arith.constant 1920 : i32
        %dma_start3A_642 = tpu.memref_slice %arg17[%dma_start3A_641] : memref<2048xi32, #tpu.memory_space<vmem>> -> memref<128xi32, #tpu.memory_space<vmem>>
        %dma_start3A_643 = arith.constant 1920 : i32
        %dma_start3A_644 = tpu.memref_slice %arg15[%dma_start3A_643] : memref<2048xi32, #tpu.memory_space<vmem>> -> memref<128xi32, #tpu.memory_space<vmem>>
        %dma_start3A_645 = arith.constant 0 : i32
        %dma_start3A_646 = tpu.memref_slice %arg3[%dma_start3A_645] : memref<4000000xi32, #tpu.memory_space<hbm>> -> memref<4000000xi32, #tpu.memory_space<hbm>>
        tpu.enqueue_indirect_dma source(%dma_start3A_646 : memref<4000000xi32, #tpu.memory_space<hbm>>) target(%dma_start3A_642 : memref<128xi32, #tpu.memory_space<vmem>>) offsets(%dma_start3A_644 : memref<128xi32, #tpu.memory_space<vmem>>) semaphore(%arg19 : memref<!tpu.dma_semaphore, #tpu.memory_space<semaphore_mem>>)
        %dma_wait3A_647 = arith.constant 0 : i32
        %dma_wait3A_648 = tpu.memref_slice %arg16[%dma_wait3A_647] : memref<2048xi32, #tpu.memory_space<vmem>> -> memref<128xi32, #tpu.memory_space<vmem>>
        %dma_wait3A_649 = arith.constant 0 : i32
        %dma_wait3A_650 = tpu.memref_slice %arg15[%dma_wait3A_649] : memref<2048xi32, #tpu.memory_space<vmem>> -> memref<128xi32, #tpu.memory_space<vmem>>
        %dma_wait3A_651 = arith.constant 0 : i32
        %dma_wait3A_652 = tpu.memref_slice %arg2[%dma_wait3A_651] : memref<4000000xi32, #tpu.memory_space<hbm>> -> memref<4000000xi32, #tpu.memory_space<hbm>>
        tpu.wait_indirect_dma semaphore(%arg19 : memref<!tpu.dma_semaphore, #tpu.memory_space<semaphore_mem>>) src(%dma_wait3A_652 : memref<4000000xi32, #tpu.memory_space<hbm>>) dst(%dma_wait3A_648 : memref<128xi32, #tpu.memory_space<vmem>>)
        %dma_wait3A_653 = arith.constant 0 : i32
        %dma_wait3A_654 = tpu.memref_slice %arg17[%dma_wait3A_653] : memref<2048xi32, #tpu.memory_space<vmem>> -> memref<128xi32, #tpu.memory_space<vmem>>
        %dma_wait3A_655 = arith.constant 0 : i32
        %dma_wait3A_656 = tpu.memref_slice %arg15[%dma_wait3A_655] : memref<2048xi32, #tpu.memory_space<vmem>> -> memref<128xi32, #tpu.memory_space<vmem>>
        %dma_wait3A_657 = arith.constant 0 : i32
        %dma_wait3A_658 = tpu.memref_slice %arg3[%dma_wait3A_657] : memref<4000000xi32, #tpu.memory_space<hbm>> -> memref<4000000xi32, #tpu.memory_space<hbm>>
        tpu.wait_indirect_dma semaphore(%arg19 : memref<!tpu.dma_semaphore, #tpu.memory_space<semaphore_mem>>) src(%dma_wait3A_658 : memref<4000000xi32, #tpu.memory_space<hbm>>) dst(%dma_wait3A_654 : memref<128xi32, #tpu.memory_space<vmem>>)
        %dma_wait3A_659 = arith.constant 128 : i32
        %dma_wait3A_660 = tpu.memref_slice %arg16[%dma_wait3A_659] : memref<2048xi32, #tpu.memory_space<vmem>> -> memref<128xi32, #tpu.memory_space<vmem>>
        %dma_wait3A_661 = arith.constant 128 : i32
        %dma_wait3A_662 = tpu.memref_slice %arg15[%dma_wait3A_661] : memref<2048xi32, #tpu.memory_space<vmem>> -> memref<128xi32, #tpu.memory_space<vmem>>
        %dma_wait3A_663 = arith.constant 0 : i32
        %dma_wait3A_664 = tpu.memref_slice %arg2[%dma_wait3A_663] : memref<4000000xi32, #tpu.memory_space<hbm>> -> memref<4000000xi32, #tpu.memory_space<hbm>>
        tpu.wait_indirect_dma semaphore(%arg19 : memref<!tpu.dma_semaphore, #tpu.memory_space<semaphore_mem>>) src(%dma_wait3A_664 : memref<4000000xi32, #tpu.memory_space<hbm>>) dst(%dma_wait3A_660 : memref<128xi32, #tpu.memory_space<vmem>>)
        %dma_wait3A_665 = arith.constant 128 : i32
        %dma_wait3A_666 = tpu.memref_slice %arg17[%dma_wait3A_665] : memref<2048xi32, #tpu.memory_space<vmem>> -> memref<128xi32, #tpu.memory_space<vmem>>
        %dma_wait3A_667 = arith.constant 128 : i32
        %dma_wait3A_668 = tpu.memref_slice %arg15[%dma_wait3A_667] : memref<2048xi32, #tpu.memory_space<vmem>> -> memref<128xi32, #tpu.memory_space<vmem>>
        %dma_wait3A_669 = arith.constant 0 : i32
        %dma_wait3A_670 = tpu.memref_slice %arg3[%dma_wait3A_669] : memref<4000000xi32, #tpu.memory_space<hbm>> -> memref<4000000xi32, #tpu.memory_space<hbm>>
        tpu.wait_indirect_dma semaphore(%arg19 : memref<!tpu.dma_semaphore, #tpu.memory_space<semaphore_mem>>) src(%dma_wait3A_670 : memref<4000000xi32, #tpu.memory_space<hbm>>) dst(%dma_wait3A_666 : memref<128xi32, #tpu.memory_space<vmem>>)
        %dma_wait3A_671 = arith.constant 256 : i32
        %dma_wait3A_672 = tpu.memref_slice %arg16[%dma_wait3A_671] : memref<2048xi32, #tpu.memory_space<vmem>> -> memref<128xi32, #tpu.memory_space<vmem>>
        %dma_wait3A_673 = arith.constant 256 : i32
        %dma_wait3A_674 = tpu.memref_slice %arg15[%dma_wait3A_673] : memref<2048xi32, #tpu.memory_space<vmem>> -> memref<128xi32, #tpu.memory_space<vmem>>
        %dma_wait3A_675 = arith.constant 0 : i32
        %dma_wait3A_676 = tpu.memref_slice %arg2[%dma_wait3A_675] : memref<4000000xi32, #tpu.memory_space<hbm>> -> memref<4000000xi32, #tpu.memory_space<hbm>>
        tpu.wait_indirect_dma semaphore(%arg19 : memref<!tpu.dma_semaphore, #tpu.memory_space<semaphore_mem>>) src(%dma_wait3A_676 : memref<4000000xi32, #tpu.memory_space<hbm>>) dst(%dma_wait3A_672 : memref<128xi32, #tpu.memory_space<vmem>>)
        %dma_wait3A_677 = arith.constant 256 : i32
        %dma_wait3A_678 = tpu.memref_slice %arg17[%dma_wait3A_677] : memref<2048xi32, #tpu.memory_space<vmem>> -> memref<128xi32, #tpu.memory_space<vmem>>
        %dma_wait3A_679 = arith.constant 256 : i32
        %dma_wait3A_680 = tpu.memref_slice %arg15[%dma_wait3A_679] : memref<2048xi32, #tpu.memory_space<vmem>> -> memref<128xi32, #tpu.memory_space<vmem>>
        %dma_wait3A_681 = arith.constant 0 : i32
        %dma_wait3A_682 = tpu.memref_slice %arg3[%dma_wait3A_681] : memref<4000000xi32, #tpu.memory_space<hbm>> -> memref<4000000xi32, #tpu.memory_space<hbm>>
        tpu.wait_indirect_dma semaphore(%arg19 : memref<!tpu.dma_semaphore, #tpu.memory_space<semaphore_mem>>) src(%dma_wait3A_682 : memref<4000000xi32, #tpu.memory_space<hbm>>) dst(%dma_wait3A_678 : memref<128xi32, #tpu.memory_space<vmem>>)
        %dma_wait3A_683 = arith.constant 384 : i32
        %dma_wait3A_684 = tpu.memref_slice %arg16[%dma_wait3A_683] : memref<2048xi32, #tpu.memory_space<vmem>> -> memref<128xi32, #tpu.memory_space<vmem>>
        %dma_wait3A_685 = arith.constant 384 : i32
        %dma_wait3A_686 = tpu.memref_slice %arg15[%dma_wait3A_685] : memref<2048xi32, #tpu.memory_space<vmem>> -> memref<128xi32, #tpu.memory_space<vmem>>
        %dma_wait3A_687 = arith.constant 0 : i32
        %dma_wait3A_688 = tpu.memref_slice %arg2[%dma_wait3A_687] : memref<4000000xi32, #tpu.memory_space<hbm>> -> memref<4000000xi32, #tpu.memory_space<hbm>>
        tpu.wait_indirect_dma semaphore(%arg19 : memref<!tpu.dma_semaphore, #tpu.memory_space<semaphore_mem>>) src(%dma_wait3A_688 : memref<4000000xi32, #tpu.memory_space<hbm>>) dst(%dma_wait3A_684 : memref<128xi32, #tpu.memory_space<vmem>>)
        %dma_wait3A_689 = arith.constant 384 : i32
        %dma_wait3A_690 = tpu.memref_slice %arg17[%dma_wait3A_689] : memref<2048xi32, #tpu.memory_space<vmem>> -> memref<128xi32, #tpu.memory_space<vmem>>
        %dma_wait3A_691 = arith.constant 384 : i32
        %dma_wait3A_692 = tpu.memref_slice %arg15[%dma_wait3A_691] : memref<2048xi32, #tpu.memory_space<vmem>> -> memref<128xi32, #tpu.memory_space<vmem>>
        %dma_wait3A_693 = arith.constant 0 : i32
        %dma_wait3A_694 = tpu.memref_slice %arg3[%dma_wait3A_693] : memref<4000000xi32, #tpu.memory_space<hbm>> -> memref<4000000xi32, #tpu.memory_space<hbm>>
        tpu.wait_indirect_dma semaphore(%arg19 : memref<!tpu.dma_semaphore, #tpu.memory_space<semaphore_mem>>) src(%dma_wait3A_694 : memref<4000000xi32, #tpu.memory_space<hbm>>) dst(%dma_wait3A_690 : memref<128xi32, #tpu.memory_space<vmem>>)
        %dma_wait3A_695 = arith.constant 512 : i32
        %dma_wait3A_696 = tpu.memref_slice %arg16[%dma_wait3A_695] : memref<2048xi32, #tpu.memory_space<vmem>> -> memref<128xi32, #tpu.memory_space<vmem>>
        %dma_wait3A_697 = arith.constant 512 : i32
        %dma_wait3A_698 = tpu.memref_slice %arg15[%dma_wait3A_697] : memref<2048xi32, #tpu.memory_space<vmem>> -> memref<128xi32, #tpu.memory_space<vmem>>
        %dma_wait3A_699 = arith.constant 0 : i32
        %dma_wait3A_700 = tpu.memref_slice %arg2[%dma_wait3A_699] : memref<4000000xi32, #tpu.memory_space<hbm>> -> memref<4000000xi32, #tpu.memory_space<hbm>>
        tpu.wait_indirect_dma semaphore(%arg19 : memref<!tpu.dma_semaphore, #tpu.memory_space<semaphore_mem>>) src(%dma_wait3A_700 : memref<4000000xi32, #tpu.memory_space<hbm>>) dst(%dma_wait3A_696 : memref<128xi32, #tpu.memory_space<vmem>>)
        %dma_wait3A_701 = arith.constant 512 : i32
        %dma_wait3A_702 = tpu.memref_slice %arg17[%dma_wait3A_701] : memref<2048xi32, #tpu.memory_space<vmem>> -> memref<128xi32, #tpu.memory_space<vmem>>
        %dma_wait3A_703 = arith.constant 512 : i32
        %dma_wait3A_704 = tpu.memref_slice %arg15[%dma_wait3A_703] : memref<2048xi32, #tpu.memory_space<vmem>> -> memref<128xi32, #tpu.memory_space<vmem>>
        %dma_wait3A_705 = arith.constant 0 : i32
        %dma_wait3A_706 = tpu.memref_slice %arg3[%dma_wait3A_705] : memref<4000000xi32, #tpu.memory_space<hbm>> -> memref<4000000xi32, #tpu.memory_space<hbm>>
        tpu.wait_indirect_dma semaphore(%arg19 : memref<!tpu.dma_semaphore, #tpu.memory_space<semaphore_mem>>) src(%dma_wait3A_706 : memref<4000000xi32, #tpu.memory_space<hbm>>) dst(%dma_wait3A_702 : memref<128xi32, #tpu.memory_space<vmem>>)
        %dma_wait3A_707 = arith.constant 640 : i32
        %dma_wait3A_708 = tpu.memref_slice %arg16[%dma_wait3A_707] : memref<2048xi32, #tpu.memory_space<vmem>> -> memref<128xi32, #tpu.memory_space<vmem>>
        %dma_wait3A_709 = arith.constant 640 : i32
        %dma_wait3A_710 = tpu.memref_slice %arg15[%dma_wait3A_709] : memref<2048xi32, #tpu.memory_space<vmem>> -> memref<128xi32, #tpu.memory_space<vmem>>
        %dma_wait3A_711 = arith.constant 0 : i32
        %dma_wait3A_712 = tpu.memref_slice %arg2[%dma_wait3A_711] : memref<4000000xi32, #tpu.memory_space<hbm>> -> memref<4000000xi32, #tpu.memory_space<hbm>>
        tpu.wait_indirect_dma semaphore(%arg19 : memref<!tpu.dma_semaphore, #tpu.memory_space<semaphore_mem>>) src(%dma_wait3A_712 : memref<4000000xi32, #tpu.memory_space<hbm>>) dst(%dma_wait3A_708 : memref<128xi32, #tpu.memory_space<vmem>>)
        %dma_wait3A_713 = arith.constant 640 : i32
        %dma_wait3A_714 = tpu.memref_slice %arg17[%dma_wait3A_713] : memref<2048xi32, #tpu.memory_space<vmem>> -> memref<128xi32, #tpu.memory_space<vmem>>
        %dma_wait3A_715 = arith.constant 640 : i32
        %dma_wait3A_716 = tpu.memref_slice %arg15[%dma_wait3A_715] : memref<2048xi32, #tpu.memory_space<vmem>> -> memref<128xi32, #tpu.memory_space<vmem>>
        %dma_wait3A_717 = arith.constant 0 : i32
        %dma_wait3A_718 = tpu.memref_slice %arg3[%dma_wait3A_717] : memref<4000000xi32, #tpu.memory_space<hbm>> -> memref<4000000xi32, #tpu.memory_space<hbm>>
        tpu.wait_indirect_dma semaphore(%arg19 : memref<!tpu.dma_semaphore, #tpu.memory_space<semaphore_mem>>) src(%dma_wait3A_718 : memref<4000000xi32, #tpu.memory_space<hbm>>) dst(%dma_wait3A_714 : memref<128xi32, #tpu.memory_space<vmem>>)
        %dma_wait3A_719 = arith.constant 768 : i32
        %dma_wait3A_720 = tpu.memref_slice %arg16[%dma_wait3A_719] : memref<2048xi32, #tpu.memory_space<vmem>> -> memref<128xi32, #tpu.memory_space<vmem>>
        %dma_wait3A_721 = arith.constant 768 : i32
        %dma_wait3A_722 = tpu.memref_slice %arg15[%dma_wait3A_721] : memref<2048xi32, #tpu.memory_space<vmem>> -> memref<128xi32, #tpu.memory_space<vmem>>
        %dma_wait3A_723 = arith.constant 0 : i32
        %dma_wait3A_724 = tpu.memref_slice %arg2[%dma_wait3A_723] : memref<4000000xi32, #tpu.memory_space<hbm>> -> memref<4000000xi32, #tpu.memory_space<hbm>>
        tpu.wait_indirect_dma semaphore(%arg19 : memref<!tpu.dma_semaphore, #tpu.memory_space<semaphore_mem>>) src(%dma_wait3A_724 : memref<4000000xi32, #tpu.memory_space<hbm>>) dst(%dma_wait3A_720 : memref<128xi32, #tpu.memory_space<vmem>>)
        %dma_wait3A_725 = arith.constant 768 : i32
        %dma_wait3A_726 = tpu.memref_slice %arg17[%dma_wait3A_725] : memref<2048xi32, #tpu.memory_space<vmem>> -> memref<128xi32, #tpu.memory_space<vmem>>
        %dma_wait3A_727 = arith.constant 768 : i32
        %dma_wait3A_728 = tpu.memref_slice %arg15[%dma_wait3A_727] : memref<2048xi32, #tpu.memory_space<vmem>> -> memref<128xi32, #tpu.memory_space<vmem>>
        %dma_wait3A_729 = arith.constant 0 : i32
        %dma_wait3A_730 = tpu.memref_slice %arg3[%dma_wait3A_729] : memref<4000000xi32, #tpu.memory_space<hbm>> -> memref<4000000xi32, #tpu.memory_space<hbm>>
        tpu.wait_indirect_dma semaphore(%arg19 : memref<!tpu.dma_semaphore, #tpu.memory_space<semaphore_mem>>) src(%dma_wait3A_730 : memref<4000000xi32, #tpu.memory_space<hbm>>) dst(%dma_wait3A_726 : memref<128xi32, #tpu.memory_space<vmem>>)
        %dma_wait3A_731 = arith.constant 896 : i32
        %dma_wait3A_732 = tpu.memref_slice %arg16[%dma_wait3A_731] : memref<2048xi32, #tpu.memory_space<vmem>> -> memref<128xi32, #tpu.memory_space<vmem>>
        %dma_wait3A_733 = arith.constant 896 : i32
        %dma_wait3A_734 = tpu.memref_slice %arg15[%dma_wait3A_733] : memref<2048xi32, #tpu.memory_space<vmem>> -> memref<128xi32, #tpu.memory_space<vmem>>
        %dma_wait3A_735 = arith.constant 0 : i32
        %dma_wait3A_736 = tpu.memref_slice %arg2[%dma_wait3A_735] : memref<4000000xi32, #tpu.memory_space<hbm>> -> memref<4000000xi32, #tpu.memory_space<hbm>>
        tpu.wait_indirect_dma semaphore(%arg19 : memref<!tpu.dma_semaphore, #tpu.memory_space<semaphore_mem>>) src(%dma_wait3A_736 : memref<4000000xi32, #tpu.memory_space<hbm>>) dst(%dma_wait3A_732 : memref<128xi32, #tpu.memory_space<vmem>>)
        %dma_wait3A_737 = arith.constant 896 : i32
        %dma_wait3A_738 = tpu.memref_slice %arg17[%dma_wait3A_737] : memref<2048xi32, #tpu.memory_space<vmem>> -> memref<128xi32, #tpu.memory_space<vmem>>
        %dma_wait3A_739 = arith.constant 896 : i32
        %dma_wait3A_740 = tpu.memref_slice %arg15[%dma_wait3A_739] : memref<2048xi32, #tpu.memory_space<vmem>> -> memref<128xi32, #tpu.memory_space<vmem>>
        %dma_wait3A_741 = arith.constant 0 : i32
        %dma_wait3A_742 = tpu.memref_slice %arg3[%dma_wait3A_741] : memref<4000000xi32, #tpu.memory_space<hbm>> -> memref<4000000xi32, #tpu.memory_space<hbm>>
        tpu.wait_indirect_dma semaphore(%arg19 : memref<!tpu.dma_semaphore, #tpu.memory_space<semaphore_mem>>) src(%dma_wait3A_742 : memref<4000000xi32, #tpu.memory_space<hbm>>) dst(%dma_wait3A_738 : memref<128xi32, #tpu.memory_space<vmem>>)
        %dma_wait3A_743 = arith.constant 1024 : i32
        %dma_wait3A_744 = tpu.memref_slice %arg16[%dma_wait3A_743] : memref<2048xi32, #tpu.memory_space<vmem>> -> memref<128xi32, #tpu.memory_space<vmem>>
        %dma_wait3A_745 = arith.constant 1024 : i32
        %dma_wait3A_746 = tpu.memref_slice %arg15[%dma_wait3A_745] : memref<2048xi32, #tpu.memory_space<vmem>> -> memref<128xi32, #tpu.memory_space<vmem>>
        %dma_wait3A_747 = arith.constant 0 : i32
        %dma_wait3A_748 = tpu.memref_slice %arg2[%dma_wait3A_747] : memref<4000000xi32, #tpu.memory_space<hbm>> -> memref<4000000xi32, #tpu.memory_space<hbm>>
        tpu.wait_indirect_dma semaphore(%arg19 : memref<!tpu.dma_semaphore, #tpu.memory_space<semaphore_mem>>) src(%dma_wait3A_748 : memref<4000000xi32, #tpu.memory_space<hbm>>) dst(%dma_wait3A_744 : memref<128xi32, #tpu.memory_space<vmem>>)
        %dma_wait3A_749 = arith.constant 1024 : i32
        %dma_wait3A_750 = tpu.memref_slice %arg17[%dma_wait3A_749] : memref<2048xi32, #tpu.memory_space<vmem>> -> memref<128xi32, #tpu.memory_space<vmem>>
        %dma_wait3A_751 = arith.constant 1024 : i32
        %dma_wait3A_752 = tpu.memref_slice %arg15[%dma_wait3A_751] : memref<2048xi32, #tpu.memory_space<vmem>> -> memref<128xi32, #tpu.memory_space<vmem>>
        %dma_wait3A_753 = arith.constant 0 : i32
        %dma_wait3A_754 = tpu.memref_slice %arg3[%dma_wait3A_753] : memref<4000000xi32, #tpu.memory_space<hbm>> -> memref<4000000xi32, #tpu.memory_space<hbm>>
        tpu.wait_indirect_dma semaphore(%arg19 : memref<!tpu.dma_semaphore, #tpu.memory_space<semaphore_mem>>) src(%dma_wait3A_754 : memref<4000000xi32, #tpu.memory_space<hbm>>) dst(%dma_wait3A_750 : memref<128xi32, #tpu.memory_space<vmem>>)
        %dma_wait3A_755 = arith.constant 1152 : i32
        %dma_wait3A_756 = tpu.memref_slice %arg16[%dma_wait3A_755] : memref<2048xi32, #tpu.memory_space<vmem>> -> memref<128xi32, #tpu.memory_space<vmem>>
        %dma_wait3A_757 = arith.constant 1152 : i32
        %dma_wait3A_758 = tpu.memref_slice %arg15[%dma_wait3A_757] : memref<2048xi32, #tpu.memory_space<vmem>> -> memref<128xi32, #tpu.memory_space<vmem>>
        %dma_wait3A_759 = arith.constant 0 : i32
        %dma_wait3A_760 = tpu.memref_slice %arg2[%dma_wait3A_759] : memref<4000000xi32, #tpu.memory_space<hbm>> -> memref<4000000xi32, #tpu.memory_space<hbm>>
        tpu.wait_indirect_dma semaphore(%arg19 : memref<!tpu.dma_semaphore, #tpu.memory_space<semaphore_mem>>) src(%dma_wait3A_760 : memref<4000000xi32, #tpu.memory_space<hbm>>) dst(%dma_wait3A_756 : memref<128xi32, #tpu.memory_space<vmem>>)
        %dma_wait3A_761 = arith.constant 1152 : i32
        %dma_wait3A_762 = tpu.memref_slice %arg17[%dma_wait3A_761] : memref<2048xi32, #tpu.memory_space<vmem>> -> memref<128xi32, #tpu.memory_space<vmem>>
        %dma_wait3A_763 = arith.constant 1152 : i32
        %dma_wait3A_764 = tpu.memref_slice %arg15[%dma_wait3A_763] : memref<2048xi32, #tpu.memory_space<vmem>> -> memref<128xi32, #tpu.memory_space<vmem>>
        %dma_wait3A_765 = arith.constant 0 : i32
        %dma_wait3A_766 = tpu.memref_slice %arg3[%dma_wait3A_765] : memref<4000000xi32, #tpu.memory_space<hbm>> -> memref<4000000xi32, #tpu.memory_space<hbm>>
        tpu.wait_indirect_dma semaphore(%arg19 : memref<!tpu.dma_semaphore, #tpu.memory_space<semaphore_mem>>) src(%dma_wait3A_766 : memref<4000000xi32, #tpu.memory_space<hbm>>) dst(%dma_wait3A_762 : memref<128xi32, #tpu.memory_space<vmem>>)
        %dma_wait3A_767 = arith.constant 1280 : i32
        %dma_wait3A_768 = tpu.memref_slice %arg16[%dma_wait3A_767] : memref<2048xi32, #tpu.memory_space<vmem>> -> memref<128xi32, #tpu.memory_space<vmem>>
        %dma_wait3A_769 = arith.constant 1280 : i32
        %dma_wait3A_770 = tpu.memref_slice %arg15[%dma_wait3A_769] : memref<2048xi32, #tpu.memory_space<vmem>> -> memref<128xi32, #tpu.memory_space<vmem>>
        %dma_wait3A_771 = arith.constant 0 : i32
        %dma_wait3A_772 = tpu.memref_slice %arg2[%dma_wait3A_771] : memref<4000000xi32, #tpu.memory_space<hbm>> -> memref<4000000xi32, #tpu.memory_space<hbm>>
        tpu.wait_indirect_dma semaphore(%arg19 : memref<!tpu.dma_semaphore, #tpu.memory_space<semaphore_mem>>) src(%dma_wait3A_772 : memref<4000000xi32, #tpu.memory_space<hbm>>) dst(%dma_wait3A_768 : memref<128xi32, #tpu.memory_space<vmem>>)
        %dma_wait3A_773 = arith.constant 1280 : i32
        %dma_wait3A_774 = tpu.memref_slice %arg17[%dma_wait3A_773] : memref<2048xi32, #tpu.memory_space<vmem>> -> memref<128xi32, #tpu.memory_space<vmem>>
        %dma_wait3A_775 = arith.constant 1280 : i32
        %dma_wait3A_776 = tpu.memref_slice %arg15[%dma_wait3A_775] : memref<2048xi32, #tpu.memory_space<vmem>> -> memref<128xi32, #tpu.memory_space<vmem>>
        %dma_wait3A_777 = arith.constant 0 : i32
        %dma_wait3A_778 = tpu.memref_slice %arg3[%dma_wait3A_777] : memref<4000000xi32, #tpu.memory_space<hbm>> -> memref<4000000xi32, #tpu.memory_space<hbm>>
        tpu.wait_indirect_dma semaphore(%arg19 : memref<!tpu.dma_semaphore, #tpu.memory_space<semaphore_mem>>) src(%dma_wait3A_778 : memref<4000000xi32, #tpu.memory_space<hbm>>) dst(%dma_wait3A_774 : memref<128xi32, #tpu.memory_space<vmem>>)
        %dma_wait3A_779 = arith.constant 1408 : i32
        %dma_wait3A_780 = tpu.memref_slice %arg16[%dma_wait3A_779] : memref<2048xi32, #tpu.memory_space<vmem>> -> memref<128xi32, #tpu.memory_space<vmem>>
        %dma_wait3A_781 = arith.constant 1408 : i32
        %dma_wait3A_782 = tpu.memref_slice %arg15[%dma_wait3A_781] : memref<2048xi32, #tpu.memory_space<vmem>> -> memref<128xi32, #tpu.memory_space<vmem>>
        %dma_wait3A_783 = arith.constant 0 : i32
        %dma_wait3A_784 = tpu.memref_slice %arg2[%dma_wait3A_783] : memref<4000000xi32, #tpu.memory_space<hbm>> -> memref<4000000xi32, #tpu.memory_space<hbm>>
        tpu.wait_indirect_dma semaphore(%arg19 : memref<!tpu.dma_semaphore, #tpu.memory_space<semaphore_mem>>) src(%dma_wait3A_784 : memref<4000000xi32, #tpu.memory_space<hbm>>) dst(%dma_wait3A_780 : memref<128xi32, #tpu.memory_space<vmem>>)
        %dma_wait3A_785 = arith.constant 1408 : i32
        %dma_wait3A_786 = tpu.memref_slice %arg17[%dma_wait3A_785] : memref<2048xi32, #tpu.memory_space<vmem>> -> memref<128xi32, #tpu.memory_space<vmem>>
        %dma_wait3A_787 = arith.constant 1408 : i32
        %dma_wait3A_788 = tpu.memref_slice %arg15[%dma_wait3A_787] : memref<2048xi32, #tpu.memory_space<vmem>> -> memref<128xi32, #tpu.memory_space<vmem>>
        %dma_wait3A_789 = arith.constant 0 : i32
        %dma_wait3A_790 = tpu.memref_slice %arg3[%dma_wait3A_789] : memref<4000000xi32, #tpu.memory_space<hbm>> -> memref<4000000xi32, #tpu.memory_space<hbm>>
        tpu.wait_indirect_dma semaphore(%arg19 : memref<!tpu.dma_semaphore, #tpu.memory_space<semaphore_mem>>) src(%dma_wait3A_790 : memref<4000000xi32, #tpu.memory_space<hbm>>) dst(%dma_wait3A_786 : memref<128xi32, #tpu.memory_space<vmem>>)
        %dma_wait3A_791 = arith.constant 1536 : i32
        %dma_wait3A_792 = tpu.memref_slice %arg16[%dma_wait3A_791] : memref<2048xi32, #tpu.memory_space<vmem>> -> memref<128xi32, #tpu.memory_space<vmem>>
        %dma_wait3A_793 = arith.constant 1536 : i32
        %dma_wait3A_794 = tpu.memref_slice %arg15[%dma_wait3A_793] : memref<2048xi32, #tpu.memory_space<vmem>> -> memref<128xi32, #tpu.memory_space<vmem>>
        %dma_wait3A_795 = arith.constant 0 : i32
        %dma_wait3A_796 = tpu.memref_slice %arg2[%dma_wait3A_795] : memref<4000000xi32, #tpu.memory_space<hbm>> -> memref<4000000xi32, #tpu.memory_space<hbm>>
        tpu.wait_indirect_dma semaphore(%arg19 : memref<!tpu.dma_semaphore, #tpu.memory_space<semaphore_mem>>) src(%dma_wait3A_796 : memref<4000000xi32, #tpu.memory_space<hbm>>) dst(%dma_wait3A_792 : memref<128xi32, #tpu.memory_space<vmem>>)
        %dma_wait3A_797 = arith.constant 1536 : i32
        %dma_wait3A_798 = tpu.memref_slice %arg17[%dma_wait3A_797] : memref<2048xi32, #tpu.memory_space<vmem>> -> memref<128xi32, #tpu.memory_space<vmem>>
        %dma_wait3A_799 = arith.constant 1536 : i32
        %dma_wait3A_800 = tpu.memref_slice %arg15[%dma_wait3A_799] : memref<2048xi32, #tpu.memory_space<vmem>> -> memref<128xi32, #tpu.memory_space<vmem>>
        %dma_wait3A_801 = arith.constant 0 : i32
        %dma_wait3A_802 = tpu.memref_slice %arg3[%dma_wait3A_801] : memref<4000000xi32, #tpu.memory_space<hbm>> -> memref<4000000xi32, #tpu.memory_space<hbm>>
        tpu.wait_indirect_dma semaphore(%arg19 : memref<!tpu.dma_semaphore, #tpu.memory_space<semaphore_mem>>) src(%dma_wait3A_802 : memref<4000000xi32, #tpu.memory_space<hbm>>) dst(%dma_wait3A_798 : memref<128xi32, #tpu.memory_space<vmem>>)
        %dma_wait3A_803 = arith.constant 1664 : i32
        %dma_wait3A_804 = tpu.memref_slice %arg16[%dma_wait3A_803] : memref<2048xi32, #tpu.memory_space<vmem>> -> memref<128xi32, #tpu.memory_space<vmem>>
        %dma_wait3A_805 = arith.constant 1664 : i32
        %dma_wait3A_806 = tpu.memref_slice %arg15[%dma_wait3A_805] : memref<2048xi32, #tpu.memory_space<vmem>> -> memref<128xi32, #tpu.memory_space<vmem>>
        %dma_wait3A_807 = arith.constant 0 : i32
        %dma_wait3A_808 = tpu.memref_slice %arg2[%dma_wait3A_807] : memref<4000000xi32, #tpu.memory_space<hbm>> -> memref<4000000xi32, #tpu.memory_space<hbm>>
        tpu.wait_indirect_dma semaphore(%arg19 : memref<!tpu.dma_semaphore, #tpu.memory_space<semaphore_mem>>) src(%dma_wait3A_808 : memref<4000000xi32, #tpu.memory_space<hbm>>) dst(%dma_wait3A_804 : memref<128xi32, #tpu.memory_space<vmem>>)
        %dma_wait3A_809 = arith.constant 1664 : i32
        %dma_wait3A_810 = tpu.memref_slice %arg17[%dma_wait3A_809] : memref<2048xi32, #tpu.memory_space<vmem>> -> memref<128xi32, #tpu.memory_space<vmem>>
        %dma_wait3A_811 = arith.constant 1664 : i32
        %dma_wait3A_812 = tpu.memref_slice %arg15[%dma_wait3A_811] : memref<2048xi32, #tpu.memory_space<vmem>> -> memref<128xi32, #tpu.memory_space<vmem>>
        %dma_wait3A_813 = arith.constant 0 : i32
        %dma_wait3A_814 = tpu.memref_slice %arg3[%dma_wait3A_813] : memref<4000000xi32, #tpu.memory_space<hbm>> -> memref<4000000xi32, #tpu.memory_space<hbm>>
        tpu.wait_indirect_dma semaphore(%arg19 : memref<!tpu.dma_semaphore, #tpu.memory_space<semaphore_mem>>) src(%dma_wait3A_814 : memref<4000000xi32, #tpu.memory_space<hbm>>) dst(%dma_wait3A_810 : memref<128xi32, #tpu.memory_space<vmem>>)
        %dma_wait3A_815 = arith.constant 1792 : i32
        %dma_wait3A_816 = tpu.memref_slice %arg16[%dma_wait3A_815] : memref<2048xi32, #tpu.memory_space<vmem>> -> memref<128xi32, #tpu.memory_space<vmem>>
        %dma_wait3A_817 = arith.constant 1792 : i32
        %dma_wait3A_818 = tpu.memref_slice %arg15[%dma_wait3A_817] : memref<2048xi32, #tpu.memory_space<vmem>> -> memref<128xi32, #tpu.memory_space<vmem>>
        %dma_wait3A_819 = arith.constant 0 : i32
        %dma_wait3A_820 = tpu.memref_slice %arg2[%dma_wait3A_819] : memref<4000000xi32, #tpu.memory_space<hbm>> -> memref<4000000xi32, #tpu.memory_space<hbm>>
        tpu.wait_indirect_dma semaphore(%arg19 : memref<!tpu.dma_semaphore, #tpu.memory_space<semaphore_mem>>) src(%dma_wait3A_820 : memref<4000000xi32, #tpu.memory_space<hbm>>) dst(%dma_wait3A_816 : memref<128xi32, #tpu.memory_space<vmem>>)
        %dma_wait3A_821 = arith.constant 1792 : i32
        %dma_wait3A_822 = tpu.memref_slice %arg17[%dma_wait3A_821] : memref<2048xi32, #tpu.memory_space<vmem>> -> memref<128xi32, #tpu.memory_space<vmem>>
        %dma_wait3A_823 = arith.constant 1792 : i32
        %dma_wait3A_824 = tpu.memref_slice %arg15[%dma_wait3A_823] : memref<2048xi32, #tpu.memory_space<vmem>> -> memref<128xi32, #tpu.memory_space<vmem>>
        %dma_wait3A_825 = arith.constant 0 : i32
        %dma_wait3A_826 = tpu.memref_slice %arg3[%dma_wait3A_825] : memref<4000000xi32, #tpu.memory_space<hbm>> -> memref<4000000xi32, #tpu.memory_space<hbm>>
        tpu.wait_indirect_dma semaphore(%arg19 : memref<!tpu.dma_semaphore, #tpu.memory_space<semaphore_mem>>) src(%dma_wait3A_826 : memref<4000000xi32, #tpu.memory_space<hbm>>) dst(%dma_wait3A_822 : memref<128xi32, #tpu.memory_space<vmem>>)
        %dma_wait3A_827 = arith.constant 1920 : i32
        %dma_wait3A_828 = tpu.memref_slice %arg16[%dma_wait3A_827] : memref<2048xi32, #tpu.memory_space<vmem>> -> memref<128xi32, #tpu.memory_space<vmem>>
        %dma_wait3A_829 = arith.constant 1920 : i32
        %dma_wait3A_830 = tpu.memref_slice %arg15[%dma_wait3A_829] : memref<2048xi32, #tpu.memory_space<vmem>> -> memref<128xi32, #tpu.memory_space<vmem>>
        %dma_wait3A_831 = arith.constant 0 : i32
        %dma_wait3A_832 = tpu.memref_slice %arg2[%dma_wait3A_831] : memref<4000000xi32, #tpu.memory_space<hbm>> -> memref<4000000xi32, #tpu.memory_space<hbm>>
        tpu.wait_indirect_dma semaphore(%arg19 : memref<!tpu.dma_semaphore, #tpu.memory_space<semaphore_mem>>) src(%dma_wait3A_832 : memref<4000000xi32, #tpu.memory_space<hbm>>) dst(%dma_wait3A_828 : memref<128xi32, #tpu.memory_space<vmem>>)
        %dma_wait3A_833 = arith.constant 1920 : i32
        %dma_wait3A_834 = tpu.memref_slice %arg17[%dma_wait3A_833] : memref<2048xi32, #tpu.memory_space<vmem>> -> memref<128xi32, #tpu.memory_space<vmem>>
        %dma_wait3A_835 = arith.constant 1920 : i32
        %dma_wait3A_836 = tpu.memref_slice %arg15[%dma_wait3A_835] : memref<2048xi32, #tpu.memory_space<vmem>> -> memref<128xi32, #tpu.memory_space<vmem>>
        %dma_wait3A_837 = arith.constant 0 : i32
        %dma_wait3A_838 = tpu.memref_slice %arg3[%dma_wait3A_837] : memref<4000000xi32, #tpu.memory_space<hbm>> -> memref<4000000xi32, #tpu.memory_space<hbm>>
        tpu.wait_indirect_dma semaphore(%arg19 : memref<!tpu.dma_semaphore, #tpu.memory_space<semaphore_mem>>) src(%dma_wait3A_838 : memref<4000000xi32, #tpu.memory_space<hbm>>) dst(%dma_wait3A_834 : memref<128xi32, #tpu.memory_space<vmem>>)
        %while3A_839 = arith.constant 0 : i32
        %while3A_840 = arith.constant 0 : i32
        %while3A_841 = arith.constant 128 : i32
        %while3A_842 = arith.subi %while3A_841, %while3A_840 : i32
        %while3A_843 = arith.addi %while3A_840, %while3A_842 : i32
        %while3A_844 = arith.constant 1 : i32
        %while3A_845 = arith.divsi %while3A_842, %while3A_844 : i32
        %while3A_846 = arith.muli %while3A_845, %while3A_844 : i32
        %while3A_847 = arith.addi %while3A_840, %while3A_846 : i32
        %while3A_848 = arith.constant 1 : i32
        scf.for %while3A_850 = %while3A_840 to %while3A_847 step %while3A_848  : i32 {
          %mul3A_851 = arith.constant 16 : i32
          %mul3A_852 = arith.muli %while3A_850, %mul3A_851 : i32
          %get3A = arith.index_cast %mul3A_852 : i32 to index
          %get3A_853 = tpu.vector_load %arg16[%get3A] {strides = array<i32>} : memref<2048xi32, #tpu.memory_space<vmem>>, vector<16xi32>,
          %get3A_854 = vector.shape_cast %get3A_853 : vector<16xi32> to vector<16xi32>
          %get3A_855 = arith.index_cast %mul3A_852 : i32 to index
          %get3A_856 = tpu.vector_load %arg17[%get3A_855] {strides = array<i32>} : memref<2048xi32, #tpu.memory_space<vmem>>, vector<16xi32>,
          %get3A_857 = vector.shape_cast %get3A_856 : vector<16xi32> to vector<16xi32>
          %get3A_858 = arith.index_cast %mul3A_852 : i32 to index
          %get3A_859 = tpu.vector_load %arg11[%get3A_858] {strides = array<i32>} : memref<2048xi32, #tpu.memory_space<vmem>>, vector<16xi32>,
          %get3A_860 = vector.shape_cast %get3A_859 : vector<16xi32> to vector<16xi32>
          %get3A_861 = arith.index_cast %mul3A_852 : i32 to index
          %get3A_862 = tpu.vector_load %arg12[%get3A_861] {strides = array<i32>} : memref<2048xi32, #tpu.memory_space<vmem>>, vector<16xi32>,
          %get3A_863 = vector.shape_cast %get3A_862 : vector<16xi32> to vector<16xi32>
          %lt3A = arith.cmpi slt, %get3A_854, %get3A_860 : vector<16xi32>
          %eq3A = arith.cmpi eq, %get3A_854, %get3A_860 : vector<16xi32>
          %le3A = arith.cmpi sle, %get3A_857, %get3A_863 : vector<16xi32>
          %and3A = arith.andi %eq3A, %le3A : vector<16xi1>
          %or3A = arith.ori %lt3A, %and3A : vector<16xi1>
          %get3A_864 = arith.index_cast %mul3A_852 : i32 to index
          %get3A_865 = tpu.vector_load %arg13[%get3A_864] {strides = array<i32>} : memref<2048xi32, #tpu.memory_space<vmem>>, vector<16xi32>,
          %get3A_866 = vector.shape_cast %get3A_865 : vector<16xi32> to vector<16xi32>
          %get3A_867 = arith.index_cast %mul3A_852 : i32 to index
          %get3A_868 = tpu.vector_load %arg14[%get3A_867] {strides = array<i32>} : memref<2048xi32, #tpu.memory_space<vmem>>, vector<16xi32>,
          %get3A_869 = vector.shape_cast %get3A_868 : vector<16xi32> to vector<16xi32>
          %add3A_870 = arith.addi %get3A_866, %get3A_869 : vector<16xi32>
          %shift_right_arithmetic3A = arith.constant 1 : i32
          %shift_right_arithmetic3A_871 = vector.broadcast %shift_right_arithmetic3A : i32 to vector<16xi32>
          %shift_right_arithmetic3A_872 = arith.shrsi %add3A_870, %shift_right_arithmetic3A_871 : vector<16xi32>
          %add3A_873 = arith.constant 1 : i32
          %add3A_874 = vector.broadcast %add3A_873 : i32 to vector<16xi32>
          %add3A_875 = arith.addi %shift_right_arithmetic3A_872, %add3A_874 : vector<16xi32>
          %get3A_876 = arith.index_cast %mul3A_852 : i32 to index
          %get3A_877 = tpu.vector_load %arg13[%get3A_876] {strides = array<i32>} : memref<2048xi32, #tpu.memory_space<vmem>>, vector<16xi32>,
          %get3A_878 = vector.shape_cast %get3A_877 : vector<16xi32> to vector<16xi32>
          %select_n3A = arith.select %or3A, %add3A_875, %get3A_878 : vector<16xi1>, vector<16xi32>
          %swap3A = arith.index_cast %mul3A_852 : i32 to index
          %swap3A_879 = tpu.vector_load %arg13[%swap3A] {strides = array<i32>} : memref<2048xi32, #tpu.memory_space<vmem>>, vector<16xi32>,
          %swap3A_880 = vector.shape_cast %swap3A_879 : vector<16xi32> to vector<16xi32>
          %swap3A_881 = vector.shape_cast %select_n3A : vector<16xi32> to vector<16xi32>
          tpu.vector_store %arg13[%swap3A], %swap3A_881 {strides = array<i32>} : memref<2048xi32, #tpu.memory_space<vmem>>, vector<16xi32>,
          %get3A_882 = arith.index_cast %mul3A_852 : i32 to index
          %get3A_883 = tpu.vector_load %arg14[%get3A_882] {strides = array<i32>} : memref<2048xi32, #tpu.memory_space<vmem>>, vector<16xi32>,
          %get3A_884 = vector.shape_cast %get3A_883 : vector<16xi32> to vector<16xi32>
          %select_n3A_885 = arith.select %or3A, %get3A_884, %shift_right_arithmetic3A_872 : vector<16xi1>, vector<16xi32>
          %swap3A_886 = arith.index_cast %mul3A_852 : i32 to index
          %swap3A_887 = tpu.vector_load %arg14[%swap3A_886] {strides = array<i32>} : memref<2048xi32, #tpu.memory_space<vmem>>, vector<16xi32>,
          %swap3A_888 = vector.shape_cast %swap3A_887 : vector<16xi32> to vector<16xi32>
          %swap3A_889 = vector.shape_cast %select_n3A_885 : vector<16xi32> to vector<16xi32>
          tpu.vector_store %arg14[%swap3A_886], %swap3A_889 {strides = array<i32>} : memref<2048xi32, #tpu.memory_space<vmem>>, vector<16xi32>,
        }
        %while3A_849 = arith.constant 1 : i32
        scf.for %while3A_850 = %while3A_847 to %while3A_843 step %while3A_849  : i32 {
          %mul3A_851 = arith.constant 16 : i32
          %mul3A_852 = arith.muli %while3A_850, %mul3A_851 : i32
          %get3A = arith.index_cast %mul3A_852 : i32 to index
          %get3A_853 = tpu.vector_load %arg16[%get3A] {strides = array<i32>} : memref<2048xi32, #tpu.memory_space<vmem>>, vector<16xi32>,
          %get3A_854 = vector.shape_cast %get3A_853 : vector<16xi32> to vector<16xi32>
          %get3A_855 = arith.index_cast %mul3A_852 : i32 to index
          %get3A_856 = tpu.vector_load %arg17[%get3A_855] {strides = array<i32>} : memref<2048xi32, #tpu.memory_space<vmem>>, vector<16xi32>,
          %get3A_857 = vector.shape_cast %get3A_856 : vector<16xi32> to vector<16xi32>
          %get3A_858 = arith.index_cast %mul3A_852 : i32 to index
          %get3A_859 = tpu.vector_load %arg11[%get3A_858] {strides = array<i32>} : memref<2048xi32, #tpu.memory_space<vmem>>, vector<16xi32>,
          %get3A_860 = vector.shape_cast %get3A_859 : vector<16xi32> to vector<16xi32>
          %get3A_861 = arith.index_cast %mul3A_852 : i32 to index
          %get3A_862 = tpu.vector_load %arg12[%get3A_861] {strides = array<i32>} : memref<2048xi32, #tpu.memory_space<vmem>>, vector<16xi32>,
          %get3A_863 = vector.shape_cast %get3A_862 : vector<16xi32> to vector<16xi32>
          %lt3A = arith.cmpi slt, %get3A_854, %get3A_860 : vector<16xi32>
          %eq3A = arith.cmpi eq, %get3A_854, %get3A_860 : vector<16xi32>
          %le3A = arith.cmpi sle, %get3A_857, %get3A_863 : vector<16xi32>
          %and3A = arith.andi %eq3A, %le3A : vector<16xi1>
          %or3A = arith.ori %lt3A, %and3A : vector<16xi1>
          %get3A_864 = arith.index_cast %mul3A_852 : i32 to index
          %get3A_865 = tpu.vector_load %arg13[%get3A_864] {strides = array<i32>} : memref<2048xi32, #tpu.memory_space<vmem>>, vector<16xi32>,
          %get3A_866 = vector.shape_cast %get3A_865 : vector<16xi32> to vector<16xi32>
          %get3A_867 = arith.index_cast %mul3A_852 : i32 to index
          %get3A_868 = tpu.vector_load %arg14[%get3A_867] {strides = array<i32>} : memref<2048xi32, #tpu.memory_space<vmem>>, vector<16xi32>,
          %get3A_869 = vector.shape_cast %get3A_868 : vector<16xi32> to vector<16xi32>
          %add3A_870 = arith.addi %get3A_866, %get3A_869 : vector<16xi32>
          %shift_right_arithmetic3A = arith.constant 1 : i32
          %shift_right_arithmetic3A_871 = vector.broadcast %shift_right_arithmetic3A : i32 to vector<16xi32>
          %shift_right_arithmetic3A_872 = arith.shrsi %add3A_870, %shift_right_arithmetic3A_871 : vector<16xi32>
          %add3A_873 = arith.constant 1 : i32
          %add3A_874 = vector.broadcast %add3A_873 : i32 to vector<16xi32>
          %add3A_875 = arith.addi %shift_right_arithmetic3A_872, %add3A_874 : vector<16xi32>
          %get3A_876 = arith.index_cast %mul3A_852 : i32 to index
          %get3A_877 = tpu.vector_load %arg13[%get3A_876] {strides = array<i32>} : memref<2048xi32, #tpu.memory_space<vmem>>, vector<16xi32>,
          %get3A_878 = vector.shape_cast %get3A_877 : vector<16xi32> to vector<16xi32>
          %select_n3A = arith.select %or3A, %add3A_875, %get3A_878 : vector<16xi1>, vector<16xi32>
          %swap3A = arith.index_cast %mul3A_852 : i32 to index
          %swap3A_879 = tpu.vector_load %arg13[%swap3A] {strides = array<i32>} : memref<2048xi32, #tpu.memory_space<vmem>>, vector<16xi32>,
          %swap3A_880 = vector.shape_cast %swap3A_879 : vector<16xi32> to vector<16xi32>
          %swap3A_881 = vector.shape_cast %select_n3A : vector<16xi32> to vector<16xi32>
          tpu.vector_store %arg13[%swap3A], %swap3A_881 {strides = array<i32>} : memref<2048xi32, #tpu.memory_space<vmem>>, vector<16xi32>,
          %get3A_882 = arith.index_cast %mul3A_852 : i32 to index
          %get3A_883 = tpu.vector_load %arg14[%get3A_882] {strides = array<i32>} : memref<2048xi32, #tpu.memory_space<vmem>>, vector<16xi32>,
          %get3A_884 = vector.shape_cast %get3A_883 : vector<16xi32> to vector<16xi32>
          %select_n3A_885 = arith.select %or3A, %get3A_884, %shift_right_arithmetic3A_872 : vector<16xi1>, vector<16xi32>
          %swap3A_886 = arith.index_cast %mul3A_852 : i32 to index
          %swap3A_887 = tpu.vector_load %arg14[%swap3A_886] {strides = array<i32>} : memref<2048xi32, #tpu.memory_space<vmem>>, vector<16xi32>,
          %swap3A_888 = vector.shape_cast %swap3A_887 : vector<16xi32> to vector<16xi32>
          %swap3A_889 = vector.shape_cast %select_n3A_885 : vector<16xi32> to vector<16xi32>
          tpu.vector_store %arg14[%swap3A_886], %swap3A_889 {strides = array<i32>} : memref<2048xi32, #tpu.memory_space<vmem>>, vector<16xi32>,
        }
      }
      %while3A_39 = arith.constant 0 : i32
      %while3A_40 = arith.constant 0 : i32
      %while3A_41 = arith.constant 128 : i32
      %while3A_42 = arith.subi %while3A_41, %while3A_40 : i32
      %while3A_43 = arith.addi %while3A_40, %while3A_42 : i32
      %while3A_44 = arith.constant 1 : i32
      %while3A_45 = arith.divsi %while3A_42, %while3A_44 : i32
      %while3A_46 = arith.muli %while3A_45, %while3A_44 : i32
      %while3A_47 = arith.addi %while3A_40, %while3A_46 : i32
      %while3A_48 = arith.constant 1 : i32
      scf.for %while3A_443 = %while3A_40 to %while3A_47 step %while3A_48  : i32 {
        %mul3A_444 = arith.constant 16 : i32
        %mul3A_445 = arith.muli %while3A_443, %mul3A_444 : i32
        %get3A = arith.index_cast %mul3A_445 : i32 to index
        %get3A_446 = tpu.vector_load %arg13[%get3A] {strides = array<i32>} : memref<2048xi32, #tpu.memory_space<vmem>>, vector<16xi32>,
        %get3A_447 = vector.shape_cast %get3A_446 : vector<16xi32> to vector<16xi32>
        %sub3A = arith.constant 1 : i32
        %sub3A_448 = vector.broadcast %sub3A : i32 to vector<16xi32>
        %sub3A_449 = arith.subi %get3A_447, %sub3A_448 : vector<16xi32>
        %max3A = arith.constant 0 : i32
        %max3A_450 = vector.broadcast %max3A : i32 to vector<16xi32>
        %max3A_451 = arith.maxsi %sub3A_449, %max3A_450 : vector<16xi32>
        %swap3A = arith.index_cast %mul3A_445 : i32 to index
        %swap3A_452 = tpu.vector_load %arg15[%swap3A] {strides = array<i32>} : memref<2048xi32, #tpu.memory_space<vmem>>, vector<16xi32>,
        %swap3A_453 = vector.shape_cast %swap3A_452 : vector<16xi32> to vector<16xi32>
        %swap3A_454 = vector.shape_cast %max3A_451 : vector<16xi32> to vector<16xi32>
        tpu.vector_store %arg15[%swap3A], %swap3A_454 {strides = array<i32>} : memref<2048xi32, #tpu.memory_space<vmem>>, vector<16xi32>,
      }
      %while3A_49 = arith.constant 1 : i32
      scf.for %while3A_443 = %while3A_47 to %while3A_43 step %while3A_49  : i32 {
        %mul3A_444 = arith.constant 16 : i32
        %mul3A_445 = arith.muli %while3A_443, %mul3A_444 : i32
        %get3A = arith.index_cast %mul3A_445 : i32 to index
        %get3A_446 = tpu.vector_load %arg13[%get3A] {strides = array<i32>} : memref<2048xi32, #tpu.memory_space<vmem>>, vector<16xi32>,
        %get3A_447 = vector.shape_cast %get3A_446 : vector<16xi32> to vector<16xi32>
        %sub3A = arith.constant 1 : i32
        %sub3A_448 = vector.broadcast %sub3A : i32 to vector<16xi32>
        %sub3A_449 = arith.subi %get3A_447, %sub3A_448 : vector<16xi32>
        %max3A = arith.constant 0 : i32
        %max3A_450 = vector.broadcast %max3A : i32 to vector<16xi32>
        %max3A_451 = arith.maxsi %sub3A_449, %max3A_450 : vector<16xi32>
        %swap3A = arith.index_cast %mul3A_445 : i32 to index
        %swap3A_452 = tpu.vector_load %arg15[%swap3A] {strides = array<i32>} : memref<2048xi32, #tpu.memory_space<vmem>>, vector<16xi32>,
        %swap3A_453 = vector.shape_cast %swap3A_452 : vector<16xi32> to vector<16xi32>
        %swap3A_454 = vector.shape_cast %max3A_451 : vector<16xi32> to vector<16xi32>
        tpu.vector_store %arg15[%swap3A], %swap3A_454 {strides = array<i32>} : memref<2048xi32, #tpu.memory_space<vmem>>, vector<16xi32>,
      }
      %dma_start3A = arith.constant 0 : i32
      %dma_start3A_50 = tpu.memref_slice %arg16[%dma_start3A] : memref<2048xi32, #tpu.memory_space<vmem>> -> memref<128xi32, #tpu.memory_space<vmem>>
      %dma_start3A_51 = arith.constant 0 : i32
      %dma_start3A_52 = tpu.memref_slice %arg15[%dma_start3A_51] : memref<2048xi32, #tpu.memory_space<vmem>> -> memref<128xi32, #tpu.memory_space<vmem>>
      %dma_start3A_53 = arith.constant 0 : i32
      %dma_start3A_54 = tpu.memref_slice %arg2[%dma_start3A_53] : memref<4000000xi32, #tpu.memory_space<hbm>> -> memref<4000000xi32, #tpu.memory_space<hbm>>
      tpu.enqueue_indirect_dma source(%dma_start3A_54 : memref<4000000xi32, #tpu.memory_space<hbm>>) target(%dma_start3A_50 : memref<128xi32, #tpu.memory_space<vmem>>) offsets(%dma_start3A_52 : memref<128xi32, #tpu.memory_space<vmem>>) semaphore(%arg19 : memref<!tpu.dma_semaphore, #tpu.memory_space<semaphore_mem>>)
      %dma_start3A_55 = arith.constant 0 : i32
      %dma_start3A_56 = tpu.memref_slice %arg17[%dma_start3A_55] : memref<2048xi32, #tpu.memory_space<vmem>> -> memref<128xi32, #tpu.memory_space<vmem>>
      %dma_start3A_57 = arith.constant 0 : i32
      %dma_start3A_58 = tpu.memref_slice %arg15[%dma_start3A_57] : memref<2048xi32, #tpu.memory_space<vmem>> -> memref<128xi32, #tpu.memory_space<vmem>>
      %dma_start3A_59 = arith.constant 0 : i32
      %dma_start3A_60 = tpu.memref_slice %arg3[%dma_start3A_59] : memref<4000000xi32, #tpu.memory_space<hbm>> -> memref<4000000xi32, #tpu.memory_space<hbm>>
      tpu.enqueue_indirect_dma source(%dma_start3A_60 : memref<4000000xi32, #tpu.memory_space<hbm>>) target(%dma_start3A_56 : memref<128xi32, #tpu.memory_space<vmem>>) offsets(%dma_start3A_58 : memref<128xi32, #tpu.memory_space<vmem>>) semaphore(%arg19 : memref<!tpu.dma_semaphore, #tpu.memory_space<semaphore_mem>>)
      %dma_start3A_61 = arith.constant 128 : i32
      %dma_start3A_62 = tpu.memref_slice %arg16[%dma_start3A_61] : memref<2048xi32, #tpu.memory_space<vmem>> -> memref<128xi32, #tpu.memory_space<vmem>>
      %dma_start3A_63 = arith.constant 128 : i32
      %dma_start3A_64 = tpu.memref_slice %arg15[%dma_start3A_63] : memref<2048xi32, #tpu.memory_space<vmem>> -> memref<128xi32, #tpu.memory_space<vmem>>
      %dma_start3A_65 = arith.constant 0 : i32
      %dma_start3A_66 = tpu.memref_slice %arg2[%dma_start3A_65] : memref<4000000xi32, #tpu.memory_space<hbm>> -> memref<4000000xi32, #tpu.memory_space<hbm>>
      tpu.enqueue_indirect_dma source(%dma_start3A_66 : memref<4000000xi32, #tpu.memory_space<hbm>>) target(%dma_start3A_62 : memref<128xi32, #tpu.memory_space<vmem>>) offsets(%dma_start3A_64 : memref<128xi32, #tpu.memory_space<vmem>>) semaphore(%arg19 : memref<!tpu.dma_semaphore, #tpu.memory_space<semaphore_mem>>)
      %dma_start3A_67 = arith.constant 128 : i32
      %dma_start3A_68 = tpu.memref_slice %arg17[%dma_start3A_67] : memref<2048xi32, #tpu.memory_space<vmem>> -> memref<128xi32, #tpu.memory_space<vmem>>
      %dma_start3A_69 = arith.constant 128 : i32
      %dma_start3A_70 = tpu.memref_slice %arg15[%dma_start3A_69] : memref<2048xi32, #tpu.memory_space<vmem>> -> memref<128xi32, #tpu.memory_space<vmem>>
      %dma_start3A_71 = arith.constant 0 : i32
      %dma_start3A_72 = tpu.memref_slice %arg3[%dma_start3A_71] : memref<4000000xi32, #tpu.memory_space<hbm>> -> memref<4000000xi32, #tpu.memory_space<hbm>>
      tpu.enqueue_indirect_dma source(%dma_start3A_72 : memref<4000000xi32, #tpu.memory_space<hbm>>) target(%dma_start3A_68 : memref<128xi32, #tpu.memory_space<vmem>>) offsets(%dma_start3A_70 : memref<128xi32, #tpu.memory_space<vmem>>) semaphore(%arg19 : memref<!tpu.dma_semaphore, #tpu.memory_space<semaphore_mem>>)
      %dma_start3A_73 = arith.constant 256 : i32
      %dma_start3A_74 = tpu.memref_slice %arg16[%dma_start3A_73] : memref<2048xi32, #tpu.memory_space<vmem>> -> memref<128xi32, #tpu.memory_space<vmem>>
      %dma_start3A_75 = arith.constant 256 : i32
      %dma_start3A_76 = tpu.memref_slice %arg15[%dma_start3A_75] : memref<2048xi32, #tpu.memory_space<vmem>> -> memref<128xi32, #tpu.memory_space<vmem>>
      %dma_start3A_77 = arith.constant 0 : i32
      %dma_start3A_78 = tpu.memref_slice %arg2[%dma_start3A_77] : memref<4000000xi32, #tpu.memory_space<hbm>> -> memref<4000000xi32, #tpu.memory_space<hbm>>
      tpu.enqueue_indirect_dma source(%dma_start3A_78 : memref<4000000xi32, #tpu.memory_space<hbm>>) target(%dma_start3A_74 : memref<128xi32, #tpu.memory_space<vmem>>) offsets(%dma_start3A_76 : memref<128xi32, #tpu.memory_space<vmem>>) semaphore(%arg19 : memref<!tpu.dma_semaphore, #tpu.memory_space<semaphore_mem>>)
      %dma_start3A_79 = arith.constant 256 : i32
      %dma_start3A_80 = tpu.memref_slice %arg17[%dma_start3A_79] : memref<2048xi32, #tpu.memory_space<vmem>> -> memref<128xi32, #tpu.memory_space<vmem>>
      %dma_start3A_81 = arith.constant 256 : i32
      %dma_start3A_82 = tpu.memref_slice %arg15[%dma_start3A_81] : memref<2048xi32, #tpu.memory_space<vmem>> -> memref<128xi32, #tpu.memory_space<vmem>>
      %dma_start3A_83 = arith.constant 0 : i32
      %dma_start3A_84 = tpu.memref_slice %arg3[%dma_start3A_83] : memref<4000000xi32, #tpu.memory_space<hbm>> -> memref<4000000xi32, #tpu.memory_space<hbm>>
      tpu.enqueue_indirect_dma source(%dma_start3A_84 : memref<4000000xi32, #tpu.memory_space<hbm>>) target(%dma_start3A_80 : memref<128xi32, #tpu.memory_space<vmem>>) offsets(%dma_start3A_82 : memref<128xi32, #tpu.memory_space<vmem>>) semaphore(%arg19 : memref<!tpu.dma_semaphore, #tpu.memory_space<semaphore_mem>>)
      %dma_start3A_85 = arith.constant 384 : i32
      %dma_start3A_86 = tpu.memref_slice %arg16[%dma_start3A_85] : memref<2048xi32, #tpu.memory_space<vmem>> -> memref<128xi32, #tpu.memory_space<vmem>>
      %dma_start3A_87 = arith.constant 384 : i32
      %dma_start3A_88 = tpu.memref_slice %arg15[%dma_start3A_87] : memref<2048xi32, #tpu.memory_space<vmem>> -> memref<128xi32, #tpu.memory_space<vmem>>
      %dma_start3A_89 = arith.constant 0 : i32
      %dma_start3A_90 = tpu.memref_slice %arg2[%dma_start3A_89] : memref<4000000xi32, #tpu.memory_space<hbm>> -> memref<4000000xi32, #tpu.memory_space<hbm>>
      tpu.enqueue_indirect_dma source(%dma_start3A_90 : memref<4000000xi32, #tpu.memory_space<hbm>>) target(%dma_start3A_86 : memref<128xi32, #tpu.memory_space<vmem>>) offsets(%dma_start3A_88 : memref<128xi32, #tpu.memory_space<vmem>>) semaphore(%arg19 : memref<!tpu.dma_semaphore, #tpu.memory_space<semaphore_mem>>)
      %dma_start3A_91 = arith.constant 384 : i32
      %dma_start3A_92 = tpu.memref_slice %arg17[%dma_start3A_91] : memref<2048xi32, #tpu.memory_space<vmem>> -> memref<128xi32, #tpu.memory_space<vmem>>
      %dma_start3A_93 = arith.constant 384 : i32
      %dma_start3A_94 = tpu.memref_slice %arg15[%dma_start3A_93] : memref<2048xi32, #tpu.memory_space<vmem>> -> memref<128xi32, #tpu.memory_space<vmem>>
      %dma_start3A_95 = arith.constant 0 : i32
      %dma_start3A_96 = tpu.memref_slice %arg3[%dma_start3A_95] : memref<4000000xi32, #tpu.memory_space<hbm>> -> memref<4000000xi32, #tpu.memory_space<hbm>>
      tpu.enqueue_indirect_dma source(%dma_start3A_96 : memref<4000000xi32, #tpu.memory_space<hbm>>) target(%dma_start3A_92 : memref<128xi32, #tpu.memory_space<vmem>>) offsets(%dma_start3A_94 : memref<128xi32, #tpu.memory_space<vmem>>) semaphore(%arg19 : memref<!tpu.dma_semaphore, #tpu.memory_space<semaphore_mem>>)
      %dma_start3A_97 = arith.constant 512 : i32
      %dma_start3A_98 = tpu.memref_slice %arg16[%dma_start3A_97] : memref<2048xi32, #tpu.memory_space<vmem>> -> memref<128xi32, #tpu.memory_space<vmem>>
      %dma_start3A_99 = arith.constant 512 : i32
      %dma_start3A_100 = tpu.memref_slice %arg15[%dma_start3A_99] : memref<2048xi32, #tpu.memory_space<vmem>> -> memref<128xi32, #tpu.memory_space<vmem>>
      %dma_start3A_101 = arith.constant 0 : i32
      %dma_start3A_102 = tpu.memref_slice %arg2[%dma_start3A_101] : memref<4000000xi32, #tpu.memory_space<hbm>> -> memref<4000000xi32, #tpu.memory_space<hbm>>
      tpu.enqueue_indirect_dma source(%dma_start3A_102 : memref<4000000xi32, #tpu.memory_space<hbm>>) target(%dma_start3A_98 : memref<128xi32, #tpu.memory_space<vmem>>) offsets(%dma_start3A_100 : memref<128xi32, #tpu.memory_space<vmem>>) semaphore(%arg19 : memref<!tpu.dma_semaphore, #tpu.memory_space<semaphore_mem>>)
      %dma_start3A_103 = arith.constant 512 : i32
      %dma_start3A_104 = tpu.memref_slice %arg17[%dma_start3A_103] : memref<2048xi32, #tpu.memory_space<vmem>> -> memref<128xi32, #tpu.memory_space<vmem>>
      %dma_start3A_105 = arith.constant 512 : i32
      %dma_start3A_106 = tpu.memref_slice %arg15[%dma_start3A_105] : memref<2048xi32, #tpu.memory_space<vmem>> -> memref<128xi32, #tpu.memory_space<vmem>>
      %dma_start3A_107 = arith.constant 0 : i32
      %dma_start3A_108 = tpu.memref_slice %arg3[%dma_start3A_107] : memref<4000000xi32, #tpu.memory_space<hbm>> -> memref<4000000xi32, #tpu.memory_space<hbm>>
      tpu.enqueue_indirect_dma source(%dma_start3A_108 : memref<4000000xi32, #tpu.memory_space<hbm>>) target(%dma_start3A_104 : memref<128xi32, #tpu.memory_space<vmem>>) offsets(%dma_start3A_106 : memref<128xi32, #tpu.memory_space<vmem>>) semaphore(%arg19 : memref<!tpu.dma_semaphore, #tpu.memory_space<semaphore_mem>>)
      %dma_start3A_109 = arith.constant 640 : i32
      %dma_start3A_110 = tpu.memref_slice %arg16[%dma_start3A_109] : memref<2048xi32, #tpu.memory_space<vmem>> -> memref<128xi32, #tpu.memory_space<vmem>>
      %dma_start3A_111 = arith.constant 640 : i32
      %dma_start3A_112 = tpu.memref_slice %arg15[%dma_start3A_111] : memref<2048xi32, #tpu.memory_space<vmem>> -> memref<128xi32, #tpu.memory_space<vmem>>
      %dma_start3A_113 = arith.constant 0 : i32
      %dma_start3A_114 = tpu.memref_slice %arg2[%dma_start3A_113] : memref<4000000xi32, #tpu.memory_space<hbm>> -> memref<4000000xi32, #tpu.memory_space<hbm>>
      tpu.enqueue_indirect_dma source(%dma_start3A_114 : memref<4000000xi32, #tpu.memory_space<hbm>>) target(%dma_start3A_110 : memref<128xi32, #tpu.memory_space<vmem>>) offsets(%dma_start3A_112 : memref<128xi32, #tpu.memory_space<vmem>>) semaphore(%arg19 : memref<!tpu.dma_semaphore, #tpu.memory_space<semaphore_mem>>)
      %dma_start3A_115 = arith.constant 640 : i32
      %dma_start3A_116 = tpu.memref_slice %arg17[%dma_start3A_115] : memref<2048xi32, #tpu.memory_space<vmem>> -> memref<128xi32, #tpu.memory_space<vmem>>
      %dma_start3A_117 = arith.constant 640 : i32
      %dma_start3A_118 = tpu.memref_slice %arg15[%dma_start3A_117] : memref<2048xi32, #tpu.memory_space<vmem>> -> memref<128xi32, #tpu.memory_space<vmem>>
      %dma_start3A_119 = arith.constant 0 : i32
      %dma_start3A_120 = tpu.memref_slice %arg3[%dma_start3A_119] : memref<4000000xi32, #tpu.memory_space<hbm>> -> memref<4000000xi32, #tpu.memory_space<hbm>>
      tpu.enqueue_indirect_dma source(%dma_start3A_120 : memref<4000000xi32, #tpu.memory_space<hbm>>) target(%dma_start3A_116 : memref<128xi32, #tpu.memory_space<vmem>>) offsets(%dma_start3A_118 : memref<128xi32, #tpu.memory_space<vmem>>) semaphore(%arg19 : memref<!tpu.dma_semaphore, #tpu.memory_space<semaphore_mem>>)
      %dma_start3A_121 = arith.constant 768 : i32
      %dma_start3A_122 = tpu.memref_slice %arg16[%dma_start3A_121] : memref<2048xi32, #tpu.memory_space<vmem>> -> memref<128xi32, #tpu.memory_space<vmem>>
      %dma_start3A_123 = arith.constant 768 : i32
      %dma_start3A_124 = tpu.memref_slice %arg15[%dma_start3A_123] : memref<2048xi32, #tpu.memory_space<vmem>> -> memref<128xi32, #tpu.memory_space<vmem>>
      %dma_start3A_125 = arith.constant 0 : i32
      %dma_start3A_126 = tpu.memref_slice %arg2[%dma_start3A_125] : memref<4000000xi32, #tpu.memory_space<hbm>> -> memref<4000000xi32, #tpu.memory_space<hbm>>
      tpu.enqueue_indirect_dma source(%dma_start3A_126 : memref<4000000xi32, #tpu.memory_space<hbm>>) target(%dma_start3A_122 : memref<128xi32, #tpu.memory_space<vmem>>) offsets(%dma_start3A_124 : memref<128xi32, #tpu.memory_space<vmem>>) semaphore(%arg19 : memref<!tpu.dma_semaphore, #tpu.memory_space<semaphore_mem>>)
      %dma_start3A_127 = arith.constant 768 : i32
      %dma_start3A_128 = tpu.memref_slice %arg17[%dma_start3A_127] : memref<2048xi32, #tpu.memory_space<vmem>> -> memref<128xi32, #tpu.memory_space<vmem>>
      %dma_start3A_129 = arith.constant 768 : i32
      %dma_start3A_130 = tpu.memref_slice %arg15[%dma_start3A_129] : memref<2048xi32, #tpu.memory_space<vmem>> -> memref<128xi32, #tpu.memory_space<vmem>>
      %dma_start3A_131 = arith.constant 0 : i32
      %dma_start3A_132 = tpu.memref_slice %arg3[%dma_start3A_131] : memref<4000000xi32, #tpu.memory_space<hbm>> -> memref<4000000xi32, #tpu.memory_space<hbm>>
      tpu.enqueue_indirect_dma source(%dma_start3A_132 : memref<4000000xi32, #tpu.memory_space<hbm>>) target(%dma_start3A_128 : memref<128xi32, #tpu.memory_space<vmem>>) offsets(%dma_start3A_130 : memref<128xi32, #tpu.memory_space<vmem>>) semaphore(%arg19 : memref<!tpu.dma_semaphore, #tpu.memory_space<semaphore_mem>>)
      %dma_start3A_133 = arith.constant 896 : i32
      %dma_start3A_134 = tpu.memref_slice %arg16[%dma_start3A_133] : memref<2048xi32, #tpu.memory_space<vmem>> -> memref<128xi32, #tpu.memory_space<vmem>>
      %dma_start3A_135 = arith.constant 896 : i32
      %dma_start3A_136 = tpu.memref_slice %arg15[%dma_start3A_135] : memref<2048xi32, #tpu.memory_space<vmem>> -> memref<128xi32, #tpu.memory_space<vmem>>
      %dma_start3A_137 = arith.constant 0 : i32
      %dma_start3A_138 = tpu.memref_slice %arg2[%dma_start3A_137] : memref<4000000xi32, #tpu.memory_space<hbm>> -> memref<4000000xi32, #tpu.memory_space<hbm>>
      tpu.enqueue_indirect_dma source(%dma_start3A_138 : memref<4000000xi32, #tpu.memory_space<hbm>>) target(%dma_start3A_134 : memref<128xi32, #tpu.memory_space<vmem>>) offsets(%dma_start3A_136 : memref<128xi32, #tpu.memory_space<vmem>>) semaphore(%arg19 : memref<!tpu.dma_semaphore, #tpu.memory_space<semaphore_mem>>)
      %dma_start3A_139 = arith.constant 896 : i32
      %dma_start3A_140 = tpu.memref_slice %arg17[%dma_start3A_139] : memref<2048xi32, #tpu.memory_space<vmem>> -> memref<128xi32, #tpu.memory_space<vmem>>
      %dma_start3A_141 = arith.constant 896 : i32
      %dma_start3A_142 = tpu.memref_slice %arg15[%dma_start3A_141] : memref<2048xi32, #tpu.memory_space<vmem>> -> memref<128xi32, #tpu.memory_space<vmem>>
      %dma_start3A_143 = arith.constant 0 : i32
      %dma_start3A_144 = tpu.memref_slice %arg3[%dma_start3A_143] : memref<4000000xi32, #tpu.memory_space<hbm>> -> memref<4000000xi32, #tpu.memory_space<hbm>>
      tpu.enqueue_indirect_dma source(%dma_start3A_144 : memref<4000000xi32, #tpu.memory_space<hbm>>) target(%dma_start3A_140 : memref<128xi32, #tpu.memory_space<vmem>>) offsets(%dma_start3A_142 : memref<128xi32, #tpu.memory_space<vmem>>) semaphore(%arg19 : memref<!tpu.dma_semaphore, #tpu.memory_space<semaphore_mem>>)
      %dma_start3A_145 = arith.constant 1024 : i32
      %dma_start3A_146 = tpu.memref_slice %arg16[%dma_start3A_145] : memref<2048xi32, #tpu.memory_space<vmem>> -> memref<128xi32, #tpu.memory_space<vmem>>
      %dma_start3A_147 = arith.constant 1024 : i32
      %dma_start3A_148 = tpu.memref_slice %arg15[%dma_start3A_147] : memref<2048xi32, #tpu.memory_space<vmem>> -> memref<128xi32, #tpu.memory_space<vmem>>
      %dma_start3A_149 = arith.constant 0 : i32
      %dma_start3A_150 = tpu.memref_slice %arg2[%dma_start3A_149] : memref<4000000xi32, #tpu.memory_space<hbm>> -> memref<4000000xi32, #tpu.memory_space<hbm>>
      tpu.enqueue_indirect_dma source(%dma_start3A_150 : memref<4000000xi32, #tpu.memory_space<hbm>>) target(%dma_start3A_146 : memref<128xi32, #tpu.memory_space<vmem>>) offsets(%dma_start3A_148 : memref<128xi32, #tpu.memory_space<vmem>>) semaphore(%arg19 : memref<!tpu.dma_semaphore, #tpu.memory_space<semaphore_mem>>)
      %dma_start3A_151 = arith.constant 1024 : i32
      %dma_start3A_152 = tpu.memref_slice %arg17[%dma_start3A_151] : memref<2048xi32, #tpu.memory_space<vmem>> -> memref<128xi32, #tpu.memory_space<vmem>>
      %dma_start3A_153 = arith.constant 1024 : i32
      %dma_start3A_154 = tpu.memref_slice %arg15[%dma_start3A_153] : memref<2048xi32, #tpu.memory_space<vmem>> -> memref<128xi32, #tpu.memory_space<vmem>>
      %dma_start3A_155 = arith.constant 0 : i32
      %dma_start3A_156 = tpu.memref_slice %arg3[%dma_start3A_155] : memref<4000000xi32, #tpu.memory_space<hbm>> -> memref<4000000xi32, #tpu.memory_space<hbm>>
      tpu.enqueue_indirect_dma source(%dma_start3A_156 : memref<4000000xi32, #tpu.memory_space<hbm>>) target(%dma_start3A_152 : memref<128xi32, #tpu.memory_space<vmem>>) offsets(%dma_start3A_154 : memref<128xi32, #tpu.memory_space<vmem>>) semaphore(%arg19 : memref<!tpu.dma_semaphore, #tpu.memory_space<semaphore_mem>>)
      %dma_start3A_157 = arith.constant 1152 : i32
      %dma_start3A_158 = tpu.memref_slice %arg16[%dma_start3A_157] : memref<2048xi32, #tpu.memory_space<vmem>> -> memref<128xi32, #tpu.memory_space<vmem>>
      %dma_start3A_159 = arith.constant 1152 : i32
      %dma_start3A_160 = tpu.memref_slice %arg15[%dma_start3A_159] : memref<2048xi32, #tpu.memory_space<vmem>> -> memref<128xi32, #tpu.memory_space<vmem>>
      %dma_start3A_161 = arith.constant 0 : i32
      %dma_start3A_162 = tpu.memref_slice %arg2[%dma_start3A_161] : memref<4000000xi32, #tpu.memory_space<hbm>> -> memref<4000000xi32, #tpu.memory_space<hbm>>
      tpu.enqueue_indirect_dma source(%dma_start3A_162 : memref<4000000xi32, #tpu.memory_space<hbm>>) target(%dma_start3A_158 : memref<128xi32, #tpu.memory_space<vmem>>) offsets(%dma_start3A_160 : memref<128xi32, #tpu.memory_space<vmem>>) semaphore(%arg19 : memref<!tpu.dma_semaphore, #tpu.memory_space<semaphore_mem>>)
      %dma_start3A_163 = arith.constant 1152 : i32
      %dma_start3A_164 = tpu.memref_slice %arg17[%dma_start3A_163] : memref<2048xi32, #tpu.memory_space<vmem>> -> memref<128xi32, #tpu.memory_space<vmem>>
      %dma_start3A_165 = arith.constant 1152 : i32
      %dma_start3A_166 = tpu.memref_slice %arg15[%dma_start3A_165] : memref<2048xi32, #tpu.memory_space<vmem>> -> memref<128xi32, #tpu.memory_space<vmem>>
      %dma_start3A_167 = arith.constant 0 : i32
      %dma_start3A_168 = tpu.memref_slice %arg3[%dma_start3A_167] : memref<4000000xi32, #tpu.memory_space<hbm>> -> memref<4000000xi32, #tpu.memory_space<hbm>>
      tpu.enqueue_indirect_dma source(%dma_start3A_168 : memref<4000000xi32, #tpu.memory_space<hbm>>) target(%dma_start3A_164 : memref<128xi32, #tpu.memory_space<vmem>>) offsets(%dma_start3A_166 : memref<128xi32, #tpu.memory_space<vmem>>) semaphore(%arg19 : memref<!tpu.dma_semaphore, #tpu.memory_space<semaphore_mem>>)
      %dma_start3A_169 = arith.constant 1280 : i32
      %dma_start3A_170 = tpu.memref_slice %arg16[%dma_start3A_169] : memref<2048xi32, #tpu.memory_space<vmem>> -> memref<128xi32, #tpu.memory_space<vmem>>
      %dma_start3A_171 = arith.constant 1280 : i32
      %dma_start3A_172 = tpu.memref_slice %arg15[%dma_start3A_171] : memref<2048xi32, #tpu.memory_space<vmem>> -> memref<128xi32, #tpu.memory_space<vmem>>
      %dma_start3A_173 = arith.constant 0 : i32
      %dma_start3A_174 = tpu.memref_slice %arg2[%dma_start3A_173] : memref<4000000xi32, #tpu.memory_space<hbm>> -> memref<4000000xi32, #tpu.memory_space<hbm>>
      tpu.enqueue_indirect_dma source(%dma_start3A_174 : memref<4000000xi32, #tpu.memory_space<hbm>>) target(%dma_start3A_170 : memref<128xi32, #tpu.memory_space<vmem>>) offsets(%dma_start3A_172 : memref<128xi32, #tpu.memory_space<vmem>>) semaphore(%arg19 : memref<!tpu.dma_semaphore, #tpu.memory_space<semaphore_mem>>)
      %dma_start3A_175 = arith.constant 1280 : i32
      %dma_start3A_176 = tpu.memref_slice %arg17[%dma_start3A_175] : memref<2048xi32, #tpu.memory_space<vmem>> -> memref<128xi32, #tpu.memory_space<vmem>>
      %dma_start3A_177 = arith.constant 1280 : i32
      %dma_start3A_178 = tpu.memref_slice %arg15[%dma_start3A_177] : memref<2048xi32, #tpu.memory_space<vmem>> -> memref<128xi32, #tpu.memory_space<vmem>>
      %dma_start3A_179 = arith.constant 0 : i32
      %dma_start3A_180 = tpu.memref_slice %arg3[%dma_start3A_179] : memref<4000000xi32, #tpu.memory_space<hbm>> -> memref<4000000xi32, #tpu.memory_space<hbm>>
      tpu.enqueue_indirect_dma source(%dma_start3A_180 : memref<4000000xi32, #tpu.memory_space<hbm>>) target(%dma_start3A_176 : memref<128xi32, #tpu.memory_space<vmem>>) offsets(%dma_start3A_178 : memref<128xi32, #tpu.memory_space<vmem>>) semaphore(%arg19 : memref<!tpu.dma_semaphore, #tpu.memory_space<semaphore_mem>>)
      %dma_start3A_181 = arith.constant 1408 : i32
      %dma_start3A_182 = tpu.memref_slice %arg16[%dma_start3A_181] : memref<2048xi32, #tpu.memory_space<vmem>> -> memref<128xi32, #tpu.memory_space<vmem>>
      %dma_start3A_183 = arith.constant 1408 : i32
      %dma_start3A_184 = tpu.memref_slice %arg15[%dma_start3A_183] : memref<2048xi32, #tpu.memory_space<vmem>> -> memref<128xi32, #tpu.memory_space<vmem>>
      %dma_start3A_185 = arith.constant 0 : i32
      %dma_start3A_186 = tpu.memref_slice %arg2[%dma_start3A_185] : memref<4000000xi32, #tpu.memory_space<hbm>> -> memref<4000000xi32, #tpu.memory_space<hbm>>
      tpu.enqueue_indirect_dma source(%dma_start3A_186 : memref<4000000xi32, #tpu.memory_space<hbm>>) target(%dma_start3A_182 : memref<128xi32, #tpu.memory_space<vmem>>) offsets(%dma_start3A_184 : memref<128xi32, #tpu.memory_space<vmem>>) semaphore(%arg19 : memref<!tpu.dma_semaphore, #tpu.memory_space<semaphore_mem>>)
      %dma_start3A_187 = arith.constant 1408 : i32
      %dma_start3A_188 = tpu.memref_slice %arg17[%dma_start3A_187] : memref<2048xi32, #tpu.memory_space<vmem>> -> memref<128xi32, #tpu.memory_space<vmem>>
      %dma_start3A_189 = arith.constant 1408 : i32
      %dma_start3A_190 = tpu.memref_slice %arg15[%dma_start3A_189] : memref<2048xi32, #tpu.memory_space<vmem>> -> memref<128xi32, #tpu.memory_space<vmem>>
      %dma_start3A_191 = arith.constant 0 : i32
      %dma_start3A_192 = tpu.memref_slice %arg3[%dma_start3A_191] : memref<4000000xi32, #tpu.memory_space<hbm>> -> memref<4000000xi32, #tpu.memory_space<hbm>>
      tpu.enqueue_indirect_dma source(%dma_start3A_192 : memref<4000000xi32, #tpu.memory_space<hbm>>) target(%dma_start3A_188 : memref<128xi32, #tpu.memory_space<vmem>>) offsets(%dma_start3A_190 : memref<128xi32, #tpu.memory_space<vmem>>) semaphore(%arg19 : memref<!tpu.dma_semaphore, #tpu.memory_space<semaphore_mem>>)
      %dma_start3A_193 = arith.constant 1536 : i32
      %dma_start3A_194 = tpu.memref_slice %arg16[%dma_start3A_193] : memref<2048xi32, #tpu.memory_space<vmem>> -> memref<128xi32, #tpu.memory_space<vmem>>
      %dma_start3A_195 = arith.constant 1536 : i32
      %dma_start3A_196 = tpu.memref_slice %arg15[%dma_start3A_195] : memref<2048xi32, #tpu.memory_space<vmem>> -> memref<128xi32, #tpu.memory_space<vmem>>
      %dma_start3A_197 = arith.constant 0 : i32
      %dma_start3A_198 = tpu.memref_slice %arg2[%dma_start3A_197] : memref<4000000xi32, #tpu.memory_space<hbm>> -> memref<4000000xi32, #tpu.memory_space<hbm>>
      tpu.enqueue_indirect_dma source(%dma_start3A_198 : memref<4000000xi32, #tpu.memory_space<hbm>>) target(%dma_start3A_194 : memref<128xi32, #tpu.memory_space<vmem>>) offsets(%dma_start3A_196 : memref<128xi32, #tpu.memory_space<vmem>>) semaphore(%arg19 : memref<!tpu.dma_semaphore, #tpu.memory_space<semaphore_mem>>)
      %dma_start3A_199 = arith.constant 1536 : i32
      %dma_start3A_200 = tpu.memref_slice %arg17[%dma_start3A_199] : memref<2048xi32, #tpu.memory_space<vmem>> -> memref<128xi32, #tpu.memory_space<vmem>>
      %dma_start3A_201 = arith.constant 1536 : i32
      %dma_start3A_202 = tpu.memref_slice %arg15[%dma_start3A_201] : memref<2048xi32, #tpu.memory_space<vmem>> -> memref<128xi32, #tpu.memory_space<vmem>>
      %dma_start3A_203 = arith.constant 0 : i32
      %dma_start3A_204 = tpu.memref_slice %arg3[%dma_start3A_203] : memref<4000000xi32, #tpu.memory_space<hbm>> -> memref<4000000xi32, #tpu.memory_space<hbm>>
      tpu.enqueue_indirect_dma source(%dma_start3A_204 : memref<4000000xi32, #tpu.memory_space<hbm>>) target(%dma_start3A_200 : memref<128xi32, #tpu.memory_space<vmem>>) offsets(%dma_start3A_202 : memref<128xi32, #tpu.memory_space<vmem>>) semaphore(%arg19 : memref<!tpu.dma_semaphore, #tpu.memory_space<semaphore_mem>>)
      %dma_start3A_205 = arith.constant 1664 : i32
      %dma_start3A_206 = tpu.memref_slice %arg16[%dma_start3A_205] : memref<2048xi32, #tpu.memory_space<vmem>> -> memref<128xi32, #tpu.memory_space<vmem>>
      %dma_start3A_207 = arith.constant 1664 : i32
      %dma_start3A_208 = tpu.memref_slice %arg15[%dma_start3A_207] : memref<2048xi32, #tpu.memory_space<vmem>> -> memref<128xi32, #tpu.memory_space<vmem>>
      %dma_start3A_209 = arith.constant 0 : i32
      %dma_start3A_210 = tpu.memref_slice %arg2[%dma_start3A_209] : memref<4000000xi32, #tpu.memory_space<hbm>> -> memref<4000000xi32, #tpu.memory_space<hbm>>
      tpu.enqueue_indirect_dma source(%dma_start3A_210 : memref<4000000xi32, #tpu.memory_space<hbm>>) target(%dma_start3A_206 : memref<128xi32, #tpu.memory_space<vmem>>) offsets(%dma_start3A_208 : memref<128xi32, #tpu.memory_space<vmem>>) semaphore(%arg19 : memref<!tpu.dma_semaphore, #tpu.memory_space<semaphore_mem>>)
      %dma_start3A_211 = arith.constant 1664 : i32
      %dma_start3A_212 = tpu.memref_slice %arg17[%dma_start3A_211] : memref<2048xi32, #tpu.memory_space<vmem>> -> memref<128xi32, #tpu.memory_space<vmem>>
      %dma_start3A_213 = arith.constant 1664 : i32
      %dma_start3A_214 = tpu.memref_slice %arg15[%dma_start3A_213] : memref<2048xi32, #tpu.memory_space<vmem>> -> memref<128xi32, #tpu.memory_space<vmem>>
      %dma_start3A_215 = arith.constant 0 : i32
      %dma_start3A_216 = tpu.memref_slice %arg3[%dma_start3A_215] : memref<4000000xi32, #tpu.memory_space<hbm>> -> memref<4000000xi32, #tpu.memory_space<hbm>>
      tpu.enqueue_indirect_dma source(%dma_start3A_216 : memref<4000000xi32, #tpu.memory_space<hbm>>) target(%dma_start3A_212 : memref<128xi32, #tpu.memory_space<vmem>>) offsets(%dma_start3A_214 : memref<128xi32, #tpu.memory_space<vmem>>) semaphore(%arg19 : memref<!tpu.dma_semaphore, #tpu.memory_space<semaphore_mem>>)
      %dma_start3A_217 = arith.constant 1792 : i32
      %dma_start3A_218 = tpu.memref_slice %arg16[%dma_start3A_217] : memref<2048xi32, #tpu.memory_space<vmem>> -> memref<128xi32, #tpu.memory_space<vmem>>
      %dma_start3A_219 = arith.constant 1792 : i32
      %dma_start3A_220 = tpu.memref_slice %arg15[%dma_start3A_219] : memref<2048xi32, #tpu.memory_space<vmem>> -> memref<128xi32, #tpu.memory_space<vmem>>
      %dma_start3A_221 = arith.constant 0 : i32
      %dma_start3A_222 = tpu.memref_slice %arg2[%dma_start3A_221] : memref<4000000xi32, #tpu.memory_space<hbm>> -> memref<4000000xi32, #tpu.memory_space<hbm>>
      tpu.enqueue_indirect_dma source(%dma_start3A_222 : memref<4000000xi32, #tpu.memory_space<hbm>>) target(%dma_start3A_218 : memref<128xi32, #tpu.memory_space<vmem>>) offsets(%dma_start3A_220 : memref<128xi32, #tpu.memory_space<vmem>>) semaphore(%arg19 : memref<!tpu.dma_semaphore, #tpu.memory_space<semaphore_mem>>)
      %dma_start3A_223 = arith.constant 1792 : i32
      %dma_start3A_224 = tpu.memref_slice %arg17[%dma_start3A_223] : memref<2048xi32, #tpu.memory_space<vmem>> -> memref<128xi32, #tpu.memory_space<vmem>>
      %dma_start3A_225 = arith.constant 1792 : i32
      %dma_start3A_226 = tpu.memref_slice %arg15[%dma_start3A_225] : memref<2048xi32, #tpu.memory_space<vmem>> -> memref<128xi32, #tpu.memory_space<vmem>>
      %dma_start3A_227 = arith.constant 0 : i32
      %dma_start3A_228 = tpu.memref_slice %arg3[%dma_start3A_227] : memref<4000000xi32, #tpu.memory_space<hbm>> -> memref<4000000xi32, #tpu.memory_space<hbm>>
      tpu.enqueue_indirect_dma source(%dma_start3A_228 : memref<4000000xi32, #tpu.memory_space<hbm>>) target(%dma_start3A_224 : memref<128xi32, #tpu.memory_space<vmem>>) offsets(%dma_start3A_226 : memref<128xi32, #tpu.memory_space<vmem>>) semaphore(%arg19 : memref<!tpu.dma_semaphore, #tpu.memory_space<semaphore_mem>>)
      %dma_start3A_229 = arith.constant 1920 : i32
      %dma_start3A_230 = tpu.memref_slice %arg16[%dma_start3A_229] : memref<2048xi32, #tpu.memory_space<vmem>> -> memref<128xi32, #tpu.memory_space<vmem>>
      %dma_start3A_231 = arith.constant 1920 : i32
      %dma_start3A_232 = tpu.memref_slice %arg15[%dma_start3A_231] : memref<2048xi32, #tpu.memory_space<vmem>> -> memref<128xi32, #tpu.memory_space<vmem>>
      %dma_start3A_233 = arith.constant 0 : i32
      %dma_start3A_234 = tpu.memref_slice %arg2[%dma_start3A_233] : memref<4000000xi32, #tpu.memory_space<hbm>> -> memref<4000000xi32, #tpu.memory_space<hbm>>
      tpu.enqueue_indirect_dma source(%dma_start3A_234 : memref<4000000xi32, #tpu.memory_space<hbm>>) target(%dma_start3A_230 : memref<128xi32, #tpu.memory_space<vmem>>) offsets(%dma_start3A_232 : memref<128xi32, #tpu.memory_space<vmem>>) semaphore(%arg19 : memref<!tpu.dma_semaphore, #tpu.memory_space<semaphore_mem>>)
      %dma_start3A_235 = arith.constant 1920 : i32
      %dma_start3A_236 = tpu.memref_slice %arg17[%dma_start3A_235] : memref<2048xi32, #tpu.memory_space<vmem>> -> memref<128xi32, #tpu.memory_space<vmem>>
      %dma_start3A_237 = arith.constant 1920 : i32
      %dma_start3A_238 = tpu.memref_slice %arg15[%dma_start3A_237] : memref<2048xi32, #tpu.memory_space<vmem>> -> memref<128xi32, #tpu.memory_space<vmem>>
      %dma_start3A_239 = arith.constant 0 : i32
      %dma_start3A_240 = tpu.memref_slice %arg3[%dma_start3A_239] : memref<4000000xi32, #tpu.memory_space<hbm>> -> memref<4000000xi32, #tpu.memory_space<hbm>>
      tpu.enqueue_indirect_dma source(%dma_start3A_240 : memref<4000000xi32, #tpu.memory_space<hbm>>) target(%dma_start3A_236 : memref<128xi32, #tpu.memory_space<vmem>>) offsets(%dma_start3A_238 : memref<128xi32, #tpu.memory_space<vmem>>) semaphore(%arg19 : memref<!tpu.dma_semaphore, #tpu.memory_space<semaphore_mem>>)
      %dma_wait3A = arith.constant 0 : i32
      %dma_wait3A_241 = tpu.memref_slice %arg16[%dma_wait3A] : memref<2048xi32, #tpu.memory_space<vmem>> -> memref<128xi32, #tpu.memory_space<vmem>>
      %dma_wait3A_242 = arith.constant 0 : i32
      %dma_wait3A_243 = tpu.memref_slice %arg15[%dma_wait3A_242] : memref<2048xi32, #tpu.memory_space<vmem>> -> memref<128xi32, #tpu.memory_space<vmem>>
      %dma_wait3A_244 = arith.constant 0 : i32
      %dma_wait3A_245 = tpu.memref_slice %arg2[%dma_wait3A_244] : memref<4000000xi32, #tpu.memory_space<hbm>> -> memref<4000000xi32, #tpu.memory_space<hbm>>
      tpu.wait_indirect_dma semaphore(%arg19 : memref<!tpu.dma_semaphore, #tpu.memory_space<semaphore_mem>>) src(%dma_wait3A_245 : memref<4000000xi32, #tpu.memory_space<hbm>>) dst(%dma_wait3A_241 : memref<128xi32, #tpu.memory_space<vmem>>)
      %dma_wait3A_246 = arith.constant 0 : i32
      %dma_wait3A_247 = tpu.memref_slice %arg17[%dma_wait3A_246] : memref<2048xi32, #tpu.memory_space<vmem>> -> memref<128xi32, #tpu.memory_space<vmem>>
      %dma_wait3A_248 = arith.constant 0 : i32
      %dma_wait3A_249 = tpu.memref_slice %arg15[%dma_wait3A_248] : memref<2048xi32, #tpu.memory_space<vmem>> -> memref<128xi32, #tpu.memory_space<vmem>>
      %dma_wait3A_250 = arith.constant 0 : i32
      %dma_wait3A_251 = tpu.memref_slice %arg3[%dma_wait3A_250] : memref<4000000xi32, #tpu.memory_space<hbm>> -> memref<4000000xi32, #tpu.memory_space<hbm>>
      tpu.wait_indirect_dma semaphore(%arg19 : memref<!tpu.dma_semaphore, #tpu.memory_space<semaphore_mem>>) src(%dma_wait3A_251 : memref<4000000xi32, #tpu.memory_space<hbm>>) dst(%dma_wait3A_247 : memref<128xi32, #tpu.memory_space<vmem>>)
      %dma_wait3A_252 = arith.constant 128 : i32
      %dma_wait3A_253 = tpu.memref_slice %arg16[%dma_wait3A_252] : memref<2048xi32, #tpu.memory_space<vmem>> -> memref<128xi32, #tpu.memory_space<vmem>>
      %dma_wait3A_254 = arith.constant 128 : i32
      %dma_wait3A_255 = tpu.memref_slice %arg15[%dma_wait3A_254] : memref<2048xi32, #tpu.memory_space<vmem>> -> memref<128xi32, #tpu.memory_space<vmem>>
      %dma_wait3A_256 = arith.constant 0 : i32
      %dma_wait3A_257 = tpu.memref_slice %arg2[%dma_wait3A_256] : memref<4000000xi32, #tpu.memory_space<hbm>> -> memref<4000000xi32, #tpu.memory_space<hbm>>
      tpu.wait_indirect_dma semaphore(%arg19 : memref<!tpu.dma_semaphore, #tpu.memory_space<semaphore_mem>>) src(%dma_wait3A_257 : memref<4000000xi32, #tpu.memory_space<hbm>>) dst(%dma_wait3A_253 : memref<128xi32, #tpu.memory_space<vmem>>)
      %dma_wait3A_258 = arith.constant 128 : i32
      %dma_wait3A_259 = tpu.memref_slice %arg17[%dma_wait3A_258] : memref<2048xi32, #tpu.memory_space<vmem>> -> memref<128xi32, #tpu.memory_space<vmem>>
      %dma_wait3A_260 = arith.constant 128 : i32
      %dma_wait3A_261 = tpu.memref_slice %arg15[%dma_wait3A_260] : memref<2048xi32, #tpu.memory_space<vmem>> -> memref<128xi32, #tpu.memory_space<vmem>>
      %dma_wait3A_262 = arith.constant 0 : i32
      %dma_wait3A_263 = tpu.memref_slice %arg3[%dma_wait3A_262] : memref<4000000xi32, #tpu.memory_space<hbm>> -> memref<4000000xi32, #tpu.memory_space<hbm>>
      tpu.wait_indirect_dma semaphore(%arg19 : memref<!tpu.dma_semaphore, #tpu.memory_space<semaphore_mem>>) src(%dma_wait3A_263 : memref<4000000xi32, #tpu.memory_space<hbm>>) dst(%dma_wait3A_259 : memref<128xi32, #tpu.memory_space<vmem>>)
      %dma_wait3A_264 = arith.constant 256 : i32
      %dma_wait3A_265 = tpu.memref_slice %arg16[%dma_wait3A_264] : memref<2048xi32, #tpu.memory_space<vmem>> -> memref<128xi32, #tpu.memory_space<vmem>>
      %dma_wait3A_266 = arith.constant 256 : i32
      %dma_wait3A_267 = tpu.memref_slice %arg15[%dma_wait3A_266] : memref<2048xi32, #tpu.memory_space<vmem>> -> memref<128xi32, #tpu.memory_space<vmem>>
      %dma_wait3A_268 = arith.constant 0 : i32
      %dma_wait3A_269 = tpu.memref_slice %arg2[%dma_wait3A_268] : memref<4000000xi32, #tpu.memory_space<hbm>> -> memref<4000000xi32, #tpu.memory_space<hbm>>
      tpu.wait_indirect_dma semaphore(%arg19 : memref<!tpu.dma_semaphore, #tpu.memory_space<semaphore_mem>>) src(%dma_wait3A_269 : memref<4000000xi32, #tpu.memory_space<hbm>>) dst(%dma_wait3A_265 : memref<128xi32, #tpu.memory_space<vmem>>)
      %dma_wait3A_270 = arith.constant 256 : i32
      %dma_wait3A_271 = tpu.memref_slice %arg17[%dma_wait3A_270] : memref<2048xi32, #tpu.memory_space<vmem>> -> memref<128xi32, #tpu.memory_space<vmem>>
      %dma_wait3A_272 = arith.constant 256 : i32
      %dma_wait3A_273 = tpu.memref_slice %arg15[%dma_wait3A_272] : memref<2048xi32, #tpu.memory_space<vmem>> -> memref<128xi32, #tpu.memory_space<vmem>>
      %dma_wait3A_274 = arith.constant 0 : i32
      %dma_wait3A_275 = tpu.memref_slice %arg3[%dma_wait3A_274] : memref<4000000xi32, #tpu.memory_space<hbm>> -> memref<4000000xi32, #tpu.memory_space<hbm>>
      tpu.wait_indirect_dma semaphore(%arg19 : memref<!tpu.dma_semaphore, #tpu.memory_space<semaphore_mem>>) src(%dma_wait3A_275 : memref<4000000xi32, #tpu.memory_space<hbm>>) dst(%dma_wait3A_271 : memref<128xi32, #tpu.memory_space<vmem>>)
      %dma_wait3A_276 = arith.constant 384 : i32
      %dma_wait3A_277 = tpu.memref_slice %arg16[%dma_wait3A_276] : memref<2048xi32, #tpu.memory_space<vmem>> -> memref<128xi32, #tpu.memory_space<vmem>>
      %dma_wait3A_278 = arith.constant 384 : i32
      %dma_wait3A_279 = tpu.memref_slice %arg15[%dma_wait3A_278] : memref<2048xi32, #tpu.memory_space<vmem>> -> memref<128xi32, #tpu.memory_space<vmem>>
      %dma_wait3A_280 = arith.constant 0 : i32
      %dma_wait3A_281 = tpu.memref_slice %arg2[%dma_wait3A_280] : memref<4000000xi32, #tpu.memory_space<hbm>> -> memref<4000000xi32, #tpu.memory_space<hbm>>
      tpu.wait_indirect_dma semaphore(%arg19 : memref<!tpu.dma_semaphore, #tpu.memory_space<semaphore_mem>>) src(%dma_wait3A_281 : memref<4000000xi32, #tpu.memory_space<hbm>>) dst(%dma_wait3A_277 : memref<128xi32, #tpu.memory_space<vmem>>)
      %dma_wait3A_282 = arith.constant 384 : i32
      %dma_wait3A_283 = tpu.memref_slice %arg17[%dma_wait3A_282] : memref<2048xi32, #tpu.memory_space<vmem>> -> memref<128xi32, #tpu.memory_space<vmem>>
      %dma_wait3A_284 = arith.constant 384 : i32
      %dma_wait3A_285 = tpu.memref_slice %arg15[%dma_wait3A_284] : memref<2048xi32, #tpu.memory_space<vmem>> -> memref<128xi32, #tpu.memory_space<vmem>>
      %dma_wait3A_286 = arith.constant 0 : i32
      %dma_wait3A_287 = tpu.memref_slice %arg3[%dma_wait3A_286] : memref<4000000xi32, #tpu.memory_space<hbm>> -> memref<4000000xi32, #tpu.memory_space<hbm>>
      tpu.wait_indirect_dma semaphore(%arg19 : memref<!tpu.dma_semaphore, #tpu.memory_space<semaphore_mem>>) src(%dma_wait3A_287 : memref<4000000xi32, #tpu.memory_space<hbm>>) dst(%dma_wait3A_283 : memref<128xi32, #tpu.memory_space<vmem>>)
      %dma_wait3A_288 = arith.constant 512 : i32
      %dma_wait3A_289 = tpu.memref_slice %arg16[%dma_wait3A_288] : memref<2048xi32, #tpu.memory_space<vmem>> -> memref<128xi32, #tpu.memory_space<vmem>>
      %dma_wait3A_290 = arith.constant 512 : i32
      %dma_wait3A_291 = tpu.memref_slice %arg15[%dma_wait3A_290] : memref<2048xi32, #tpu.memory_space<vmem>> -> memref<128xi32, #tpu.memory_space<vmem>>
      %dma_wait3A_292 = arith.constant 0 : i32
      %dma_wait3A_293 = tpu.memref_slice %arg2[%dma_wait3A_292] : memref<4000000xi32, #tpu.memory_space<hbm>> -> memref<4000000xi32, #tpu.memory_space<hbm>>
      tpu.wait_indirect_dma semaphore(%arg19 : memref<!tpu.dma_semaphore, #tpu.memory_space<semaphore_mem>>) src(%dma_wait3A_293 : memref<4000000xi32, #tpu.memory_space<hbm>>) dst(%dma_wait3A_289 : memref<128xi32, #tpu.memory_space<vmem>>)
      %dma_wait3A_294 = arith.constant 512 : i32
      %dma_wait3A_295 = tpu.memref_slice %arg17[%dma_wait3A_294] : memref<2048xi32, #tpu.memory_space<vmem>> -> memref<128xi32, #tpu.memory_space<vmem>>
      %dma_wait3A_296 = arith.constant 512 : i32
      %dma_wait3A_297 = tpu.memref_slice %arg15[%dma_wait3A_296] : memref<2048xi32, #tpu.memory_space<vmem>> -> memref<128xi32, #tpu.memory_space<vmem>>
      %dma_wait3A_298 = arith.constant 0 : i32
      %dma_wait3A_299 = tpu.memref_slice %arg3[%dma_wait3A_298] : memref<4000000xi32, #tpu.memory_space<hbm>> -> memref<4000000xi32, #tpu.memory_space<hbm>>
      tpu.wait_indirect_dma semaphore(%arg19 : memref<!tpu.dma_semaphore, #tpu.memory_space<semaphore_mem>>) src(%dma_wait3A_299 : memref<4000000xi32, #tpu.memory_space<hbm>>) dst(%dma_wait3A_295 : memref<128xi32, #tpu.memory_space<vmem>>)
      %dma_wait3A_300 = arith.constant 640 : i32
      %dma_wait3A_301 = tpu.memref_slice %arg16[%dma_wait3A_300] : memref<2048xi32, #tpu.memory_space<vmem>> -> memref<128xi32, #tpu.memory_space<vmem>>
      %dma_wait3A_302 = arith.constant 640 : i32
      %dma_wait3A_303 = tpu.memref_slice %arg15[%dma_wait3A_302] : memref<2048xi32, #tpu.memory_space<vmem>> -> memref<128xi32, #tpu.memory_space<vmem>>
      %dma_wait3A_304 = arith.constant 0 : i32
      %dma_wait3A_305 = tpu.memref_slice %arg2[%dma_wait3A_304] : memref<4000000xi32, #tpu.memory_space<hbm>> -> memref<4000000xi32, #tpu.memory_space<hbm>>
      tpu.wait_indirect_dma semaphore(%arg19 : memref<!tpu.dma_semaphore, #tpu.memory_space<semaphore_mem>>) src(%dma_wait3A_305 : memref<4000000xi32, #tpu.memory_space<hbm>>) dst(%dma_wait3A_301 : memref<128xi32, #tpu.memory_space<vmem>>)
      %dma_wait3A_306 = arith.constant 640 : i32
      %dma_wait3A_307 = tpu.memref_slice %arg17[%dma_wait3A_306] : memref<2048xi32, #tpu.memory_space<vmem>> -> memref<128xi32, #tpu.memory_space<vmem>>
      %dma_wait3A_308 = arith.constant 640 : i32
      %dma_wait3A_309 = tpu.memref_slice %arg15[%dma_wait3A_308] : memref<2048xi32, #tpu.memory_space<vmem>> -> memref<128xi32, #tpu.memory_space<vmem>>
      %dma_wait3A_310 = arith.constant 0 : i32
      %dma_wait3A_311 = tpu.memref_slice %arg3[%dma_wait3A_310] : memref<4000000xi32, #tpu.memory_space<hbm>> -> memref<4000000xi32, #tpu.memory_space<hbm>>
      tpu.wait_indirect_dma semaphore(%arg19 : memref<!tpu.dma_semaphore, #tpu.memory_space<semaphore_mem>>) src(%dma_wait3A_311 : memref<4000000xi32, #tpu.memory_space<hbm>>) dst(%dma_wait3A_307 : memref<128xi32, #tpu.memory_space<vmem>>)
      %dma_wait3A_312 = arith.constant 768 : i32
      %dma_wait3A_313 = tpu.memref_slice %arg16[%dma_wait3A_312] : memref<2048xi32, #tpu.memory_space<vmem>> -> memref<128xi32, #tpu.memory_space<vmem>>
      %dma_wait3A_314 = arith.constant 768 : i32
      %dma_wait3A_315 = tpu.memref_slice %arg15[%dma_wait3A_314] : memref<2048xi32, #tpu.memory_space<vmem>> -> memref<128xi32, #tpu.memory_space<vmem>>
      %dma_wait3A_316 = arith.constant 0 : i32
      %dma_wait3A_317 = tpu.memref_slice %arg2[%dma_wait3A_316] : memref<4000000xi32, #tpu.memory_space<hbm>> -> memref<4000000xi32, #tpu.memory_space<hbm>>
      tpu.wait_indirect_dma semaphore(%arg19 : memref<!tpu.dma_semaphore, #tpu.memory_space<semaphore_mem>>) src(%dma_wait3A_317 : memref<4000000xi32, #tpu.memory_space<hbm>>) dst(%dma_wait3A_313 : memref<128xi32, #tpu.memory_space<vmem>>)
      %dma_wait3A_318 = arith.constant 768 : i32
      %dma_wait3A_319 = tpu.memref_slice %arg17[%dma_wait3A_318] : memref<2048xi32, #tpu.memory_space<vmem>> -> memref<128xi32, #tpu.memory_space<vmem>>
      %dma_wait3A_320 = arith.constant 768 : i32
      %dma_wait3A_321 = tpu.memref_slice %arg15[%dma_wait3A_320] : memref<2048xi32, #tpu.memory_space<vmem>> -> memref<128xi32, #tpu.memory_space<vmem>>
      %dma_wait3A_322 = arith.constant 0 : i32
      %dma_wait3A_323 = tpu.memref_slice %arg3[%dma_wait3A_322] : memref<4000000xi32, #tpu.memory_space<hbm>> -> memref<4000000xi32, #tpu.memory_space<hbm>>
      tpu.wait_indirect_dma semaphore(%arg19 : memref<!tpu.dma_semaphore, #tpu.memory_space<semaphore_mem>>) src(%dma_wait3A_323 : memref<4000000xi32, #tpu.memory_space<hbm>>) dst(%dma_wait3A_319 : memref<128xi32, #tpu.memory_space<vmem>>)
      %dma_wait3A_324 = arith.constant 896 : i32
      %dma_wait3A_325 = tpu.memref_slice %arg16[%dma_wait3A_324] : memref<2048xi32, #tpu.memory_space<vmem>> -> memref<128xi32, #tpu.memory_space<vmem>>
      %dma_wait3A_326 = arith.constant 896 : i32
      %dma_wait3A_327 = tpu.memref_slice %arg15[%dma_wait3A_326] : memref<2048xi32, #tpu.memory_space<vmem>> -> memref<128xi32, #tpu.memory_space<vmem>>
      %dma_wait3A_328 = arith.constant 0 : i32
      %dma_wait3A_329 = tpu.memref_slice %arg2[%dma_wait3A_328] : memref<4000000xi32, #tpu.memory_space<hbm>> -> memref<4000000xi32, #tpu.memory_space<hbm>>
      tpu.wait_indirect_dma semaphore(%arg19 : memref<!tpu.dma_semaphore, #tpu.memory_space<semaphore_mem>>) src(%dma_wait3A_329 : memref<4000000xi32, #tpu.memory_space<hbm>>) dst(%dma_wait3A_325 : memref<128xi32, #tpu.memory_space<vmem>>)
      %dma_wait3A_330 = arith.constant 896 : i32
      %dma_wait3A_331 = tpu.memref_slice %arg17[%dma_wait3A_330] : memref<2048xi32, #tpu.memory_space<vmem>> -> memref<128xi32, #tpu.memory_space<vmem>>
      %dma_wait3A_332 = arith.constant 896 : i32
      %dma_wait3A_333 = tpu.memref_slice %arg15[%dma_wait3A_332] : memref<2048xi32, #tpu.memory_space<vmem>> -> memref<128xi32, #tpu.memory_space<vmem>>
      %dma_wait3A_334 = arith.constant 0 : i32
      %dma_wait3A_335 = tpu.memref_slice %arg3[%dma_wait3A_334] : memref<4000000xi32, #tpu.memory_space<hbm>> -> memref<4000000xi32, #tpu.memory_space<hbm>>
      tpu.wait_indirect_dma semaphore(%arg19 : memref<!tpu.dma_semaphore, #tpu.memory_space<semaphore_mem>>) src(%dma_wait3A_335 : memref<4000000xi32, #tpu.memory_space<hbm>>) dst(%dma_wait3A_331 : memref<128xi32, #tpu.memory_space<vmem>>)
      %dma_wait3A_336 = arith.constant 1024 : i32
      %dma_wait3A_337 = tpu.memref_slice %arg16[%dma_wait3A_336] : memref<2048xi32, #tpu.memory_space<vmem>> -> memref<128xi32, #tpu.memory_space<vmem>>
      %dma_wait3A_338 = arith.constant 1024 : i32
      %dma_wait3A_339 = tpu.memref_slice %arg15[%dma_wait3A_338] : memref<2048xi32, #tpu.memory_space<vmem>> -> memref<128xi32, #tpu.memory_space<vmem>>
      %dma_wait3A_340 = arith.constant 0 : i32
      %dma_wait3A_341 = tpu.memref_slice %arg2[%dma_wait3A_340] : memref<4000000xi32, #tpu.memory_space<hbm>> -> memref<4000000xi32, #tpu.memory_space<hbm>>
      tpu.wait_indirect_dma semaphore(%arg19 : memref<!tpu.dma_semaphore, #tpu.memory_space<semaphore_mem>>) src(%dma_wait3A_341 : memref<4000000xi32, #tpu.memory_space<hbm>>) dst(%dma_wait3A_337 : memref<128xi32, #tpu.memory_space<vmem>>)
      %dma_wait3A_342 = arith.constant 1024 : i32
      %dma_wait3A_343 = tpu.memref_slice %arg17[%dma_wait3A_342] : memref<2048xi32, #tpu.memory_space<vmem>> -> memref<128xi32, #tpu.memory_space<vmem>>
      %dma_wait3A_344 = arith.constant 1024 : i32
      %dma_wait3A_345 = tpu.memref_slice %arg15[%dma_wait3A_344] : memref<2048xi32, #tpu.memory_space<vmem>> -> memref<128xi32, #tpu.memory_space<vmem>>
      %dma_wait3A_346 = arith.constant 0 : i32
      %dma_wait3A_347 = tpu.memref_slice %arg3[%dma_wait3A_346] : memref<4000000xi32, #tpu.memory_space<hbm>> -> memref<4000000xi32, #tpu.memory_space<hbm>>
      tpu.wait_indirect_dma semaphore(%arg19 : memref<!tpu.dma_semaphore, #tpu.memory_space<semaphore_mem>>) src(%dma_wait3A_347 : memref<4000000xi32, #tpu.memory_space<hbm>>) dst(%dma_wait3A_343 : memref<128xi32, #tpu.memory_space<vmem>>)
      %dma_wait3A_348 = arith.constant 1152 : i32
      %dma_wait3A_349 = tpu.memref_slice %arg16[%dma_wait3A_348] : memref<2048xi32, #tpu.memory_space<vmem>> -> memref<128xi32, #tpu.memory_space<vmem>>
      %dma_wait3A_350 = arith.constant 1152 : i32
      %dma_wait3A_351 = tpu.memref_slice %arg15[%dma_wait3A_350] : memref<2048xi32, #tpu.memory_space<vmem>> -> memref<128xi32, #tpu.memory_space<vmem>>
      %dma_wait3A_352 = arith.constant 0 : i32
      %dma_wait3A_353 = tpu.memref_slice %arg2[%dma_wait3A_352] : memref<4000000xi32, #tpu.memory_space<hbm>> -> memref<4000000xi32, #tpu.memory_space<hbm>>
      tpu.wait_indirect_dma semaphore(%arg19 : memref<!tpu.dma_semaphore, #tpu.memory_space<semaphore_mem>>) src(%dma_wait3A_353 : memref<4000000xi32, #tpu.memory_space<hbm>>) dst(%dma_wait3A_349 : memref<128xi32, #tpu.memory_space<vmem>>)
      %dma_wait3A_354 = arith.constant 1152 : i32
      %dma_wait3A_355 = tpu.memref_slice %arg17[%dma_wait3A_354] : memref<2048xi32, #tpu.memory_space<vmem>> -> memref<128xi32, #tpu.memory_space<vmem>>
      %dma_wait3A_356 = arith.constant 1152 : i32
      %dma_wait3A_357 = tpu.memref_slice %arg15[%dma_wait3A_356] : memref<2048xi32, #tpu.memory_space<vmem>> -> memref<128xi32, #tpu.memory_space<vmem>>
      %dma_wait3A_358 = arith.constant 0 : i32
      %dma_wait3A_359 = tpu.memref_slice %arg3[%dma_wait3A_358] : memref<4000000xi32, #tpu.memory_space<hbm>> -> memref<4000000xi32, #tpu.memory_space<hbm>>
      tpu.wait_indirect_dma semaphore(%arg19 : memref<!tpu.dma_semaphore, #tpu.memory_space<semaphore_mem>>) src(%dma_wait3A_359 : memref<4000000xi32, #tpu.memory_space<hbm>>) dst(%dma_wait3A_355 : memref<128xi32, #tpu.memory_space<vmem>>)
      %dma_wait3A_360 = arith.constant 1280 : i32
      %dma_wait3A_361 = tpu.memref_slice %arg16[%dma_wait3A_360] : memref<2048xi32, #tpu.memory_space<vmem>> -> memref<128xi32, #tpu.memory_space<vmem>>
      %dma_wait3A_362 = arith.constant 1280 : i32
      %dma_wait3A_363 = tpu.memref_slice %arg15[%dma_wait3A_362] : memref<2048xi32, #tpu.memory_space<vmem>> -> memref<128xi32, #tpu.memory_space<vmem>>
      %dma_wait3A_364 = arith.constant 0 : i32
      %dma_wait3A_365 = tpu.memref_slice %arg2[%dma_wait3A_364] : memref<4000000xi32, #tpu.memory_space<hbm>> -> memref<4000000xi32, #tpu.memory_space<hbm>>
      tpu.wait_indirect_dma semaphore(%arg19 : memref<!tpu.dma_semaphore, #tpu.memory_space<semaphore_mem>>) src(%dma_wait3A_365 : memref<4000000xi32, #tpu.memory_space<hbm>>) dst(%dma_wait3A_361 : memref<128xi32, #tpu.memory_space<vmem>>)
      %dma_wait3A_366 = arith.constant 1280 : i32
      %dma_wait3A_367 = tpu.memref_slice %arg17[%dma_wait3A_366] : memref<2048xi32, #tpu.memory_space<vmem>> -> memref<128xi32, #tpu.memory_space<vmem>>
      %dma_wait3A_368 = arith.constant 1280 : i32
      %dma_wait3A_369 = tpu.memref_slice %arg15[%dma_wait3A_368] : memref<2048xi32, #tpu.memory_space<vmem>> -> memref<128xi32, #tpu.memory_space<vmem>>
      %dma_wait3A_370 = arith.constant 0 : i32
      %dma_wait3A_371 = tpu.memref_slice %arg3[%dma_wait3A_370] : memref<4000000xi32, #tpu.memory_space<hbm>> -> memref<4000000xi32, #tpu.memory_space<hbm>>
      tpu.wait_indirect_dma semaphore(%arg19 : memref<!tpu.dma_semaphore, #tpu.memory_space<semaphore_mem>>) src(%dma_wait3A_371 : memref<4000000xi32, #tpu.memory_space<hbm>>) dst(%dma_wait3A_367 : memref<128xi32, #tpu.memory_space<vmem>>)
      %dma_wait3A_372 = arith.constant 1408 : i32
      %dma_wait3A_373 = tpu.memref_slice %arg16[%dma_wait3A_372] : memref<2048xi32, #tpu.memory_space<vmem>> -> memref<128xi32, #tpu.memory_space<vmem>>
      %dma_wait3A_374 = arith.constant 1408 : i32
      %dma_wait3A_375 = tpu.memref_slice %arg15[%dma_wait3A_374] : memref<2048xi32, #tpu.memory_space<vmem>> -> memref<128xi32, #tpu.memory_space<vmem>>
      %dma_wait3A_376 = arith.constant 0 : i32
      %dma_wait3A_377 = tpu.memref_slice %arg2[%dma_wait3A_376] : memref<4000000xi32, #tpu.memory_space<hbm>> -> memref<4000000xi32, #tpu.memory_space<hbm>>
      tpu.wait_indirect_dma semaphore(%arg19 : memref<!tpu.dma_semaphore, #tpu.memory_space<semaphore_mem>>) src(%dma_wait3A_377 : memref<4000000xi32, #tpu.memory_space<hbm>>) dst(%dma_wait3A_373 : memref<128xi32, #tpu.memory_space<vmem>>)
      %dma_wait3A_378 = arith.constant 1408 : i32
      %dma_wait3A_379 = tpu.memref_slice %arg17[%dma_wait3A_378] : memref<2048xi32, #tpu.memory_space<vmem>> -> memref<128xi32, #tpu.memory_space<vmem>>
      %dma_wait3A_380 = arith.constant 1408 : i32
      %dma_wait3A_381 = tpu.memref_slice %arg15[%dma_wait3A_380] : memref<2048xi32, #tpu.memory_space<vmem>> -> memref<128xi32, #tpu.memory_space<vmem>>
      %dma_wait3A_382 = arith.constant 0 : i32
      %dma_wait3A_383 = tpu.memref_slice %arg3[%dma_wait3A_382] : memref<4000000xi32, #tpu.memory_space<hbm>> -> memref<4000000xi32, #tpu.memory_space<hbm>>
      tpu.wait_indirect_dma semaphore(%arg19 : memref<!tpu.dma_semaphore, #tpu.memory_space<semaphore_mem>>) src(%dma_wait3A_383 : memref<4000000xi32, #tpu.memory_space<hbm>>) dst(%dma_wait3A_379 : memref<128xi32, #tpu.memory_space<vmem>>)
      %dma_wait3A_384 = arith.constant 1536 : i32
      %dma_wait3A_385 = tpu.memref_slice %arg16[%dma_wait3A_384] : memref<2048xi32, #tpu.memory_space<vmem>> -> memref<128xi32, #tpu.memory_space<vmem>>
      %dma_wait3A_386 = arith.constant 1536 : i32
      %dma_wait3A_387 = tpu.memref_slice %arg15[%dma_wait3A_386] : memref<2048xi32, #tpu.memory_space<vmem>> -> memref<128xi32, #tpu.memory_space<vmem>>
      %dma_wait3A_388 = arith.constant 0 : i32
      %dma_wait3A_389 = tpu.memref_slice %arg2[%dma_wait3A_388] : memref<4000000xi32, #tpu.memory_space<hbm>> -> memref<4000000xi32, #tpu.memory_space<hbm>>
      tpu.wait_indirect_dma semaphore(%arg19 : memref<!tpu.dma_semaphore, #tpu.memory_space<semaphore_mem>>) src(%dma_wait3A_389 : memref<4000000xi32, #tpu.memory_space<hbm>>) dst(%dma_wait3A_385 : memref<128xi32, #tpu.memory_space<vmem>>)
      %dma_wait3A_390 = arith.constant 1536 : i32
      %dma_wait3A_391 = tpu.memref_slice %arg17[%dma_wait3A_390] : memref<2048xi32, #tpu.memory_space<vmem>> -> memref<128xi32, #tpu.memory_space<vmem>>
      %dma_wait3A_392 = arith.constant 1536 : i32
      %dma_wait3A_393 = tpu.memref_slice %arg15[%dma_wait3A_392] : memref<2048xi32, #tpu.memory_space<vmem>> -> memref<128xi32, #tpu.memory_space<vmem>>
      %dma_wait3A_394 = arith.constant 0 : i32
      %dma_wait3A_395 = tpu.memref_slice %arg3[%dma_wait3A_394] : memref<4000000xi32, #tpu.memory_space<hbm>> -> memref<4000000xi32, #tpu.memory_space<hbm>>
      tpu.wait_indirect_dma semaphore(%arg19 : memref<!tpu.dma_semaphore, #tpu.memory_space<semaphore_mem>>) src(%dma_wait3A_395 : memref<4000000xi32, #tpu.memory_space<hbm>>) dst(%dma_wait3A_391 : memref<128xi32, #tpu.memory_space<vmem>>)
      %dma_wait3A_396 = arith.constant 1664 : i32
      %dma_wait3A_397 = tpu.memref_slice %arg16[%dma_wait3A_396] : memref<2048xi32, #tpu.memory_space<vmem>> -> memref<128xi32, #tpu.memory_space<vmem>>
      %dma_wait3A_398 = arith.constant 1664 : i32
      %dma_wait3A_399 = tpu.memref_slice %arg15[%dma_wait3A_398] : memref<2048xi32, #tpu.memory_space<vmem>> -> memref<128xi32, #tpu.memory_space<vmem>>
      %dma_wait3A_400 = arith.constant 0 : i32
      %dma_wait3A_401 = tpu.memref_slice %arg2[%dma_wait3A_400] : memref<4000000xi32, #tpu.memory_space<hbm>> -> memref<4000000xi32, #tpu.memory_space<hbm>>
      tpu.wait_indirect_dma semaphore(%arg19 : memref<!tpu.dma_semaphore, #tpu.memory_space<semaphore_mem>>) src(%dma_wait3A_401 : memref<4000000xi32, #tpu.memory_space<hbm>>) dst(%dma_wait3A_397 : memref<128xi32, #tpu.memory_space<vmem>>)
      %dma_wait3A_402 = arith.constant 1664 : i32
      %dma_wait3A_403 = tpu.memref_slice %arg17[%dma_wait3A_402] : memref<2048xi32, #tpu.memory_space<vmem>> -> memref<128xi32, #tpu.memory_space<vmem>>
      %dma_wait3A_404 = arith.constant 1664 : i32
      %dma_wait3A_405 = tpu.memref_slice %arg15[%dma_wait3A_404] : memref<2048xi32, #tpu.memory_space<vmem>> -> memref<128xi32, #tpu.memory_space<vmem>>
      %dma_wait3A_406 = arith.constant 0 : i32
      %dma_wait3A_407 = tpu.memref_slice %arg3[%dma_wait3A_406] : memref<4000000xi32, #tpu.memory_space<hbm>> -> memref<4000000xi32, #tpu.memory_space<hbm>>
      tpu.wait_indirect_dma semaphore(%arg19 : memref<!tpu.dma_semaphore, #tpu.memory_space<semaphore_mem>>) src(%dma_wait3A_407 : memref<4000000xi32, #tpu.memory_space<hbm>>) dst(%dma_wait3A_403 : memref<128xi32, #tpu.memory_space<vmem>>)
      %dma_wait3A_408 = arith.constant 1792 : i32
      %dma_wait3A_409 = tpu.memref_slice %arg16[%dma_wait3A_408] : memref<2048xi32, #tpu.memory_space<vmem>> -> memref<128xi32, #tpu.memory_space<vmem>>
      %dma_wait3A_410 = arith.constant 1792 : i32
      %dma_wait3A_411 = tpu.memref_slice %arg15[%dma_wait3A_410] : memref<2048xi32, #tpu.memory_space<vmem>> -> memref<128xi32, #tpu.memory_space<vmem>>
      %dma_wait3A_412 = arith.constant 0 : i32
      %dma_wait3A_413 = tpu.memref_slice %arg2[%dma_wait3A_412] : memref<4000000xi32, #tpu.memory_space<hbm>> -> memref<4000000xi32, #tpu.memory_space<hbm>>
      tpu.wait_indirect_dma semaphore(%arg19 : memref<!tpu.dma_semaphore, #tpu.memory_space<semaphore_mem>>) src(%dma_wait3A_413 : memref<4000000xi32, #tpu.memory_space<hbm>>) dst(%dma_wait3A_409 : memref<128xi32, #tpu.memory_space<vmem>>)
      %dma_wait3A_414 = arith.constant 1792 : i32
      %dma_wait3A_415 = tpu.memref_slice %arg17[%dma_wait3A_414] : memref<2048xi32, #tpu.memory_space<vmem>> -> memref<128xi32, #tpu.memory_space<vmem>>
      %dma_wait3A_416 = arith.constant 1792 : i32
      %dma_wait3A_417 = tpu.memref_slice %arg15[%dma_wait3A_416] : memref<2048xi32, #tpu.memory_space<vmem>> -> memref<128xi32, #tpu.memory_space<vmem>>
      %dma_wait3A_418 = arith.constant 0 : i32
      %dma_wait3A_419 = tpu.memref_slice %arg3[%dma_wait3A_418] : memref<4000000xi32, #tpu.memory_space<hbm>> -> memref<4000000xi32, #tpu.memory_space<hbm>>
      tpu.wait_indirect_dma semaphore(%arg19 : memref<!tpu.dma_semaphore, #tpu.memory_space<semaphore_mem>>) src(%dma_wait3A_419 : memref<4000000xi32, #tpu.memory_space<hbm>>) dst(%dma_wait3A_415 : memref<128xi32, #tpu.memory_space<vmem>>)
      %dma_wait3A_420 = arith.constant 1920 : i32
      %dma_wait3A_421 = tpu.memref_slice %arg16[%dma_wait3A_420] : memref<2048xi32, #tpu.memory_space<vmem>> -> memref<128xi32, #tpu.memory_space<vmem>>
      %dma_wait3A_422 = arith.constant 1920 : i32
      %dma_wait3A_423 = tpu.memref_slice %arg15[%dma_wait3A_422] : memref<2048xi32, #tpu.memory_space<vmem>> -> memref<128xi32, #tpu.memory_space<vmem>>
      %dma_wait3A_424 = arith.constant 0 : i32
      %dma_wait3A_425 = tpu.memref_slice %arg2[%dma_wait3A_424] : memref<4000000xi32, #tpu.memory_space<hbm>> -> memref<4000000xi32, #tpu.memory_space<hbm>>
      tpu.wait_indirect_dma semaphore(%arg19 : memref<!tpu.dma_semaphore, #tpu.memory_space<semaphore_mem>>) src(%dma_wait3A_425 : memref<4000000xi32, #tpu.memory_space<hbm>>) dst(%dma_wait3A_421 : memref<128xi32, #tpu.memory_space<vmem>>)
      %dma_wait3A_426 = arith.constant 1920 : i32
      %dma_wait3A_427 = tpu.memref_slice %arg17[%dma_wait3A_426] : memref<2048xi32, #tpu.memory_space<vmem>> -> memref<128xi32, #tpu.memory_space<vmem>>
      %dma_wait3A_428 = arith.constant 1920 : i32
      %dma_wait3A_429 = tpu.memref_slice %arg15[%dma_wait3A_428] : memref<2048xi32, #tpu.memory_space<vmem>> -> memref<128xi32, #tpu.memory_space<vmem>>
      %dma_wait3A_430 = arith.constant 0 : i32
      %dma_wait3A_431 = tpu.memref_slice %arg3[%dma_wait3A_430] : memref<4000000xi32, #tpu.memory_space<hbm>> -> memref<4000000xi32, #tpu.memory_space<hbm>>
      tpu.wait_indirect_dma semaphore(%arg19 : memref<!tpu.dma_semaphore, #tpu.memory_space<semaphore_mem>>) src(%dma_wait3A_431 : memref<4000000xi32, #tpu.memory_space<hbm>>) dst(%dma_wait3A_427 : memref<128xi32, #tpu.memory_space<vmem>>)
      %while3A_432 = arith.constant 0 : i32
      %while3A_433 = arith.constant 0 : i32
      %while3A_434 = arith.constant 128 : i32
      %while3A_435 = arith.subi %while3A_434, %while3A_433 : i32
      %while3A_436 = arith.addi %while3A_433, %while3A_435 : i32
      %while3A_437 = arith.constant 1 : i32
      %while3A_438 = arith.divsi %while3A_435, %while3A_437 : i32
      %while3A_439 = arith.muli %while3A_438, %while3A_437 : i32
      %while3A_440 = arith.addi %while3A_433, %while3A_439 : i32
      %while3A_441 = arith.constant 1 : i32
      scf.for %while3A_443 = %while3A_433 to %while3A_440 step %while3A_441  : i32 {
        %mul3A_444 = arith.constant 16 : i32
        %mul3A_445 = arith.muli %while3A_443, %mul3A_444 : i32
        %get3A = arith.index_cast %mul3A_445 : i32 to index
        %get3A_446 = tpu.vector_load %arg16[%get3A] {strides = array<i32>} : memref<2048xi32, #tpu.memory_space<vmem>>, vector<16xi32>,
        %get3A_447 = vector.shape_cast %get3A_446 : vector<16xi32> to vector<16xi32>
        %get3A_448 = arith.index_cast %mul3A_445 : i32 to index
        %get3A_449 = tpu.vector_load %arg11[%get3A_448] {strides = array<i32>} : memref<2048xi32, #tpu.memory_space<vmem>>, vector<16xi32>,
        %get3A_450 = vector.shape_cast %get3A_449 : vector<16xi32> to vector<16xi32>
        %eq3A = arith.cmpi eq, %get3A_447, %get3A_450 : vector<16xi32>
        %get3A_451 = arith.index_cast %mul3A_445 : i32 to index
        %get3A_452 = tpu.vector_load %arg17[%get3A_451] {strides = array<i32>} : memref<2048xi32, #tpu.memory_space<vmem>>, vector<16xi32>,
        %get3A_453 = vector.shape_cast %get3A_452 : vector<16xi32> to vector<16xi32>
        %get3A_454 = arith.index_cast %mul3A_445 : i32 to index
        %get3A_455 = tpu.vector_load %arg12[%get3A_454] {strides = array<i32>} : memref<2048xi32, #tpu.memory_space<vmem>>, vector<16xi32>,
        %get3A_456 = vector.shape_cast %get3A_455 : vector<16xi32> to vector<16xi32>
        %eq3A_457 = arith.cmpi eq, %get3A_453, %get3A_456 : vector<16xi32>
        %and3A = arith.andi %eq3A, %eq3A_457 : vector<16xi1>
        %get3A_458 = arith.index_cast %mul3A_445 : i32 to index
        %get3A_459 = tpu.vector_load %arg13[%get3A_458] {strides = array<i32>} : memref<2048xi32, #tpu.memory_space<vmem>>, vector<16xi32>,
        %get3A_460 = vector.shape_cast %get3A_459 : vector<16xi32> to vector<16xi32>
        %gt3A = arith.constant 0 : i32
        %gt3A_461 = vector.broadcast %gt3A : i32 to vector<16xi32>
        %gt3A_462 = arith.cmpi sgt, %get3A_460, %gt3A_461 : vector<16xi32>
        %and3A_463 = arith.andi %and3A, %gt3A_462 : vector<16xi1>
        %jit3A = arith.constant 1 : i32
        %jit3A_464 = arith.constant 0 : i32
        %broadcast_in_dim3A = vector.broadcast %jit3A : i32 to vector<16xi32>
        %broadcast_in_dim3A_465 = vector.broadcast %jit3A_464 : i32 to vector<16xi32>
        %select_n3A = arith.select %and3A_463, %broadcast_in_dim3A, %broadcast_in_dim3A_465 : vector<16xi1>, vector<16xi32>
        %swap3A = arith.index_cast %mul3A_445 : i32 to index
        %swap3A_466 = tpu.vector_load %arg18[%swap3A] {strides = array<i32>} : memref<2048xi32, #tpu.memory_space<vmem>>, vector<16xi32>,
        %swap3A_467 = vector.shape_cast %swap3A_466 : vector<16xi32> to vector<16xi32>
        %swap3A_468 = vector.shape_cast %select_n3A : vector<16xi32> to vector<16xi32>
        tpu.vector_store %arg18[%swap3A], %swap3A_468 {strides = array<i32>} : memref<2048xi32, #tpu.memory_space<vmem>>, vector<16xi32>,
      }
      %while3A_442 = arith.constant 1 : i32
      scf.for %while3A_443 = %while3A_440 to %while3A_436 step %while3A_442  : i32 {
        %mul3A_444 = arith.constant 16 : i32
        %mul3A_445 = arith.muli %while3A_443, %mul3A_444 : i32
        %get3A = arith.index_cast %mul3A_445 : i32 to index
        %get3A_446 = tpu.vector_load %arg16[%get3A] {strides = array<i32>} : memref<2048xi32, #tpu.memory_space<vmem>>, vector<16xi32>,
        %get3A_447 = vector.shape_cast %get3A_446 : vector<16xi32> to vector<16xi32>
        %get3A_448 = arith.index_cast %mul3A_445 : i32 to index
        %get3A_449 = tpu.vector_load %arg11[%get3A_448] {strides = array<i32>} : memref<2048xi32, #tpu.memory_space<vmem>>, vector<16xi32>,
        %get3A_450 = vector.shape_cast %get3A_449 : vector<16xi32> to vector<16xi32>
        %eq3A = arith.cmpi eq, %get3A_447, %get3A_450 : vector<16xi32>
        %get3A_451 = arith.index_cast %mul3A_445 : i32 to index
        %get3A_452 = tpu.vector_load %arg17[%get3A_451] {strides = array<i32>} : memref<2048xi32, #tpu.memory_space<vmem>>, vector<16xi32>,
        %get3A_453 = vector.shape_cast %get3A_452 : vector<16xi32> to vector<16xi32>
        %get3A_454 = arith.index_cast %mul3A_445 : i32 to index
        %get3A_455 = tpu.vector_load %arg12[%get3A_454] {strides = array<i32>} : memref<2048xi32, #tpu.memory_space<vmem>>, vector<16xi32>,
        %get3A_456 = vector.shape_cast %get3A_455 : vector<16xi32> to vector<16xi32>
        %eq3A_457 = arith.cmpi eq, %get3A_453, %get3A_456 : vector<16xi32>
        %and3A = arith.andi %eq3A, %eq3A_457 : vector<16xi1>
        %get3A_458 = arith.index_cast %mul3A_445 : i32 to index
        %get3A_459 = tpu.vector_load %arg13[%get3A_458] {strides = array<i32>} : memref<2048xi32, #tpu.memory_space<vmem>>, vector<16xi32>,
        %get3A_460 = vector.shape_cast %get3A_459 : vector<16xi32> to vector<16xi32>
        %gt3A = arith.constant 0 : i32
        %gt3A_461 = vector.broadcast %gt3A : i32 to vector<16xi32>
        %gt3A_462 = arith.cmpi sgt, %get3A_460, %gt3A_461 : vector<16xi32>
        %and3A_463 = arith.andi %and3A, %gt3A_462 : vector<16xi1>
        %jit3A = arith.constant 1 : i32
        %jit3A_464 = arith.constant 0 : i32
        %broadcast_in_dim3A = vector.broadcast %jit3A : i32 to vector<16xi32>
        %broadcast_in_dim3A_465 = vector.broadcast %jit3A_464 : i32 to vector<16xi32>
        %select_n3A = arith.select %and3A_463, %broadcast_in_dim3A, %broadcast_in_dim3A_465 : vector<16xi1>, vector<16xi32>
        %swap3A = arith.index_cast %mul3A_445 : i32 to index
        %swap3A_466 = tpu.vector_load %arg18[%swap3A] {strides = array<i32>} : memref<2048xi32, #tpu.memory_space<vmem>>, vector<16xi32>,
        %swap3A_467 = vector.shape_cast %swap3A_466 : vector<16xi32> to vector<16xi32>
        %swap3A_468 = vector.shape_cast %select_n3A : vector<16xi32> to vector<16xi32>
        tpu.vector_store %arg18[%swap3A], %swap3A_468 {strides = array<i32>} : memref<2048xi32, #tpu.memory_space<vmem>>, vector<16xi32>,
      }
      "tpu.region"() ({
        %run_scoped3A = tpu.sem_alloc : memref<!tpu.dma_semaphore, #tpu.memory_space<semaphore_mem>>
        %dma_start3A_443 = tpu.memref_slice %arg7[%add3A_16] : memref<1048576xi32, #tpu.memory_space<hbm>> -> memref<2048xi32, #tpu.memory_space<hbm>>
        %dma_start3A_444 = tpu.memref_slice %arg7[%add3A_16] : memref<1048576xi32, #tpu.memory_space<hbm>> -> memref<2048xi32, #tpu.memory_space<hbm>>
        tpu.enqueue_dma source(%arg18 : memref<2048xi32, #tpu.memory_space<vmem>>) target(%dma_start3A_444 : memref<2048xi32, #tpu.memory_space<hbm>>) target_semaphore(%run_scoped3A : memref<!tpu.dma_semaphore, #tpu.memory_space<semaphore_mem>>)
        %dma_wait3A_445 = tpu.memref_slice %arg7[%add3A_16] : memref<1048576xi32, #tpu.memory_space<hbm>> -> memref<2048xi32, #tpu.memory_space<hbm>>
        %dma_wait3A_446 = tpu.memref_slice %arg7[%add3A_16] : memref<1048576xi32, #tpu.memory_space<hbm>> -> memref<2048xi32, #tpu.memory_space<hbm>>
        tpu.wait_dma2 semaphore(%run_scoped3A : memref<!tpu.dma_semaphore, #tpu.memory_space<semaphore_mem>>) src(%arg18 : memref<2048xi32, #tpu.memory_space<vmem>>) dst(%dma_wait3A_446 : memref<2048xi32, #tpu.memory_space<hbm>>)
        tpu.yield
      }) : () -> ()
    }
    return
  }
}

</mosaic_0001>

<sc_bundles>
// kernel: _probe.3.cloned.1.call-start
scs
__scs_entry_jumppad:
0x0: {  	(pc) =	sbr.rel $0x88, $3  }
0x1: {  	(tag) =	ssettag $0x0;
	lr =	simm.s32 $0x1  }
0x2: {  	[smem:$0x3F9C] =	sst lr;
	_ =	strace $0xD0000000  }
0x3: {  	_ = 	snop  }
0x4: {  	_ = 	snop  }
0x5: {  	_ = 	snop  }
0x6: {  	_ = 	snop  }
0x7: {  	_ = 	snop  }
__scs_overlays_trampoline_lowered:
0x8: {  	[smem:$0x3FAB] =	sst s0  }
0x9: {  	[smem:$0x3FAC] =	sst s1  }
0xa: {  	[smem:$0x3FAD] =	sst s2  }
0xb: {  	[smem:$0x3FAE] =	sst s3  }
0xc: {  	[smem:$0x3FAF] =	sst s4  }
0xd: {  	[smem:$0x3FB0] =	sst s5  }
0xe: {  	[smem:$0x3FB1] =	sst s6  }
0xf: {  	[smem:$0x3FB2] =	sst s7  }
0x10: {  	[smem:$0x3FB3] =	sst s8  }
0x11: {  	[smem:$0x3FB4] =	sst s9;
	s0 =	simm.s32 @!p0 $0x0  }
0x12: {  	s1 =	sld [smem:$0x3F9A];
	s0 =	simm.s32 @p0 $0x1  }
0x13: {  	[smem:$0x3FB5] =	sst s0;
	s0 =	simm.s32 @!p1 $0x0  }
0x14: {  	s2 =	sld [smem:$0x3F99];
	s0 =	simm.s32 @p1 $0x1  }
0x15: {  	[smem:$0x3FB6] =	sst s0;
	s0 =	simm.s32 @!p2 $0x0  }
0x16: {  	s3 =	sld [smem:$0x3FDB];
	s0 =	simm.s32 @p2 $0x1  }
0x17: {  	s4 =	simm.s32 $0x1BF5;
	[smem:$0x3FB8] =	sst s0  }
0x18: {  	s0 =	sld [smem:$0x3F9B];
	_ =	swait.ge [sflag:s4], $0x0  }
0x19: {  	s7 =	sld [smem:$0x3F9C]  }
0x1a: {  	s8 =	sadd.s32 $0xFFFFE003, lr  }
0x1b: {  	s9 =	sadd.s32 $0xFFFFFEF7, lr;
	s5 =	simm.s32 $0xFFFFFFFF;
	p2 =	slt.u32 s8, $0xFFFFF086  }
0x1c: {  	p1 =	slt.u32 s9, $0xF7A;
	s5 =	simm.s32 @!p2 $0x0  }
0x1d: {  	s5 =	simm.s32 @p1 $0x1;
	p0 =	seq.s32 s7, s2  }
0x1e: {  	s7 =	smul.u32 @!p0 $0xF7A, s2;
	p2 =	seq.s32 @!p0 s5, $0x0  }
0x1f: {  	s9 =	smul.u32 $0xF7A, s1;
	s8 =	simm.s32 @!p0 $0x1BF5;
	p2 =	por !p2, p0  }
0x20: {  	[sflag:s8] =	ssyncset.s32 @!p0 $0xFFFFF086;
	s6 =	sadd.s32 @!p0 s3, s7;
	s7 =	simm.s32 @!p0 $0x108  }
0x21: {  	s3 =	sadd.s32 s3, s9;
	s6 =	sadd.s32 @!p0 $0x88, s6;
	s7 =	simm.s32 @p2 $0x1082  }
0x22: {  	[simem:s7], [sflag:s8] =	dma.local @!p0 [hbm:s6], $0xF7A  }
0x23: {  	s9 =	sor.u32 $0xD0000000, s2;
	s6 =	simm.s32 $0x108;
	_ =	swait.ge @!p0 [sflag:s8], $0x0  }
0x24: {  	s3 =	sadd.s32 $0x88, s3;
	s6 =	simm.s32 @!p1 $0x1082;
	[sflag:s4] =	ssyncset.s32 $0xFFFFF086  }
0x25: {  	[simem:s6], [sflag:s4] =	dma.local [hbm:s3], $0xF7A  }
0x26: {  	[smem:$0x3F9C] =	sst s1;
	(tag) =	ssettag s2;
	_ =	strace s9  }
0x27: {  	s1 =	sld [smem:$0x3FAC]  }
0x28: {  	s2 =	sld [smem:$0x3FAD]  }
0x29: {  	s4 =	sld [smem:$0x3FAF]  }
0x2a: {  	p0 =	seq.s32 s5, $0x0;
	s5 =	sld [smem:$0x3FB0]  }
0x2b: {  	s6 =	sld [smem:$0x3FB1]  }
0x2c: {  	s7 =	sld [smem:$0x3FB2]  }
0x2d: {  	s3 =	simm.s32 $0x108;
	s8 =	sld [smem:$0x3FB3]  }
0x2e: {  	s3 =	simm.s32 @!p0 $0x1082;
	s9 =	sld [smem:$0x3FB4]  }
0x2f: {  	lr =	sadd.s32 s0, s3;
	s0 =	sld [smem:$0x3FAB]  }
0x30: {  	s3 =	sld [smem:$0x3FAE]  }
0x31: {  	[smem:$0x3FB7] =	sst s10  }
0x32: {  	s10 =	sld [smem:$0x3FB5];
	_ =	sdelay $0x3  }
0x33: {  	p0 =	seq.s32 s10, $0x1;
	s10 =	sld [smem:$0x3FB7];
	_ =	sdelay $0x3  }
0x34: {  	[smem:$0x3FB7] =	sst s10  }
0x35: {  	s10 =	sld [smem:$0x3FB6];
	_ =	sdelay $0x3  }
0x36: {  	p1 =	seq.s32 s10, $0x1;
	s10 =	sld [smem:$0x3FB7];
	_ =	sdelay $0x3  }
0x37: {  	[smem:$0x3FB7] =	sst s10  }
0x38: {  	s10 =	sld [smem:$0x3FB8]  }
0x39: {  	_ = 	snop;
	(pc) =	sbr.ind lr, $3  }
0x3a: {  	_ = 	snop  }
0x3b: {  	_ = 	snop  }
0x3c: {  	p2 =	seq.s32 s10, $0x1;
	s10 =	sld [smem:$0x3FB7]  }
0x3d: {  	_ =	shalt  }
0x3e: {  	_ =	shalt  }
0x3f: {  	_ =	shalt  }
0x40: {  	_ =	shalt  }
0x41: {  	_ =	shalt  }
0x42: {  	_ =	shalt  }
0x43: {  	_ =	shalt  }
0x44: {  	_ =	shalt  }
0x45: {  	_ =	shalt  }
0x46: {  	_ =	shalt  }
0x47: {  	_ =	shalt  }
0x48: {  	_ =	shalt  }
0x49: {  	_ =	shalt  }
0x4a: {  	_ =	shalt  }
0x4b: {  	_ =	shalt  }
0x4c: {  	_ =	shalt  }
0x4d: {  	_ =	shalt  }
0x4e: {  	_ =	shalt  }
0x4f: {  	_ =	shalt  }
0x50: {  	_ =	shalt  }
0x51: {  	_ =	shalt  }
0x52: {  	_ =	shalt  }
0x53: {  	_ =	shalt  }
0x54: {  	_ =	shalt  }
0x55: {  	_ =	shalt  }
0x56: {  	_ =	shalt  }
0x57: {  	_ =	shalt  }
0x58: {  	_ =	shalt  }
0x59: {  	_ =	shalt  }
0x5a: {  	_ =	shalt  }
0x5b: {  	_ =	shalt  }
0x5c: {  	_ =	shalt  }
0x5d: {  	_ =	shalt  }
0x5e: {  	_ =	shalt  }
0x5f: {  	_ =	shalt  }
0x60: {  	_ =	shalt  }
0x61: {  	_ =	shalt  }
0x62: {  	_ =	shalt  }
0x63: {  	_ =	shalt  }
0x64: {  	_ =	shalt  }
0x65: {  	_ =	shalt  }
0x66: {  	_ =	shalt  }
0x67: {  	_ =	shalt  }
0x68: {  	_ =	shalt  }
0x69: {  	_ =	shalt  }
0x6a: {  	_ =	shalt  }
0x6b: {  	_ =	shalt  }
0x6c: {  	_ =	shalt  }
0x6d: {  	_ =	shalt  }
0x6e: {  	_ =	shalt  }
0x6f: {  	_ =	shalt  }
0x70: {  	_ =	shalt  }
0x71: {  	_ =	shalt  }
0x72: {  	_ =	shalt  }
0x73: {  	_ =	shalt  }
0x74: {  	_ =	shalt  }
0x75: {  	_ =	shalt  }
0x76: {  	_ =	shalt  }
0x77: {  	_ =	shalt  }
0x78: {  	_ =	shalt  }
0x79: {  	_ =	shalt  }
0x7a: {  	_ =	shalt  }
0x7b: {  	_ =	shalt  }
0x7c: {  	_ =	shalt  }
0x7d: {  	_ =	shalt  }
0x7e: {  	_ =	shalt  }
0x7f: {  	_ =	shalt  }
0x80: {  	_ =	shalt  }
0x81: {  	_ =	shalt  }
0x82: {  	_ =	shalt  }
0x83: {  	_ =	shalt  }
0x84: {  	_ =	shalt  }
0x85: {  	_ =	shalt  }
0x86: {  	_ =	shalt  }
0x87: {  	_ =	shalt  }
.Lfunc_end0:
.L_simem_size_0:
called_computation_lowered:
.L_overlay_start_0:
0x88: {  	s2 =	sld [smem:$0x3FD9]  }
0x89: {  	s3 =	sld [smem:$0x3FFE];
	_ =	sdelay $0x1  }
0x8a: {  	s1 =	srdreg.scid  }
0x8b: {  	s0 =	sand.u32 $0x1, s1  }
0x8c: {  	s18 =	sshll.u32 s0, $0xA;
	s2 =	sadd.s32 s3, s2  }
0x8d: {  	s2 =	sadd.s32 s2, s18  }
0x8e: {  	[smem:$0x3FC3] =	sst s2  }
0x8f: {  	_ = 	snop  }
0x90: {  	s2 =	sld [smem:$0x3FC9]  }
0x91: {  	s19 =	sld [smem:$0x3FC8]  }
0x92: {  	s4 =	sld [smem:$0x3FC7]  }
0x93: {  	s5 =	sld [smem:$0x3FC6]  }
0x94: {  	s6 =	sld [smem:$0x3FC5]  }
0x95: {  	s7 =	sld [smem:$0x3FD0];
	(tm) =	ssettm $0x1  }
0x96: {  	s8 =	sld [smem:$0x3FFB];
	_ =	sdelay $0x3  }
0x97: {  	_ =	strace s8  }
0x98: {  	s8 =	sld [smem:$0x3FFC];
	_ =	sdelay $0x3  }
0x99: {  	_ =	strace s8  }
0x9a: {  	s8 =	sld [smem:$0x3FFD];
	_ =	sdelay $0x3  }
0x9b: {  	_ =	strace s8  }
0x9c: {  	_ =	strace $0x8FFFFFFF  }
0x9d: {  	s20 =	sld [smem:$0x3FDB];
	_ =	sdelay $0x1  }
0x9e: {  	s9 =	simm.s32 $_scs_section_size  }
0x9f: {  	s10 =	simm.s32 $_size__tile_overlayer_lowered;
	s11 =	simm.s32 $_tile_overlayer_lowered  }
0xa0: {  	s23 =	simm.s32 $0x1BFF;
	s22 =	sshll.u32 s11, $0x1;
	s8 =	sadd.s32 s9, s20  }
0xa1: {  	s12 =	simm.s32 $0x0;
	s21 =	sshll.u32 s10, $0x1;
	s10 =	sadd.s32 s22, s8  }
0xa2: {  	[timem:s12], [sflag:s23] =	dma.local [hbm:s10], s21  }
0xa3: {  	_ =	swait.ge [sflag:s23], s21  }
0xa4: {  	s9 =	ssub.s32 $0x0, s21;
	[sflag:s23] =	ssyncset.done $0x0  }
0xa5: {  	[sflag:s23] =	ssyncadd.s32 s9;
	_ =	sdelay $0x1  }
0xa6: {  	s24 =	simm.s32 $0x1B8B  }
0xa7: {  	_ =	swait.ge [sflag:s24], $0x1  }
0xa8: {  	[sflag:s24] =	ssyncset.done $0x0  }
0xa9: {  	s25 =	simm.s32 $0x1B8E;
	[sflag:s24] =	ssyncadd.s32 $0xFFFFFFFF  }
0xaa: {  	s26 =	simm.s32 $execute0_lowered;
	[smem:$0x3FD2] =	sst s25  }
0xab: {  	s9 =	sshll.u32 s26, $0x1;
	_ =	strace $0x80000046;
	[dreg:$0x1] =	wrdreg $0xFFFFFFFF  }
0xac: {  	s28 =	simm.s32 $_size_execute0_lowered;
	s8 =	sadd.s32 s8, s9;
	[dreg:$0x0] =	wrdreg $0x0  }
0xad: {  	s9 =	sshll.u32 s28, $0x1;
	[dreg:$0x2] =	wrdreg s8  }
0xae: {  	[dreg:$0x3] =	wrdreg s9  }
0xaf: {  	[dreg:$0x4] =	wrdreg $0xC0  }
0xb0: {  	_ =	task [dreg:s12], $0x5FFFF  }
0xb1: {  	[dreg:$0x1] =	wrdreg $0xFFFFFFFF  }
0xb2: {  	[dreg:$0x0] =	wrdreg $0x60  }
0xb3: {  	[dreg:$0x2] =	wrdreg s2  }
0xb4: {  	[dreg:$0x3] =	wrdreg s19  }
0xb5: {  	[dreg:$0x4] =	wrdreg s4  }
0xb6: {  	[dreg:$0x5] =	wrdreg s5  }
0xb7: {  	[dreg:$0x6] =	wrdreg s6  }
0xb8: {  	[dreg:$0x7] =	wrdreg s7  }
0xb9: {  	[dreg:$0x8] =	wrdreg $0x9  }
0xba: {  	_ =	task.clear_ibuf [dreg:s12], $0x9FFFF;
	_ =	strace $0x90000046  }
0xbb: {  	s29 =	simm.s32 $0x9;
	_ =	strace $0x80000048  }
0xbc: {  	_ =	swait.ge [sflag:s29], $0x1  }
0xbd: {  	[sflag:s29] =	ssyncadd.s32 $0xFFFFFFFF  }
0xbe: {  	_ =	strace $0x90000048  }
0xbf: {  	_ =	sfence  }
0xc0: {  	s30 =	sld [smem:$0x0];
	_ =	sdelay $0x2  }
0xc1: {  	s31 =	sshll.u32 s1, $0xD;
	s1 =	sshrl.u32 s1, $0x2  }
0xc2: {  	s3 =	sand.u32 $0x4000, s31;
	s1 =	sadd.s32 s1, s30  }
0xc3: {  	s0 =	sor.u32 s3, s0;
	s1 =	sshll.u32 s1, $0x11  }
0xc4: {  	s0 =	sor.u32 s1, s0  }
0xc5: {  	s0 =	sadd.s32 $0x8F2B, s0  }
0xc6: {  	[sflag:s0] =	ssyncadd.remote.s32 $0x1  }
0xc7: {  	_ =	sfence.sel $0xFFFF  }
0xc8: {  	[dreg:$0x0] =	wrdreg $0xFFFFFFFF;
	(pc) =	sbr.abs _section_cstart, $3  }
0xc9: {  	[dreg:$0x1] =	wrdreg $0xFFFFFFFF  }
0xca: {  	_ =	task.clear_ibuf [dreg:s12], $0x2FFFF;
	_ =	strace $0x9FFFFFFF  }
0xcb: {  	(tm) =	ssettm $0x7FFFFFFF  }
tec
execute0_lowered:
.L_overlay_start_1:
0x0: {  	(tag) =	ssettag $0x1  }
0x1: {  	s0 =	rddreg [dreg:$0x0]  }
0x2: {  	s2 =	rddreg [dreg:$0x1];
	s1 =	srdreg.scid;
	s3 =	simm.s32 $0x0  }
0x3: {  	s5 =	stileid.u32;
	s14 =	simm.s32 $0x80;
	s15 =	simm.s32 $0x3800  }
0x4: {  	s18 =	simm.s32 $0x3880;
	s21 =	simm.s32 $0x3900;
	s24 =	simm.s32 $0x3980  }
0x5: {  	s28 =	simm.s32 $0x3A00;
	s31 =	simm.s32 $0x3A80;
	s10 =	simm.s32 $0x3B00  }
0x6: {  	s12 =	simm.s32 $0x3C00;
	s11 =	simm.s32 $0x3C80;
	s19 =	simm.s32 $0x3D00  }
0x7: {  	s23 =	simm.s32 $0x3D80;
	s29 =	simm.s32 $0x3E00;
	s8 =	simm.s32 $0x3E80  }
0x8: {  	s6 =	simm.s32 $0x3F00;
	s7 =	simm.s32 $0x4700;
	s13 =	simm.s32 $0x4F00  }
0x9: {  	s9 =	simm.s32 $0x3F80;
	s16 =	simm.s32 $0x4780;
	s17 =	simm.s32 $0x4F80  }
0xa: {  	s20 =	simm.s32 $0x1;
	s1 =	sand.u32 $0x1, s1;
	[smem:$0x7FF] =	sst s3  }
0xb: {  	s26 =	sshll.u32 s5, $0xD;
	s5 =	simm.s32 $0x3B80;
	s25 =	ssub.s32 $0x2, s1  }
0xc: {  	_ =	strace $0x80000047;
	s1 =	sshll.u32 s1, $0xC;
	s4 =	sshrl.u32 s25, $0x1  }
0xd: {  	s1 =	sor.u32 s1, s26;
	s26 =	simm.s32 $0x2;
	s3 =	ssub.s32 s25, s4  }
0xe: {  	[dreg:$0x7] =	wrdreg s1;
	s4 =	simm.s32 $0x4E80;
	s30 =	smax.u32 s3, $0x1  }
0xf: {  	v0 =	vimm.s32 $0x0;
	v1 =	vimm.s32 $0x3D0900;
	s25 =	simm.s32 $0x0;
	s3 =	simm.s32 $0x4680;
	[dreg:$0x8] =	wrdreg s30  }
.LBB2_1:
0x10: {  	[dreg:$0x9] =	wrdreg s25;
	s22 =	simm.s32 $0x0  }
.LBB2_2:
0x11: {  	s1 =	sshll.u32 s22, $0x8;
	s25 =	rddreg [dreg:$0x7]  }
0x12: {  	s1 =	sadd.s32 s25, s1;
	s25 =	rddreg [dreg:$0x2]  }
0x13: {  	[dreg:$0xa] =	wrdreg s22;
	s22 =	simm.s32 $0x0;
	s25 =	sadd.s32 s25, s1  }
0x14: {  	[tilespmem:s22], [sflag:$0x2] =	stream.linear.gather [hbm4b:s25+s22], $0x800, $0x38;
	[tilespmem:$0x5800] =	vst v63  }
0x15: {  	_ =	swait.ge [sflag:s26], $0x800  }
0x16: {  	[sflag:s26] =	ssyncset.done $0x0  }
0x17: {  	[sflag:s26] =	ssyncadd.s32 $0xFFFFF800  }
0x18: {  	s30 =	rddreg [dreg:$0x3]  }
0x19: {  	s25 =	sadd.s32 s30, s1;
	s30 =	simm.s32 $0x800  }
0x1a: {  	[tilespmem:s30], [sflag:$0x2] =	stream.linear.gather [hbm4b:s25+s22], $0x800, $0x38;
	[tilespmem:$0x5800] =	vst v63  }
0x1b: {  	_ =	swait.ge [sflag:s26], $0x800  }
0x1c: {  	[sflag:s26] =	ssyncset.done $0x0  }
0x1d: {  	[sflag:s26] =	ssyncadd.s32 $0xFFFFF800  }
0x1e: {  	s30 =	rddreg [dreg:$0x4]  }
0x1f: {  	[dreg:$0xb] =	wrdreg s1;
	s25 =	sadd.s32 s30, s1;
	s1 =	simm.s32 $0x1000  }
0x20: {  	[tilespmem:s1], [sflag:$0x2] =	stream.linear.gather [hbm4b:s25+s22], $0x800, $0x38;
	[tilespmem:$0x5800] =	vst v63  }
0x21: {  	_ =	swait.ge [sflag:s26], $0x800  }
0x22: {  	[sflag:s26] =	ssyncset.done $0x0  }
0x23: {  	s25 =	simm.s32 $0x0;
	[sflag:s26] =	ssyncadd.s32 $0xFFFFF800  }
0x24: {  	v2 =	vld [tilespmem:s25+$0x800]  }
0x25: {  	v3 =	vld [tilespmem:s25+$0x1000]  }
0x26: {  	[tilespmem:s25+$0x2800] =	vst v0;
	v4 =	vld [tilespmem:s25+$0x0]  }
0x27: {  	s26 =	simm.s32 $0x40;
	[tilespmem:s25+$0x3000] =	vst v1  }
.LBB2_3:
0x28: {  	p0 =	sne.s32 s26, $0x1FC0  }
.Ltmp0:
0x29: {  	s30 =	sshra.s32 s26, $0x2;
	s26 =	sadd.s32 $0x40, s26;
	v5 =	vshrl.u32 v2, $0xF;
	v6 =	vshll.u32 v2, $0x11;
	(pc) =	sbr.rel @p0 .LBB2_3-.Ltmp0, $4  }
0x2a: {  	v2 =	vld [tilespmem:s30+$0x800];
	[tilespmem:s30+$0x2800] =	vst v0;
	v6 =	vor.u32 v3, v6  }
0x2b: {  	v3 =	vld [tilespmem:s30+$0x1000];
	[tilespmem:s30+$0x3000] =	vst v1;
	v7 =	vshll.u32 v4, $0x2;
	v6 =	vxor.u32 $0x80000000, v6  }
0x2c: {  	v4 =	vld [tilespmem:s30+$0x0];
	v5 =	vor.u32 v7, v5;
	[tilespmem:s25+$0x2000] =	vst v6  }
0x2d: {  	[tilespmem:s25+$0x1800] =	vst v5;
	s25 =	smov.u32 s30  }
0x2e: {  	_ = 	snop  }
0x2f: {  	v5 =	vshll.u32 v2, $0x11  }
0x30: {  	v3 =	vor.u32 v3, v5  }
0x31: {  	v2 =	vshrl.u32 v2, $0xF;
	v4 =	vshll.u32 v4, $0x2;
	v3 =	vxor.u32 $0x80000000, v3  }
0x32: {  	v2 =	vor.u32 v4, v2;
	[tilespmem:s25+$0x2000] =	vst v3  }
0x33: {  	s1 =	simm.s32 $0x4E00;
	[tilespmem:s25+$0x1800] =	vst v2  }
.LBB2_5:
0x34: {  	s25 =	simm.s32 $0x0  }
0x35: {  	v2 =	vld [tilespmem:s25+$0x2800]  }
0x36: {  	s26 =	simm.s32 $0x40;
	v3 =	vld [tilespmem:s25+$0x3000]  }
.LBB2_6:
0x37: {  	_ = 	snop  }
0x38: {  	p0 =	sne.s32 s26, $0x1FC0  }
.Ltmp1:
0x39: {  	_ = 	snop;
	(pc) =	sbr.rel @p0 .LBB2_6-.Ltmp1, $4  }
0x3a: {  	_ = 	snop  }
0x3b: {  	s30 =	sshra.s32 s26, $0x2;
	v4 =	vadd.s32 v2, v3  }
0x3c: {  	v2 =	vld [tilespmem:s30+$0x2800];
	v4 =	vshra.s32 v4, $0x1  }
0x3d: {  	s26 =	sadd.s32 $0x40, s26;
	v3 =	vld [tilespmem:s30+$0x3000];
	[tilespmem:s25+$0x3800] =	vst v4;
	s25 =	smov.u32 s30  }
0x3e: {  	_ =	sdelay $0x3  }
0x3f: {  	v2 =	vadd.s32 v2, v3  }
0x40: {  	v2 =	vshra.s32 v2, $0x1  }
0x41: {  	s30 =	simm.s32 $0x4000;
	[tilespmem:s25+$0x3800] =	vst v2  }
0x42: {  	[tilespmem:s30], [sflag:$0x1] =	stream.indirect.gather [hbm4b:s0+s14], $0x1, s15, s14, $0xb8;
	[tilespmem:$0x5800] =	vst v63  }
0x43: {  	s26 =	simm.s32 $0x4800  }
0x44: {  	[tilespmem:s26], [sflag:$0x1] =	stream.indirect.gather [hbm4b:s2+s14], $0x1, s15, s14, $0xb8;
	[tilespmem:$0x5800] =	vst v63  }
0x45: {  	s30 =	simm.s32 $0x4080  }
0x46: {  	[tilespmem:s30], [sflag:$0x1] =	stream.indirect.gather [hbm4b:s0+s14], $0x1, s18, s14, $0xb8;
	[tilespmem:$0x5800] =	vst v63  }
0x47: {  	s26 =	simm.s32 $0x4880  }
0x48: {  	[tilespmem:s26], [sflag:$0x1] =	stream.indirect.gather [hbm4b:s2+s14], $0x1, s18, s14, $0xb8;
	[tilespmem:$0x5800] =	vst v63  }
0x49: {  	s30 =	simm.s32 $0x4100  }
0x4a: {  	[tilespmem:s30], [sflag:$0x1] =	stream.indirect.gather [hbm4b:s0+s14], $0x1, s21, s14, $0xb8;
	[tilespmem:$0x5800] =	vst v63  }
0x4b: {  	s26 =	simm.s32 $0x4900  }
0x4c: {  	[tilespmem:s26], [sflag:$0x1] =	stream.indirect.gather [hbm4b:s2+s14], $0x1, s21, s14, $0xb8;
	[tilespmem:$0x5800] =	vst v63  }
0x4d: {  	s30 =	simm.s32 $0x4180  }
0x4e: {  	[tilespmem:s30], [sflag:$0x1] =	stream.indirect.gather [hbm4b:s0+s14], $0x1, s24, s14, $0xb8;
	[tilespmem:$0x5800] =	vst v63  }
0x4f: {  	s26 =	simm.s32 $0x4980  }
0x50: {  	[tilespmem:s26], [sflag:$0x1] =	stream.indirect.gather [hbm4b:s2+s14], $0x1, s24, s14, $0xb8;
	[tilespmem:$0x5800] =	vst v63  }
0x51: {  	s30 =	simm.s32 $0x4200  }
0x52: {  	[tilespmem:s30], [sflag:$0x1] =	stream.indirect.gather [hbm4b:s0+s14], $0x1, s28, s14, $0xb8;
	[tilespmem:$0x5800] =	vst v63  }
0x53: {  	s26 =	simm.s32 $0x4A00  }
0x54: {  	[tilespmem:s26], [sflag:$0x1] =	stream.indirect.gather [hbm4b:s2+s14], $0x1, s28, s14, $0xb8;
	[tilespmem:$0x5800] =	vst v63  }
0x55: {  	s30 =	simm.s32 $0x4280  }
0x56: {  	[tilespmem:s30], [sflag:$0x1] =	stream.indirect.gather [hbm4b:s0+s14], $0x1, s31, s14, $0xb8;
	[tilespmem:$0x5800] =	vst v63  }
0x57: {  	s26 =	simm.s32 $0x4A80  }
0x58: {  	[tilespmem:s26], [sflag:$0x1] =	stream.indirect.gather [hbm4b:s2+s14], $0x1, s31, s14, $0xb8;
	[tilespmem:$0x5800] =	vst v63  }
0x59: {  	s30 =	simm.s32 $0x4300  }
0x5a: {  	[tilespmem:s30], [sflag:$0x1] =	stream.indirect.gather [hbm4b:s0+s14], $0x1, s10, s14, $0xb8;
	[tilespmem:$0x5800] =	vst v63  }
0x5b: {  	s26 =	simm.s32 $0x4B00  }
0x5c: {  	[tilespmem:s26], [sflag:$0x1] =	stream.indirect.gather [hbm4b:s2+s14], $0x1, s10, s14, $0xb8;
	[tilespmem:$0x5800] =	vst v63  }
0x5d: {  	s30 =	simm.s32 $0x4380  }
0x5e: {  	[tilespmem:s30], [sflag:$0x1] =	stream.indirect.gather [hbm4b:s0+s14], $0x1, s5, s14, $0xb8;
	[tilespmem:$0x5800] =	vst v63  }
0x5f: {  	s26 =	simm.s32 $0x4B80  }
0x60: {  	[tilespmem:s26], [sflag:$0x1] =	stream.indirect.gather [hbm4b:s2+s14], $0x1, s5, s14, $0xb8;
	[tilespmem:$0x5800] =	vst v63  }
0x61: {  	s30 =	simm.s32 $0x4400  }
0x62: {  	[tilespmem:s30], [sflag:$0x1] =	stream.indirect.gather [hbm4b:s0+s14], $0x1, s12, s14, $0xb8;
	[tilespmem:$0x5800] =	vst v63  }
0x63: {  	s26 =	simm.s32 $0x4C00  }
0x64: {  	[tilespmem:s26], [sflag:$0x1] =	stream.indirect.gather [hbm4b:s2+s14], $0x1, s12, s14, $0xb8;
	[tilespmem:$0x5800] =	vst v63  }
0x65: {  	s30 =	simm.s32 $0x4480  }
0x66: {  	[tilespmem:s30], [sflag:$0x1] =	stream.indirect.gather [hbm4b:s0+s14], $0x1, s11, s14, $0xb8;
	[tilespmem:$0x5800] =	vst v63  }
0x67: {  	s26 =	simm.s32 $0x4C80  }
0x68: {  	[tilespmem:s26], [sflag:$0x1] =	stream.indirect.gather [hbm4b:s2+s14], $0x1, s11, s14, $0xb8;
	[tilespmem:$0x5800] =	vst v63  }
0x69: {  	s30 =	simm.s32 $0x4500  }
0x6a: {  	[tilespmem:s30], [sflag:$0x1] =	stream.indirect.gather [hbm4b:s0+s14], $0x1, s19, s14, $0xb8;
	[tilespmem:$0x5800] =	vst v63  }
0x6b: {  	s26 =	simm.s32 $0x4D00  }
0x6c: {  	[tilespmem:s26], [sflag:$0x1] =	stream.indirect.gather [hbm4b:s2+s14], $0x1, s19, s14, $0xb8;
	[tilespmem:$0x5800] =	vst v63  }
0x6d: {  	s30 =	simm.s32 $0x4580  }
0x6e: {  	[tilespmem:s30], [sflag:$0x1] =	stream.indirect.gather [hbm4b:s0+s14], $0x1, s23, s14, $0xb8;
	[tilespmem:$0x5800] =	vst v63  }
0x6f: {  	s26 =	simm.s32 $0x4D80  }
0x70: {  	[tilespmem:s26], [sflag:$0x1] =	stream.indirect.gather [hbm4b:s2+s14], $0x1, s23, s14, $0xb8;
	[tilespmem:$0x5800] =	vst v63  }
0x71: {  	s30 =	simm.s32 $0x4600  }
0x72: {  	[tilespmem:s30], [sflag:$0x1] =	stream.indirect.gather [hbm4b:s0+s14], $0x1, s29, s14, $0xb8;
	[tilespmem:$0x5800] =	vst v63  }
0x73: {  	_ = 	snop  }
0x74: {  	[tilespmem:s1], [sflag:$0x1] =	stream.indirect.gather [hbm4b:s2+s14], $0x1, s29, s14, $0xb8;
	[tilespmem:$0x5800] =	vst v63  }
0x75: {  	_ = 	snop  }
0x76: {  	[tilespmem:s3], [sflag:$0x1] =	stream.indirect.gather [hbm4b:s0+s14], $0x1, s8, s14, $0xb8;
	[tilespmem:$0x5800] =	vst v63  }
0x77: {  	_ = 	snop  }
0x78: {  	[tilespmem:s4], [sflag:$0x1] =	stream.indirect.gather [hbm4b:s2+s14], $0x1, s8, s14, $0xb8;
	[tilespmem:$0x5800] =	vst v63  }
0x79: {  	_ = 	snop  }
0x7a: {  	[tilespmem:s7], [sflag:$0x1] =	stream.indirect.gather [hbm4b:s0+s14], $0x1, s6, s14, $0xb8;
	[tilespmem:$0x5800] =	vst v63  }
0x7b: {  	_ = 	snop  }
0x7c: {  	[tilespmem:s13], [sflag:$0x1] =	stream.indirect.gather [hbm4b:s2+s14], $0x1, s6, s14, $0xb8;
	[tilespmem:$0x5800] =	vst v63  }
0x7d: {  	_ = 	snop  }
0x7e: {  	[tilespmem:s16], [sflag:$0x1] =	stream.indirect.gather [hbm4b:s0+s14], $0x1, s9, s14, $0xb8;
	[tilespmem:$0x5800] =	vst v63  }
0x7f: {  	_ = 	snop  }
0x80: {  	[tilespmem:s17], [sflag:$0x1] =	stream.indirect.gather [hbm4b:s2+s14], $0x1, s9, s14, $0xb8;
	[tilespmem:$0x5800] =	vst v63  }
0x81: {  	_ =	swait.ge [sflag:s20], $0x80  }
0x82: {  	[sflag:s20] =	ssyncset.done $0x0  }
0x83: {  	[sflag:s20] =	ssyncadd.s32 $0xFFFFFF80  }
0x84: {  	_ =	swait.ge [sflag:s20], $0x80  }
0x85: {  	[sflag:s20] =	ssyncset.done $0x0  }
0x86: {  	[sflag:s20] =	ssyncadd.s32 $0xFFFFFF80  }
0x87: {  	_ =	swait.ge [sflag:s20], $0x80  }
0x88: {  	[sflag:s20] =	ssyncset.done $0x0  }
0x89: {  	[sflag:s20] =	ssyncadd.s32 $0xFFFFFF80  }
0x8a: {  	_ =	swait.ge [sflag:s20], $0x80  }
0x8b: {  	[sflag:s20] =	ssyncset.done $0x0  }
0x8c: {  	[sflag:s20] =	ssyncadd.s32 $0xFFFFFF80  }
0x8d: {  	_ =	swait.ge [sflag:s20], $0x80  }
0x8e: {  	[sflag:s20] =	ssyncset.done $0x0  }
0x8f: {  	[sflag:s20] =	ssyncadd.s32 $0xFFFFFF80  }
0x90: {  	_ =	swait.ge [sflag:s20], $0x80  }
0x91: {  	[sflag:s20] =	ssyncset.done $0x0  }
0x92: {  	[sflag:s20] =	ssyncadd.s32 $0xFFFFFF80  }
0x93: {  	_ =	swait.ge [sflag:s20], $0x80  }
0x94: {  	[sflag:s20] =	ssyncset.done $0x0  }
0x95: {  	[sflag:s20] =	ssyncadd.s32 $0xFFFFFF80  }
0x96: {  	_ =	swait.ge [sflag:s20], $0x80  }
0x97: {  	[sflag:s20] =	ssyncset.done $0x0  }
0x98: {  	[sflag:s20] =	ssyncadd.s32 $0xFFFFFF80  }
0x99: {  	_ =	swait.ge [sflag:s20], $0x80  }
0x9a: {  	[sflag:s20] =	ssyncset.done $0x0  }
0x9b: {  	[sflag:s20] =	ssyncadd.s32 $0xFFFFFF80  }
0x9c: {  	_ =	swait.ge [sflag:s20], $0x80  }
0x9d: {  	[sflag:s20] =	ssyncset.done $0x0  }
0x9e: {  	[sflag:s20] =	ssyncadd.s32 $0xFFFFFF80  }
0x9f: {  	_ =	swait.ge [sflag:s20], $0x80  }
0xa0: {  	[sflag:s20] =	ssyncset.done $0x0  }
0xa1: {  	[sflag:s20] =	ssyncadd.s32 $0xFFFFFF80  }
0xa2: {  	_ =	swait.ge [sflag:s20], $0x80  }
0xa3: {  	[sflag:s20] =	ssyncset.done $0x0  }
0xa4: {  	[sflag:s20] =	ssyncadd.s32 $0xFFFFFF80  }
0xa5: {  	_ =	swait.ge [sflag:s20], $0x80  }
0xa6: {  	[sflag:s20] =	ssyncset.done $0x0  }
0xa7: {  	[sflag:s20] =	ssyncadd.s32 $0xFFFFFF80  }
0xa8: {  	_ =	swait.ge [sflag:s20], $0x80  }
0xa9: {  	[sflag:s20] =	ssyncset.done $0x0  }
0xaa: {  	[sflag:s20] =	ssyncadd.s32 $0xFFFFFF80  }
0xab: {  	_ =	swait.ge [sflag:s20], $0x80  }
0xac: {  	[sflag:s20] =	ssyncset.done $0x0  }
0xad: {  	[sflag:s20] =	ssyncadd.s32 $0xFFFFFF80  }
0xae: {  	_ =	swait.ge [sflag:s20], $0x80  }
0xaf: {  	[sflag:s20] =	ssyncset.done $0x0  }
0xb0: {  	[sflag:s20] =	ssyncadd.s32 $0xFFFFFF80  }
0xb1: {  	_ =	swait.ge [sflag:s20], $0x80  }
0xb2: {  	[sflag:s20] =	ssyncset.done $0x0  }
0xb3: {  	[sflag:s20] =	ssyncadd.s32 $0xFFFFFF80  }
0xb4: {  	_ =	swait.ge [sflag:s20], $0x80  }
0xb5: {  	[sflag:s20] =	ssyncset.done $0x0  }
0xb6: {  	[sflag:s20] =	ssyncadd.s32 $0xFFFFFF80  }
0xb7: {  	_ =	swait.ge [sflag:s20], $0x80  }
0xb8: {  	[sflag:s20] =	ssyncset.done $0x0  }
0xb9: {  	[sflag:s20] =	ssyncadd.s32 $0xFFFFFF80  }
0xba: {  	_ =	swait.ge [sflag:s20], $0x80  }
0xbb: {  	[sflag:s20] =	ssyncset.done $0x0  }
0xbc: {  	[sflag:s20] =	ssyncadd.s32 $0xFFFFFF80  }
0xbd: {  	_ =	swait.ge [sflag:s20], $0x80  }
0xbe: {  	[sflag:s20] =	ssyncset.done $0x0  }
0xbf: {  	[sflag:s20] =	ssyncadd.s32 $0xFFFFFF80  }
0xc0: {  	_ =	swait.ge [sflag:s20], $0x80  }
0xc1: {  	[sflag:s20] =	ssyncset.done $0x0  }
0xc2: {  	[sflag:s20] =	ssyncadd.s32 $0xFFFFFF80  }
0xc3: {  	_ =	swait.ge [sflag:s20], $0x80  }
0xc4: {  	[sflag:s20] =	ssyncset.done $0x0  }
0xc5: {  	[sflag:s20] =	ssyncadd.s32 $0xFFFFFF80  }
0xc6: {  	_ =	swait.ge [sflag:s20], $0x80  }
0xc7: {  	[sflag:s20] =	ssyncset.done $0x0  }
0xc8: {  	[sflag:s20] =	ssyncadd.s32 $0xFFFFFF80  }
0xc9: {  	_ =	swait.ge [sflag:s20], $0x80  }
0xca: {  	[sflag:s20] =	ssyncset.done $0x0  }
0xcb: {  	[sflag:s20] =	ssyncadd.s32 $0xFFFFFF80  }
0xcc: {  	_ =	swait.ge [sflag:s20], $0x80  }
0xcd: {  	[sflag:s20] =	ssyncset.done $0x0  }
0xce: {  	[sflag:s20] =	ssyncadd.s32 $0xFFFFFF80  }
0xcf: {  	_ =	swait.ge [sflag:s20], $0x80  }
0xd0: {  	[sflag:s20] =	ssyncset.done $0x0  }
0xd1: {  	[sflag:s20] =	ssyncadd.s32 $0xFFFFFF80  }
0xd2: {  	_ =	swait.ge [sflag:s20], $0x80  }
0xd3: {  	[sflag:s20] =	ssyncset.done $0x0  }
0xd4: {  	[sflag:s20] =	ssyncadd.s32 $0xFFFFFF80  }
0xd5: {  	_ =	swait.ge [sflag:s20], $0x80  }
0xd6: {  	[sflag:s20] =	ssyncset.done $0x0  }
0xd7: {  	[sflag:s20] =	ssyncadd.s32 $0xFFFFFF80  }
0xd8: {  	_ =	swait.ge [sflag:s20], $0x80  }
0xd9: {  	[sflag:s20] =	ssyncset.done $0x0  }
0xda: {  	[sflag:s20] =	ssyncadd.s32 $0xFFFFFF80  }
0xdb: {  	_ =	swait.ge [sflag:s20], $0x80  }
0xdc: {  	[sflag:s20] =	ssyncset.done $0x0  }
0xdd: {  	[sflag:s20] =	ssyncadd.s32 $0xFFFFFF80  }
0xde: {  	_ =	swait.ge [sflag:s20], $0x80  }
0xdf: {  	[sflag:s20] =	ssyncset.done $0x0  }
0xe0: {  	s25 =	simm.s32 $0x0;
	[sflag:s20] =	ssyncadd.s32 $0xFFFFFF80  }
0xe1: {  	v2 =	vld [tilespmem:s25+$0x4000]  }
0xe2: {  	v4 =	vld [tilespmem:s25+$0x4800]  }
0xe3: {  	v5 =	vld [tilespmem:s25+$0x1800]  }
0xe4: {  	v6 =	vld [tilespmem:s25+$0x2000]  }
0xe5: {  	s26 =	simm.s32 $0x40;
	v3 =	vld [tilespmem:s25+$0x3000]  }
.LBB2_8:
0xe6: {  	p0 =	sne.s32 s26, $0x1FC0;
	v7 =	vld [tilespmem:s25+$0x2800];
	_ =	sdelay $0x3  }
0xe7: {  	s30 =	sshra.s32 s26, $0x2;
	vm0 =	veq.s32 v2, v5;
	vm1 =	vle.s32 v4, v6  }
.Ltmp2:
0xe8: {  	vm2 =	vlt.s32 v2, v5;
	vm0 =	vmand vm0, vm1;
	v2 =	vld [tilespmem:s30+$0x4000];
	v5 =	vadd.s32 v7, v3;
	(pc) =	sbr.rel @p0 .LBB2_8-.Ltmp2, $4  }
0xe9: {  	vm0 =	vmor vm2, vm0;
	v4 =	vld [tilespmem:s30+$0x4800];
	v6 =	vshra.s32 v5, $0x1  }
0xea: {  	v5 =	vld [tilespmem:s30+$0x1800];
	v8 =	vadd.s32 $0x1, v6;
	v3 =	vsel vm0, v3, v6  }
0xeb: {  	v6 =	vld [tilespmem:s30+$0x2000];
	v7 =	vsel vm0, v8, v7;
	[tilespmem:s25+$0x3000] =	vst v3  }
0xec: {  	s26 =	sadd.s32 $0x40, s26;
	v3 =	vld [tilespmem:s30+$0x3000];
	[tilespmem:s25+$0x2800] =	vst v7;
	s25 =	smov.u32 s30  }
0xed: {  	v7 =	vld [tilespmem:s25+$0x2800];
	_ =	sdelay $0x2  }
0xee: {  	s22 =	sadd.s32 $0x1, s22  }
0xef: {  	p0 =	sne.s32 s22, $0x16;
	vm0 =	veq.s32 v2, v5;
	vm1 =	vle.s32 v4, v6  }
.Ltmp3:
0xf0: {  	vm2 =	vlt.s32 v2, v5;
	vm0 =	vmand vm0, vm1;
	v2 =	vadd.s32 v7, v3;
	(pc) =	sbr.rel @p0 .LBB2_5-.Ltmp3, $4  }
0xf1: {  	vm0 =	vmor vm2, vm0;
	v2 =	vshra.s32 v2, $0x1  }
0xf2: {  	v63 =	vadd.s32 $0x1, v2;
	v2 =	vsel vm0, v3, v2  }
0xf3: {  	v3 =	vsel vm0, v63, v7;
	[tilespmem:s25+$0x3000] =	vst v2  }
0xf4: {  	[tilespmem:s25+$0x2800] =	vst v3  }
0xf5: {  	s22 =	simm.s32 $0x0  }
0xf6: {  	s25 =	simm.s32 $0x40;
	v2 =	vld [tilespmem:s22+$0x2800]  }
.LBB2_11:
0xf7: {  	_ =	sdelay $0x1  }
0xf8: {  	p0 =	sne.s32 s25, $0x1FC0  }
.Ltmp4:
0xf9: {  	_ = 	snop;
	(pc) =	sbr.rel @p0 .LBB2_11-.Ltmp4, $4  }
0xfa: {  	v3 =	vadd.s32 $0xFFFFFFFF, v2  }
0xfb: {  	vm0 =	vgt.s32 v3, $0x0  }
0xfc: {  	s26 =	sshra.s32 s25, $0x2;
	v3 =	vnsel vm0, $0x0, v3  }
0xfd: {  	s25 =	sadd.s32 $0x40, s25;
	v2 =	vld [tilespmem:s26+$0x2800];
	[tilespmem:s22+$0x3800] =	vst v3;
	s22 =	smov.u32 s26  }
0xfe: {  	_ =	sdelay $0x3  }
0xff: {  	v2 =	vadd.s32 $0xFFFFFFFF, v2  }
0x100: {  	vm0 =	vgt.s32 v2, $0x0  }
0x101: {  	v2 =	vnsel vm0, $0x0, v2  }
0x102: {  	s30 =	simm.s32 $0x4000;
	[tilespmem:s22+$0x3800] =	vst v2  }
0x103: {  	[tilespmem:s30], [sflag:$0x1] =	stream.indirect.gather [hbm4b:s0+s14], $0x1, s15, s14, $0xb8;
	[tilespmem:$0x5800] =	vst v63  }
0x104: {  	s25 =	simm.s32 $0x4800  }
0x105: {  	[tilespmem:s25], [sflag:$0x1] =	stream.indirect.gather [hbm4b:s2+s14], $0x1, s15, s14, $0xb8;
	[tilespmem:$0x5800] =	vst v63  }
0x106: {  	s26 =	simm.s32 $0x4080  }
0x107: {  	[tilespmem:s26], [sflag:$0x1] =	stream.indirect.gather [hbm4b:s0+s14], $0x1, s18, s14, $0xb8;
	[tilespmem:$0x5800] =	vst v63  }
0x108: {  	s30 =	simm.s32 $0x4880  }
0x109: {  	[tilespmem:s30], [sflag:$0x1] =	stream.indirect.gather [hbm4b:s2+s14], $0x1, s18, s14, $0xb8;
	[tilespmem:$0x5800] =	vst v63  }
0x10a: {  	s25 =	simm.s32 $0x4100  }
0x10b: {  	[tilespmem:s25], [sflag:$0x1] =	stream.indirect.gather [hbm4b:s0+s14], $0x1, s21, s14, $0xb8;
	[tilespmem:$0x5800] =	vst v63  }
0x10c: {  	s26 =	simm.s32 $0x4900  }
0x10d: {  	[tilespmem:s26], [sflag:$0x1] =	stream.indirect.gather [hbm4b:s2+s14], $0x1, s21, s14, $0xb8;
	[tilespmem:$0x5800] =	vst v63  }
0x10e: {  	s30 =	simm.s32 $0x4180  }
0x10f: {  	[tilespmem:s30], [sflag:$0x1] =	stream.indirect.gather [hbm4b:s0+s14], $0x1, s24, s14, $0xb8;
	[tilespmem:$0x5800] =	vst v63  }
0x110: {  	s25 =	simm.s32 $0x4980  }
0x111: {  	[tilespmem:s25], [sflag:$0x1] =	stream.indirect.gather [hbm4b:s2+s14], $0x1, s24, s14, $0xb8;
	[tilespmem:$0x5800] =	vst v63  }
0x112: {  	s26 =	simm.s32 $0x4200  }
0x113: {  	[tilespmem:s26], [sflag:$0x1] =	stream.indirect.gather [hbm4b:s0+s14], $0x1, s28, s14, $0xb8;
	[tilespmem:$0x5800] =	vst v63  }
0x114: {  	s30 =	simm.s32 $0x4A00  }
0x115: {  	[tilespmem:s30], [sflag:$0x1] =	stream.indirect.gather [hbm4b:s2+s14], $0x1, s28, s14, $0xb8;
	[tilespmem:$0x5800] =	vst v63  }
0x116: {  	s25 =	simm.s32 $0x4280  }
0x117: {  	[tilespmem:s25], [sflag:$0x1] =	stream.indirect.gather [hbm4b:s0+s14], $0x1, s31, s14, $0xb8;
	[tilespmem:$0x5800] =	vst v63  }
0x118: {  	s26 =	simm.s32 $0x4A80  }
0x119: {  	[tilespmem:s26], [sflag:$0x1] =	stream.indirect.gather [hbm4b:s2+s14], $0x1, s31, s14, $0xb8;
	[tilespmem:$0x5800] =	vst v63  }
0x11a: {  	s30 =	simm.s32 $0x4300  }
0x11b: {  	[tilespmem:s30], [sflag:$0x1] =	stream.indirect.gather [hbm4b:s0+s14], $0x1, s10, s14, $0xb8;
	[tilespmem:$0x5800] =	vst v63  }
0x11c: {  	s25 =	simm.s32 $0x4B00  }
0x11d: {  	[tilespmem:s25], [sflag:$0x1] =	stream.indirect.gather [hbm4b:s2+s14], $0x1, s10, s14, $0xb8;
	[tilespmem:$0x5800] =	vst v63  }
0x11e: {  	s26 =	simm.s32 $0x4380  }
0x11f: {  	[tilespmem:s26], [sflag:$0x1] =	stream.indirect.gather [hbm4b:s0+s14], $0x1, s5, s14, $0xb8;
	[tilespmem:$0x5800] =	vst v63  }
0x120: {  	s30 =	simm.s32 $0x4B80  }
0x121: {  	[tilespmem:s30], [sflag:$0x1] =	stream.indirect.gather [hbm4b:s2+s14], $0x1, s5, s14, $0xb8;
	[tilespmem:$0x5800] =	vst v63  }
0x122: {  	s25 =	simm.s32 $0x4400  }
0x123: {  	[tilespmem:s25], [sflag:$0x1] =	stream.indirect.gather [hbm4b:s0+s14], $0x1, s12, s14, $0xb8;
	[tilespmem:$0x5800] =	vst v63  }
0x124: {  	s26 =	simm.s32 $0x4C00  }
0x125: {  	[tilespmem:s26], [sflag:$0x1] =	stream.indirect.gather [hbm4b:s2+s14], $0x1, s12, s14, $0xb8;
	[tilespmem:$0x5800] =	vst v63  }
0x126: {  	s30 =	simm.s32 $0x4480  }
0x127: {  	[tilespmem:s30], [sflag:$0x1] =	stream.indirect.gather [hbm4b:s0+s14], $0x1, s11, s14, $0xb8;
	[tilespmem:$0x5800] =	vst v63  }
0x128: {  	s25 =	simm.s32 $0x4C80  }
0x129: {  	[tilespmem:s25], [sflag:$0x1] =	stream.indirect.gather [hbm4b:s2+s14], $0x1, s11, s14, $0xb8;
	[tilespmem:$0x5800] =	vst v63  }
0x12a: {  	s26 =	simm.s32 $0x4500  }
0x12b: {  	[tilespmem:s26], [sflag:$0x1] =	stream.indirect.gather [hbm4b:s0+s14], $0x1, s19, s14, $0xb8;
	[tilespmem:$0x5800] =	vst v63  }
0x12c: {  	s30 =	simm.s32 $0x4D00  }
0x12d: {  	[tilespmem:s30], [sflag:$0x1] =	stream.indirect.gather [hbm4b:s2+s14], $0x1, s19, s14, $0xb8;
	[tilespmem:$0x5800] =	vst v63  }
0x12e: {  	s25 =	simm.s32 $0x4580  }
0x12f: {  	[tilespmem:s25], [sflag:$0x1] =	stream.indirect.gather [hbm4b:s0+s14], $0x1, s23, s14, $0xb8;
	[tilespmem:$0x5800] =	vst v63  }
0x130: {  	s26 =	simm.s32 $0x4D80  }
0x131: {  	[tilespmem:s26], [sflag:$0x1] =	stream.indirect.gather [hbm4b:s2+s14], $0x1, s23, s14, $0xb8;
	[tilespmem:$0x5800] =	vst v63  }
0x132: {  	s30 =	simm.s32 $0x4600  }
0x133: {  	[tilespmem:s30], [sflag:$0x1] =	stream.indirect.gather [hbm4b:s0+s14], $0x1, s29, s14, $0xb8;
	[tilespmem:$0x5800] =	vst v63  }
0x134: {  	_ = 	snop  }
0x135: {  	[tilespmem:s1], [sflag:$0x1] =	stream.indirect.gather [hbm4b:s2+s14], $0x1, s29, s14, $0xb8;
	[tilespmem:$0x5800] =	vst v63  }
0x136: {  	_ = 	snop  }
0x137: {  	[tilespmem:s3], [sflag:$0x1] =	stream.indirect.gather [hbm4b:s0+s14], $0x1, s8, s14, $0xb8;
	[tilespmem:$0x5800] =	vst v63  }
0x138: {  	_ = 	snop  }
0x139: {  	[tilespmem:s4], [sflag:$0x1] =	stream.indirect.gather [hbm4b:s2+s14], $0x1, s8, s14, $0xb8;
	[tilespmem:$0x5800] =	vst v63  }
0x13a: {  	_ = 	snop  }
0x13b: {  	[tilespmem:s7], [sflag:$0x1] =	stream.indirect.gather [hbm4b:s0+s14], $0x1, s6, s14, $0xb8;
	[tilespmem:$0x5800] =	vst v63  }
0x13c: {  	_ = 	snop  }
0x13d: {  	[tilespmem:s13], [sflag:$0x1] =	stream.indirect.gather [hbm4b:s2+s14], $0x1, s6, s14, $0xb8;
	[tilespmem:$0x5800] =	vst v63  }
0x13e: {  	_ = 	snop  }
0x13f: {  	[tilespmem:s16], [sflag:$0x1] =	stream.indirect.gather [hbm4b:s0+s14], $0x1, s9, s14, $0xb8;
	[tilespmem:$0x5800] =	vst v63  }
0x140: {  	_ = 	snop  }
0x141: {  	[tilespmem:s17], [sflag:$0x1] =	stream.indirect.gather [hbm4b:s2+s14], $0x1, s9, s14, $0xb8;
	[tilespmem:$0x5800] =	vst v63  }
0x142: {  	_ =	swait.ge [sflag:s20], $0x80  }
0x143: {  	[sflag:s20] =	ssyncset.done $0x0  }
0x144: {  	[sflag:s20] =	ssyncadd.s32 $0xFFFFFF80  }
0x145: {  	_ =	swait.ge [sflag:s20], $0x80  }
0x146: {  	[sflag:s20] =	ssyncset.done $0x0  }
0x147: {  	[sflag:s20] =	ssyncadd.s32 $0xFFFFFF80  }
0x148: {  	_ =	swait.ge [sflag:s20], $0x80  }
0x149: {  	[sflag:s20] =	ssyncset.done $0x0  }
0x14a: {  	[sflag:s20] =	ssyncadd.s32 $0xFFFFFF80  }
0x14b: {  	_ =	swait.ge [sflag:s20], $0x80  }
0x14c: {  	[sflag:s20] =	ssyncset.done $0x0  }
0x14d: {  	[sflag:s20] =	ssyncadd.s32 $0xFFFFFF80  }
0x14e: {  	_ =	swait.ge [sflag:s20], $0x80  }
0x14f: {  	[sflag:s20] =	ssyncset.done $0x0  }
0x150: {  	[sflag:s20] =	ssyncadd.s32 $0xFFFFFF80  }
0x151: {  	_ =	swait.ge [sflag:s20], $0x80  }
0x152: {  	[sflag:s20] =	ssyncset.done $0x0  }
0x153: {  	[sflag:s20] =	ssyncadd.s32 $0xFFFFFF80  }
0x154: {  	_ =	swait.ge [sflag:s20], $0x80  }
0x155: {  	[sflag:s20] =	ssyncset.done $0x0  }
0x156: {  	[sflag:s20] =	ssyncadd.s32 $0xFFFFFF80  }
0x157: {  	_ =	swait.ge [sflag:s20], $0x80  }
0x158: {  	[sflag:s20] =	ssyncset.done $0x0  }
0x159: {  	[sflag:s20] =	ssyncadd.s32 $0xFFFFFF80  }
0x15a: {  	_ =	swait.ge [sflag:s20], $0x80  }
0x15b: {  	[sflag:s20] =	ssyncset.done $0x0  }
0x15c: {  	[sflag:s20] =	ssyncadd.s32 $0xFFFFFF80  }
0x15d: {  	_ =	swait.ge [sflag:s20], $0x80  }
0x15e: {  	[sflag:s20] =	ssyncset.done $0x0  }
0x15f: {  	[sflag:s20] =	ssyncadd.s32 $0xFFFFFF80  }
0x160: {  	_ =	swait.ge [sflag:s20], $0x80  }
0x161: {  	[sflag:s20] =	ssyncset.done $0x0  }
0x162: {  	[sflag:s20] =	ssyncadd.s32 $0xFFFFFF80  }
0x163: {  	_ =	swait.ge [sflag:s20], $0x80  }
0x164: {  	[sflag:s20] =	ssyncset.done $0x0  }
0x165: {  	[sflag:s20] =	ssyncadd.s32 $0xFFFFFF80  }
0x166: {  	_ =	swait.ge [sflag:s20], $0x80  }
0x167: {  	[sflag:s20] =	ssyncset.done $0x0  }
0x168: {  	[sflag:s20] =	ssyncadd.s32 $0xFFFFFF80  }
0x169: {  	_ =	swait.ge [sflag:s20], $0x80  }
0x16a: {  	[sflag:s20] =	ssyncset.done $0x0  }
0x16b: {  	[sflag:s20] =	ssyncadd.s32 $0xFFFFFF80  }
0x16c: {  	_ =	swait.ge [sflag:s20], $0x80  }
0x16d: {  	[sflag:s20] =	ssyncset.done $0x0  }
0x16e: {  	[sflag:s20] =	ssyncadd.s32 $0xFFFFFF80  }
0x16f: {  	_ =	swait.ge [sflag:s20], $0x80  }
0x170: {  	[sflag:s20] =	ssyncset.done $0x0  }
0x171: {  	[sflag:s20] =	ssyncadd.s32 $0xFFFFFF80  }
0x172: {  	_ =	swait.ge [sflag:s20], $0x80  }
0x173: {  	[sflag:s20] =	ssyncset.done $0x0  }
0x174: {  	[sflag:s20] =	ssyncadd.s32 $0xFFFFFF80  }
0x175: {  	_ =	swait.ge [sflag:s20], $0x80  }
0x176: {  	[sflag:s20] =	ssyncset.done $0x0  }
0x177: {  	[sflag:s20] =	ssyncadd.s32 $0xFFFFFF80  }
0x178: {  	_ =	swait.ge [sflag:s20], $0x80  }
0x179: {  	[sflag:s20] =	ssyncset.done $0x0  }
0x17a: {  	[sflag:s20] =	ssyncadd.s32 $0xFFFFFF80  }
0x17b: {  	_ =	swait.ge [sflag:s20], $0x80  }
0x17c: {  	[sflag:s20] =	ssyncset.done $0x0  }
0x17d: {  	[sflag:s20] =	ssyncadd.s32 $0xFFFFFF80  }
0x17e: {  	_ =	swait.ge [sflag:s20], $0x80  }
0x17f: {  	[sflag:s20] =	ssyncset.done $0x0  }
0x180: {  	[sflag:s20] =	ssyncadd.s32 $0xFFFFFF80  }
0x181: {  	_ =	swait.ge [sflag:s20], $0x80  }
0x182: {  	[sflag:s20] =	ssyncset.done $0x0  }
0x183: {  	[sflag:s20] =	ssyncadd.s32 $0xFFFFFF80  }
0x184: {  	_ =	swait.ge [sflag:s20], $0x80  }
0x185: {  	[sflag:s20] =	ssyncset.done $0x0  }
0x186: {  	[sflag:s20] =	ssyncadd.s32 $0xFFFFFF80  }
0x187: {  	_ =	swait.ge [sflag:s20], $0x80  }
0x188: {  	[sflag:s20] =	ssyncset.done $0x0  }
0x189: {  	[sflag:s20] =	ssyncadd.s32 $0xFFFFFF80  }
0x18a: {  	_ =	swait.ge [sflag:s20], $0x80  }
0x18b: {  	[sflag:s20] =	ssyncset.done $0x0  }
0x18c: {  	[sflag:s20] =	ssyncadd.s32 $0xFFFFFF80  }
0x18d: {  	_ =	swait.ge [sflag:s20], $0x80  }
0x18e: {  	[sflag:s20] =	ssyncset.done $0x0  }
0x18f: {  	[sflag:s20] =	ssyncadd.s32 $0xFFFFFF80  }
0x190: {  	_ =	swait.ge [sflag:s20], $0x80  }
0x191: {  	[sflag:s20] =	ssyncset.done $0x0  }
0x192: {  	[sflag:s20] =	ssyncadd.s32 $0xFFFFFF80  }
0x193: {  	_ =	swait.ge [sflag:s20], $0x80  }
0x194: {  	[sflag:s20] =	ssyncset.done $0x0  }
0x195: {  	[sflag:s20] =	ssyncadd.s32 $0xFFFFFF80  }
0x196: {  	_ =	swait.ge [sflag:s20], $0x80  }
0x197: {  	[sflag:s20] =	ssyncset.done $0x0  }
0x198: {  	[sflag:s20] =	ssyncadd.s32 $0xFFFFFF80  }
0x199: {  	_ =	swait.ge [sflag:s20], $0x80  }
0x19a: {  	[sflag:s20] =	ssyncset.done $0x0  }
0x19b: {  	[sflag:s20] =	ssyncadd.s32 $0xFFFFFF80  }
0x19c: {  	_ =	swait.ge [sflag:s20], $0x80  }
0x19d: {  	[sflag:s20] =	ssyncset.done $0x0  }
0x19e: {  	[sflag:s20] =	ssyncadd.s32 $0xFFFFFF80  }
0x19f: {  	_ =	swait.ge [sflag:s20], $0x80  }
0x1a0: {  	[sflag:s20] =	ssyncset.done $0x0  }
0x1a1: {  	s22 =	simm.s32 $0x0;
	[sflag:s20] =	ssyncadd.s32 $0xFFFFFF80  }
0x1a2: {  	v5 =	vld [tilespmem:s22+$0x4000]  }
0x1a3: {  	v6 =	vld [tilespmem:s22+$0x1800]  }
0x1a4: {  	v7 =	vld [tilespmem:s22+$0x4800]  }
0x1a5: {  	v8 =	vld [tilespmem:s22+$0x2000]  }
0x1a6: {  	v9 =	vld [tilespmem:s22+$0x2800]  }
0x1a7: {  	s25 =	simm.s32 $0x10  }
0x1a8: {  	v2 =	vld [tilespmem:s25+$0x4000]  }
0x1a9: {  	v4 =	vld [tilespmem:s25+$0x1800]  }
0x1aa: {  	v3 =	vld [tilespmem:s25+$0x4800];
	vm0 =	veq.s32 v5, v6;
	vm1 =	veq.s32 v7, v8  }
0x1ab: {  	v5 =	vld [tilespmem:s25+$0x2000];
	vm0 =	vmand vm0, vm1;
	vm1 =	vgt.s32 v9, $0x0  }
0x1ac: {  	s26 =	simm.s32 $0x80;
	v6 =	vld [tilespmem:s25+$0x2800];
	vm0 =	vmand vm0, vm1  }
.LBB2_13:
0x1ad: {  	s30 =	sshra.s32 s26, $0x2;
	v9 =	vsel vm0, $0x1, v0;
	v8 =	vmov v2;
	p0 =	sne.s32 s26, $0x1FC0  }
.Ltmp5:
0x1ae: {  	v2 =	vld [tilespmem:s30+$0x4000];
	[tilespmem:s22+$0x5000] =	vst v9;
	v7 =	vmov v4;
	s22 =	smov.u32 s25;
	s25 =	smov.u32 s30;
	(pc) =	sbr.rel @p0 .LBB2_13-.Ltmp5, $4  }
0x1af: {  	v4 =	vld [tilespmem:s25+$0x1800]  }
0x1b0: {  	s26 =	sadd.s32 $0x40, s26;
	vm0 =	veq.s32 v8, v7;
	vm1 =	veq.s32 v3, v5;
	v3 =	vld [tilespmem:s25+$0x4800]  }
0x1b1: {  	v5 =	vld [tilespmem:s25+$0x2000];
	vm0 =	vmand vm0, vm1;
	vm1 =	vgt.s32 v6, $0x0  }
0x1b2: {  	v6 =	vld [tilespmem:s25+$0x2800];
	vm0 =	vmand vm0, vm1  }
0x1b3: {  	_ =	sdelay $0x2  }
0x1b4: {  	vm1 =	veq.s32 v2, v4;
	vm2 =	veq.s32 v3, v5  }
0x1b5: {  	vm1 =	vmand vm1, vm2;
	vm14 =	vgt.s32 v6, $0x0  }
0x1b6: {  	s26 =	rddreg [dreg:$0x5];
	v2 =	vsel vm0, $0x1, v0;
	vm15 =	vmand vm1, vm14  }
0x1b7: {  	s30 =	rddreg [dreg:$0xb];
	[tilespmem:s22+$0x5000] =	vst v2;
	v2 =	vsel vm15, $0x1, v0  }
0x1b8: {  	s1 =	simm.s32 $0x0;
	s22 =	sadd.s32 s26, s30;
	s26 =	simm.s32 $0x5000;
	[tilespmem:s25+$0x5000] =	vst v2  }
0x1b9: {  	[hbm4b:s22+s1] =	stream.linear.scatter [tilespmem:s26], [sflag:$0x2], $0x800, $0x38;
	[tilespmem:$0x5800] =	vst v63  }
0x1ba: {  	s26 =	simm.s32 $0x2  }
0x1bb: {  	_ =	swait.ge [sflag:s26], $0x800  }
0x1bc: {  	s30 =	rddreg [dreg:$0xa]  }
0x1bd: {  	s22 =	sadd.s32 $0x1, s30  }
0x1be: {  	p0 =	sne.s32 s22, $0x10  }
.Ltmp6:
0x1bf: {  	_ = 	snop;
	(pc) =	sbr.rel @p0 .LBB2_2-.Ltmp6, $3  }
0x1c0: {  	_ =	sdelay $0x1  }
0x1c1: {  	[sflag:s26] =	ssyncset.done $0x0  }
0x1c2: {  	[sflag:s26] =	ssyncadd.s32 $0xFFFFF800  }
0x1c3: {  	s25 =	rddreg [dreg:$0x9]  }
0x1c4: {  	s22 =	rddreg [dreg:$0x8];
	s25 =	sadd.s32 $0x1, s25  }
0x1c5: {  	p0 =	sne.s32 s25, s22  }
.Ltmp7:
0x1c6: {  	_ = 	snop;
	(pc) =	sbr.rel @p0 .LBB2_1-.Ltmp7, $1  }
0x1c7: {  	_ =	sdelay $0x3  }
0x1c8: {  	_ =	sfence.sel $0x180000  }
0x1c9: {  	[bflag:$0x0] =	sbarrier.arrive $0xFFFF  }
0x1ca: {  	_ =	strace $0x90000047  }
0x1cb: {  	s0 =	stileid.u32;
	[bflag:$0x2] =	sbarrier.arrive $0xFFFF  }
0x1cc: {  	p0 =	sne.s32 s0, $0x0;
	s0 =	rddreg [dreg:$0x6]  }
0x1cd: {  	s0 =	sadd.s32 @!p0 $0x100000, s0  }
0x1ce: {  	[sflag:s0] =	ssyncadd.tile.s32 @!p0 $0x1;
	_ =	shalt  }
.Lfunc_end2:
_tile_overlayer_lowered:
.L_overlay_start_2:
0x1cf: {  	(tag) =	ssettag $0x2  }
0x1d0: {  	s0 =	rddreg [dreg:$0x0];
	s2 =	stileid.u32  }
0x1d1: {  	s1 =	rddreg [dreg:$0x1];
	p0 =	sne.s32 s2, $0x0  }
0x1d2: {  	s3 =	rddreg [dreg:$0x2];
	[bflag:$0x3] =	sbarrier.arrive $0xFFFF;
	s2 =	simm.s32 @!p0 $0x1C02  }
0x1d3: {  	[timem:s3], [sflag:s2] =	dma.local @!p0 [hbm:s0], s1  }
0x1d4: {  	s0 =	simm.s32 @!p0 $0x2  }
0x1d5: {  	_ =	swait.ge @!p0 [sflag:s0], s1  }
0x1d6: {  	s1 =	ssub.s32 @!p0 $0x0, s1;
	[sflag:s0] =	ssyncset.done @!p0 $0x0  }
0x1d7: {  	[sflag:s0] =	ssyncadd.s32 @!p0 s1  }
0x1d8: {  	[bflag:$0x3] =	sbarrier.arrive $0xFFFF  }
0x1d9: {  	_ =	shalt  }

</sc_bundles>
